<compile_context>
chip_gen: v7x
topology: tpu7x:2x2x1
jax: 0.10.2.dev20260603
libtpu: 0.0.44.dev20260713+nightly
codegen_flags: <defaults>
</compile_context>

<pallas_src>
import functools

import jax
import jax.numpy as jnp
from jax import lax
from jax.experimental import pallas as pl
from jax.experimental.pallas import tpu as pltpu
from jax.experimental.pallas import tpu_sc as plsc

N = 10000
E = 160000
IN = 256
H = 4
OUT = 64
HO = H * OUT
NEG = 0.2

NP = 10240
NW = 32
W = 64
CHUNK = 5376
NWIN = CHUNK // W
NPAIR = NWIN // 2
EP = NW * CHUNK
RPT = NP // 16
RW = 128



def _dense_body(x_ref, w_ref, a_ref, xw0_ref, xw1_ref, s_ref):
    xw = jnp.dot(x_ref[...], w_ref[...], preferred_element_type=jnp.float32)
    xw0_ref[...] = xw[:, :128]
    xw1_ref[...] = xw[:, 128:]
    s_ref[...] = jnp.dot(xw, a_ref[...], preferred_element_type=jnp.float32)


def _dense(xpad, weight, amat):
    bm = 512
    grid = NP // bm
    return pl.pallas_call(
        _dense_body,
        grid=(grid,),
        in_specs=[
            pl.BlockSpec((bm, IN), lambda i: (i, 0)),
            pl.BlockSpec((IN, HO), lambda i: (0, 0)),
            pl.BlockSpec((IN, 16), lambda i: (0, 0)),
        ],
        out_specs=[
            pl.BlockSpec((bm, RW), lambda i: (i, 0)),
            pl.BlockSpec((bm, RW), lambda i: (i, 0)),
            pl.BlockSpec((bm, 16), lambda i: (i, 0)),
        ],
        out_shape=[
            jax.ShapeDtypeStruct((NP, RW), jnp.float32),
            jax.ShapeDtypeStruct((NP, RW), jnp.float32),
            jax.ShapeDtypeStruct((NP, 16), jnp.float32),
        ],
    )(xpad, weight, amat)



def _sc_body(sd_hbm, stab_hbm, xw0_hbm, xw1_hbm,
             num_out, den_out,
             sdall, rowbuf_a, rowbuf_b, sbb_a, sbb_b,
             dstwin_a, dstwin_b, dbuf_a, dbuf_b, pbuf,
             acc_s, den_s, sem_ga, sem_gb, sem_sa, sem_sb):
    c = lax.axis_index("c")
    s = lax.axis_index("s")
    wid = c * 16 + s
    zeros16 = jnp.zeros((16,), jnp.float32)
    iota16 = lax.iota(jnp.int32, 16)

    slot_a = (rowbuf_a, sbb_a, dstwin_a, dbuf_a, sem_ga, sem_sa)
    slot_b = (rowbuf_b, sbb_b, dstwin_b, dbuf_b, sem_gb, sem_sb)

    pltpu.sync_copy(sd_hbm.at[wid], sdall)

    def zero_rowbuf(rb):
        def zb(i, carry):
            for k in range(RW // 16):
                rb[i, pl.ds(k * 16, 16)] = zeros16
            return carry
        lax.fori_loop(0, W, zb, 0)

    def zero_acc_rows():
        for r in range(RPT // W):
            pltpu.sync_copy(rowbuf_a, acc_s.at[pl.ds(s * RPT + r * W, W)])

    zero_rowbuf(rowbuf_a)
    zero_acc_rows()

    def zd(i, carry):
        dbuf_a[i, :] = zeros16
        dbuf_b[i, :] = zeros16
        return carry
    lax.fori_loop(0, W, zd, 0)
    for r in range(RPT // W):
        pltpu.sync_copy(dbuf_a, den_s.at[pl.ds(s * RPT + r * W, W)])
    plsc.subcore_barrier()

    for p in (0, 1):
        xw_hbm = xw0_hbm if p == 0 else xw1_hbm

        def fire_gather(kw, sl):
            rb, sb, _, _, sg, _ = sl
            pltpu.async_copy(xw_hbm.at[sdall.at[kw, 0, pl.ds(0, W)]], rb, sg)
            pltpu.async_copy(stab_hbm.at[sdall.at[kw, 0]], sb, sg)

        def wait_gather(kw, sl):
            rb, sb, _, _, sg, _ = sl
            pltpu.make_async_copy(
                xw_hbm.at[sdall.at[kw, 0, pl.ds(0, W)]], rb, sg).wait()
            pltpu.make_async_copy(stab_hbm.at[sdall.at[kw, 0]], sb, sg).wait()

        def fire_scatter(sl):
            rb, _, dw, db, _, ss = sl
            pltpu.async_copy(rb, acc_s.at[dw], ss, add=True)
            if p == 0:
                pltpu.async_copy(db, den_s.at[dw], ss, add=True)

        def drain_scatter(sl):
            rb, _, dw, db, _, ss = sl
            pltpu.make_async_copy(rb, acc_s.at[dw], ss).wait()
            if p == 0:
                pltpu.make_async_copy(db, den_s.at[dw], ss).wait()

        def compute(kw, sl):
            rb, sb, dw, db, _, _ = sl
            for g in range(W // 16):
                dw[pl.ds(g * 16, 16)] = sdall[kw, 0, pl.ds(W + g * 16, 16)]
            for g in range(W // 16):
                ev = iota16 + g * 16
                for h in (range(4) if p == 0 else (2, 3)):
                    hv = jnp.full((16,), h, jnp.int32)
                    sj = plsc.load_gather(sb, [ev, hv])
                    si = plsc.load_gather(sb, [ev + W, hv + 4])
                    a = si + sj
                    a = jnp.where(a >= 0.0, a, NEG * a)
                    ph = jnp.exp(a)
                    if p == 0:
                        plsc.store_scatter(db, [ev, hv], ph)
                    hl = h - 2 * p
                    if 0 <= hl < 2:
                        plsc.store_scatter(pbuf, [ev + hl * W], ph)
            def scale(i, carry2):
                for d in range(2):
                    e = 2 * i + d
                    e16 = jnp.broadcast_to(e, (16,)).astype(jnp.int32)
                    p0 = plsc.load_gather(pbuf, [e16])
                    p1 = plsc.load_gather(pbuf, [e16 + W])
                    for k in range(4):
                        rb[e, pl.ds(k * 16, 16)] = (
                            rb[e, pl.ds(k * 16, 16)] * p0)
                    for k in range(4):
                        rb[e, pl.ds(64 + k * 16, 16)] = (
                            rb[e, pl.ds(64 + k * 16, 16)] * p1)
                return carry2
            lax.fori_loop(0, W // 2, scale, 0)

        fire_gather(jnp.int32(0), slot_a)

        def pair(k, carry):
            ka = 2 * k
            kb = ka + 1
            fire_gather(kb, slot_b)
            wait_gather(ka, slot_a)
            compute(ka, slot_a)
            fire_scatter(slot_a)
            wait_gather(kb, slot_b)
            compute(kb, slot_b)
            fire_scatter(slot_b)
            drain_scatter(slot_a)

            @pl.when(k + 1 < NPAIR)
            def _():
                fire_gather(ka + 2, slot_a)

            drain_scatter(slot_b)
            return carry

        lax.fori_loop(0, NPAIR, pair, 0)
        plsc.subcore_barrier()

        for r in range(RPT // W):
            rows = pl.ds(s * RPT + r * W, W)
            pltpu.sync_copy(acc_s.at[rows], num_out.at[p, c, rows])

        if p == 0:
            zero_rowbuf(rowbuf_a)
            zero_acc_rows()
            plsc.subcore_barrier()

    for r in range(RPT // W):
        rows = pl.ds(s * RPT + r * W, W)
        pltpu.sync_copy(den_s.at[rows], den_out.at[c, rows])


@functools.cache
def _make_sc_edges():
    return pl.kernel(
        _sc_body,
        mesh=plsc.VectorSubcoreMesh(core_axis_name="c", subcore_axis_name="s"),
        compiler_params=pltpu.CompilerParams(
            needs_layout_passes=False, use_tc_tiling_on_sc=False),
        out_type=[
            jax.ShapeDtypeStruct((2, 2, NP, RW), jnp.float32),
            jax.ShapeDtypeStruct((2, NP, 16), jnp.float32),
        ],
        scratch_types=[
            pltpu.VMEM((NWIN, 1, 2 * W), jnp.int32),
            pltpu.VMEM((W, RW), jnp.float32),
            pltpu.VMEM((W, RW), jnp.float32),
            pltpu.VMEM((2 * W, 16), jnp.float32),
            pltpu.VMEM((2 * W, 16), jnp.float32),
            pltpu.VMEM((W,), jnp.int32),
            pltpu.VMEM((W,), jnp.int32),
            pltpu.VMEM((W, 16), jnp.float32),
            pltpu.VMEM((W, 16), jnp.float32),
            pltpu.VMEM((2 * W,), jnp.float32),
            pltpu.VMEM_SHARED((NP, RW), jnp.float32),
            pltpu.VMEM_SHARED((NP, 16), jnp.float32),
            pltpu.SemaphoreType.DMA,
            pltpu.SemaphoreType.DMA,
            pltpu.SemaphoreType.DMA,
            pltpu.SemaphoreType.DMA,
        ],
    )



def _finish_body(num_ref, den_ref, bias_ref, out_ref):
    bm = out_ref.shape[0]
    n0 = num_ref[0] + num_ref[1]
    n1 = num_ref[2] + num_ref[3]
    den = den_ref[0] + den_ref[1]
    eps = 1e-16

    def dcol(h):
        return jnp.broadcast_to(den[:, h:h + 1], (bm, OUT)) + eps

    out_ref[...] = jnp.concatenate([
        n0[:, 0:64] / dcol(0),
        n0[:, 64:128] / dcol(1),
        n1[:, 0:64] / dcol(2),
        n1[:, 64:128] / dcol(3),
    ], axis=1) + bias_ref[...]


def _finish(num, den, bias2d):
    bm = 400
    grid = N // bm
    return pl.pallas_call(
        _finish_body,
        grid=(grid,),
        in_specs=[
            pl.BlockSpec((4, bm, RW), lambda i: (0, i, 0)),
            pl.BlockSpec((2, bm, 16), lambda i: (0, i, 0)),
            pl.BlockSpec((1, HO), lambda i: (0, 0)),
        ],
        out_specs=pl.BlockSpec((bm, HO), lambda i: (i, 0)),
        out_shape=jax.ShapeDtypeStruct((N, HO), jnp.float32),
    )(num, den, bias2d)



def kernel(x, edge_index, weight, att, bias):
    src0, dst0 = edge_index[0], edge_index[1]
    keep = src0 != dst0
    npv = jnp.asarray(N, src0.dtype)
    src0 = jnp.where(keep, src0, npv)
    dst0 = jnp.where(keep, dst0, npv)
    loop = jnp.arange(N, dtype=src0.dtype)
    npad = EP - (E + N)
    padr = (N + 1 + jnp.arange(npad, dtype=src0.dtype) % (NP - N - 1))
    src = jnp.concatenate([src0, loop, padr]).astype(jnp.int32)
    dst = jnp.concatenate([dst0, loop, padr]).astype(jnp.int32)

    att_i = att[0, :, :OUT]
    att_j = att[0, :, OUT:]
    eye = jnp.eye(H, dtype=jnp.float32)
    a_j = (att_j[:, :, None] * eye[:, None, :]).reshape(HO, H)
    a_i = (att_i[:, :, None] * eye[:, None, :]).reshape(HO, H)
    amat = jnp.concatenate(
        [a_j, a_i, jnp.zeros((HO, 8), jnp.float32)], axis=1)

    xpad = jnp.pad(x, ((0, NP - N), (0, 0)))

    xw0, xw1, stab = _dense(xpad, weight, amat)

    sd = jnp.concatenate(
        [src.reshape(NW, NWIN, 1, W), dst.reshape(NW, NWIN, 1, W)], axis=3)

    num, den = _make_sc_edges()(sd, stab, xw0, xw1)

    out = _finish(num.reshape(4, NP, RW), den, bias.reshape(1, HO))

    ixz = jnp.zeros((N,), dtype=x.dtype)
    structure_kl_loss = jnp.zeros((), dtype=x.dtype)
    return (out, ixz, structure_kl_loss)

# --- scband reference (transcript-rebuilt; emitter-appended) ---
"""Pipeline reference for scband-gnn-46789373722956 (READ-ONLY COPY).

The authoritative reference and input builder live on the scoring server;
editing this copy changes nothing except your own understanding.
"""

import jax, jax.numpy as jnp
import numpy as np

N = 10000
E = 160000
IN = 256
H = 4
OUT = 64
NEG_SLOPE = 0.2


def setup_inputs(seed: int = 0) -> dict:
    key = jax.random.key(seed)
    k1, k2, k3, k4 = jax.random.split(key, 4)
    x = jax.random.normal(k1, (N, IN), dtype=jnp.float32)
    edge_index = jax.random.randint(k2, (2, E), 0, N, dtype=jnp.int32)
    # glorot init for weight [IN, H*OUT] and att [1, H, 2*OUT]
    w_scale = jnp.sqrt(6.0 / (IN + H * OUT))
    weight = jax.random.uniform(k3, (IN, H * OUT), dtype=jnp.float32, minval=-1.0, maxval=1.0) * w_scale
    a_scale = jnp.sqrt(6.0 / (2 * OUT + 1))
    att = jax.random.uniform(k4, (1, H, 2 * OUT), dtype=jnp.float32, minval=-1.0, maxval=1.0) * a_scale
    bias = jnp.zeros((H * OUT,), dtype=jnp.float32)
    return {"x": x, "edge_index": edge_index, "weight": weight, "att": att, "bias": bias}


def reference(x, edge_index, weight, att, bias):
    # remove self loops, then add self loops (int-only preprocessing)
    src, dst = edge_index[0], edge_index[1]
    keep = src != dst
    src = jnp.where(keep, src, jnp.asarray(N, dtype=src.dtype))
    dst = jnp.where(keep, dst, jnp.asarray(N, dtype=dst.dtype))
    loop = jnp.arange(N, dtype=src.dtype)
    src = jnp.concatenate([src, loop])
    dst = jnp.concatenate([dst, loop])

    # linear transform
    xw = (x @ weight).reshape(-1, H, OUT)  # [N, H, OUT]

    # message: attention logits per edge
    x_j = jnp.take(xw, src, axis=0)  # [Ee, H, OUT] (source / neighbor)
    x_i = jnp.take(xw, dst, axis=0)  # [Ee, H, OUT] (target)
    alpha = (jnp.concatenate([x_i, x_j], axis=-1) * att).sum(axis=-1)  # [Ee, H]
    alpha = jax.nn.leaky_relu(alpha, NEG_SLOPE)

    # segment softmax over incoming edges per target node
    amax = jax.ops.segment_max(alpha, dst, num_segments=N + 1)  # [N+1, H]
    alpha = jnp.exp(alpha - jnp.take(amax, dst, axis=0))
    denom = jax.ops.segment_sum(alpha, dst, num_segments=N + 1)  # [N+1, H]
    alpha = alpha / (jnp.take(denom, dst, axis=0) + 1e-16)

    # aggregate (add)
    out = jax.ops.segment_sum(x_j * alpha[:, :, None], dst, num_segments=N + 1)[:N]  # [N, H, OUT]
    # concat heads + bias (update step)
    out = out.reshape(N, H * OUT) + bias

    # reparam_mode is None -> ixz zeros; struct_dropout 'None' -> structure_kl_loss = 0
    ixz = jnp.zeros((N,), dtype=x.dtype)
    structure_kl_loss = jnp.zeros((), dtype=x.dtype)
    return (out, ixz, structure_kl_loss)

if __name__ == "__main__":
    import jax
    _d = setup_inputs()
    print(jax.jit(kernel)(*tuple(_d.values())))

</pallas_src>

<mosaic_0001>
#map = affine_map<(d0, d1) -> (0, 0, 0, 0)>
#map1 = affine_map<(d0, d1) -> (0, 0)>
#map2 = affine_map<(d0, d1) -> (0, 0, 0)>
module attributes {stable_mosaic.version = 14 : i64} {
  func.func @_sc_body(%arg0: i32, %arg1: i32, %arg2: memref<32x84x1x128xi32, #tpu.memory_space<hbm>>, %arg3: memref<10240x16xf32, #tpu.memory_space<hbm>>, %arg4: memref<10240x128xf32, #tpu.memory_space<hbm>>, %arg5: memref<10240x128xf32, #tpu.memory_space<hbm>>, %arg6: memref<2x2x10240x128xf32, #tpu.memory_space<hbm>>, %arg7: memref<2x10240x16xf32, #tpu.memory_space<hbm>>, %arg8: memref<84x1x128xi32, #tpu.memory_space<vmem>>, %arg9: memref<64x128xf32, #tpu.memory_space<vmem>>, %arg10: memref<64x128xf32, #tpu.memory_space<vmem>>, %arg11: memref<128x16xf32, #tpu.memory_space<vmem>>, %arg12: memref<128x16xf32, #tpu.memory_space<vmem>>, %arg13: memref<64xi32, #tpu.memory_space<vmem>>, %arg14: memref<64xi32, #tpu.memory_space<vmem>>, %arg15: memref<64x16xf32, #tpu.memory_space<vmem>>, %arg16: memref<64x16xf32, #tpu.memory_space<vmem>>, %arg17: memref<128xf32, #tpu.memory_space<vmem>>, %arg18: memref<10240x128xf32, #tpu.memory_space<vmem_shared>>, %arg19: memref<10240x16xf32, #tpu.memory_space<vmem_shared>>, %arg20: memref<!tpu.dma_semaphore, #tpu.memory_space<semaphore_mem>>, %arg21: memref<!tpu.dma_semaphore, #tpu.memory_space<semaphore_mem>>, %arg22: memref<!tpu.dma_semaphore, #tpu.memory_space<semaphore_mem>>, %arg23: memref<!tpu.dma_semaphore, #tpu.memory_space<semaphore_mem>>) attributes {dimension_semantics = [#tpu.dimension_semantics<core_parallel>, #tpu.dimension_semantics<subcore_parallel>], iteration_bounds = array<i64: 2, 16>, scalar_prefetch = 0 : i64, scratch_operands = 16 : i64, tpu.core_type = #tpu.core_type<sc_vector_subcore>, window_params = [{transform_indices = #map}, {transform_indices = #map1}, {transform_indices = #map1}, {transform_indices = #map1}, {transform_indices = #map}, {transform_indices = #map2}]} {
    %mul3A = arith.constant 16 : i32
    %mul3A_0 = arith.muli %arg0, %mul3A : i32
    %add3A = arith.addi %mul3A_0, %arg1 : i32
    %broadcast_in_dim3A = arith.constant 0.000000e+00 : f32
    %broadcast_in_dim3A_1 = vector.broadcast %broadcast_in_dim3A : f32 to vector<16xf32>
    %iota3A = tpu.iota {dimensions = array<i32: 0>} : vector<16xi32>
    "tpu.region"() ({
      %run_scoped3A_324 = tpu.sem_alloc : memref<!tpu.dma_semaphore, #tpu.memory_space<semaphore_mem>>
      %dma_start3A_325 = arith.constant 0 : i32
      %dma_start3A_326 = arith.constant 0 : i32
      %dma_start3A_327 = arith.constant 0 : i32
      %dma_start3A_328 = tpu.memref_slice %arg2[%add3A, %dma_start3A_325, %dma_start3A_326, %dma_start3A_327] : memref<32x84x1x128xi32, #tpu.memory_space<hbm>> -> memref<1x84x1x128xi32, #tpu.memory_space<hbm>>
      %dma_start3A_329 = tpu.memref_squeeze %dma_start3A_328 : memref<1x84x1x128xi32, #tpu.memory_space<hbm>> -> memref<84x1x128xi32, #tpu.memory_space<hbm>>
      %dma_start3A_330 = arith.constant 0 : i32
      %dma_start3A_331 = arith.constant 0 : i32
      %dma_start3A_332 = arith.constant 0 : i32
      %dma_start3A_333 = tpu.memref_slice %arg2[%add3A, %dma_start3A_330, %dma_start3A_331, %dma_start3A_332] : memref<32x84x1x128xi32, #tpu.memory_space<hbm>> -> memref<1x84x1x128xi32, #tpu.memory_space<hbm>>
      %dma_start3A_334 = tpu.memref_squeeze %dma_start3A_333 : memref<1x84x1x128xi32, #tpu.memory_space<hbm>> -> memref<84x1x128xi32, #tpu.memory_space<hbm>>
      tpu.enqueue_dma source(%dma_start3A_334 : memref<84x1x128xi32, #tpu.memory_space<hbm>>) target(%arg8 : memref<84x1x128xi32, #tpu.memory_space<vmem>>) target_semaphore(%run_scoped3A_324 : memref<!tpu.dma_semaphore, #tpu.memory_space<semaphore_mem>>)
      %dma_wait3A = arith.constant 0 : i32
      %dma_wait3A_335 = arith.constant 0 : i32
      %dma_wait3A_336 = arith.constant 0 : i32
      %dma_wait3A_337 = tpu.memref_slice %arg2[%add3A, %dma_wait3A, %dma_wait3A_335, %dma_wait3A_336] : memref<32x84x1x128xi32, #tpu.memory_space<hbm>> -> memref<1x84x1x128xi32, #tpu.memory_space<hbm>>
      %dma_wait3A_338 = tpu.memref_squeeze %dma_wait3A_337 : memref<1x84x1x128xi32, #tpu.memory_space<hbm>> -> memref<84x1x128xi32, #tpu.memory_space<hbm>>
      %dma_wait3A_339 = arith.constant 0 : i32
      %dma_wait3A_340 = arith.constant 0 : i32
      %dma_wait3A_341 = arith.constant 0 : i32
      %dma_wait3A_342 = tpu.memref_slice %arg2[%add3A, %dma_wait3A_339, %dma_wait3A_340, %dma_wait3A_341] : memref<32x84x1x128xi32, #tpu.memory_space<hbm>> -> memref<1x84x1x128xi32, #tpu.memory_space<hbm>>
      %dma_wait3A_343 = tpu.memref_squeeze %dma_wait3A_342 : memref<1x84x1x128xi32, #tpu.memory_space<hbm>> -> memref<84x1x128xi32, #tpu.memory_space<hbm>>
      tpu.wait_dma2 semaphore(%run_scoped3A_324 : memref<!tpu.dma_semaphore, #tpu.memory_space<semaphore_mem>>) src(%dma_wait3A_343 : memref<84x1x128xi32, #tpu.memory_space<hbm>>) dst(%arg8 : memref<84x1x128xi32, #tpu.memory_space<vmem>>)
      tpu.yield
    }) : () -> ()
    %scan3A = arith.constant 0 : i32
    %scan3A_2 = arith.constant 0 : i32
    %scan3A_3 = arith.constant 64 : i32
    %scan3A_4 = arith.addi %scan3A_2, %scan3A_3 : i32
    %scan3A_5 = arith.constant 1 : i32
    scf.for %scan3A_324 = %scan3A_2 to %scan3A_4 step %scan3A_5  : i32 {
      %swap3A = arith.index_cast %scan3A_324 : i32 to index
      %swap3A_325 = arith.constant 0 : index
      %swap3A_326 = tpu.vector_load %arg9[%swap3A, %swap3A_325] {strides = array<i32>} : memref<64x128xf32, #tpu.memory_space<vmem>>, vector<16xf32>,
      tpu.vector_store %arg9[%swap3A, %swap3A_325], %broadcast_in_dim3A_1 {strides = array<i32>} : memref<64x128xf32, #tpu.memory_space<vmem>>, vector<16xf32>,
      %swap3A_327 = arith.index_cast %scan3A_324 : i32 to index
      %swap3A_328 = arith.constant 16 : index
      %swap3A_329 = tpu.vector_load %arg9[%swap3A_327, %swap3A_328] {strides = array<i32>} : memref<64x128xf32, #tpu.memory_space<vmem>>, vector<16xf32>,
      tpu.vector_store %arg9[%swap3A_327, %swap3A_328], %broadcast_in_dim3A_1 {strides = array<i32>} : memref<64x128xf32, #tpu.memory_space<vmem>>, vector<16xf32>,
      %swap3A_330 = arith.index_cast %scan3A_324 : i32 to index
      %swap3A_331 = arith.constant 32 : index
      %swap3A_332 = tpu.vector_load %arg9[%swap3A_330, %swap3A_331] {strides = array<i32>} : memref<64x128xf32, #tpu.memory_space<vmem>>, vector<16xf32>,
      tpu.vector_store %arg9[%swap3A_330, %swap3A_331], %broadcast_in_dim3A_1 {strides = array<i32>} : memref<64x128xf32, #tpu.memory_space<vmem>>, vector<16xf32>,
      %swap3A_333 = arith.index_cast %scan3A_324 : i32 to index
      %swap3A_334 = arith.constant 48 : index
      %swap3A_335 = tpu.vector_load %arg9[%swap3A_333, %swap3A_334] {strides = array<i32>} : memref<64x128xf32, #tpu.memory_space<vmem>>, vector<16xf32>,
      tpu.vector_store %arg9[%swap3A_333, %swap3A_334], %broadcast_in_dim3A_1 {strides = array<i32>} : memref<64x128xf32, #tpu.memory_space<vmem>>, vector<16xf32>,
      %swap3A_336 = arith.index_cast %scan3A_324 : i32 to index
      %swap3A_337 = arith.constant 64 : index
      %swap3A_338 = tpu.vector_load %arg9[%swap3A_336, %swap3A_337] {strides = array<i32>} : memref<64x128xf32, #tpu.memory_space<vmem>>, vector<16xf32>,
      tpu.vector_store %arg9[%swap3A_336, %swap3A_337], %broadcast_in_dim3A_1 {strides = array<i32>} : memref<64x128xf32, #tpu.memory_space<vmem>>, vector<16xf32>,
      %swap3A_339 = arith.index_cast %scan3A_324 : i32 to index
      %swap3A_340 = arith.constant 80 : index
      %swap3A_341 = tpu.vector_load %arg9[%swap3A_339, %swap3A_340] {strides = array<i32>} : memref<64x128xf32, #tpu.memory_space<vmem>>, vector<16xf32>,
      tpu.vector_store %arg9[%swap3A_339, %swap3A_340], %broadcast_in_dim3A_1 {strides = array<i32>} : memref<64x128xf32, #tpu.memory_space<vmem>>, vector<16xf32>,
      %swap3A_342 = arith.index_cast %scan3A_324 : i32 to index
      %swap3A_343 = arith.constant 96 : index
      %swap3A_344 = tpu.vector_load %arg9[%swap3A_342, %swap3A_343] {strides = array<i32>} : memref<64x128xf32, #tpu.memory_space<vmem>>, vector<16xf32>,
      tpu.vector_store %arg9[%swap3A_342, %swap3A_343], %broadcast_in_dim3A_1 {strides = array<i32>} : memref<64x128xf32, #tpu.memory_space<vmem>>, vector<16xf32>,
      %swap3A_345 = arith.index_cast %scan3A_324 : i32 to index
      %swap3A_346 = arith.constant 112 : index
      %swap3A_347 = tpu.vector_load %arg9[%swap3A_345, %swap3A_346] {strides = array<i32>} : memref<64x128xf32, #tpu.memory_space<vmem>>, vector<16xf32>,
      tpu.vector_store %arg9[%swap3A_345, %swap3A_346], %broadcast_in_dim3A_1 {strides = array<i32>} : memref<64x128xf32, #tpu.memory_space<vmem>>, vector<16xf32>,
    }
    %scan3A_6 = arith.constant 64 : i32
    %mul3A_7 = arith.constant 640 : i32
    %mul3A_8 = arith.muli %arg1, %mul3A_7 : i32
    %add3A_9 = arith.constant 0 : i32
    %add3A_10 = arith.addi %mul3A_8, %add3A_9 : i32
    "tpu.region"() ({
      %run_scoped3A_324 = tpu.sem_alloc : memref<!tpu.dma_semaphore, #tpu.memory_space<semaphore_mem>>
      %dma_start3A_325 = arith.constant 0 : i32
      %dma_start3A_326 = tpu.memref_slice %arg18[%add3A_10, %dma_start3A_325] : memref<10240x128xf32, #tpu.memory_space<vmem_shared>> -> memref<64x128xf32, #tpu.memory_space<vmem_shared>>
      %dma_start3A_327 = arith.constant 0 : i32
      %dma_start3A_328 = tpu.memref_slice %arg18[%add3A_10, %dma_start3A_327] : memref<10240x128xf32, #tpu.memory_space<vmem_shared>> -> memref<64x128xf32, #tpu.memory_space<vmem_shared>>
      tpu.enqueue_dma source(%arg9 : memref<64x128xf32, #tpu.memory_space<vmem>>) target(%dma_start3A_328 : memref<64x128xf32, #tpu.memory_space<vmem_shared>>) target_semaphore(%run_scoped3A_324 : memref<!tpu.dma_semaphore, #tpu.memory_space<semaphore_mem>>)
      %dma_wait3A = arith.constant 0 : i32
      %dma_wait3A_329 = tpu.memref_slice %arg18[%add3A_10, %dma_wait3A] : memref<10240x128xf32, #tpu.memory_space<vmem_shared>> -> memref<64x128xf32, #tpu.memory_space<vmem_shared>>
      %dma_wait3A_330 = arith.constant 0 : i32
      %dma_wait3A_331 = tpu.memref_slice %arg18[%add3A_10, %dma_wait3A_330] : memref<10240x128xf32, #tpu.memory_space<vmem_shared>> -> memref<64x128xf32, #tpu.memory_space<vmem_shared>>
      tpu.wait_dma2 semaphore(%run_scoped3A_324 : memref<!tpu.dma_semaphore, #tpu.memory_space<semaphore_mem>>) src(%arg9 : memref<64x128xf32, #tpu.memory_space<vmem>>) dst(%dma_wait3A_331 : memref<64x128xf32, #tpu.memory_space<vmem_shared>>)
      tpu.yield
    }) : () -> ()
    %mul3A_11 = arith.constant 640 : i32
    %mul3A_12 = arith.muli %arg1, %mul3A_11 : i32
    %add3A_13 = arith.constant 64 : i32
    %add3A_14 = arith.addi %mul3A_12, %add3A_13 : i32
    "tpu.region"() ({
      %run_scoped3A_324 = tpu.sem_alloc : memref<!tpu.dma_semaphore, #tpu.memory_space<semaphore_mem>>
      %dma_start3A_325 = arith.constant 0 : i32
      %dma_start3A_326 = tpu.memref_slice %arg18[%add3A_14, %dma_start3A_325] : memref<10240x128xf32, #tpu.memory_space<vmem_shared>> -> memref<64x128xf32, #tpu.memory_space<vmem_shared>>
      %dma_start3A_327 = arith.constant 0 : i32
      %dma_start3A_328 = tpu.memref_slice %arg18[%add3A_14, %dma_start3A_327] : memref<10240x128xf32, #tpu.memory_space<vmem_shared>> -> memref<64x128xf32, #tpu.memory_space<vmem_shared>>
      tpu.enqueue_dma source(%arg9 : memref<64x128xf32, #tpu.memory_space<vmem>>) target(%dma_start3A_328 : memref<64x128xf32, #tpu.memory_space<vmem_shared>>) target_semaphore(%run_scoped3A_324 : memref<!tpu.dma_semaphore, #tpu.memory_space<semaphore_mem>>)
      %dma_wait3A = arith.constant 0 : i32
      %dma_wait3A_329 = tpu.memref_slice %arg18[%add3A_14, %dma_wait3A] : memref<10240x128xf32, #tpu.memory_space<vmem_shared>> -> memref<64x128xf32, #tpu.memory_space<vmem_shared>>
      %dma_wait3A_330 = arith.constant 0 : i32
      %dma_wait3A_331 = tpu.memref_slice %arg18[%add3A_14, %dma_wait3A_330] : memref<10240x128xf32, #tpu.memory_space<vmem_shared>> -> memref<64x128xf32, #tpu.memory_space<vmem_shared>>
      tpu.wait_dma2 semaphore(%run_scoped3A_324 : memref<!tpu.dma_semaphore, #tpu.memory_space<semaphore_mem>>) src(%arg9 : memref<64x128xf32, #tpu.memory_space<vmem>>) dst(%dma_wait3A_331 : memref<64x128xf32, #tpu.memory_space<vmem_shared>>)
      tpu.yield
    }) : () -> ()
    %mul3A_15 = arith.constant 640 : i32
    %mul3A_16 = arith.muli %arg1, %mul3A_15 : i32
    %add3A_17 = arith.constant 128 : i32
    %add3A_18 = arith.addi %mul3A_16, %add3A_17 : i32
    "tpu.region"() ({
      %run_scoped3A_324 = tpu.sem_alloc : memref<!tpu.dma_semaphore, #tpu.memory_space<semaphore_mem>>
      %dma_start3A_325 = arith.constant 0 : i32
      %dma_start3A_326 = tpu.memref_slice %arg18[%add3A_18, %dma_start3A_325] : memref<10240x128xf32, #tpu.memory_space<vmem_shared>> -> memref<64x128xf32, #tpu.memory_space<vmem_shared>>
      %dma_start3A_327 = arith.constant 0 : i32
      %dma_start3A_328 = tpu.memref_slice %arg18[%add3A_18, %dma_start3A_327] : memref<10240x128xf32, #tpu.memory_space<vmem_shared>> -> memref<64x128xf32, #tpu.memory_space<vmem_shared>>
      tpu.enqueue_dma source(%arg9 : memref<64x128xf32, #tpu.memory_space<vmem>>) target(%dma_start3A_328 : memref<64x128xf32, #tpu.memory_space<vmem_shared>>) target_semaphore(%run_scoped3A_324 : memref<!tpu.dma_semaphore, #tpu.memory_space<semaphore_mem>>)
      %dma_wait3A = arith.constant 0 : i32
      %dma_wait3A_329 = tpu.memref_slice %arg18[%add3A_18, %dma_wait3A] : memref<10240x128xf32, #tpu.memory_space<vmem_shared>> -> memref<64x128xf32, #tpu.memory_space<vmem_shared>>
      %dma_wait3A_330 = arith.constant 0 : i32
      %dma_wait3A_331 = tpu.memref_slice %arg18[%add3A_18, %dma_wait3A_330] : memref<10240x128xf32, #tpu.memory_space<vmem_shared>> -> memref<64x128xf32, #tpu.memory_space<vmem_shared>>
      tpu.wait_dma2 semaphore(%run_scoped3A_324 : memref<!tpu.dma_semaphore, #tpu.memory_space<semaphore_mem>>) src(%arg9 : memref<64x128xf32, #tpu.memory_space<vmem>>) dst(%dma_wait3A_331 : memref<64x128xf32, #tpu.memory_space<vmem_shared>>)
      tpu.yield
    }) : () -> ()
    %mul3A_19 = arith.constant 640 : i32
    %mul3A_20 = arith.muli %arg1, %mul3A_19 : i32
    %add3A_21 = arith.constant 192 : i32
    %add3A_22 = arith.addi %mul3A_20, %add3A_21 : i32
    "tpu.region"() ({
      %run_scoped3A_324 = tpu.sem_alloc : memref<!tpu.dma_semaphore, #tpu.memory_space<semaphore_mem>>
      %dma_start3A_325 = arith.constant 0 : i32
      %dma_start3A_326 = tpu.memref_slice %arg18[%add3A_22, %dma_start3A_325] : memref<10240x128xf32, #tpu.memory_space<vmem_shared>> -> memref<64x128xf32, #tpu.memory_space<vmem_shared>>
      %dma_start3A_327 = arith.constant 0 : i32
      %dma_start3A_328 = tpu.memref_slice %arg18[%add3A_22, %dma_start3A_327] : memref<10240x128xf32, #tpu.memory_space<vmem_shared>> -> memref<64x128xf32, #tpu.memory_space<vmem_shared>>
      tpu.enqueue_dma source(%arg9 : memref<64x128xf32, #tpu.memory_space<vmem>>) target(%dma_start3A_328 : memref<64x128xf32, #tpu.memory_space<vmem_shared>>) target_semaphore(%run_scoped3A_324 : memref<!tpu.dma_semaphore, #tpu.memory_space<semaphore_mem>>)
      %dma_wait3A = arith.constant 0 : i32
      %dma_wait3A_329 = tpu.memref_slice %arg18[%add3A_22, %dma_wait3A] : memref<10240x128xf32, #tpu.memory_space<vmem_shared>> -> memref<64x128xf32, #tpu.memory_space<vmem_shared>>
      %dma_wait3A_330 = arith.constant 0 : i32
      %dma_wait3A_331 = tpu.memref_slice %arg18[%add3A_22, %dma_wait3A_330] : memref<10240x128xf32, #tpu.memory_space<vmem_shared>> -> memref<64x128xf32, #tpu.memory_space<vmem_shared>>
      tpu.wait_dma2 semaphore(%run_scoped3A_324 : memref<!tpu.dma_semaphore, #tpu.memory_space<semaphore_mem>>) src(%arg9 : memref<64x128xf32, #tpu.memory_space<vmem>>) dst(%dma_wait3A_331 : memref<64x128xf32, #tpu.memory_space<vmem_shared>>)
      tpu.yield
    }) : () -> ()
    %mul3A_23 = arith.constant 640 : i32
    %mul3A_24 = arith.muli %arg1, %mul3A_23 : i32
    %add3A_25 = arith.constant 256 : i32
    %add3A_26 = arith.addi %mul3A_24, %add3A_25 : i32
    "tpu.region"() ({
      %run_scoped3A_324 = tpu.sem_alloc : memref<!tpu.dma_semaphore, #tpu.memory_space<semaphore_mem>>
      %dma_start3A_325 = arith.constant 0 : i32
      %dma_start3A_326 = tpu.memref_slice %arg18[%add3A_26, %dma_start3A_325] : memref<10240x128xf32, #tpu.memory_space<vmem_shared>> -> memref<64x128xf32, #tpu.memory_space<vmem_shared>>
      %dma_start3A_327 = arith.constant 0 : i32
      %dma_start3A_328 = tpu.memref_slice %arg18[%add3A_26, %dma_start3A_327] : memref<10240x128xf32, #tpu.memory_space<vmem_shared>> -> memref<64x128xf32, #tpu.memory_space<vmem_shared>>
      tpu.enqueue_dma source(%arg9 : memref<64x128xf32, #tpu.memory_space<vmem>>) target(%dma_start3A_328 : memref<64x128xf32, #tpu.memory_space<vmem_shared>>) target_semaphore(%run_scoped3A_324 : memref<!tpu.dma_semaphore, #tpu.memory_space<semaphore_mem>>)
      %dma_wait3A = arith.constant 0 : i32
      %dma_wait3A_329 = tpu.memref_slice %arg18[%add3A_26, %dma_wait3A] : memref<10240x128xf32, #tpu.memory_space<vmem_shared>> -> memref<64x128xf32, #tpu.memory_space<vmem_shared>>
      %dma_wait3A_330 = arith.constant 0 : i32
      %dma_wait3A_331 = tpu.memref_slice %arg18[%add3A_26, %dma_wait3A_330] : memref<10240x128xf32, #tpu.memory_space<vmem_shared>> -> memref<64x128xf32, #tpu.memory_space<vmem_shared>>
      tpu.wait_dma2 semaphore(%run_scoped3A_324 : memref<!tpu.dma_semaphore, #tpu.memory_space<semaphore_mem>>) src(%arg9 : memref<64x128xf32, #tpu.memory_space<vmem>>) dst(%dma_wait3A_331 : memref<64x128xf32, #tpu.memory_space<vmem_shared>>)
      tpu.yield
    }) : () -> ()
    %mul3A_27 = arith.constant 640 : i32
    %mul3A_28 = arith.muli %arg1, %mul3A_27 : i32
    %add3A_29 = arith.constant 320 : i32
    %add3A_30 = arith.addi %mul3A_28, %add3A_29 : i32
    "tpu.region"() ({
      %run_scoped3A_324 = tpu.sem_alloc : memref<!tpu.dma_semaphore, #tpu.memory_space<semaphore_mem>>
      %dma_start3A_325 = arith.constant 0 : i32
      %dma_start3A_326 = tpu.memref_slice %arg18[%add3A_30, %dma_start3A_325] : memref<10240x128xf32, #tpu.memory_space<vmem_shared>> -> memref<64x128xf32, #tpu.memory_space<vmem_shared>>
      %dma_start3A_327 = arith.constant 0 : i32
      %dma_start3A_328 = tpu.memref_slice %arg18[%add3A_30, %dma_start3A_327] : memref<10240x128xf32, #tpu.memory_space<vmem_shared>> -> memref<64x128xf32, #tpu.memory_space<vmem_shared>>
      tpu.enqueue_dma source(%arg9 : memref<64x128xf32, #tpu.memory_space<vmem>>) target(%dma_start3A_328 : memref<64x128xf32, #tpu.memory_space<vmem_shared>>) target_semaphore(%run_scoped3A_324 : memref<!tpu.dma_semaphore, #tpu.memory_space<semaphore_mem>>)
      %dma_wait3A = arith.constant 0 : i32
      %dma_wait3A_329 = tpu.memref_slice %arg18[%add3A_30, %dma_wait3A] : memref<10240x128xf32, #tpu.memory_space<vmem_shared>> -> memref<64x128xf32, #tpu.memory_space<vmem_shared>>
      %dma_wait3A_330 = arith.constant 0 : i32
      %dma_wait3A_331 = tpu.memref_slice %arg18[%add3A_30, %dma_wait3A_330] : memref<10240x128xf32, #tpu.memory_space<vmem_shared>> -> memref<64x128xf32, #tpu.memory_space<vmem_shared>>
      tpu.wait_dma2 semaphore(%run_scoped3A_324 : memref<!tpu.dma_semaphore, #tpu.memory_space<semaphore_mem>>) src(%arg9 : memref<64x128xf32, #tpu.memory_space<vmem>>) dst(%dma_wait3A_331 : memref<64x128xf32, #tpu.memory_space<vmem_shared>>)
      tpu.yield
    }) : () -> ()
    %mul3A_31 = arith.constant 640 : i32
    %mul3A_32 = arith.muli %arg1, %mul3A_31 : i32
    %add3A_33 = arith.constant 384 : i32
    %add3A_34 = arith.addi %mul3A_32, %add3A_33 : i32
    "tpu.region"() ({
      %run_scoped3A_324 = tpu.sem_alloc : memref<!tpu.dma_semaphore, #tpu.memory_space<semaphore_mem>>
      %dma_start3A_325 = arith.constant 0 : i32
      %dma_start3A_326 = tpu.memref_slice %arg18[%add3A_34, %dma_start3A_325] : memref<10240x128xf32, #tpu.memory_space<vmem_shared>> -> memref<64x128xf32, #tpu.memory_space<vmem_shared>>
      %dma_start3A_327 = arith.constant 0 : i32
      %dma_start3A_328 = tpu.memref_slice %arg18[%add3A_34, %dma_start3A_327] : memref<10240x128xf32, #tpu.memory_space<vmem_shared>> -> memref<64x128xf32, #tpu.memory_space<vmem_shared>>
      tpu.enqueue_dma source(%arg9 : memref<64x128xf32, #tpu.memory_space<vmem>>) target(%dma_start3A_328 : memref<64x128xf32, #tpu.memory_space<vmem_shared>>) target_semaphore(%run_scoped3A_324 : memref<!tpu.dma_semaphore, #tpu.memory_space<semaphore_mem>>)
      %dma_wait3A = arith.constant 0 : i32
      %dma_wait3A_329 = tpu.memref_slice %arg18[%add3A_34, %dma_wait3A] : memref<10240x128xf32, #tpu.memory_space<vmem_shared>> -> memref<64x128xf32, #tpu.memory_space<vmem_shared>>
      %dma_wait3A_330 = arith.constant 0 : i32
      %dma_wait3A_331 = tpu.memref_slice %arg18[%add3A_34, %dma_wait3A_330] : memref<10240x128xf32, #tpu.memory_space<vmem_shared>> -> memref<64x128xf32, #tpu.memory_space<vmem_shared>>
      tpu.wait_dma2 semaphore(%run_scoped3A_324 : memref<!tpu.dma_semaphore, #tpu.memory_space<semaphore_mem>>) src(%arg9 : memref<64x128xf32, #tpu.memory_space<vmem>>) dst(%dma_wait3A_331 : memref<64x128xf32, #tpu.memory_space<vmem_shared>>)
      tpu.yield
    }) : () -> ()
    %mul3A_35 = arith.constant 640 : i32
    %mul3A_36 = arith.muli %arg1, %mul3A_35 : i32
    %add3A_37 = arith.constant 448 : i32
    %add3A_38 = arith.addi %mul3A_36, %add3A_37 : i32
    "tpu.region"() ({
      %run_scoped3A_324 = tpu.sem_alloc : memref<!tpu.dma_semaphore, #tpu.memory_space<semaphore_mem>>
      %dma_start3A_325 = arith.constant 0 : i32
      %dma_start3A_326 = tpu.memref_slice %arg18[%add3A_38, %dma_start3A_325] : memref<10240x128xf32, #tpu.memory_space<vmem_shared>> -> memref<64x128xf32, #tpu.memory_space<vmem_shared>>
      %dma_start3A_327 = arith.constant 0 : i32
      %dma_start3A_328 = tpu.memref_slice %arg18[%add3A_38, %dma_start3A_327] : memref<10240x128xf32, #tpu.memory_space<vmem_shared>> -> memref<64x128xf32, #tpu.memory_space<vmem_shared>>
      tpu.enqueue_dma source(%arg9 : memref<64x128xf32, #tpu.memory_space<vmem>>) target(%dma_start3A_328 : memref<64x128xf32, #tpu.memory_space<vmem_shared>>) target_semaphore(%run_scoped3A_324 : memref<!tpu.dma_semaphore, #tpu.memory_space<semaphore_mem>>)
      %dma_wait3A = arith.constant 0 : i32
      %dma_wait3A_329 = tpu.memref_slice %arg18[%add3A_38, %dma_wait3A] : memref<10240x128xf32, #tpu.memory_space<vmem_shared>> -> memref<64x128xf32, #tpu.memory_space<vmem_shared>>
      %dma_wait3A_330 = arith.constant 0 : i32
      %dma_wait3A_331 = tpu.memref_slice %arg18[%add3A_38, %dma_wait3A_330] : memref<10240x128xf32, #tpu.memory_space<vmem_shared>> -> memref<64x128xf32, #tpu.memory_space<vmem_shared>>
      tpu.wait_dma2 semaphore(%run_scoped3A_324 : memref<!tpu.dma_semaphore, #tpu.memory_space<semaphore_mem>>) src(%arg9 : memref<64x128xf32, #tpu.memory_space<vmem>>) dst(%dma_wait3A_331 : memref<64x128xf32, #tpu.memory_space<vmem_shared>>)
      tpu.yield
    }) : () -> ()
    %mul3A_39 = arith.constant 640 : i32
    %mul3A_40 = arith.muli %arg1, %mul3A_39 : i32
    %add3A_41 = arith.constant 512 : i32
    %add3A_42 = arith.addi %mul3A_40, %add3A_41 : i32
    "tpu.region"() ({
      %run_scoped3A_324 = tpu.sem_alloc : memref<!tpu.dma_semaphore, #tpu.memory_space<semaphore_mem>>
      %dma_start3A_325 = arith.constant 0 : i32
      %dma_start3A_326 = tpu.memref_slice %arg18[%add3A_42, %dma_start3A_325] : memref<10240x128xf32, #tpu.memory_space<vmem_shared>> -> memref<64x128xf32, #tpu.memory_space<vmem_shared>>
      %dma_start3A_327 = arith.constant 0 : i32
      %dma_start3A_328 = tpu.memref_slice %arg18[%add3A_42, %dma_start3A_327] : memref<10240x128xf32, #tpu.memory_space<vmem_shared>> -> memref<64x128xf32, #tpu.memory_space<vmem_shared>>
      tpu.enqueue_dma source(%arg9 : memref<64x128xf32, #tpu.memory_space<vmem>>) target(%dma_start3A_328 : memref<64x128xf32, #tpu.memory_space<vmem_shared>>) target_semaphore(%run_scoped3A_324 : memref<!tpu.dma_semaphore, #tpu.memory_space<semaphore_mem>>)
      %dma_wait3A = arith.constant 0 : i32
      %dma_wait3A_329 = tpu.memref_slice %arg18[%add3A_42, %dma_wait3A] : memref<10240x128xf32, #tpu.memory_space<vmem_shared>> -> memref<64x128xf32, #tpu.memory_space<vmem_shared>>
      %dma_wait3A_330 = arith.constant 0 : i32
      %dma_wait3A_331 = tpu.memref_slice %arg18[%add3A_42, %dma_wait3A_330] : memref<10240x128xf32, #tpu.memory_space<vmem_shared>> -> memref<64x128xf32, #tpu.memory_space<vmem_shared>>
      tpu.wait_dma2 semaphore(%run_scoped3A_324 : memref<!tpu.dma_semaphore, #tpu.memory_space<semaphore_mem>>) src(%arg9 : memref<64x128xf32, #tpu.memory_space<vmem>>) dst(%dma_wait3A_331 : memref<64x128xf32, #tpu.memory_space<vmem_shared>>)
      tpu.yield
    }) : () -> ()
    %mul3A_43 = arith.constant 640 : i32
    %mul3A_44 = arith.muli %arg1, %mul3A_43 : i32
    %add3A_45 = arith.constant 576 : i32
    %add3A_46 = arith.addi %mul3A_44, %add3A_45 : i32
    "tpu.region"() ({
      %run_scoped3A_324 = tpu.sem_alloc : memref<!tpu.dma_semaphore, #tpu.memory_space<semaphore_mem>>
      %dma_start3A_325 = arith.constant 0 : i32
      %dma_start3A_326 = tpu.memref_slice %arg18[%add3A_46, %dma_start3A_325] : memref<10240x128xf32, #tpu.memory_space<vmem_shared>> -> memref<64x128xf32, #tpu.memory_space<vmem_shared>>
      %dma_start3A_327 = arith.constant 0 : i32
      %dma_start3A_328 = tpu.memref_slice %arg18[%add3A_46, %dma_start3A_327] : memref<10240x128xf32, #tpu.memory_space<vmem_shared>> -> memref<64x128xf32, #tpu.memory_space<vmem_shared>>
      tpu.enqueue_dma source(%arg9 : memref<64x128xf32, #tpu.memory_space<vmem>>) target(%dma_start3A_328 : memref<64x128xf32, #tpu.memory_space<vmem_shared>>) target_semaphore(%run_scoped3A_324 : memref<!tpu.dma_semaphore, #tpu.memory_space<semaphore_mem>>)
      %dma_wait3A = arith.constant 0 : i32
      %dma_wait3A_329 = tpu.memref_slice %arg18[%add3A_46, %dma_wait3A] : memref<10240x128xf32, #tpu.memory_space<vmem_shared>> -> memref<64x128xf32, #tpu.memory_space<vmem_shared>>
      %dma_wait3A_330 = arith.constant 0 : i32
      %dma_wait3A_331 = tpu.memref_slice %arg18[%add3A_46, %dma_wait3A_330] : memref<10240x128xf32, #tpu.memory_space<vmem_shared>> -> memref<64x128xf32, #tpu.memory_space<vmem_shared>>
      tpu.wait_dma2 semaphore(%run_scoped3A_324 : memref<!tpu.dma_semaphore, #tpu.memory_space<semaphore_mem>>) src(%arg9 : memref<64x128xf32, #tpu.memory_space<vmem>>) dst(%dma_wait3A_331 : memref<64x128xf32, #tpu.memory_space<vmem_shared>>)
      tpu.yield
    }) : () -> ()
    %scan3A_47 = arith.constant 0 : i32
    %scan3A_48 = arith.constant 0 : i32
    %scan3A_49 = arith.constant 64 : i32
    %scan3A_50 = arith.addi %scan3A_48, %scan3A_49 : i32
    %scan3A_51 = arith.constant 1 : i32
    scf.for %scan3A_324 = %scan3A_48 to %scan3A_50 step %scan3A_51  : i32 {
      %swap3A = arith.index_cast %scan3A_324 : i32 to index
      %swap3A_325 = arith.constant 0 : index
      %swap3A_326 = tpu.vector_load %arg15[%swap3A, %swap3A_325] {strides = array<i32>} : memref<64x16xf32, #tpu.memory_space<vmem>>, vector<16xf32>,
      tpu.vector_store %arg15[%swap3A, %swap3A_325], %broadcast_in_dim3A_1 {strides = array<i32>} : memref<64x16xf32, #tpu.memory_space<vmem>>, vector<16xf32>,
      %swap3A_327 = arith.index_cast %scan3A_324 : i32 to index
      %swap3A_328 = arith.constant 0 : index
      %swap3A_329 = tpu.vector_load %arg16[%swap3A_327, %swap3A_328] {strides = array<i32>} : memref<64x16xf32, #tpu.memory_space<vmem>>, vector<16xf32>,
      tpu.vector_store %arg16[%swap3A_327, %swap3A_328], %broadcast_in_dim3A_1 {strides = array<i32>} : memref<64x16xf32, #tpu.memory_space<vmem>>, vector<16xf32>,
    }
    %scan3A_52 = arith.constant 64 : i32
    %mul3A_53 = arith.constant 640 : i32
    %mul3A_54 = arith.muli %arg1, %mul3A_53 : i32
    %add3A_55 = arith.constant 0 : i32
    %add3A_56 = arith.addi %mul3A_54, %add3A_55 : i32
    "tpu.region"() ({
      %run_scoped3A_324 = tpu.sem_alloc : memref<!tpu.dma_semaphore, #tpu.memory_space<semaphore_mem>>
      %dma_start3A_325 = arith.constant 0 : i32
      %dma_start3A_326 = tpu.memref_slice %arg19[%add3A_56, %dma_start3A_325] : memref<10240x16xf32, #tpu.memory_space<vmem_shared>> -> memref<64x16xf32, #tpu.memory_space<vmem_shared>>
      %dma_start3A_327 = arith.constant 0 : i32
      %dma_start3A_328 = tpu.memref_slice %arg19[%add3A_56, %dma_start3A_327] : memref<10240x16xf32, #tpu.memory_space<vmem_shared>> -> memref<64x16xf32, #tpu.memory_space<vmem_shared>>
      tpu.enqueue_dma source(%arg15 : memref<64x16xf32, #tpu.memory_space<vmem>>) target(%dma_start3A_328 : memref<64x16xf32, #tpu.memory_space<vmem_shared>>) target_semaphore(%run_scoped3A_324 : memref<!tpu.dma_semaphore, #tpu.memory_space<semaphore_mem>>)
      %dma_wait3A = arith.constant 0 : i32
      %dma_wait3A_329 = tpu.memref_slice %arg19[%add3A_56, %dma_wait3A] : memref<10240x16xf32, #tpu.memory_space<vmem_shared>> -> memref<64x16xf32, #tpu.memory_space<vmem_shared>>
      %dma_wait3A_330 = arith.constant 0 : i32
      %dma_wait3A_331 = tpu.memref_slice %arg19[%add3A_56, %dma_wait3A_330] : memref<10240x16xf32, #tpu.memory_space<vmem_shared>> -> memref<64x16xf32, #tpu.memory_space<vmem_shared>>
      tpu.wait_dma2 semaphore(%run_scoped3A_324 : memref<!tpu.dma_semaphore, #tpu.memory_space<semaphore_mem>>) src(%arg15 : memref<64x16xf32, #tpu.memory_space<vmem>>) dst(%dma_wait3A_331 : memref<64x16xf32, #tpu.memory_space<vmem_shared>>)
      tpu.yield
    }) : () -> ()
    %mul3A_57 = arith.constant 640 : i32
    %mul3A_58 = arith.muli %arg1, %mul3A_57 : i32
    %add3A_59 = arith.constant 64 : i32
    %add3A_60 = arith.addi %mul3A_58, %add3A_59 : i32
    "tpu.region"() ({
      %run_scoped3A_324 = tpu.sem_alloc : memref<!tpu.dma_semaphore, #tpu.memory_space<semaphore_mem>>
      %dma_start3A_325 = arith.constant 0 : i32
      %dma_start3A_326 = tpu.memref_slice %arg19[%add3A_60, %dma_start3A_325] : memref<10240x16xf32, #tpu.memory_space<vmem_shared>> -> memref<64x16xf32, #tpu.memory_space<vmem_shared>>
      %dma_start3A_327 = arith.constant 0 : i32
      %dma_start3A_328 = tpu.memref_slice %arg19[%add3A_60, %dma_start3A_327] : memref<10240x16xf32, #tpu.memory_space<vmem_shared>> -> memref<64x16xf32, #tpu.memory_space<vmem_shared>>
      tpu.enqueue_dma source(%arg15 : memref<64x16xf32, #tpu.memory_space<vmem>>) target(%dma_start3A_328 : memref<64x16xf32, #tpu.memory_space<vmem_shared>>) target_semaphore(%run_scoped3A_324 : memref<!tpu.dma_semaphore, #tpu.memory_space<semaphore_mem>>)
      %dma_wait3A = arith.constant 0 : i32
      %dma_wait3A_329 = tpu.memref_slice %arg19[%add3A_60, %dma_wait3A] : memref<10240x16xf32, #tpu.memory_space<vmem_shared>> -> memref<64x16xf32, #tpu.memory_space<vmem_shared>>
      %dma_wait3A_330 = arith.constant 0 : i32
      %dma_wait3A_331 = tpu.memref_slice %arg19[%add3A_60, %dma_wait3A_330] : memref<10240x16xf32, #tpu.memory_space<vmem_shared>> -> memref<64x16xf32, #tpu.memory_space<vmem_shared>>
      tpu.wait_dma2 semaphore(%run_scoped3A_324 : memref<!tpu.dma_semaphore, #tpu.memory_space<semaphore_mem>>) src(%arg15 : memref<64x16xf32, #tpu.memory_space<vmem>>) dst(%dma_wait3A_331 : memref<64x16xf32, #tpu.memory_space<vmem_shared>>)
      tpu.yield
    }) : () -> ()
    %mul3A_61 = arith.constant 640 : i32
    %mul3A_62 = arith.muli %arg1, %mul3A_61 : i32
    %add3A_63 = arith.constant 128 : i32
    %add3A_64 = arith.addi %mul3A_62, %add3A_63 : i32
    "tpu.region"() ({
      %run_scoped3A_324 = tpu.sem_alloc : memref<!tpu.dma_semaphore, #tpu.memory_space<semaphore_mem>>
      %dma_start3A_325 = arith.constant 0 : i32
      %dma_start3A_326 = tpu.memref_slice %arg19[%add3A_64, %dma_start3A_325] : memref<10240x16xf32, #tpu.memory_space<vmem_shared>> -> memref<64x16xf32, #tpu.memory_space<vmem_shared>>
      %dma_start3A_327 = arith.constant 0 : i32
      %dma_start3A_328 = tpu.memref_slice %arg19[%add3A_64, %dma_start3A_327] : memref<10240x16xf32, #tpu.memory_space<vmem_shared>> -> memref<64x16xf32, #tpu.memory_space<vmem_shared>>
      tpu.enqueue_dma source(%arg15 : memref<64x16xf32, #tpu.memory_space<vmem>>) target(%dma_start3A_328 : memref<64x16xf32, #tpu.memory_space<vmem_shared>>) target_semaphore(%run_scoped3A_324 : memref<!tpu.dma_semaphore, #tpu.memory_space<semaphore_mem>>)
      %dma_wait3A = arith.constant 0 : i32
      %dma_wait3A_329 = tpu.memref_slice %arg19[%add3A_64, %dma_wait3A] : memref<10240x16xf32, #tpu.memory_space<vmem_shared>> -> memref<64x16xf32, #tpu.memory_space<vmem_shared>>
      %dma_wait3A_330 = arith.constant 0 : i32
      %dma_wait3A_331 = tpu.memref_slice %arg19[%add3A_64, %dma_wait3A_330] : memref<10240x16xf32, #tpu.memory_space<vmem_shared>> -> memref<64x16xf32, #tpu.memory_space<vmem_shared>>
      tpu.wait_dma2 semaphore(%run_scoped3A_324 : memref<!tpu.dma_semaphore, #tpu.memory_space<semaphore_mem>>) src(%arg15 : memref<64x16xf32, #tpu.memory_space<vmem>>) dst(%dma_wait3A_331 : memref<64x16xf32, #tpu.memory_space<vmem_shared>>)
      tpu.yield
    }) : () -> ()
    %mul3A_65 = arith.constant 640 : i32
    %mul3A_66 = arith.muli %arg1, %mul3A_65 : i32
    %add3A_67 = arith.constant 192 : i32
    %add3A_68 = arith.addi %mul3A_66, %add3A_67 : i32
    "tpu.region"() ({
      %run_scoped3A_324 = tpu.sem_alloc : memref<!tpu.dma_semaphore, #tpu.memory_space<semaphore_mem>>
      %dma_start3A_325 = arith.constant 0 : i32
      %dma_start3A_326 = tpu.memref_slice %arg19[%add3A_68, %dma_start3A_325] : memref<10240x16xf32, #tpu.memory_space<vmem_shared>> -> memref<64x16xf32, #tpu.memory_space<vmem_shared>>
      %dma_start3A_327 = arith.constant 0 : i32
      %dma_start3A_328 = tpu.memref_slice %arg19[%add3A_68, %dma_start3A_327] : memref<10240x16xf32, #tpu.memory_space<vmem_shared>> -> memref<64x16xf32, #tpu.memory_space<vmem_shared>>
      tpu.enqueue_dma source(%arg15 : memref<64x16xf32, #tpu.memory_space<vmem>>) target(%dma_start3A_328 : memref<64x16xf32, #tpu.memory_space<vmem_shared>>) target_semaphore(%run_scoped3A_324 : memref<!tpu.dma_semaphore, #tpu.memory_space<semaphore_mem>>)
      %dma_wait3A = arith.constant 0 : i32
      %dma_wait3A_329 = tpu.memref_slice %arg19[%add3A_68, %dma_wait3A] : memref<10240x16xf32, #tpu.memory_space<vmem_shared>> -> memref<64x16xf32, #tpu.memory_space<vmem_shared>>
      %dma_wait3A_330 = arith.constant 0 : i32
      %dma_wait3A_331 = tpu.memref_slice %arg19[%add3A_68, %dma_wait3A_330] : memref<10240x16xf32, #tpu.memory_space<vmem_shared>> -> memref<64x16xf32, #tpu.memory_space<vmem_shared>>
      tpu.wait_dma2 semaphore(%run_scoped3A_324 : memref<!tpu.dma_semaphore, #tpu.memory_space<semaphore_mem>>) src(%arg15 : memref<64x16xf32, #tpu.memory_space<vmem>>) dst(%dma_wait3A_331 : memref<64x16xf32, #tpu.memory_space<vmem_shared>>)
      tpu.yield
    }) : () -> ()
    %mul3A_69 = arith.constant 640 : i32
    %mul3A_70 = arith.muli %arg1, %mul3A_69 : i32
    %add3A_71 = arith.constant 256 : i32
    %add3A_72 = arith.addi %mul3A_70, %add3A_71 : i32
    "tpu.region"() ({
      %run_scoped3A_324 = tpu.sem_alloc : memref<!tpu.dma_semaphore, #tpu.memory_space<semaphore_mem>>
      %dma_start3A_325 = arith.constant 0 : i32
      %dma_start3A_326 = tpu.memref_slice %arg19[%add3A_72, %dma_start3A_325] : memref<10240x16xf32, #tpu.memory_space<vmem_shared>> -> memref<64x16xf32, #tpu.memory_space<vmem_shared>>
      %dma_start3A_327 = arith.constant 0 : i32
      %dma_start3A_328 = tpu.memref_slice %arg19[%add3A_72, %dma_start3A_327] : memref<10240x16xf32, #tpu.memory_space<vmem_shared>> -> memref<64x16xf32, #tpu.memory_space<vmem_shared>>
      tpu.enqueue_dma source(%arg15 : memref<64x16xf32, #tpu.memory_space<vmem>>) target(%dma_start3A_328 : memref<64x16xf32, #tpu.memory_space<vmem_shared>>) target_semaphore(%run_scoped3A_324 : memref<!tpu.dma_semaphore, #tpu.memory_space<semaphore_mem>>)
      %dma_wait3A = arith.constant 0 : i32
      %dma_wait3A_329 = tpu.memref_slice %arg19[%add3A_72, %dma_wait3A] : memref<10240x16xf32, #tpu.memory_space<vmem_shared>> -> memref<64x16xf32, #tpu.memory_space<vmem_shared>>
      %dma_wait3A_330 = arith.constant 0 : i32
      %dma_wait3A_331 = tpu.memref_slice %arg19[%add3A_72, %dma_wait3A_330] : memref<10240x16xf32, #tpu.memory_space<vmem_shared>> -> memref<64x16xf32, #tpu.memory_space<vmem_shared>>
      tpu.wait_dma2 semaphore(%run_scoped3A_324 : memref<!tpu.dma_semaphore, #tpu.memory_space<semaphore_mem>>) src(%arg15 : memref<64x16xf32, #tpu.memory_space<vmem>>) dst(%dma_wait3A_331 : memref<64x16xf32, #tpu.memory_space<vmem_shared>>)
      tpu.yield
    }) : () -> ()
    %mul3A_73 = arith.constant 640 : i32
    %mul3A_74 = arith.muli %arg1, %mul3A_73 : i32
    %add3A_75 = arith.constant 320 : i32
    %add3A_76 = arith.addi %mul3A_74, %add3A_75 : i32
    "tpu.region"() ({
      %run_scoped3A_324 = tpu.sem_alloc : memref<!tpu.dma_semaphore, #tpu.memory_space<semaphore_mem>>
      %dma_start3A_325 = arith.constant 0 : i32
      %dma_start3A_326 = tpu.memref_slice %arg19[%add3A_76, %dma_start3A_325] : memref<10240x16xf32, #tpu.memory_space<vmem_shared>> -> memref<64x16xf32, #tpu.memory_space<vmem_shared>>
      %dma_start3A_327 = arith.constant 0 : i32
      %dma_start3A_328 = tpu.memref_slice %arg19[%add3A_76, %dma_start3A_327] : memref<10240x16xf32, #tpu.memory_space<vmem_shared>> -> memref<64x16xf32, #tpu.memory_space<vmem_shared>>
      tpu.enqueue_dma source(%arg15 : memref<64x16xf32, #tpu.memory_space<vmem>>) target(%dma_start3A_328 : memref<64x16xf32, #tpu.memory_space<vmem_shared>>) target_semaphore(%run_scoped3A_324 : memref<!tpu.dma_semaphore, #tpu.memory_space<semaphore_mem>>)
      %dma_wait3A = arith.constant 0 : i32
      %dma_wait3A_329 = tpu.memref_slice %arg19[%add3A_76, %dma_wait3A] : memref<10240x16xf32, #tpu.memory_space<vmem_shared>> -> memref<64x16xf32, #tpu.memory_space<vmem_shared>>
      %dma_wait3A_330 = arith.constant 0 : i32
      %dma_wait3A_331 = tpu.memref_slice %arg19[%add3A_76, %dma_wait3A_330] : memref<10240x16xf32, #tpu.memory_space<vmem_shared>> -> memref<64x16xf32, #tpu.memory_space<vmem_shared>>
      tpu.wait_dma2 semaphore(%run_scoped3A_324 : memref<!tpu.dma_semaphore, #tpu.memory_space<semaphore_mem>>) src(%arg15 : memref<64x16xf32, #tpu.memory_space<vmem>>) dst(%dma_wait3A_331 : memref<64x16xf32, #tpu.memory_space<vmem_shared>>)
      tpu.yield
    }) : () -> ()
    %mul3A_77 = arith.constant 640 : i32
    %mul3A_78 = arith.muli %arg1, %mul3A_77 : i32
    %add3A_79 = arith.constant 384 : i32
    %add3A_80 = arith.addi %mul3A_78, %add3A_79 : i32
    "tpu.region"() ({
      %run_scoped3A_324 = tpu.sem_alloc : memref<!tpu.dma_semaphore, #tpu.memory_space<semaphore_mem>>
      %dma_start3A_325 = arith.constant 0 : i32
      %dma_start3A_326 = tpu.memref_slice %arg19[%add3A_80, %dma_start3A_325] : memref<10240x16xf32, #tpu.memory_space<vmem_shared>> -> memref<64x16xf32, #tpu.memory_space<vmem_shared>>
      %dma_start3A_327 = arith.constant 0 : i32
      %dma_start3A_328 = tpu.memref_slice %arg19[%add3A_80, %dma_start3A_327] : memref<10240x16xf32, #tpu.memory_space<vmem_shared>> -> memref<64x16xf32, #tpu.memory_space<vmem_shared>>
      tpu.enqueue_dma source(%arg15 : memref<64x16xf32, #tpu.memory_space<vmem>>) target(%dma_start3A_328 : memref<64x16xf32, #tpu.memory_space<vmem_shared>>) target_semaphore(%run_scoped3A_324 : memref<!tpu.dma_semaphore, #tpu.memory_space<semaphore_mem>>)
      %dma_wait3A = arith.constant 0 : i32
      %dma_wait3A_329 = tpu.memref_slice %arg19[%add3A_80, %dma_wait3A] : memref<10240x16xf32, #tpu.memory_space<vmem_shared>> -> memref<64x16xf32, #tpu.memory_space<vmem_shared>>
      %dma_wait3A_330 = arith.constant 0 : i32
      %dma_wait3A_331 = tpu.memref_slice %arg19[%add3A_80, %dma_wait3A_330] : memref<10240x16xf32, #tpu.memory_space<vmem_shared>> -> memref<64x16xf32, #tpu.memory_space<vmem_shared>>
      tpu.wait_dma2 semaphore(%run_scoped3A_324 : memref<!tpu.dma_semaphore, #tpu.memory_space<semaphore_mem>>) src(%arg15 : memref<64x16xf32, #tpu.memory_space<vmem>>) dst(%dma_wait3A_331 : memref<64x16xf32, #tpu.memory_space<vmem_shared>>)
      tpu.yield
    }) : () -> ()
    %mul3A_81 = arith.constant 640 : i32
    %mul3A_82 = arith.muli %arg1, %mul3A_81 : i32
    %add3A_83 = arith.constant 448 : i32
    %add3A_84 = arith.addi %mul3A_82, %add3A_83 : i32
    "tpu.region"() ({
      %run_scoped3A_324 = tpu.sem_alloc : memref<!tpu.dma_semaphore, #tpu.memory_space<semaphore_mem>>
      %dma_start3A_325 = arith.constant 0 : i32
      %dma_start3A_326 = tpu.memref_slice %arg19[%add3A_84, %dma_start3A_325] : memref<10240x16xf32, #tpu.memory_space<vmem_shared>> -> memref<64x16xf32, #tpu.memory_space<vmem_shared>>
      %dma_start3A_327 = arith.constant 0 : i32
      %dma_start3A_328 = tpu.memref_slice %arg19[%add3A_84, %dma_start3A_327] : memref<10240x16xf32, #tpu.memory_space<vmem_shared>> -> memref<64x16xf32, #tpu.memory_space<vmem_shared>>
      tpu.enqueue_dma source(%arg15 : memref<64x16xf32, #tpu.memory_space<vmem>>) target(%dma_start3A_328 : memref<64x16xf32, #tpu.memory_space<vmem_shared>>) target_semaphore(%run_scoped3A_324 : memref<!tpu.dma_semaphore, #tpu.memory_space<semaphore_mem>>)
      %dma_wait3A = arith.constant 0 : i32
      %dma_wait3A_329 = tpu.memref_slice %arg19[%add3A_84, %dma_wait3A] : memref<10240x16xf32, #tpu.memory_space<vmem_shared>> -> memref<64x16xf32, #tpu.memory_space<vmem_shared>>
      %dma_wait3A_330 = arith.constant 0 : i32
      %dma_wait3A_331 = tpu.memref_slice %arg19[%add3A_84, %dma_wait3A_330] : memref<10240x16xf32, #tpu.memory_space<vmem_shared>> -> memref<64x16xf32, #tpu.memory_space<vmem_shared>>
      tpu.wait_dma2 semaphore(%run_scoped3A_324 : memref<!tpu.dma_semaphore, #tpu.memory_space<semaphore_mem>>) src(%arg15 : memref<64x16xf32, #tpu.memory_space<vmem>>) dst(%dma_wait3A_331 : memref<64x16xf32, #tpu.memory_space<vmem_shared>>)
      tpu.yield
    }) : () -> ()
    %mul3A_85 = arith.constant 640 : i32
    %mul3A_86 = arith.muli %arg1, %mul3A_85 : i32
    %add3A_87 = arith.constant 512 : i32
    %add3A_88 = arith.addi %mul3A_86, %add3A_87 : i32
    "tpu.region"() ({
      %run_scoped3A_324 = tpu.sem_alloc : memref<!tpu.dma_semaphore, #tpu.memory_space<semaphore_mem>>
      %dma_start3A_325 = arith.constant 0 : i32
      %dma_start3A_326 = tpu.memref_slice %arg19[%add3A_88, %dma_start3A_325] : memref<10240x16xf32, #tpu.memory_space<vmem_shared>> -> memref<64x16xf32, #tpu.memory_space<vmem_shared>>
      %dma_start3A_327 = arith.constant 0 : i32
      %dma_start3A_328 = tpu.memref_slice %arg19[%add3A_88, %dma_start3A_327] : memref<10240x16xf32, #tpu.memory_space<vmem_shared>> -> memref<64x16xf32, #tpu.memory_space<vmem_shared>>
      tpu.enqueue_dma source(%arg15 : memref<64x16xf32, #tpu.memory_space<vmem>>) target(%dma_start3A_328 : memref<64x16xf32, #tpu.memory_space<vmem_shared>>) target_semaphore(%run_scoped3A_324 : memref<!tpu.dma_semaphore, #tpu.memory_space<semaphore_mem>>)
      %dma_wait3A = arith.constant 0 : i32
      %dma_wait3A_329 = tpu.memref_slice %arg19[%add3A_88, %dma_wait3A] : memref<10240x16xf32, #tpu.memory_space<vmem_shared>> -> memref<64x16xf32, #tpu.memory_space<vmem_shared>>
      %dma_wait3A_330 = arith.constant 0 : i32
      %dma_wait3A_331 = tpu.memref_slice %arg19[%add3A_88, %dma_wait3A_330] : memref<10240x16xf32, #tpu.memory_space<vmem_shared>> -> memref<64x16xf32, #tpu.memory_space<vmem_shared>>
      tpu.wait_dma2 semaphore(%run_scoped3A_324 : memref<!tpu.dma_semaphore, #tpu.memory_space<semaphore_mem>>) src(%arg15 : memref<64x16xf32, #tpu.memory_space<vmem>>) dst(%dma_wait3A_331 : memref<64x16xf32, #tpu.memory_space<vmem_shared>>)
      tpu.yield
    }) : () -> ()
    %mul3A_89 = arith.constant 640 : i32
    %mul3A_90 = arith.muli %arg1, %mul3A_89 : i32
    %add3A_91 = arith.constant 576 : i32
    %add3A_92 = arith.addi %mul3A_90, %add3A_91 : i32
    "tpu.region"() ({
      %run_scoped3A_324 = tpu.sem_alloc : memref<!tpu.dma_semaphore, #tpu.memory_space<semaphore_mem>>
      %dma_start3A_325 = arith.constant 0 : i32
      %dma_start3A_326 = tpu.memref_slice %arg19[%add3A_92, %dma_start3A_325] : memref<10240x16xf32, #tpu.memory_space<vmem_shared>> -> memref<64x16xf32, #tpu.memory_space<vmem_shared>>
      %dma_start3A_327 = arith.constant 0 : i32
      %dma_start3A_328 = tpu.memref_slice %arg19[%add3A_92, %dma_start3A_327] : memref<10240x16xf32, #tpu.memory_space<vmem_shared>> -> memref<64x16xf32, #tpu.memory_space<vmem_shared>>
      tpu.enqueue_dma source(%arg15 : memref<64x16xf32, #tpu.memory_space<vmem>>) target(%dma_start3A_328 : memref<64x16xf32, #tpu.memory_space<vmem_shared>>) target_semaphore(%run_scoped3A_324 : memref<!tpu.dma_semaphore, #tpu.memory_space<semaphore_mem>>)
      %dma_wait3A = arith.constant 0 : i32
      %dma_wait3A_329 = tpu.memref_slice %arg19[%add3A_92, %dma_wait3A] : memref<10240x16xf32, #tpu.memory_space<vmem_shared>> -> memref<64x16xf32, #tpu.memory_space<vmem_shared>>
      %dma_wait3A_330 = arith.constant 0 : i32
      %dma_wait3A_331 = tpu.memref_slice %arg19[%add3A_92, %dma_wait3A_330] : memref<10240x16xf32, #tpu.memory_space<vmem_shared>> -> memref<64x16xf32, #tpu.memory_space<vmem_shared>>
      tpu.wait_dma2 semaphore(%run_scoped3A_324 : memref<!tpu.dma_semaphore, #tpu.memory_space<semaphore_mem>>) src(%arg15 : memref<64x16xf32, #tpu.memory_space<vmem>>) dst(%dma_wait3A_331 : memref<64x16xf32, #tpu.memory_space<vmem_shared>>)
      tpu.yield
    }) : () -> ()
    %barrier3A = arith.constant 0 : index
    tpu.barrier barrier_id(%barrier3A)
    %dma_start3A = arith.constant 0 : i32
    %dma_start3A_93 = arith.constant 0 : i32
    %dma_start3A_94 = arith.constant 0 : i32
    %dma_start3A_95 = tpu.memref_slice %arg8[%dma_start3A, %dma_start3A_93, %dma_start3A_94] : memref<84x1x128xi32, #tpu.memory_space<vmem>> -> memref<1x1x64xi32, #tpu.memory_space<vmem>>
    %dma_start3A_96 = tpu.memref_squeeze %dma_start3A_95 : memref<1x1x64xi32, #tpu.memory_space<vmem>> -> memref<64xi32, #tpu.memory_space<vmem>>
    %dma_start3A_97 = arith.constant 0 : i32
    %dma_start3A_98 = arith.constant 0 : i32
    %dma_start3A_99 = tpu.memref_slice %arg4[%dma_start3A_97, %dma_start3A_98] : memref<10240x128xf32, #tpu.memory_space<hbm>> -> memref<10240x128xf32, #tpu.memory_space<hbm>>
    tpu.enqueue_indirect_dma source(%dma_start3A_99 : memref<10240x128xf32, #tpu.memory_space<hbm>>) target(%arg9 : memref<64x128xf32, #tpu.memory_space<vmem>>) offsets(%dma_start3A_96 : memref<64xi32, #tpu.memory_space<vmem>>) semaphore(%arg20 : memref<!tpu.dma_semaphore, #tpu.memory_space<semaphore_mem>>)
    %dma_start3A_100 = arith.constant 0 : i32
    %dma_start3A_101 = arith.constant 0 : i32
    %dma_start3A_102 = arith.constant 0 : i32
    %dma_start3A_103 = tpu.memref_slice %arg8[%dma_start3A_100, %dma_start3A_101, %dma_start3A_102] : memref<84x1x128xi32, #tpu.memory_space<vmem>> -> memref<1x1x128xi32, #tpu.memory_space<vmem>>
    %dma_start3A_104 = tpu.memref_squeeze %dma_start3A_103 : memref<1x1x128xi32, #tpu.memory_space<vmem>> -> memref<128xi32, #tpu.memory_space<vmem>>
    %dma_start3A_105 = arith.constant 0 : i32
    %dma_start3A_106 = arith.constant 0 : i32
    %dma_start3A_107 = tpu.memref_slice %arg3[%dma_start3A_105, %dma_start3A_106] : memref<10240x16xf32, #tpu.memory_space<hbm>> -> memref<10240x16xf32, #tpu.memory_space<hbm>>
    tpu.enqueue_indirect_dma source(%dma_start3A_107 : memref<10240x16xf32, #tpu.memory_space<hbm>>) target(%arg11 : memref<128x16xf32, #tpu.memory_space<vmem>>) offsets(%dma_start3A_104 : memref<128xi32, #tpu.memory_space<vmem>>) semaphore(%arg20 : memref<!tpu.dma_semaphore, #tpu.memory_space<semaphore_mem>>)
    %scan3A_108 = arith.constant 0 : i32
    %scan3A_109 = arith.constant 0 : i32
    %scan3A_110 = arith.constant 42 : i32
    %scan3A_111 = arith.addi %scan3A_109, %scan3A_110 : i32
    %scan3A_112 = arith.constant 1 : i32
    scf.for %scan3A_324 = %scan3A_109 to %scan3A_111 step %scan3A_112  : i32 {
      %mul3A_325 = arith.constant 2 : i32
      %mul3A_326 = arith.muli %mul3A_325, %scan3A_324 : i32
      %add3A_327 = arith.constant 1 : i32
      %add3A_328 = arith.addi %mul3A_326, %add3A_327 : i32
      %dma_start3A_329 = arith.constant 0 : i32
      %dma_start3A_330 = arith.constant 0 : i32
      %dma_start3A_331 = tpu.memref_slice %arg8[%add3A_328, %dma_start3A_329, %dma_start3A_330] : memref<84x1x128xi32, #tpu.memory_space<vmem>> -> memref<1x1x64xi32, #tpu.memory_space<vmem>>
      %dma_start3A_332 = tpu.memref_squeeze %dma_start3A_331 : memref<1x1x64xi32, #tpu.memory_space<vmem>> -> memref<64xi32, #tpu.memory_space<vmem>>
      %dma_start3A_333 = arith.constant 0 : i32
      %dma_start3A_334 = arith.constant 0 : i32
      %dma_start3A_335 = tpu.memref_slice %arg4[%dma_start3A_333, %dma_start3A_334] : memref<10240x128xf32, #tpu.memory_space<hbm>> -> memref<10240x128xf32, #tpu.memory_space<hbm>>
      tpu.enqueue_indirect_dma source(%dma_start3A_335 : memref<10240x128xf32, #tpu.memory_space<hbm>>) target(%arg10 : memref<64x128xf32, #tpu.memory_space<vmem>>) offsets(%dma_start3A_332 : memref<64xi32, #tpu.memory_space<vmem>>) semaphore(%arg21 : memref<!tpu.dma_semaphore, #tpu.memory_space<semaphore_mem>>)
      %dma_start3A_336 = arith.constant 0 : i32
      %dma_start3A_337 = arith.constant 0 : i32
      %dma_start3A_338 = tpu.memref_slice %arg8[%add3A_328, %dma_start3A_336, %dma_start3A_337] : memref<84x1x128xi32, #tpu.memory_space<vmem>> -> memref<1x1x128xi32, #tpu.memory_space<vmem>>
      %dma_start3A_339 = tpu.memref_squeeze %dma_start3A_338 : memref<1x1x128xi32, #tpu.memory_space<vmem>> -> memref<128xi32, #tpu.memory_space<vmem>>
      %dma_start3A_340 = arith.constant 0 : i32
      %dma_start3A_341 = arith.constant 0 : i32
      %dma_start3A_342 = tpu.memref_slice %arg3[%dma_start3A_340, %dma_start3A_341] : memref<10240x16xf32, #tpu.memory_space<hbm>> -> memref<10240x16xf32, #tpu.memory_space<hbm>>
      tpu.enqueue_indirect_dma source(%dma_start3A_342 : memref<10240x16xf32, #tpu.memory_space<hbm>>) target(%arg12 : memref<128x16xf32, #tpu.memory_space<vmem>>) offsets(%dma_start3A_339 : memref<128xi32, #tpu.memory_space<vmem>>) semaphore(%arg21 : memref<!tpu.dma_semaphore, #tpu.memory_space<semaphore_mem>>)
      %dma_wait3A = arith.constant 0 : i32
      %dma_wait3A_343 = arith.constant 0 : i32
      %dma_wait3A_344 = tpu.memref_slice %arg8[%mul3A_326, %dma_wait3A, %dma_wait3A_343] : memref<84x1x128xi32, #tpu.memory_space<vmem>> -> memref<1x1x64xi32, #tpu.memory_space<vmem>>
      %dma_wait3A_345 = tpu.memref_squeeze %dma_wait3A_344 : memref<1x1x64xi32, #tpu.memory_space<vmem>> -> memref<64xi32, #tpu.memory_space<vmem>>
      %dma_wait3A_346 = arith.constant 0 : i32
      %dma_wait3A_347 = arith.constant 0 : i32
      %dma_wait3A_348 = tpu.memref_slice %arg4[%dma_wait3A_346, %dma_wait3A_347] : memref<10240x128xf32, #tpu.memory_space<hbm>> -> memref<10240x128xf32, #tpu.memory_space<hbm>>
      tpu.wait_indirect_dma semaphore(%arg20 : memref<!tpu.dma_semaphore, #tpu.memory_space<semaphore_mem>>) src(%dma_wait3A_348 : memref<10240x128xf32, #tpu.memory_space<hbm>>) dst(%arg9 : memref<64x128xf32, #tpu.memory_space<vmem>>)
      %dma_wait3A_349 = arith.constant 0 : i32
      %dma_wait3A_350 = arith.constant 0 : i32
      %dma_wait3A_351 = tpu.memref_slice %arg8[%mul3A_326, %dma_wait3A_349, %dma_wait3A_350] : memref<84x1x128xi32, #tpu.memory_space<vmem>> -> memref<1x1x128xi32, #tpu.memory_space<vmem>>
      %dma_wait3A_352 = tpu.memref_squeeze %dma_wait3A_351 : memref<1x1x128xi32, #tpu.memory_space<vmem>> -> memref<128xi32, #tpu.memory_space<vmem>>
      %dma_wait3A_353 = arith.constant 0 : i32
      %dma_wait3A_354 = arith.constant 0 : i32
      %dma_wait3A_355 = tpu.memref_slice %arg3[%dma_wait3A_353, %dma_wait3A_354] : memref<10240x16xf32, #tpu.memory_space<hbm>> -> memref<10240x16xf32, #tpu.memory_space<hbm>>
      tpu.wait_indirect_dma semaphore(%arg20 : memref<!tpu.dma_semaphore, #tpu.memory_space<semaphore_mem>>) src(%dma_wait3A_355 : memref<10240x16xf32, #tpu.memory_space<hbm>>) dst(%arg11 : memref<128x16xf32, #tpu.memory_space<vmem>>)
      %get3A = arith.constant 0 : i32
      %get3A_356 = arith.index_cast %mul3A_326 : i32 to index
      %get3A_357 = arith.index_cast %get3A : i32 to index
      %get3A_358 = arith.constant 64 : index
      %get3A_359 = tpu.vector_load %arg8[%get3A_356, %get3A_357, %get3A_358] {strides = array<i32>} : memref<84x1x128xi32, #tpu.memory_space<vmem>>, vector<16xi32>,
      %swap3A = arith.constant 0 : index
      %swap3A_360 = tpu.vector_load %arg13[%swap3A] {strides = array<i32>} : memref<64xi32, #tpu.memory_space<vmem>>, vector<16xi32>,
      tpu.vector_store %arg13[%swap3A], %get3A_359 {strides = array<i32>} : memref<64xi32, #tpu.memory_space<vmem>>, vector<16xi32>,
      %get3A_361 = arith.constant 0 : i32
      %get3A_362 = arith.index_cast %mul3A_326 : i32 to index
      %get3A_363 = arith.index_cast %get3A_361 : i32 to index
      %get3A_364 = arith.constant 80 : index
      %get3A_365 = tpu.vector_load %arg8[%get3A_362, %get3A_363, %get3A_364] {strides = array<i32>} : memref<84x1x128xi32, #tpu.memory_space<vmem>>, vector<16xi32>,
      %swap3A_366 = arith.constant 16 : index
      %swap3A_367 = tpu.vector_load %arg13[%swap3A_366] {strides = array<i32>} : memref<64xi32, #tpu.memory_space<vmem>>, vector<16xi32>,
      tpu.vector_store %arg13[%swap3A_366], %get3A_365 {strides = array<i32>} : memref<64xi32, #tpu.memory_space<vmem>>, vector<16xi32>,
      %get3A_368 = arith.constant 0 : i32
      %get3A_369 = arith.index_cast %mul3A_326 : i32 to index
      %get3A_370 = arith.index_cast %get3A_368 : i32 to index
      %get3A_371 = arith.constant 96 : index
      %get3A_372 = tpu.vector_load %arg8[%get3A_369, %get3A_370, %get3A_371] {strides = array<i32>} : memref<84x1x128xi32, #tpu.memory_space<vmem>>, vector<16xi32>,
      %swap3A_373 = arith.constant 32 : index
      %swap3A_374 = tpu.vector_load %arg13[%swap3A_373] {strides = array<i32>} : memref<64xi32, #tpu.memory_space<vmem>>, vector<16xi32>,
      tpu.vector_store %arg13[%swap3A_373], %get3A_372 {strides = array<i32>} : memref<64xi32, #tpu.memory_space<vmem>>, vector<16xi32>,
      %get3A_375 = arith.constant 0 : i32
      %get3A_376 = arith.index_cast %mul3A_326 : i32 to index
      %get3A_377 = arith.index_cast %get3A_375 : i32 to index
      %get3A_378 = arith.constant 112 : index
      %get3A_379 = tpu.vector_load %arg8[%get3A_376, %get3A_377, %get3A_378] {strides = array<i32>} : memref<84x1x128xi32, #tpu.memory_space<vmem>>, vector<16xi32>,
      %swap3A_380 = arith.constant 48 : index
      %swap3A_381 = tpu.vector_load %arg13[%swap3A_380] {strides = array<i32>} : memref<64xi32, #tpu.memory_space<vmem>>, vector<16xi32>,
      tpu.vector_store %arg13[%swap3A_380], %get3A_379 {strides = array<i32>} : memref<64xi32, #tpu.memory_space<vmem>>, vector<16xi32>,
      %add3A_382 = arith.constant 0 : i32
      %add3A_383 = vector.broadcast %add3A_382 : i32 to vector<16xi32>
      %add3A_384 = arith.addi %iota3A, %add3A_383 : vector<16xi32>
      %broadcast_in_dim3A_385 = arith.constant 0 : i32
      %broadcast_in_dim3A_386 = vector.broadcast %broadcast_in_dim3A_385 : i32 to vector<16xi32>
      %gather3A = tpu.vector_load_idx %arg11[%add3A_384, %broadcast_in_dim3A_386] : memref<128x16xf32, #tpu.memory_space<vmem>>[vector<16xi32>, vector<16xi32>], vector<16xf32>,
      %add3A_387 = arith.constant 64 : i32
      %add3A_388 = vector.broadcast %add3A_387 : i32 to vector<16xi32>
      %add3A_389 = arith.addi %add3A_384, %add3A_388 : vector<16xi32>
      %add3A_390 = arith.constant 4 : i32
      %add3A_391 = vector.broadcast %add3A_390 : i32 to vector<16xi32>
      %add3A_392 = arith.addi %broadcast_in_dim3A_386, %add3A_391 : vector<16xi32>
      %gather3A_393 = tpu.vector_load_idx %arg11[%add3A_389, %add3A_392] : memref<128x16xf32, #tpu.memory_space<vmem>>[vector<16xi32>, vector<16xi32>], vector<16xf32>,
      %add3A_394 = arith.addf %gather3A_393, %gather3A : vector<16xf32>
      %ge3A = arith.constant 0.000000e+00 : f32
      %ge3A_395 = vector.broadcast %ge3A : f32 to vector<16xf32>
      %ge3A_396 = arith.cmpf oge, %add3A_394, %ge3A_395 : vector<16xf32>
      %mul3A_397 = arith.constant 2.000000e-01 : f32
      %mul3A_398 = vector.broadcast %mul3A_397 : f32 to vector<16xf32>
      %mul3A_399 = arith.mulf %mul3A_398, %add3A_394 : vector<16xf32>
      %select_n3A = arith.select %ge3A_396, %add3A_394, %mul3A_399 : vector<16xi1>, vector<16xf32>
      %exp3A = math.exp %select_n3A : vector<16xf32>
      tpu.vector_store_idx %arg15[%add3A_384, %broadcast_in_dim3A_386], %exp3A : memref<64x16xf32, #tpu.memory_space<vmem>>[vector<16xi32>, vector<16xi32>], vector<16xf32>,
      %add3A_400 = arith.constant 0 : i32
      %add3A_401 = vector.broadcast %add3A_400 : i32 to vector<16xi32>
      %add3A_402 = arith.addi %add3A_384, %add3A_401 : vector<16xi32>
      tpu.vector_store_idx %arg17[%add3A_402], %exp3A : memref<128xf32, #tpu.memory_space<vmem>>[vector<16xi32>], vector<16xf32>,
      %broadcast_in_dim3A_403 = arith.constant 1 : i32
      %broadcast_in_dim3A_404 = vector.broadcast %broadcast_in_dim3A_403 : i32 to vector<16xi32>
      %gather3A_405 = tpu.vector_load_idx %arg11[%add3A_384, %broadcast_in_dim3A_404] : memref<128x16xf32, #tpu.memory_space<vmem>>[vector<16xi32>, vector<16xi32>], vector<16xf32>,
      %add3A_406 = arith.constant 64 : i32
      %add3A_407 = vector.broadcast %add3A_406 : i32 to vector<16xi32>
      %add3A_408 = arith.addi %add3A_384, %add3A_407 : vector<16xi32>
      %add3A_409 = arith.constant 4 : i32
      %add3A_410 = vector.broadcast %add3A_409 : i32 to vector<16xi32>
      %add3A_411 = arith.addi %broadcast_in_dim3A_404, %add3A_410 : vector<16xi32>
      %gather3A_412 = tpu.vector_load_idx %arg11[%add3A_408, %add3A_411] : memref<128x16xf32, #tpu.memory_space<vmem>>[vector<16xi32>, vector<16xi32>], vector<16xf32>,
      %add3A_413 = arith.addf %gather3A_412, %gather3A_405 : vector<16xf32>
      %ge3A_414 = arith.constant 0.000000e+00 : f32
      %ge3A_415 = vector.broadcast %ge3A_414 : f32 to vector<16xf32>
      %ge3A_416 = arith.cmpf oge, %add3A_413, %ge3A_415 : vector<16xf32>
      %mul3A_417 = arith.constant 2.000000e-01 : f32
      %mul3A_418 = vector.broadcast %mul3A_417 : f32 to vector<16xf32>
      %mul3A_419 = arith.mulf %mul3A_418, %add3A_413 : vector<16xf32>
      %select_n3A_420 = arith.select %ge3A_416, %add3A_413, %mul3A_419 : vector<16xi1>, vector<16xf32>
      %exp3A_421 = math.exp %select_n3A_420 : vector<16xf32>
      tpu.vector_store_idx %arg15[%add3A_384, %broadcast_in_dim3A_404], %exp3A_421 : memref<64x16xf32, #tpu.memory_space<vmem>>[vector<16xi32>, vector<16xi32>], vector<16xf32>,
      %add3A_422 = arith.constant 64 : i32
      %add3A_423 = vector.broadcast %add3A_422 : i32 to vector<16xi32>
      %add3A_424 = arith.addi %add3A_384, %add3A_423 : vector<16xi32>
      tpu.vector_store_idx %arg17[%add3A_424], %exp3A_421 : memref<128xf32, #tpu.memory_space<vmem>>[vector<16xi32>], vector<16xf32>,
      %broadcast_in_dim3A_425 = arith.constant 2 : i32
      %broadcast_in_dim3A_426 = vector.broadcast %broadcast_in_dim3A_425 : i32 to vector<16xi32>
      %gather3A_427 = tpu.vector_load_idx %arg11[%add3A_384, %broadcast_in_dim3A_426] : memref<128x16xf32, #tpu.memory_space<vmem>>[vector<16xi32>, vector<16xi32>], vector<16xf32>,
      %add3A_428 = arith.constant 64 : i32
      %add3A_429 = vector.broadcast %add3A_428 : i32 to vector<16xi32>
      %add3A_430 = arith.addi %add3A_384, %add3A_429 : vector<16xi32>
      %add3A_431 = arith.constant 4 : i32
      %add3A_432 = vector.broadcast %add3A_431 : i32 to vector<16xi32>
      %add3A_433 = arith.addi %broadcast_in_dim3A_426, %add3A_432 : vector<16xi32>
      %gather3A_434 = tpu.vector_load_idx %arg11[%add3A_430, %add3A_433] : memref<128x16xf32, #tpu.memory_space<vmem>>[vector<16xi32>, vector<16xi32>], vector<16xf32>,
      %add3A_435 = arith.addf %gather3A_434, %gather3A_427 : vector<16xf32>
      %ge3A_436 = arith.constant 0.000000e+00 : f32
      %ge3A_437 = vector.broadcast %ge3A_436 : f32 to vector<16xf32>
      %ge3A_438 = arith.cmpf oge, %add3A_435, %ge3A_437 : vector<16xf32>
      %mul3A_439 = arith.constant 2.000000e-01 : f32
      %mul3A_440 = vector.broadcast %mul3A_439 : f32 to vector<16xf32>
      %mul3A_441 = arith.mulf %mul3A_440, %add3A_435 : vector<16xf32>
      %select_n3A_442 = arith.select %ge3A_438, %add3A_435, %mul3A_441 : vector<16xi1>, vector<16xf32>
      %exp3A_443 = math.exp %select_n3A_442 : vector<16xf32>
      tpu.vector_store_idx %arg15[%add3A_384, %broadcast_in_dim3A_426], %exp3A_443 : memref<64x16xf32, #tpu.memory_space<vmem>>[vector<16xi32>, vector<16xi32>], vector<16xf32>,
      %broadcast_in_dim3A_444 = arith.constant 3 : i32
      %broadcast_in_dim3A_445 = vector.broadcast %broadcast_in_dim3A_444 : i32 to vector<16xi32>
      %gather3A_446 = tpu.vector_load_idx %arg11[%add3A_384, %broadcast_in_dim3A_445] : memref<128x16xf32, #tpu.memory_space<vmem>>[vector<16xi32>, vector<16xi32>], vector<16xf32>,
      %add3A_447 = arith.constant 64 : i32
      %add3A_448 = vector.broadcast %add3A_447 : i32 to vector<16xi32>
      %add3A_449 = arith.addi %add3A_384, %add3A_448 : vector<16xi32>
      %add3A_450 = arith.constant 4 : i32
      %add3A_451 = vector.broadcast %add3A_450 : i32 to vector<16xi32>
      %add3A_452 = arith.addi %broadcast_in_dim3A_445, %add3A_451 : vector<16xi32>
      %gather3A_453 = tpu.vector_load_idx %arg11[%add3A_449, %add3A_452] : memref<128x16xf32, #tpu.memory_space<vmem>>[vector<16xi32>, vector<16xi32>], vector<16xf32>,
      %add3A_454 = arith.addf %gather3A_453, %gather3A_446 : vector<16xf32>
      %ge3A_455 = arith.constant 0.000000e+00 : f32
      %ge3A_456 = vector.broadcast %ge3A_455 : f32 to vector<16xf32>
      %ge3A_457 = arith.cmpf oge, %add3A_454, %ge3A_456 : vector<16xf32>
      %mul3A_458 = arith.constant 2.000000e-01 : f32
      %mul3A_459 = vector.broadcast %mul3A_458 : f32 to vector<16xf32>
      %mul3A_460 = arith.mulf %mul3A_459, %add3A_454 : vector<16xf32>
      %select_n3A_461 = arith.select %ge3A_457, %add3A_454, %mul3A_460 : vector<16xi1>, vector<16xf32>
      %exp3A_462 = math.exp %select_n3A_461 : vector<16xf32>
      tpu.vector_store_idx %arg15[%add3A_384, %broadcast_in_dim3A_445], %exp3A_462 : memref<64x16xf32, #tpu.memory_space<vmem>>[vector<16xi32>, vector<16xi32>], vector<16xf32>,
      %add3A_463 = arith.constant 16 : i32
      %add3A_464 = vector.broadcast %add3A_463 : i32 to vector<16xi32>
      %add3A_465 = arith.addi %iota3A, %add3A_464 : vector<16xi32>
      %broadcast_in_dim3A_466 = arith.constant 0 : i32
      %broadcast_in_dim3A_467 = vector.broadcast %broadcast_in_dim3A_466 : i32 to vector<16xi32>
      %gather3A_468 = tpu.vector_load_idx %arg11[%add3A_465, %broadcast_in_dim3A_467] : memref<128x16xf32, #tpu.memory_space<vmem>>[vector<16xi32>, vector<16xi32>], vector<16xf32>,
      %add3A_469 = arith.constant 64 : i32
      %add3A_470 = vector.broadcast %add3A_469 : i32 to vector<16xi32>
      %add3A_471 = arith.addi %add3A_465, %add3A_470 : vector<16xi32>
      %add3A_472 = arith.constant 4 : i32
      %add3A_473 = vector.broadcast %add3A_472 : i32 to vector<16xi32>
      %add3A_474 = arith.addi %broadcast_in_dim3A_467, %add3A_473 : vector<16xi32>
      %gather3A_475 = tpu.vector_load_idx %arg11[%add3A_471, %add3A_474] : memref<128x16xf32, #tpu.memory_space<vmem>>[vector<16xi32>, vector<16xi32>], vector<16xf32>,
      %add3A_476 = arith.addf %gather3A_475, %gather3A_468 : vector<16xf32>
      %ge3A_477 = arith.constant 0.000000e+00 : f32
      %ge3A_478 = vector.broadcast %ge3A_477 : f32 to vector<16xf32>
      %ge3A_479 = arith.cmpf oge, %add3A_476, %ge3A_478 : vector<16xf32>
      %mul3A_480 = arith.constant 2.000000e-01 : f32
      %mul3A_481 = vector.broadcast %mul3A_480 : f32 to vector<16xf32>
      %mul3A_482 = arith.mulf %mul3A_481, %add3A_476 : vector<16xf32>
      %select_n3A_483 = arith.select %ge3A_479, %add3A_476, %mul3A_482 : vector<16xi1>, vector<16xf32>
      %exp3A_484 = math.exp %select_n3A_483 : vector<16xf32>
      tpu.vector_store_idx %arg15[%add3A_465, %broadcast_in_dim3A_467], %exp3A_484 : memref<64x16xf32, #tpu.memory_space<vmem>>[vector<16xi32>, vector<16xi32>], vector<16xf32>,
      %add3A_485 = arith.constant 0 : i32
      %add3A_486 = vector.broadcast %add3A_485 : i32 to vector<16xi32>
      %add3A_487 = arith.addi %add3A_465, %add3A_486 : vector<16xi32>
      tpu.vector_store_idx %arg17[%add3A_487], %exp3A_484 : memref<128xf32, #tpu.memory_space<vmem>>[vector<16xi32>], vector<16xf32>,
      %broadcast_in_dim3A_488 = arith.constant 1 : i32
      %broadcast_in_dim3A_489 = vector.broadcast %broadcast_in_dim3A_488 : i32 to vector<16xi32>
      %gather3A_490 = tpu.vector_load_idx %arg11[%add3A_465, %broadcast_in_dim3A_489] : memref<128x16xf32, #tpu.memory_space<vmem>>[vector<16xi32>, vector<16xi32>], vector<16xf32>,
      %add3A_491 = arith.constant 64 : i32
      %add3A_492 = vector.broadcast %add3A_491 : i32 to vector<16xi32>
      %add3A_493 = arith.addi %add3A_465, %add3A_492 : vector<16xi32>
      %add3A_494 = arith.constant 4 : i32
      %add3A_495 = vector.broadcast %add3A_494 : i32 to vector<16xi32>
      %add3A_496 = arith.addi %broadcast_in_dim3A_489, %add3A_495 : vector<16xi32>
      %gather3A_497 = tpu.vector_load_idx %arg11[%add3A_493, %add3A_496] : memref<128x16xf32, #tpu.memory_space<vmem>>[vector<16xi32>, vector<16xi32>], vector<16xf32>,
      %add3A_498 = arith.addf %gather3A_497, %gather3A_490 : vector<16xf32>
      %ge3A_499 = arith.constant 0.000000e+00 : f32
      %ge3A_500 = vector.broadcast %ge3A_499 : f32 to vector<16xf32>
      %ge3A_501 = arith.cmpf oge, %add3A_498, %ge3A_500 : vector<16xf32>
      %mul3A_502 = arith.constant 2.000000e-01 : f32
      %mul3A_503 = vector.broadcast %mul3A_502 : f32 to vector<16xf32>
      %mul3A_504 = arith.mulf %mul3A_503, %add3A_498 : vector<16xf32>
      %select_n3A_505 = arith.select %ge3A_501, %add3A_498, %mul3A_504 : vector<16xi1>, vector<16xf32>
      %exp3A_506 = math.exp %select_n3A_505 : vector<16xf32>
      tpu.vector_store_idx %arg15[%add3A_465, %broadcast_in_dim3A_489], %exp3A_506 : memref<64x16xf32, #tpu.memory_space<vmem>>[vector<16xi32>, vector<16xi32>], vector<16xf32>,
      %add3A_507 = arith.constant 64 : i32
      %add3A_508 = vector.broadcast %add3A_507 : i32 to vector<16xi32>
      %add3A_509 = arith.addi %add3A_465, %add3A_508 : vector<16xi32>
      tpu.vector_store_idx %arg17[%add3A_509], %exp3A_506 : memref<128xf32, #tpu.memory_space<vmem>>[vector<16xi32>], vector<16xf32>,
      %broadcast_in_dim3A_510 = arith.constant 2 : i32
      %broadcast_in_dim3A_511 = vector.broadcast %broadcast_in_dim3A_510 : i32 to vector<16xi32>
      %gather3A_512 = tpu.vector_load_idx %arg11[%add3A_465, %broadcast_in_dim3A_511] : memref<128x16xf32, #tpu.memory_space<vmem>>[vector<16xi32>, vector<16xi32>], vector<16xf32>,
      %add3A_513 = arith.constant 64 : i32
      %add3A_514 = vector.broadcast %add3A_513 : i32 to vector<16xi32>
      %add3A_515 = arith.addi %add3A_465, %add3A_514 : vector<16xi32>
      %add3A_516 = arith.constant 4 : i32
      %add3A_517 = vector.broadcast %add3A_516 : i32 to vector<16xi32>
      %add3A_518 = arith.addi %broadcast_in_dim3A_511, %add3A_517 : vector<16xi32>
      %gather3A_519 = tpu.vector_load_idx %arg11[%add3A_515, %add3A_518] : memref<128x16xf32, #tpu.memory_space<vmem>>[vector<16xi32>, vector<16xi32>], vector<16xf32>,
      %add3A_520 = arith.addf %gather3A_519, %gather3A_512 : vector<16xf32>
      %ge3A_521 = arith.constant 0.000000e+00 : f32
      %ge3A_522 = vector.broadcast %ge3A_521 : f32 to vector<16xf32>
      %ge3A_523 = arith.cmpf oge, %add3A_520, %ge3A_522 : vector<16xf32>
      %mul3A_524 = arith.constant 2.000000e-01 : f32
      %mul3A_525 = vector.broadcast %mul3A_524 : f32 to vector<16xf32>
      %mul3A_526 = arith.mulf %mul3A_525, %add3A_520 : vector<16xf32>
      %select_n3A_527 = arith.select %ge3A_523, %add3A_520, %mul3A_526 : vector<16xi1>, vector<16xf32>
      %exp3A_528 = math.exp %select_n3A_527 : vector<16xf32>
      tpu.vector_store_idx %arg15[%add3A_465, %broadcast_in_dim3A_511], %exp3A_528 : memref<64x16xf32, #tpu.memory_space<vmem>>[vector<16xi32>, vector<16xi32>], vector<16xf32>,
      %broadcast_in_dim3A_529 = arith.constant 3 : i32
      %broadcast_in_dim3A_530 = vector.broadcast %broadcast_in_dim3A_529 : i32 to vector<16xi32>
      %gather3A_531 = tpu.vector_load_idx %arg11[%add3A_465, %broadcast_in_dim3A_530] : memref<128x16xf32, #tpu.memory_space<vmem>>[vector<16xi32>, vector<16xi32>], vector<16xf32>,
      %add3A_532 = arith.constant 64 : i32
      %add3A_533 = vector.broadcast %add3A_532 : i32 to vector<16xi32>
      %add3A_534 = arith.addi %add3A_465, %add3A_533 : vector<16xi32>
      %add3A_535 = arith.constant 4 : i32
      %add3A_536 = vector.broadcast %add3A_535 : i32 to vector<16xi32>
      %add3A_537 = arith.addi %broadcast_in_dim3A_530, %add3A_536 : vector<16xi32>
      %gather3A_538 = tpu.vector_load_idx %arg11[%add3A_534, %add3A_537] : memref<128x16xf32, #tpu.memory_space<vmem>>[vector<16xi32>, vector<16xi32>], vector<16xf32>,
      %add3A_539 = arith.addf %gather3A_538, %gather3A_531 : vector<16xf32>
      %ge3A_540 = arith.constant 0.000000e+00 : f32
      %ge3A_541 = vector.broadcast %ge3A_540 : f32 to vector<16xf32>
      %ge3A_542 = arith.cmpf oge, %add3A_539, %ge3A_541 : vector<16xf32>
      %mul3A_543 = arith.constant 2.000000e-01 : f32
      %mul3A_544 = vector.broadcast %mul3A_543 : f32 to vector<16xf32>
      %mul3A_545 = arith.mulf %mul3A_544, %add3A_539 : vector<16xf32>
      %select_n3A_546 = arith.select %ge3A_542, %add3A_539, %mul3A_545 : vector<16xi1>, vector<16xf32>
      %exp3A_547 = math.exp %select_n3A_546 : vector<16xf32>
      tpu.vector_store_idx %arg15[%add3A_465, %broadcast_in_dim3A_530], %exp3A_547 : memref<64x16xf32, #tpu.memory_space<vmem>>[vector<16xi32>, vector<16xi32>], vector<16xf32>,
      %add3A_548 = arith.constant 32 : i32
      %add3A_549 = vector.broadcast %add3A_548 : i32 to vector<16xi32>
      %add3A_550 = arith.addi %iota3A, %add3A_549 : vector<16xi32>
      %broadcast_in_dim3A_551 = arith.constant 0 : i32
      %broadcast_in_dim3A_552 = vector.broadcast %broadcast_in_dim3A_551 : i32 to vector<16xi32>
      %gather3A_553 = tpu.vector_load_idx %arg11[%add3A_550, %broadcast_in_dim3A_552] : memref<128x16xf32, #tpu.memory_space<vmem>>[vector<16xi32>, vector<16xi32>], vector<16xf32>,
      %add3A_554 = arith.constant 64 : i32
      %add3A_555 = vector.broadcast %add3A_554 : i32 to vector<16xi32>
      %add3A_556 = arith.addi %add3A_550, %add3A_555 : vector<16xi32>
      %add3A_557 = arith.constant 4 : i32
      %add3A_558 = vector.broadcast %add3A_557 : i32 to vector<16xi32>
      %add3A_559 = arith.addi %broadcast_in_dim3A_552, %add3A_558 : vector<16xi32>
      %gather3A_560 = tpu.vector_load_idx %arg11[%add3A_556, %add3A_559] : memref<128x16xf32, #tpu.memory_space<vmem>>[vector<16xi32>, vector<16xi32>], vector<16xf32>,
      %add3A_561 = arith.addf %gather3A_560, %gather3A_553 : vector<16xf32>
      %ge3A_562 = arith.constant 0.000000e+00 : f32
      %ge3A_563 = vector.broadcast %ge3A_562 : f32 to vector<16xf32>
      %ge3A_564 = arith.cmpf oge, %add3A_561, %ge3A_563 : vector<16xf32>
      %mul3A_565 = arith.constant 2.000000e-01 : f32
      %mul3A_566 = vector.broadcast %mul3A_565 : f32 to vector<16xf32>
      %mul3A_567 = arith.mulf %mul3A_566, %add3A_561 : vector<16xf32>
      %select_n3A_568 = arith.select %ge3A_564, %add3A_561, %mul3A_567 : vector<16xi1>, vector<16xf32>
      %exp3A_569 = math.exp %select_n3A_568 : vector<16xf32>
      tpu.vector_store_idx %arg15[%add3A_550, %broadcast_in_dim3A_552], %exp3A_569 : memref<64x16xf32, #tpu.memory_space<vmem>>[vector<16xi32>, vector<16xi32>], vector<16xf32>,
      %add3A_570 = arith.constant 0 : i32
      %add3A_571 = vector.broadcast %add3A_570 : i32 to vector<16xi32>
      %add3A_572 = arith.addi %add3A_550, %add3A_571 : vector<16xi32>
      tpu.vector_store_idx %arg17[%add3A_572], %exp3A_569 : memref<128xf32, #tpu.memory_space<vmem>>[vector<16xi32>], vector<16xf32>,
      %broadcast_in_dim3A_573 = arith.constant 1 : i32
      %broadcast_in_dim3A_574 = vector.broadcast %broadcast_in_dim3A_573 : i32 to vector<16xi32>
      %gather3A_575 = tpu.vector_load_idx %arg11[%add3A_550, %broadcast_in_dim3A_574] : memref<128x16xf32, #tpu.memory_space<vmem>>[vector<16xi32>, vector<16xi32>], vector<16xf32>,
      %add3A_576 = arith.constant 64 : i32
      %add3A_577 = vector.broadcast %add3A_576 : i32 to vector<16xi32>
      %add3A_578 = arith.addi %add3A_550, %add3A_577 : vector<16xi32>
      %add3A_579 = arith.constant 4 : i32
      %add3A_580 = vector.broadcast %add3A_579 : i32 to vector<16xi32>
      %add3A_581 = arith.addi %broadcast_in_dim3A_574, %add3A_580 : vector<16xi32>
      %gather3A_582 = tpu.vector_load_idx %arg11[%add3A_578, %add3A_581] : memref<128x16xf32, #tpu.memory_space<vmem>>[vector<16xi32>, vector<16xi32>], vector<16xf32>,
      %add3A_583 = arith.addf %gather3A_582, %gather3A_575 : vector<16xf32>
      %ge3A_584 = arith.constant 0.000000e+00 : f32
      %ge3A_585 = vector.broadcast %ge3A_584 : f32 to vector<16xf32>
      %ge3A_586 = arith.cmpf oge, %add3A_583, %ge3A_585 : vector<16xf32>
      %mul3A_587 = arith.constant 2.000000e-01 : f32
      %mul3A_588 = vector.broadcast %mul3A_587 : f32 to vector<16xf32>
      %mul3A_589 = arith.mulf %mul3A_588, %add3A_583 : vector<16xf32>
      %select_n3A_590 = arith.select %ge3A_586, %add3A_583, %mul3A_589 : vector<16xi1>, vector<16xf32>
      %exp3A_591 = math.exp %select_n3A_590 : vector<16xf32>
      tpu.vector_store_idx %arg15[%add3A_550, %broadcast_in_dim3A_574], %exp3A_591 : memref<64x16xf32, #tpu.memory_space<vmem>>[vector<16xi32>, vector<16xi32>], vector<16xf32>,
      %add3A_592 = arith.constant 64 : i32
      %add3A_593 = vector.broadcast %add3A_592 : i32 to vector<16xi32>
      %add3A_594 = arith.addi %add3A_550, %add3A_593 : vector<16xi32>
      tpu.vector_store_idx %arg17[%add3A_594], %exp3A_591 : memref<128xf32, #tpu.memory_space<vmem>>[vector<16xi32>], vector<16xf32>,
      %broadcast_in_dim3A_595 = arith.constant 2 : i32
      %broadcast_in_dim3A_596 = vector.broadcast %broadcast_in_dim3A_595 : i32 to vector<16xi32>
      %gather3A_597 = tpu.vector_load_idx %arg11[%add3A_550, %broadcast_in_dim3A_596] : memref<128x16xf32, #tpu.memory_space<vmem>>[vector<16xi32>, vector<16xi32>], vector<16xf32>,
      %add3A_598 = arith.constant 64 : i32
      %add3A_599 = vector.broadcast %add3A_598 : i32 to vector<16xi32>
      %add3A_600 = arith.addi %add3A_550, %add3A_599 : vector<16xi32>
      %add3A_601 = arith.constant 4 : i32
      %add3A_602 = vector.broadcast %add3A_601 : i32 to vector<16xi32>
      %add3A_603 = arith.addi %broadcast_in_dim3A_596, %add3A_602 : vector<16xi32>
      %gather3A_604 = tpu.vector_load_idx %arg11[%add3A_600, %add3A_603] : memref<128x16xf32, #tpu.memory_space<vmem>>[vector<16xi32>, vector<16xi32>], vector<16xf32>,
      %add3A_605 = arith.addf %gather3A_604, %gather3A_597 : vector<16xf32>
      %ge3A_606 = arith.constant 0.000000e+00 : f32
      %ge3A_607 = vector.broadcast %ge3A_606 : f32 to vector<16xf32>
      %ge3A_608 = arith.cmpf oge, %add3A_605, %ge3A_607 : vector<16xf32>
      %mul3A_609 = arith.constant 2.000000e-01 : f32
      %mul3A_610 = vector.broadcast %mul3A_609 : f32 to vector<16xf32>
      %mul3A_611 = arith.mulf %mul3A_610, %add3A_605 : vector<16xf32>
      %select_n3A_612 = arith.select %ge3A_608, %add3A_605, %mul3A_611 : vector<16xi1>, vector<16xf32>
      %exp3A_613 = math.exp %select_n3A_612 : vector<16xf32>
      tpu.vector_store_idx %arg15[%add3A_550, %broadcast_in_dim3A_596], %exp3A_613 : memref<64x16xf32, #tpu.memory_space<vmem>>[vector<16xi32>, vector<16xi32>], vector<16xf32>,
      %broadcast_in_dim3A_614 = arith.constant 3 : i32
      %broadcast_in_dim3A_615 = vector.broadcast %broadcast_in_dim3A_614 : i32 to vector<16xi32>
      %gather3A_616 = tpu.vector_load_idx %arg11[%add3A_550, %broadcast_in_dim3A_615] : memref<128x16xf32, #tpu.memory_space<vmem>>[vector<16xi32>, vector<16xi32>], vector<16xf32>,
      %add3A_617 = arith.constant 64 : i32
      %add3A_618 = vector.broadcast %add3A_617 : i32 to vector<16xi32>
      %add3A_619 = arith.addi %add3A_550, %add3A_618 : vector<16xi32>
      %add3A_620 = arith.constant 4 : i32
      %add3A_621 = vector.broadcast %add3A_620 : i32 to vector<16xi32>
      %add3A_622 = arith.addi %broadcast_in_dim3A_615, %add3A_621 : vector<16xi32>
      %gather3A_623 = tpu.vector_load_idx %arg11[%add3A_619, %add3A_622] : memref<128x16xf32, #tpu.memory_space<vmem>>[vector<16xi32>, vector<16xi32>], vector<16xf32>,
      %add3A_624 = arith.addf %gather3A_623, %gather3A_616 : vector<16xf32>
      %ge3A_625 = arith.constant 0.000000e+00 : f32
      %ge3A_626 = vector.broadcast %ge3A_625 : f32 to vector<16xf32>
      %ge3A_627 = arith.cmpf oge, %add3A_624, %ge3A_626 : vector<16xf32>
      %mul3A_628 = arith.constant 2.000000e-01 : f32
      %mul3A_629 = vector.broadcast %mul3A_628 : f32 to vector<16xf32>
      %mul3A_630 = arith.mulf %mul3A_629, %add3A_624 : vector<16xf32>
      %select_n3A_631 = arith.select %ge3A_627, %add3A_624, %mul3A_630 : vector<16xi1>, vector<16xf32>
      %exp3A_632 = math.exp %select_n3A_631 : vector<16xf32>
      tpu.vector_store_idx %arg15[%add3A_550, %broadcast_in_dim3A_615], %exp3A_632 : memref<64x16xf32, #tpu.memory_space<vmem>>[vector<16xi32>, vector<16xi32>], vector<16xf32>,
      %add3A_633 = arith.constant 48 : i32
      %add3A_634 = vector.broadcast %add3A_633 : i32 to vector<16xi32>
      %add3A_635 = arith.addi %iota3A, %add3A_634 : vector<16xi32>
      %broadcast_in_dim3A_636 = arith.constant 0 : i32
      %broadcast_in_dim3A_637 = vector.broadcast %broadcast_in_dim3A_636 : i32 to vector<16xi32>
      %gather3A_638 = tpu.vector_load_idx %arg11[%add3A_635, %broadcast_in_dim3A_637] : memref<128x16xf32, #tpu.memory_space<vmem>>[vector<16xi32>, vector<16xi32>], vector<16xf32>,
      %add3A_639 = arith.constant 64 : i32
      %add3A_640 = vector.broadcast %add3A_639 : i32 to vector<16xi32>
      %add3A_641 = arith.addi %add3A_635, %add3A_640 : vector<16xi32>
      %add3A_642 = arith.constant 4 : i32
      %add3A_643 = vector.broadcast %add3A_642 : i32 to vector<16xi32>
      %add3A_644 = arith.addi %broadcast_in_dim3A_637, %add3A_643 : vector<16xi32>
      %gather3A_645 = tpu.vector_load_idx %arg11[%add3A_641, %add3A_644] : memref<128x16xf32, #tpu.memory_space<vmem>>[vector<16xi32>, vector<16xi32>], vector<16xf32>,
      %add3A_646 = arith.addf %gather3A_645, %gather3A_638 : vector<16xf32>
      %ge3A_647 = arith.constant 0.000000e+00 : f32
      %ge3A_648 = vector.broadcast %ge3A_647 : f32 to vector<16xf32>
      %ge3A_649 = arith.cmpf oge, %add3A_646, %ge3A_648 : vector<16xf32>
      %mul3A_650 = arith.constant 2.000000e-01 : f32
      %mul3A_651 = vector.broadcast %mul3A_650 : f32 to vector<16xf32>
      %mul3A_652 = arith.mulf %mul3A_651, %add3A_646 : vector<16xf32>
      %select_n3A_653 = arith.select %ge3A_649, %add3A_646, %mul3A_652 : vector<16xi1>, vector<16xf32>
      %exp3A_654 = math.exp %select_n3A_653 : vector<16xf32>
      tpu.vector_store_idx %arg15[%add3A_635, %broadcast_in_dim3A_637], %exp3A_654 : memref<64x16xf32, #tpu.memory_space<vmem>>[vector<16xi32>, vector<16xi32>], vector<16xf32>,
      %add3A_655 = arith.constant 0 : i32
      %add3A_656 = vector.broadcast %add3A_655 : i32 to vector<16xi32>
      %add3A_657 = arith.addi %add3A_635, %add3A_656 : vector<16xi32>
      tpu.vector_store_idx %arg17[%add3A_657], %exp3A_654 : memref<128xf32, #tpu.memory_space<vmem>>[vector<16xi32>], vector<16xf32>,
      %broadcast_in_dim3A_658 = arith.constant 1 : i32
      %broadcast_in_dim3A_659 = vector.broadcast %broadcast_in_dim3A_658 : i32 to vector<16xi32>
      %gather3A_660 = tpu.vector_load_idx %arg11[%add3A_635, %broadcast_in_dim3A_659] : memref<128x16xf32, #tpu.memory_space<vmem>>[vector<16xi32>, vector<16xi32>], vector<16xf32>,
      %add3A_661 = arith.constant 64 : i32
      %add3A_662 = vector.broadcast %add3A_661 : i32 to vector<16xi32>
      %add3A_663 = arith.addi %add3A_635, %add3A_662 : vector<16xi32>
      %add3A_664 = arith.constant 4 : i32
      %add3A_665 = vector.broadcast %add3A_664 : i32 to vector<16xi32>
      %add3A_666 = arith.addi %broadcast_in_dim3A_659, %add3A_665 : vector<16xi32>
      %gather3A_667 = tpu.vector_load_idx %arg11[%add3A_663, %add3A_666] : memref<128x16xf32, #tpu.memory_space<vmem>>[vector<16xi32>, vector<16xi32>], vector<16xf32>,
      %add3A_668 = arith.addf %gather3A_667, %gather3A_660 : vector<16xf32>
      %ge3A_669 = arith.constant 0.000000e+00 : f32
      %ge3A_670 = vector.broadcast %ge3A_669 : f32 to vector<16xf32>
      %ge3A_671 = arith.cmpf oge, %add3A_668, %ge3A_670 : vector<16xf32>
      %mul3A_672 = arith.constant 2.000000e-01 : f32
      %mul3A_673 = vector.broadcast %mul3A_672 : f32 to vector<16xf32>
      %mul3A_674 = arith.mulf %mul3A_673, %add3A_668 : vector<16xf32>
      %select_n3A_675 = arith.select %ge3A_671, %add3A_668, %mul3A_674 : vector<16xi1>, vector<16xf32>
      %exp3A_676 = math.exp %select_n3A_675 : vector<16xf32>
      tpu.vector_store_idx %arg15[%add3A_635, %broadcast_in_dim3A_659], %exp3A_676 : memref<64x16xf32, #tpu.memory_space<vmem>>[vector<16xi32>, vector<16xi32>], vector<16xf32>,
      %add3A_677 = arith.constant 64 : i32
      %add3A_678 = vector.broadcast %add3A_677 : i32 to vector<16xi32>
      %add3A_679 = arith.addi %add3A_635, %add3A_678 : vector<16xi32>
      tpu.vector_store_idx %arg17[%add3A_679], %exp3A_676 : memref<128xf32, #tpu.memory_space<vmem>>[vector<16xi32>], vector<16xf32>,
      %broadcast_in_dim3A_680 = arith.constant 2 : i32
      %broadcast_in_dim3A_681 = vector.broadcast %broadcast_in_dim3A_680 : i32 to vector<16xi32>
      %gather3A_682 = tpu.vector_load_idx %arg11[%add3A_635, %broadcast_in_dim3A_681] : memref<128x16xf32, #tpu.memory_space<vmem>>[vector<16xi32>, vector<16xi32>], vector<16xf32>,
      %add3A_683 = arith.constant 64 : i32
      %add3A_684 = vector.broadcast %add3A_683 : i32 to vector<16xi32>
      %add3A_685 = arith.addi %add3A_635, %add3A_684 : vector<16xi32>
      %add3A_686 = arith.constant 4 : i32
      %add3A_687 = vector.broadcast %add3A_686 : i32 to vector<16xi32>
      %add3A_688 = arith.addi %broadcast_in_dim3A_681, %add3A_687 : vector<16xi32>
      %gather3A_689 = tpu.vector_load_idx %arg11[%add3A_685, %add3A_688] : memref<128x16xf32, #tpu.memory_space<vmem>>[vector<16xi32>, vector<16xi32>], vector<16xf32>,
      %add3A_690 = arith.addf %gather3A_689, %gather3A_682 : vector<16xf32>
      %ge3A_691 = arith.constant 0.000000e+00 : f32
      %ge3A_692 = vector.broadcast %ge3A_691 : f32 to vector<16xf32>
      %ge3A_693 = arith.cmpf oge, %add3A_690, %ge3A_692 : vector<16xf32>
      %mul3A_694 = arith.constant 2.000000e-01 : f32
      %mul3A_695 = vector.broadcast %mul3A_694 : f32 to vector<16xf32>
      %mul3A_696 = arith.mulf %mul3A_695, %add3A_690 : vector<16xf32>
      %select_n3A_697 = arith.select %ge3A_693, %add3A_690, %mul3A_696 : vector<16xi1>, vector<16xf32>
      %exp3A_698 = math.exp %select_n3A_697 : vector<16xf32>
      tpu.vector_store_idx %arg15[%add3A_635, %broadcast_in_dim3A_681], %exp3A_698 : memref<64x16xf32, #tpu.memory_space<vmem>>[vector<16xi32>, vector<16xi32>], vector<16xf32>,
      %broadcast_in_dim3A_699 = arith.constant 3 : i32
      %broadcast_in_dim3A_700 = vector.broadcast %broadcast_in_dim3A_699 : i32 to vector<16xi32>
      %gather3A_701 = tpu.vector_load_idx %arg11[%add3A_635, %broadcast_in_dim3A_700] : memref<128x16xf32, #tpu.memory_space<vmem>>[vector<16xi32>, vector<16xi32>], vector<16xf32>,
      %add3A_702 = arith.constant 64 : i32
      %add3A_703 = vector.broadcast %add3A_702 : i32 to vector<16xi32>
      %add3A_704 = arith.addi %add3A_635, %add3A_703 : vector<16xi32>
      %add3A_705 = arith.constant 4 : i32
      %add3A_706 = vector.broadcast %add3A_705 : i32 to vector<16xi32>
      %add3A_707 = arith.addi %broadcast_in_dim3A_700, %add3A_706 : vector<16xi32>
      %gather3A_708 = tpu.vector_load_idx %arg11[%add3A_704, %add3A_707] : memref<128x16xf32, #tpu.memory_space<vmem>>[vector<16xi32>, vector<16xi32>], vector<16xf32>,
      %add3A_709 = arith.addf %gather3A_708, %gather3A_701 : vector<16xf32>
      %ge3A_710 = arith.constant 0.000000e+00 : f32
      %ge3A_711 = vector.broadcast %ge3A_710 : f32 to vector<16xf32>
      %ge3A_712 = arith.cmpf oge, %add3A_709, %ge3A_711 : vector<16xf32>
      %mul3A_713 = arith.constant 2.000000e-01 : f32
      %mul3A_714 = vector.broadcast %mul3A_713 : f32 to vector<16xf32>
      %mul3A_715 = arith.mulf %mul3A_714, %add3A_709 : vector<16xf32>
      %select_n3A_716 = arith.select %ge3A_712, %add3A_709, %mul3A_715 : vector<16xi1>, vector<16xf32>
      %exp3A_717 = math.exp %select_n3A_716 : vector<16xf32>
      tpu.vector_store_idx %arg15[%add3A_635, %broadcast_in_dim3A_700], %exp3A_717 : memref<64x16xf32, #tpu.memory_space<vmem>>[vector<16xi32>, vector<16xi32>], vector<16xf32>,
      %scan3A_718 = arith.constant 0 : i32
      %scan3A_719 = arith.constant 0 : i32
      %scan3A_720 = arith.constant 32 : i32
      %scan3A_721 = arith.addi %scan3A_719, %scan3A_720 : i32
      %scan3A_722 = arith.constant 1 : i32
      scf.for %scan3A_1140 = %scan3A_719 to %scan3A_721 step %scan3A_722  : i32 {
        %mul3A_1141 = arith.constant 2 : i32
        %mul3A_1142 = arith.muli %mul3A_1141, %scan3A_1140 : i32
        %add3A_1143 = arith.constant 0 : i32
        %add3A_1144 = arith.addi %mul3A_1142, %add3A_1143 : i32
        %broadcast_in_dim3A_1145 = vector.broadcast %add3A_1144 : i32 to vector<16xi32>
        %gather3A_1146 = tpu.vector_load_idx %arg17[%broadcast_in_dim3A_1145] : memref<128xf32, #tpu.memory_space<vmem>>[vector<16xi32>], vector<16xf32>,
        %add3A_1147 = arith.constant 64 : i32
        %add3A_1148 = vector.broadcast %add3A_1147 : i32 to vector<16xi32>
        %add3A_1149 = arith.addi %broadcast_in_dim3A_1145, %add3A_1148 : vector<16xi32>
        %gather3A_1150 = tpu.vector_load_idx %arg17[%add3A_1149] : memref<128xf32, #tpu.memory_space<vmem>>[vector<16xi32>], vector<16xf32>,
        %get3A_1151 = arith.index_cast %add3A_1144 : i32 to index
        %get3A_1152 = arith.constant 0 : index
        %get3A_1153 = tpu.vector_load %arg9[%get3A_1151, %get3A_1152] {strides = array<i32>} : memref<64x128xf32, #tpu.memory_space<vmem>>, vector<16xf32>,
        %mul3A_1154 = arith.mulf %get3A_1153, %gather3A_1146 : vector<16xf32>
        %swap3A_1155 = arith.index_cast %add3A_1144 : i32 to index
        %swap3A_1156 = arith.constant 0 : index
        %swap3A_1157 = tpu.vector_load %arg9[%swap3A_1155, %swap3A_1156] {strides = array<i32>} : memref<64x128xf32, #tpu.memory_space<vmem>>, vector<16xf32>,
        tpu.vector_store %arg9[%swap3A_1155, %swap3A_1156], %mul3A_1154 {strides = array<i32>} : memref<64x128xf32, #tpu.memory_space<vmem>>, vector<16xf32>,
        %get3A_1158 = arith.index_cast %add3A_1144 : i32 to index
        %get3A_1159 = arith.constant 16 : index
        %get3A_1160 = tpu.vector_load %arg9[%get3A_1158, %get3A_1159] {strides = array<i32>} : memref<64x128xf32, #tpu.memory_space<vmem>>, vector<16xf32>,
        %mul3A_1161 = arith.mulf %get3A_1160, %gather3A_1146 : vector<16xf32>
        %swap3A_1162 = arith.index_cast %add3A_1144 : i32 to index
        %swap3A_1163 = arith.constant 16 : index
        %swap3A_1164 = tpu.vector_load %arg9[%swap3A_1162, %swap3A_1163] {strides = array<i32>} : memref<64x128xf32, #tpu.memory_space<vmem>>, vector<16xf32>,
        tpu.vector_store %arg9[%swap3A_1162, %swap3A_1163], %mul3A_1161 {strides = array<i32>} : memref<64x128xf32, #tpu.memory_space<vmem>>, vector<16xf32>,
        %get3A_1165 = arith.index_cast %add3A_1144 : i32 to index
        %get3A_1166 = arith.constant 32 : index
        %get3A_1167 = tpu.vector_load %arg9[%get3A_1165, %get3A_1166] {strides = array<i32>} : memref<64x128xf32, #tpu.memory_space<vmem>>, vector<16xf32>,
        %mul3A_1168 = arith.mulf %get3A_1167, %gather3A_1146 : vector<16xf32>
        %swap3A_1169 = arith.index_cast %add3A_1144 : i32 to index
        %swap3A_1170 = arith.constant 32 : index
        %swap3A_1171 = tpu.vector_load %arg9[%swap3A_1169, %swap3A_1170] {strides = array<i32>} : memref<64x128xf32, #tpu.memory_space<vmem>>, vector<16xf32>,
        tpu.vector_store %arg9[%swap3A_1169, %swap3A_1170], %mul3A_1168 {strides = array<i32>} : memref<64x128xf32, #tpu.memory_space<vmem>>, vector<16xf32>,
        %get3A_1172 = arith.index_cast %add3A_1144 : i32 to index
        %get3A_1173 = arith.constant 48 : index
        %get3A_1174 = tpu.vector_load %arg9[%get3A_1172, %get3A_1173] {strides = array<i32>} : memref<64x128xf32, #tpu.memory_space<vmem>>, vector<16xf32>,
        %mul3A_1175 = arith.mulf %get3A_1174, %gather3A_1146 : vector<16xf32>
        %swap3A_1176 = arith.index_cast %add3A_1144 : i32 to index
        %swap3A_1177 = arith.constant 48 : index
        %swap3A_1178 = tpu.vector_load %arg9[%swap3A_1176, %swap3A_1177] {strides = array<i32>} : memref<64x128xf32, #tpu.memory_space<vmem>>, vector<16xf32>,
        tpu.vector_store %arg9[%swap3A_1176, %swap3A_1177], %mul3A_1175 {strides = array<i32>} : memref<64x128xf32, #tpu.memory_space<vmem>>, vector<16xf32>,
        %get3A_1179 = arith.index_cast %add3A_1144 : i32 to index
        %get3A_1180 = arith.constant 64 : index
        %get3A_1181 = tpu.vector_load %arg9[%get3A_1179, %get3A_1180] {strides = array<i32>} : memref<64x128xf32, #tpu.memory_space<vmem>>, vector<16xf32>,
        %mul3A_1182 = arith.mulf %get3A_1181, %gather3A_1150 : vector<16xf32>
        %swap3A_1183 = arith.index_cast %add3A_1144 : i32 to index
        %swap3A_1184 = arith.constant 64 : index
        %swap3A_1185 = tpu.vector_load %arg9[%swap3A_1183, %swap3A_1184] {strides = array<i32>} : memref<64x128xf32, #tpu.memory_space<vmem>>, vector<16xf32>,
        tpu.vector_store %arg9[%swap3A_1183, %swap3A_1184], %mul3A_1182 {strides = array<i32>} : memref<64x128xf32, #tpu.memory_space<vmem>>, vector<16xf32>,
        %get3A_1186 = arith.index_cast %add3A_1144 : i32 to index
        %get3A_1187 = arith.constant 80 : index
        %get3A_1188 = tpu.vector_load %arg9[%get3A_1186, %get3A_1187] {strides = array<i32>} : memref<64x128xf32, #tpu.memory_space<vmem>>, vector<16xf32>,
        %mul3A_1189 = arith.mulf %get3A_1188, %gather3A_1150 : vector<16xf32>
        %swap3A_1190 = arith.index_cast %add3A_1144 : i32 to index
        %swap3A_1191 = arith.constant 80 : index
        %swap3A_1192 = tpu.vector_load %arg9[%swap3A_1190, %swap3A_1191] {strides = array<i32>} : memref<64x128xf32, #tpu.memory_space<vmem>>, vector<16xf32>,
        tpu.vector_store %arg9[%swap3A_1190, %swap3A_1191], %mul3A_1189 {strides = array<i32>} : memref<64x128xf32, #tpu.memory_space<vmem>>, vector<16xf32>,
        %get3A_1193 = arith.index_cast %add3A_1144 : i32 to index
        %get3A_1194 = arith.constant 96 : index
        %get3A_1195 = tpu.vector_load %arg9[%get3A_1193, %get3A_1194] {strides = array<i32>} : memref<64x128xf32, #tpu.memory_space<vmem>>, vector<16xf32>,
        %mul3A_1196 = arith.mulf %get3A_1195, %gather3A_1150 : vector<16xf32>
        %swap3A_1197 = arith.index_cast %add3A_1144 : i32 to index
        %swap3A_1198 = arith.constant 96 : index
        %swap3A_1199 = tpu.vector_load %arg9[%swap3A_1197, %swap3A_1198] {strides = array<i32>} : memref<64x128xf32, #tpu.memory_space<vmem>>, vector<16xf32>,
        tpu.vector_store %arg9[%swap3A_1197, %swap3A_1198], %mul3A_1196 {strides = array<i32>} : memref<64x128xf32, #tpu.memory_space<vmem>>, vector<16xf32>,
        %get3A_1200 = arith.index_cast %add3A_1144 : i32 to index
        %get3A_1201 = arith.constant 112 : index
        %get3A_1202 = tpu.vector_load %arg9[%get3A_1200, %get3A_1201] {strides = array<i32>} : memref<64x128xf32, #tpu.memory_space<vmem>>, vector<16xf32>,
        %mul3A_1203 = arith.mulf %get3A_1202, %gather3A_1150 : vector<16xf32>
        %swap3A_1204 = arith.index_cast %add3A_1144 : i32 to index
        %swap3A_1205 = arith.constant 112 : index
        %swap3A_1206 = tpu.vector_load %arg9[%swap3A_1204, %swap3A_1205] {strides = array<i32>} : memref<64x128xf32, #tpu.memory_space<vmem>>, vector<16xf32>,
        tpu.vector_store %arg9[%swap3A_1204, %swap3A_1205], %mul3A_1203 {strides = array<i32>} : memref<64x128xf32, #tpu.memory_space<vmem>>, vector<16xf32>,
        %mul3A_1207 = arith.constant 2 : i32
        %mul3A_1208 = arith.muli %mul3A_1207, %scan3A_1140 : i32
        %add3A_1209 = arith.constant 1 : i32
        %add3A_1210 = arith.addi %mul3A_1208, %add3A_1209 : i32
        %broadcast_in_dim3A_1211 = vector.broadcast %add3A_1210 : i32 to vector<16xi32>
        %gather3A_1212 = tpu.vector_load_idx %arg17[%broadcast_in_dim3A_1211] : memref<128xf32, #tpu.memory_space<vmem>>[vector<16xi32>], vector<16xf32>,
        %add3A_1213 = arith.constant 64 : i32
        %add3A_1214 = vector.broadcast %add3A_1213 : i32 to vector<16xi32>
        %add3A_1215 = arith.addi %broadcast_in_dim3A_1211, %add3A_1214 : vector<16xi32>
        %gather3A_1216 = tpu.vector_load_idx %arg17[%add3A_1215] : memref<128xf32, #tpu.memory_space<vmem>>[vector<16xi32>], vector<16xf32>,
        %get3A_1217 = arith.index_cast %add3A_1210 : i32 to index
        %get3A_1218 = arith.constant 0 : index
        %get3A_1219 = tpu.vector_load %arg9[%get3A_1217, %get3A_1218] {strides = array<i32>} : memref<64x128xf32, #tpu.memory_space<vmem>>, vector<16xf32>,
        %mul3A_1220 = arith.mulf %get3A_1219, %gather3A_1212 : vector<16xf32>
        %swap3A_1221 = arith.index_cast %add3A_1210 : i32 to index
        %swap3A_1222 = arith.constant 0 : index
        %swap3A_1223 = tpu.vector_load %arg9[%swap3A_1221, %swap3A_1222] {strides = array<i32>} : memref<64x128xf32, #tpu.memory_space<vmem>>, vector<16xf32>,
        tpu.vector_store %arg9[%swap3A_1221, %swap3A_1222], %mul3A_1220 {strides = array<i32>} : memref<64x128xf32, #tpu.memory_space<vmem>>, vector<16xf32>,
        %get3A_1224 = arith.index_cast %add3A_1210 : i32 to index
        %get3A_1225 = arith.constant 16 : index
        %get3A_1226 = tpu.vector_load %arg9[%get3A_1224, %get3A_1225] {strides = array<i32>} : memref<64x128xf32, #tpu.memory_space<vmem>>, vector<16xf32>,
        %mul3A_1227 = arith.mulf %get3A_1226, %gather3A_1212 : vector<16xf32>
        %swap3A_1228 = arith.index_cast %add3A_1210 : i32 to index
        %swap3A_1229 = arith.constant 16 : index
        %swap3A_1230 = tpu.vector_load %arg9[%swap3A_1228, %swap3A_1229] {strides = array<i32>} : memref<64x128xf32, #tpu.memory_space<vmem>>, vector<16xf32>,
        tpu.vector_store %arg9[%swap3A_1228, %swap3A_1229], %mul3A_1227 {strides = array<i32>} : memref<64x128xf32, #tpu.memory_space<vmem>>, vector<16xf32>,
        %get3A_1231 = arith.index_cast %add3A_1210 : i32 to index
        %get3A_1232 = arith.constant 32 : index
        %get3A_1233 = tpu.vector_load %arg9[%get3A_1231, %get3A_1232] {strides = array<i32>} : memref<64x128xf32, #tpu.memory_space<vmem>>, vector<16xf32>,
        %mul3A_1234 = arith.mulf %get3A_1233, %gather3A_1212 : vector<16xf32>
        %swap3A_1235 = arith.index_cast %add3A_1210 : i32 to index
        %swap3A_1236 = arith.constant 32 : index
        %swap3A_1237 = tpu.vector_load %arg9[%swap3A_1235, %swap3A_1236] {strides = array<i32>} : memref<64x128xf32, #tpu.memory_space<vmem>>, vector<16xf32>,
        tpu.vector_store %arg9[%swap3A_1235, %swap3A_1236], %mul3A_1234 {strides = array<i32>} : memref<64x128xf32, #tpu.memory_space<vmem>>, vector<16xf32>,
        %get3A_1238 = arith.index_cast %add3A_1210 : i32 to index
        %get3A_1239 = arith.constant 48 : index
        %get3A_1240 = tpu.vector_load %arg9[%get3A_1238, %get3A_1239] {strides = array<i32>} : memref<64x128xf32, #tpu.memory_space<vmem>>, vector<16xf32>,
        %mul3A_1241 = arith.mulf %get3A_1240, %gather3A_1212 : vector<16xf32>
        %swap3A_1242 = arith.index_cast %add3A_1210 : i32 to index
        %swap3A_1243 = arith.constant 48 : index
        %swap3A_1244 = tpu.vector_load %arg9[%swap3A_1242, %swap3A_1243] {strides = array<i32>} : memref<64x128xf32, #tpu.memory_space<vmem>>, vector<16xf32>,
        tpu.vector_store %arg9[%swap3A_1242, %swap3A_1243], %mul3A_1241 {strides = array<i32>} : memref<64x128xf32, #tpu.memory_space<vmem>>, vector<16xf32>,
        %get3A_1245 = arith.index_cast %add3A_1210 : i32 to index
        %get3A_1246 = arith.constant 64 : index
        %get3A_1247 = tpu.vector_load %arg9[%get3A_1245, %get3A_1246] {strides = array<i32>} : memref<64x128xf32, #tpu.memory_space<vmem>>, vector<16xf32>,
        %mul3A_1248 = arith.mulf %get3A_1247, %gather3A_1216 : vector<16xf32>
        %swap3A_1249 = arith.index_cast %add3A_1210 : i32 to index
        %swap3A_1250 = arith.constant 64 : index
        %swap3A_1251 = tpu.vector_load %arg9[%swap3A_1249, %swap3A_1250] {strides = array<i32>} : memref<64x128xf32, #tpu.memory_space<vmem>>, vector<16xf32>,
        tpu.vector_store %arg9[%swap3A_1249, %swap3A_1250], %mul3A_1248 {strides = array<i32>} : memref<64x128xf32, #tpu.memory_space<vmem>>, vector<16xf32>,
        %get3A_1252 = arith.index_cast %add3A_1210 : i32 to index
        %get3A_1253 = arith.constant 80 : index
        %get3A_1254 = tpu.vector_load %arg9[%get3A_1252, %get3A_1253] {strides = array<i32>} : memref<64x128xf32, #tpu.memory_space<vmem>>, vector<16xf32>,
        %mul3A_1255 = arith.mulf %get3A_1254, %gather3A_1216 : vector<16xf32>
        %swap3A_1256 = arith.index_cast %add3A_1210 : i32 to index
        %swap3A_1257 = arith.constant 80 : index
        %swap3A_1258 = tpu.vector_load %arg9[%swap3A_1256, %swap3A_1257] {strides = array<i32>} : memref<64x128xf32, #tpu.memory_space<vmem>>, vector<16xf32>,
        tpu.vector_store %arg9[%swap3A_1256, %swap3A_1257], %mul3A_1255 {strides = array<i32>} : memref<64x128xf32, #tpu.memory_space<vmem>>, vector<16xf32>,
        %get3A_1259 = arith.index_cast %add3A_1210 : i32 to index
        %get3A_1260 = arith.constant 96 : index
        %get3A_1261 = tpu.vector_load %arg9[%get3A_1259, %get3A_1260] {strides = array<i32>} : memref<64x128xf32, #tpu.memory_space<vmem>>, vector<16xf32>,
        %mul3A_1262 = arith.mulf %get3A_1261, %gather3A_1216 : vector<16xf32>
        %swap3A_1263 = arith.index_cast %add3A_1210 : i32 to index
        %swap3A_1264 = arith.constant 96 : index
        %swap3A_1265 = tpu.vector_load %arg9[%swap3A_1263, %swap3A_1264] {strides = array<i32>} : memref<64x128xf32, #tpu.memory_space<vmem>>, vector<16xf32>,
        tpu.vector_store %arg9[%swap3A_1263, %swap3A_1264], %mul3A_1262 {strides = array<i32>} : memref<64x128xf32, #tpu.memory_space<vmem>>, vector<16xf32>,
        %get3A_1266 = arith.index_cast %add3A_1210 : i32 to index
        %get3A_1267 = arith.constant 112 : index
        %get3A_1268 = tpu.vector_load %arg9[%get3A_1266, %get3A_1267] {strides = array<i32>} : memref<64x128xf32, #tpu.memory_space<vmem>>, vector<16xf32>,
        %mul3A_1269 = arith.mulf %get3A_1268, %gather3A_1216 : vector<16xf32>
        %swap3A_1270 = arith.index_cast %add3A_1210 : i32 to index
        %swap3A_1271 = arith.constant 112 : index
        %swap3A_1272 = tpu.vector_load %arg9[%swap3A_1270, %swap3A_1271] {strides = array<i32>} : memref<64x128xf32, #tpu.memory_space<vmem>>, vector<16xf32>,
        tpu.vector_store %arg9[%swap3A_1270, %swap3A_1271], %mul3A_1269 {strides = array<i32>} : memref<64x128xf32, #tpu.memory_space<vmem>>, vector<16xf32>,
      }
      %scan3A_723 = arith.constant 32 : i32
      %dma_start3A_724 = arith.constant 0 : i32
      %dma_start3A_725 = arith.constant 0 : i32
      %dma_start3A_726 = tpu.memref_slice %arg18[%dma_start3A_724, %dma_start3A_725] : memref<10240x128xf32, #tpu.memory_space<vmem_shared>> -> memref<10240x128xf32, #tpu.memory_space<vmem_shared>>
      tpu.enqueue_indirect_dma source(%arg9 : memref<64x128xf32, #tpu.memory_space<vmem>>) target(%dma_start3A_726 : memref<10240x128xf32, #tpu.memory_space<vmem_shared>>) offsets(%arg13 : memref<64xi32, #tpu.memory_space<vmem>>) semaphore(%arg22 : memref<!tpu.dma_semaphore, #tpu.memory_space<semaphore_mem>>) {add = true}
      %dma_start3A_727 = arith.constant 0 : i32
      %dma_start3A_728 = arith.constant 0 : i32
      %dma_start3A_729 = tpu.memref_slice %arg19[%dma_start3A_727, %dma_start3A_728] : memref<10240x16xf32, #tpu.memory_space<vmem_shared>> -> memref<10240x16xf32, #tpu.memory_space<vmem_shared>>
      tpu.enqueue_indirect_dma source(%arg15 : memref<64x16xf32, #tpu.memory_space<vmem>>) target(%dma_start3A_729 : memref<10240x16xf32, #tpu.memory_space<vmem_shared>>) offsets(%arg13 : memref<64xi32, #tpu.memory_space<vmem>>) semaphore(%arg22 : memref<!tpu.dma_semaphore, #tpu.memory_space<semaphore_mem>>) {add = true}
      %dma_wait3A_730 = arith.constant 0 : i32
      %dma_wait3A_731 = arith.constant 0 : i32
      %dma_wait3A_732 = tpu.memref_slice %arg8[%add3A_328, %dma_wait3A_730, %dma_wait3A_731] : memref<84x1x128xi32, #tpu.memory_space<vmem>> -> memref<1x1x64xi32, #tpu.memory_space<vmem>>
      %dma_wait3A_733 = tpu.memref_squeeze %dma_wait3A_732 : memref<1x1x64xi32, #tpu.memory_space<vmem>> -> memref<64xi32, #tpu.memory_space<vmem>>
      %dma_wait3A_734 = arith.constant 0 : i32
      %dma_wait3A_735 = arith.constant 0 : i32
      %dma_wait3A_736 = tpu.memref_slice %arg4[%dma_wait3A_734, %dma_wait3A_735] : memref<10240x128xf32, #tpu.memory_space<hbm>> -> memref<10240x128xf32, #tpu.memory_space<hbm>>
      tpu.wait_indirect_dma semaphore(%arg21 : memref<!tpu.dma_semaphore, #tpu.memory_space<semaphore_mem>>) src(%dma_wait3A_736 : memref<10240x128xf32, #tpu.memory_space<hbm>>) dst(%arg10 : memref<64x128xf32, #tpu.memory_space<vmem>>)
      %dma_wait3A_737 = arith.constant 0 : i32
      %dma_wait3A_738 = arith.constant 0 : i32
      %dma_wait3A_739 = tpu.memref_slice %arg8[%add3A_328, %dma_wait3A_737, %dma_wait3A_738] : memref<84x1x128xi32, #tpu.memory_space<vmem>> -> memref<1x1x128xi32, #tpu.memory_space<vmem>>
      %dma_wait3A_740 = tpu.memref_squeeze %dma_wait3A_739 : memref<1x1x128xi32, #tpu.memory_space<vmem>> -> memref<128xi32, #tpu.memory_space<vmem>>
      %dma_wait3A_741 = arith.constant 0 : i32
      %dma_wait3A_742 = arith.constant 0 : i32
      %dma_wait3A_743 = tpu.memref_slice %arg3[%dma_wait3A_741, %dma_wait3A_742] : memref<10240x16xf32, #tpu.memory_space<hbm>> -> memref<10240x16xf32, #tpu.memory_space<hbm>>
      tpu.wait_indirect_dma semaphore(%arg21 : memref<!tpu.dma_semaphore, #tpu.memory_space<semaphore_mem>>) src(%dma_wait3A_743 : memref<10240x16xf32, #tpu.memory_space<hbm>>) dst(%arg12 : memref<128x16xf32, #tpu.memory_space<vmem>>)
      %get3A_744 = arith.constant 0 : i32
      %get3A_745 = arith.index_cast %add3A_328 : i32 to index
      %get3A_746 = arith.index_cast %get3A_744 : i32 to index
      %get3A_747 = arith.constant 64 : index
      %get3A_748 = tpu.vector_load %arg8[%get3A_745, %get3A_746, %get3A_747] {strides = array<i32>} : memref<84x1x128xi32, #tpu.memory_space<vmem>>, vector<16xi32>,
      %swap3A_749 = arith.constant 0 : index
      %swap3A_750 = tpu.vector_load %arg14[%swap3A_749] {strides = array<i32>} : memref<64xi32, #tpu.memory_space<vmem>>, vector<16xi32>,
      tpu.vector_store %arg14[%swap3A_749], %get3A_748 {strides = array<i32>} : memref<64xi32, #tpu.memory_space<vmem>>, vector<16xi32>,
      %get3A_751 = arith.constant 0 : i32
      %get3A_752 = arith.index_cast %add3A_328 : i32 to index
      %get3A_753 = arith.index_cast %get3A_751 : i32 to index
      %get3A_754 = arith.constant 80 : index
      %get3A_755 = tpu.vector_load %arg8[%get3A_752, %get3A_753, %get3A_754] {strides = array<i32>} : memref<84x1x128xi32, #tpu.memory_space<vmem>>, vector<16xi32>,
      %swap3A_756 = arith.constant 16 : index
      %swap3A_757 = tpu.vector_load %arg14[%swap3A_756] {strides = array<i32>} : memref<64xi32, #tpu.memory_space<vmem>>, vector<16xi32>,
      tpu.vector_store %arg14[%swap3A_756], %get3A_755 {strides = array<i32>} : memref<64xi32, #tpu.memory_space<vmem>>, vector<16xi32>,
      %get3A_758 = arith.constant 0 : i32
      %get3A_759 = arith.index_cast %add3A_328 : i32 to index
      %get3A_760 = arith.index_cast %get3A_758 : i32 to index
      %get3A_761 = arith.constant 96 : index
      %get3A_762 = tpu.vector_load %arg8[%get3A_759, %get3A_760, %get3A_761] {strides = array<i32>} : memref<84x1x128xi32, #tpu.memory_space<vmem>>, vector<16xi32>,
      %swap3A_763 = arith.constant 32 : index
      %swap3A_764 = tpu.vector_load %arg14[%swap3A_763] {strides = array<i32>} : memref<64xi32, #tpu.memory_space<vmem>>, vector<16xi32>,
      tpu.vector_store %arg14[%swap3A_763], %get3A_762 {strides = array<i32>} : memref<64xi32, #tpu.memory_space<vmem>>, vector<16xi32>,
      %get3A_765 = arith.constant 0 : i32
      %get3A_766 = arith.index_cast %add3A_328 : i32 to index
      %get3A_767 = arith.index_cast %get3A_765 : i32 to index
      %get3A_768 = arith.constant 112 : index
      %get3A_769 = tpu.vector_load %arg8[%get3A_766, %get3A_767, %get3A_768] {strides = array<i32>} : memref<84x1x128xi32, #tpu.memory_space<vmem>>, vector<16xi32>,
      %swap3A_770 = arith.constant 48 : index
      %swap3A_771 = tpu.vector_load %arg14[%swap3A_770] {strides = array<i32>} : memref<64xi32, #tpu.memory_space<vmem>>, vector<16xi32>,
      tpu.vector_store %arg14[%swap3A_770], %get3A_769 {strides = array<i32>} : memref<64xi32, #tpu.memory_space<vmem>>, vector<16xi32>,
      %add3A_772 = arith.constant 0 : i32
      %add3A_773 = vector.broadcast %add3A_772 : i32 to vector<16xi32>
      %add3A_774 = arith.addi %iota3A, %add3A_773 : vector<16xi32>
      %broadcast_in_dim3A_775 = arith.constant 0 : i32
      %broadcast_in_dim3A_776 = vector.broadcast %broadcast_in_dim3A_775 : i32 to vector<16xi32>
      %gather3A_777 = tpu.vector_load_idx %arg12[%add3A_774, %broadcast_in_dim3A_776] : memref<128x16xf32, #tpu.memory_space<vmem>>[vector<16xi32>, vector<16xi32>], vector<16xf32>,
      %add3A_778 = arith.constant 64 : i32
      %add3A_779 = vector.broadcast %add3A_778 : i32 to vector<16xi32>
      %add3A_780 = arith.addi %add3A_774, %add3A_779 : vector<16xi32>
      %add3A_781 = arith.constant 4 : i32
      %add3A_782 = vector.broadcast %add3A_781 : i32 to vector<16xi32>
      %add3A_783 = arith.addi %broadcast_in_dim3A_776, %add3A_782 : vector<16xi32>
      %gather3A_784 = tpu.vector_load_idx %arg12[%add3A_780, %add3A_783] : memref<128x16xf32, #tpu.memory_space<vmem>>[vector<16xi32>, vector<16xi32>], vector<16xf32>,
      %add3A_785 = arith.addf %gather3A_784, %gather3A_777 : vector<16xf32>
      %ge3A_786 = arith.constant 0.000000e+00 : f32
      %ge3A_787 = vector.broadcast %ge3A_786 : f32 to vector<16xf32>
      %ge3A_788 = arith.cmpf oge, %add3A_785, %ge3A_787 : vector<16xf32>
      %mul3A_789 = arith.constant 2.000000e-01 : f32
      %mul3A_790 = vector.broadcast %mul3A_789 : f32 to vector<16xf32>
      %mul3A_791 = arith.mulf %mul3A_790, %add3A_785 : vector<16xf32>
      %select_n3A_792 = arith.select %ge3A_788, %add3A_785, %mul3A_791 : vector<16xi1>, vector<16xf32>
      %exp3A_793 = math.exp %select_n3A_792 : vector<16xf32>
      tpu.vector_store_idx %arg16[%add3A_774, %broadcast_in_dim3A_776], %exp3A_793 : memref<64x16xf32, #tpu.memory_space<vmem>>[vector<16xi32>, vector<16xi32>], vector<16xf32>,
      %add3A_794 = arith.constant 0 : i32
      %add3A_795 = vector.broadcast %add3A_794 : i32 to vector<16xi32>
      %add3A_796 = arith.addi %add3A_774, %add3A_795 : vector<16xi32>
      tpu.vector_store_idx %arg17[%add3A_796], %exp3A_793 : memref<128xf32, #tpu.memory_space<vmem>>[vector<16xi32>], vector<16xf32>,
      %broadcast_in_dim3A_797 = arith.constant 1 : i32
      %broadcast_in_dim3A_798 = vector.broadcast %broadcast_in_dim3A_797 : i32 to vector<16xi32>
      %gather3A_799 = tpu.vector_load_idx %arg12[%add3A_774, %broadcast_in_dim3A_798] : memref<128x16xf32, #tpu.memory_space<vmem>>[vector<16xi32>, vector<16xi32>], vector<16xf32>,
      %add3A_800 = arith.constant 64 : i32
      %add3A_801 = vector.broadcast %add3A_800 : i32 to vector<16xi32>
      %add3A_802 = arith.addi %add3A_774, %add3A_801 : vector<16xi32>
      %add3A_803 = arith.constant 4 : i32
      %add3A_804 = vector.broadcast %add3A_803 : i32 to vector<16xi32>
      %add3A_805 = arith.addi %broadcast_in_dim3A_798, %add3A_804 : vector<16xi32>
      %gather3A_806 = tpu.vector_load_idx %arg12[%add3A_802, %add3A_805] : memref<128x16xf32, #tpu.memory_space<vmem>>[vector<16xi32>, vector<16xi32>], vector<16xf32>,
      %add3A_807 = arith.addf %gather3A_806, %gather3A_799 : vector<16xf32>
      %ge3A_808 = arith.constant 0.000000e+00 : f32
      %ge3A_809 = vector.broadcast %ge3A_808 : f32 to vector<16xf32>
      %ge3A_810 = arith.cmpf oge, %add3A_807, %ge3A_809 : vector<16xf32>
      %mul3A_811 = arith.constant 2.000000e-01 : f32
      %mul3A_812 = vector.broadcast %mul3A_811 : f32 to vector<16xf32>
      %mul3A_813 = arith.mulf %mul3A_812, %add3A_807 : vector<16xf32>
      %select_n3A_814 = arith.select %ge3A_810, %add3A_807, %mul3A_813 : vector<16xi1>, vector<16xf32>
      %exp3A_815 = math.exp %select_n3A_814 : vector<16xf32>
      tpu.vector_store_idx %arg16[%add3A_774, %broadcast_in_dim3A_798], %exp3A_815 : memref<64x16xf32, #tpu.memory_space<vmem>>[vector<16xi32>, vector<16xi32>], vector<16xf32>,
      %add3A_816 = arith.constant 64 : i32
      %add3A_817 = vector.broadcast %add3A_816 : i32 to vector<16xi32>
      %add3A_818 = arith.addi %add3A_774, %add3A_817 : vector<16xi32>
      tpu.vector_store_idx %arg17[%add3A_818], %exp3A_815 : memref<128xf32, #tpu.memory_space<vmem>>[vector<16xi32>], vector<16xf32>,
      %broadcast_in_dim3A_819 = arith.constant 2 : i32
      %broadcast_in_dim3A_820 = vector.broadcast %broadcast_in_dim3A_819 : i32 to vector<16xi32>
      %gather3A_821 = tpu.vector_load_idx %arg12[%add3A_774, %broadcast_in_dim3A_820] : memref<128x16xf32, #tpu.memory_space<vmem>>[vector<16xi32>, vector<16xi32>], vector<16xf32>,
      %add3A_822 = arith.constant 64 : i32
      %add3A_823 = vector.broadcast %add3A_822 : i32 to vector<16xi32>
      %add3A_824 = arith.addi %add3A_774, %add3A_823 : vector<16xi32>
      %add3A_825 = arith.constant 4 : i32
      %add3A_826 = vector.broadcast %add3A_825 : i32 to vector<16xi32>
      %add3A_827 = arith.addi %broadcast_in_dim3A_820, %add3A_826 : vector<16xi32>
      %gather3A_828 = tpu.vector_load_idx %arg12[%add3A_824, %add3A_827] : memref<128x16xf32, #tpu.memory_space<vmem>>[vector<16xi32>, vector<16xi32>], vector<16xf32>,
      %add3A_829 = arith.addf %gather3A_828, %gather3A_821 : vector<16xf32>
      %ge3A_830 = arith.constant 0.000000e+00 : f32
      %ge3A_831 = vector.broadcast %ge3A_830 : f32 to vector<16xf32>
      %ge3A_832 = arith.cmpf oge, %add3A_829, %ge3A_831 : vector<16xf32>
      %mul3A_833 = arith.constant 2.000000e-01 : f32
      %mul3A_834 = vector.broadcast %mul3A_833 : f32 to vector<16xf32>
      %mul3A_835 = arith.mulf %mul3A_834, %add3A_829 : vector<16xf32>
      %select_n3A_836 = arith.select %ge3A_832, %add3A_829, %mul3A_835 : vector<16xi1>, vector<16xf32>
      %exp3A_837 = math.exp %select_n3A_836 : vector<16xf32>
      tpu.vector_store_idx %arg16[%add3A_774, %broadcast_in_dim3A_820], %exp3A_837 : memref<64x16xf32, #tpu.memory_space<vmem>>[vector<16xi32>, vector<16xi32>], vector<16xf32>,
      %broadcast_in_dim3A_838 = arith.constant 3 : i32
      %broadcast_in_dim3A_839 = vector.broadcast %broadcast_in_dim3A_838 : i32 to vector<16xi32>
      %gather3A_840 = tpu.vector_load_idx %arg12[%add3A_774, %broadcast_in_dim3A_839] : memref<128x16xf32, #tpu.memory_space<vmem>>[vector<16xi32>, vector<16xi32>], vector<16xf32>,
      %add3A_841 = arith.constant 64 : i32
      %add3A_842 = vector.broadcast %add3A_841 : i32 to vector<16xi32>
      %add3A_843 = arith.addi %add3A_774, %add3A_842 : vector<16xi32>
      %add3A_844 = arith.constant 4 : i32
      %add3A_845 = vector.broadcast %add3A_844 : i32 to vector<16xi32>
      %add3A_846 = arith.addi %broadcast_in_dim3A_839, %add3A_845 : vector<16xi32>
      %gather3A_847 = tpu.vector_load_idx %arg12[%add3A_843, %add3A_846] : memref<128x16xf32, #tpu.memory_space<vmem>>[vector<16xi32>, vector<16xi32>], vector<16xf32>,
      %add3A_848 = arith.addf %gather3A_847, %gather3A_840 : vector<16xf32>
      %ge3A_849 = arith.constant 0.000000e+00 : f32
      %ge3A_850 = vector.broadcast %ge3A_849 : f32 to vector<16xf32>
      %ge3A_851 = arith.cmpf oge, %add3A_848, %ge3A_850 : vector<16xf32>
      %mul3A_852 = arith.constant 2.000000e-01 : f32
      %mul3A_853 = vector.broadcast %mul3A_852 : f32 to vector<16xf32>
      %mul3A_854 = arith.mulf %mul3A_853, %add3A_848 : vector<16xf32>
      %select_n3A_855 = arith.select %ge3A_851, %add3A_848, %mul3A_854 : vector<16xi1>, vector<16xf32>
      %exp3A_856 = math.exp %select_n3A_855 : vector<16xf32>
      tpu.vector_store_idx %arg16[%add3A_774, %broadcast_in_dim3A_839], %exp3A_856 : memref<64x16xf32, #tpu.memory_space<vmem>>[vector<16xi32>, vector<16xi32>], vector<16xf32>,
      %add3A_857 = arith.constant 16 : i32
      %add3A_858 = vector.broadcast %add3A_857 : i32 to vector<16xi32>
      %add3A_859 = arith.addi %iota3A, %add3A_858 : vector<16xi32>
      %broadcast_in_dim3A_860 = arith.constant 0 : i32
      %broadcast_in_dim3A_861 = vector.broadcast %broadcast_in_dim3A_860 : i32 to vector<16xi32>
      %gather3A_862 = tpu.vector_load_idx %arg12[%add3A_859, %broadcast_in_dim3A_861] : memref<128x16xf32, #tpu.memory_space<vmem>>[vector<16xi32>, vector<16xi32>], vector<16xf32>,
      %add3A_863 = arith.constant 64 : i32
      %add3A_864 = vector.broadcast %add3A_863 : i32 to vector<16xi32>
      %add3A_865 = arith.addi %add3A_859, %add3A_864 : vector<16xi32>
      %add3A_866 = arith.constant 4 : i32
      %add3A_867 = vector.broadcast %add3A_866 : i32 to vector<16xi32>
      %add3A_868 = arith.addi %broadcast_in_dim3A_861, %add3A_867 : vector<16xi32>
      %gather3A_869 = tpu.vector_load_idx %arg12[%add3A_865, %add3A_868] : memref<128x16xf32, #tpu.memory_space<vmem>>[vector<16xi32>, vector<16xi32>], vector<16xf32>,
      %add3A_870 = arith.addf %gather3A_869, %gather3A_862 : vector<16xf32>
      %ge3A_871 = arith.constant 0.000000e+00 : f32
      %ge3A_872 = vector.broadcast %ge3A_871 : f32 to vector<16xf32>
      %ge3A_873 = arith.cmpf oge, %add3A_870, %ge3A_872 : vector<16xf32>
      %mul3A_874 = arith.constant 2.000000e-01 : f32
      %mul3A_875 = vector.broadcast %mul3A_874 : f32 to vector<16xf32>
      %mul3A_876 = arith.mulf %mul3A_875, %add3A_870 : vector<16xf32>
      %select_n3A_877 = arith.select %ge3A_873, %add3A_870, %mul3A_876 : vector<16xi1>, vector<16xf32>
      %exp3A_878 = math.exp %select_n3A_877 : vector<16xf32>
      tpu.vector_store_idx %arg16[%add3A_859, %broadcast_in_dim3A_861], %exp3A_878 : memref<64x16xf32, #tpu.memory_space<vmem>>[vector<16xi32>, vector<16xi32>], vector<16xf32>,
      %add3A_879 = arith.constant 0 : i32
      %add3A_880 = vector.broadcast %add3A_879 : i32 to vector<16xi32>
      %add3A_881 = arith.addi %add3A_859, %add3A_880 : vector<16xi32>
      tpu.vector_store_idx %arg17[%add3A_881], %exp3A_878 : memref<128xf32, #tpu.memory_space<vmem>>[vector<16xi32>], vector<16xf32>,
      %broadcast_in_dim3A_882 = arith.constant 1 : i32
      %broadcast_in_dim3A_883 = vector.broadcast %broadcast_in_dim3A_882 : i32 to vector<16xi32>
      %gather3A_884 = tpu.vector_load_idx %arg12[%add3A_859, %broadcast_in_dim3A_883] : memref<128x16xf32, #tpu.memory_space<vmem>>[vector<16xi32>, vector<16xi32>], vector<16xf32>,
      %add3A_885 = arith.constant 64 : i32
      %add3A_886 = vector.broadcast %add3A_885 : i32 to vector<16xi32>
      %add3A_887 = arith.addi %add3A_859, %add3A_886 : vector<16xi32>
      %add3A_888 = arith.constant 4 : i32
      %add3A_889 = vector.broadcast %add3A_888 : i32 to vector<16xi32>
      %add3A_890 = arith.addi %broadcast_in_dim3A_883, %add3A_889 : vector<16xi32>
      %gather3A_891 = tpu.vector_load_idx %arg12[%add3A_887, %add3A_890] : memref<128x16xf32, #tpu.memory_space<vmem>>[vector<16xi32>, vector<16xi32>], vector<16xf32>,
      %add3A_892 = arith.addf %gather3A_891, %gather3A_884 : vector<16xf32>
      %ge3A_893 = arith.constant 0.000000e+00 : f32
      %ge3A_894 = vector.broadcast %ge3A_893 : f32 to vector<16xf32>
      %ge3A_895 = arith.cmpf oge, %add3A_892, %ge3A_894 : vector<16xf32>
      %mul3A_896 = arith.constant 2.000000e-01 : f32
      %mul3A_897 = vector.broadcast %mul3A_896 : f32 to vector<16xf32>
      %mul3A_898 = arith.mulf %mul3A_897, %add3A_892 : vector<16xf32>
      %select_n3A_899 = arith.select %ge3A_895, %add3A_892, %mul3A_898 : vector<16xi1>, vector<16xf32>
      %exp3A_900 = math.exp %select_n3A_899 : vector<16xf32>
      tpu.vector_store_idx %arg16[%add3A_859, %broadcast_in_dim3A_883], %exp3A_900 : memref<64x16xf32, #tpu.memory_space<vmem>>[vector<16xi32>, vector<16xi32>], vector<16xf32>,
      %add3A_901 = arith.constant 64 : i32
      %add3A_902 = vector.broadcast %add3A_901 : i32 to vector<16xi32>
      %add3A_903 = arith.addi %add3A_859, %add3A_902 : vector<16xi32>
      tpu.vector_store_idx %arg17[%add3A_903], %exp3A_900 : memref<128xf32, #tpu.memory_space<vmem>>[vector<16xi32>], vector<16xf32>,
      %broadcast_in_dim3A_904 = arith.constant 2 : i32
      %broadcast_in_dim3A_905 = vector.broadcast %broadcast_in_dim3A_904 : i32 to vector<16xi32>
      %gather3A_906 = tpu.vector_load_idx %arg12[%add3A_859, %broadcast_in_dim3A_905] : memref<128x16xf32, #tpu.memory_space<vmem>>[vector<16xi32>, vector<16xi32>], vector<16xf32>,
      %add3A_907 = arith.constant 64 : i32
      %add3A_908 = vector.broadcast %add3A_907 : i32 to vector<16xi32>
      %add3A_909 = arith.addi %add3A_859, %add3A_908 : vector<16xi32>
      %add3A_910 = arith.constant 4 : i32
      %add3A_911 = vector.broadcast %add3A_910 : i32 to vector<16xi32>
      %add3A_912 = arith.addi %broadcast_in_dim3A_905, %add3A_911 : vector<16xi32>
      %gather3A_913 = tpu.vector_load_idx %arg12[%add3A_909, %add3A_912] : memref<128x16xf32, #tpu.memory_space<vmem>>[vector<16xi32>, vector<16xi32>], vector<16xf32>,
      %add3A_914 = arith.addf %gather3A_913, %gather3A_906 : vector<16xf32>
      %ge3A_915 = arith.constant 0.000000e+00 : f32
      %ge3A_916 = vector.broadcast %ge3A_915 : f32 to vector<16xf32>
      %ge3A_917 = arith.cmpf oge, %add3A_914, %ge3A_916 : vector<16xf32>
      %mul3A_918 = arith.constant 2.000000e-01 : f32
      %mul3A_919 = vector.broadcast %mul3A_918 : f32 to vector<16xf32>
      %mul3A_920 = arith.mulf %mul3A_919, %add3A_914 : vector<16xf32>
      %select_n3A_921 = arith.select %ge3A_917, %add3A_914, %mul3A_920 : vector<16xi1>, vector<16xf32>
      %exp3A_922 = math.exp %select_n3A_921 : vector<16xf32>
      tpu.vector_store_idx %arg16[%add3A_859, %broadcast_in_dim3A_905], %exp3A_922 : memref<64x16xf32, #tpu.memory_space<vmem>>[vector<16xi32>, vector<16xi32>], vector<16xf32>,
      %broadcast_in_dim3A_923 = arith.constant 3 : i32
      %broadcast_in_dim3A_924 = vector.broadcast %broadcast_in_dim3A_923 : i32 to vector<16xi32>
      %gather3A_925 = tpu.vector_load_idx %arg12[%add3A_859, %broadcast_in_dim3A_924] : memref<128x16xf32, #tpu.memory_space<vmem>>[vector<16xi32>, vector<16xi32>], vector<16xf32>,
      %add3A_926 = arith.constant 64 : i32
      %add3A_927 = vector.broadcast %add3A_926 : i32 to vector<16xi32>
      %add3A_928 = arith.addi %add3A_859, %add3A_927 : vector<16xi32>
      %add3A_929 = arith.constant 4 : i32
      %add3A_930 = vector.broadcast %add3A_929 : i32 to vector<16xi32>
      %add3A_931 = arith.addi %broadcast_in_dim3A_924, %add3A_930 : vector<16xi32>
      %gather3A_932 = tpu.vector_load_idx %arg12[%add3A_928, %add3A_931] : memref<128x16xf32, #tpu.memory_space<vmem>>[vector<16xi32>, vector<16xi32>], vector<16xf32>,
      %add3A_933 = arith.addf %gather3A_932, %gather3A_925 : vector<16xf32>
      %ge3A_934 = arith.constant 0.000000e+00 : f32
      %ge3A_935 = vector.broadcast %ge3A_934 : f32 to vector<16xf32>
      %ge3A_936 = arith.cmpf oge, %add3A_933, %ge3A_935 : vector<16xf32>
      %mul3A_937 = arith.constant 2.000000e-01 : f32
      %mul3A_938 = vector.broadcast %mul3A_937 : f32 to vector<16xf32>
      %mul3A_939 = arith.mulf %mul3A_938, %add3A_933 : vector<16xf32>
      %select_n3A_940 = arith.select %ge3A_936, %add3A_933, %mul3A_939 : vector<16xi1>, vector<16xf32>
      %exp3A_941 = math.exp %select_n3A_940 : vector<16xf32>
      tpu.vector_store_idx %arg16[%add3A_859, %broadcast_in_dim3A_924], %exp3A_941 : memref<64x16xf32, #tpu.memory_space<vmem>>[vector<16xi32>, vector<16xi32>], vector<16xf32>,
      %add3A_942 = arith.constant 32 : i32
      %add3A_943 = vector.broadcast %add3A_942 : i32 to vector<16xi32>
      %add3A_944 = arith.addi %iota3A, %add3A_943 : vector<16xi32>
      %broadcast_in_dim3A_945 = arith.constant 0 : i32
      %broadcast_in_dim3A_946 = vector.broadcast %broadcast_in_dim3A_945 : i32 to vector<16xi32>
      %gather3A_947 = tpu.vector_load_idx %arg12[%add3A_944, %broadcast_in_dim3A_946] : memref<128x16xf32, #tpu.memory_space<vmem>>[vector<16xi32>, vector<16xi32>], vector<16xf32>,
      %add3A_948 = arith.constant 64 : i32
      %add3A_949 = vector.broadcast %add3A_948 : i32 to vector<16xi32>
      %add3A_950 = arith.addi %add3A_944, %add3A_949 : vector<16xi32>
      %add3A_951 = arith.constant 4 : i32
      %add3A_952 = vector.broadcast %add3A_951 : i32 to vector<16xi32>
      %add3A_953 = arith.addi %broadcast_in_dim3A_946, %add3A_952 : vector<16xi32>
      %gather3A_954 = tpu.vector_load_idx %arg12[%add3A_950, %add3A_953] : memref<128x16xf32, #tpu.memory_space<vmem>>[vector<16xi32>, vector<16xi32>], vector<16xf32>,
      %add3A_955 = arith.addf %gather3A_954, %gather3A_947 : vector<16xf32>
      %ge3A_956 = arith.constant 0.000000e+00 : f32
      %ge3A_957 = vector.broadcast %ge3A_956 : f32 to vector<16xf32>
      %ge3A_958 = arith.cmpf oge, %add3A_955, %ge3A_957 : vector<16xf32>
      %mul3A_959 = arith.constant 2.000000e-01 : f32
      %mul3A_960 = vector.broadcast %mul3A_959 : f32 to vector<16xf32>
      %mul3A_961 = arith.mulf %mul3A_960, %add3A_955 : vector<16xf32>
      %select_n3A_962 = arith.select %ge3A_958, %add3A_955, %mul3A_961 : vector<16xi1>, vector<16xf32>
      %exp3A_963 = math.exp %select_n3A_962 : vector<16xf32>
      tpu.vector_store_idx %arg16[%add3A_944, %broadcast_in_dim3A_946], %exp3A_963 : memref<64x16xf32, #tpu.memory_space<vmem>>[vector<16xi32>, vector<16xi32>], vector<16xf32>,
      %add3A_964 = arith.constant 0 : i32
      %add3A_965 = vector.broadcast %add3A_964 : i32 to vector<16xi32>
      %add3A_966 = arith.addi %add3A_944, %add3A_965 : vector<16xi32>
      tpu.vector_store_idx %arg17[%add3A_966], %exp3A_963 : memref<128xf32, #tpu.memory_space<vmem>>[vector<16xi32>], vector<16xf32>,
      %broadcast_in_dim3A_967 = arith.constant 1 : i32
      %broadcast_in_dim3A_968 = vector.broadcast %broadcast_in_dim3A_967 : i32 to vector<16xi32>
      %gather3A_969 = tpu.vector_load_idx %arg12[%add3A_944, %broadcast_in_dim3A_968] : memref<128x16xf32, #tpu.memory_space<vmem>>[vector<16xi32>, vector<16xi32>], vector<16xf32>,
      %add3A_970 = arith.constant 64 : i32
      %add3A_971 = vector.broadcast %add3A_970 : i32 to vector<16xi32>
      %add3A_972 = arith.addi %add3A_944, %add3A_971 : vector<16xi32>
      %add3A_973 = arith.constant 4 : i32
      %add3A_974 = vector.broadcast %add3A_973 : i32 to vector<16xi32>
      %add3A_975 = arith.addi %broadcast_in_dim3A_968, %add3A_974 : vector<16xi32>
      %gather3A_976 = tpu.vector_load_idx %arg12[%add3A_972, %add3A_975] : memref<128x16xf32, #tpu.memory_space<vmem>>[vector<16xi32>, vector<16xi32>], vector<16xf32>,
      %add3A_977 = arith.addf %gather3A_976, %gather3A_969 : vector<16xf32>
      %ge3A_978 = arith.constant 0.000000e+00 : f32
      %ge3A_979 = vector.broadcast %ge3A_978 : f32 to vector<16xf32>
      %ge3A_980 = arith.cmpf oge, %add3A_977, %ge3A_979 : vector<16xf32>
      %mul3A_981 = arith.constant 2.000000e-01 : f32
      %mul3A_982 = vector.broadcast %mul3A_981 : f32 to vector<16xf32>
      %mul3A_983 = arith.mulf %mul3A_982, %add3A_977 : vector<16xf32>
      %select_n3A_984 = arith.select %ge3A_980, %add3A_977, %mul3A_983 : vector<16xi1>, vector<16xf32>
      %exp3A_985 = math.exp %select_n3A_984 : vector<16xf32>
      tpu.vector_store_idx %arg16[%add3A_944, %broadcast_in_dim3A_968], %exp3A_985 : memref<64x16xf32, #tpu.memory_space<vmem>>[vector<16xi32>, vector<16xi32>], vector<16xf32>,
      %add3A_986 = arith.constant 64 : i32
      %add3A_987 = vector.broadcast %add3A_986 : i32 to vector<16xi32>
      %add3A_988 = arith.addi %add3A_944, %add3A_987 : vector<16xi32>
      tpu.vector_store_idx %arg17[%add3A_988], %exp3A_985 : memref<128xf32, #tpu.memory_space<vmem>>[vector<16xi32>], vector<16xf32>,
      %broadcast_in_dim3A_989 = arith.constant 2 : i32
      %broadcast_in_dim3A_990 = vector.broadcast %broadcast_in_dim3A_989 : i32 to vector<16xi32>
      %gather3A_991 = tpu.vector_load_idx %arg12[%add3A_944, %broadcast_in_dim3A_990] : memref<128x16xf32, #tpu.memory_space<vmem>>[vector<16xi32>, vector<16xi32>], vector<16xf32>,
      %add3A_992 = arith.constant 64 : i32
      %add3A_993 = vector.broadcast %add3A_992 : i32 to vector<16xi32>
      %add3A_994 = arith.addi %add3A_944, %add3A_993 : vector<16xi32>
      %add3A_995 = arith.constant 4 : i32
      %add3A_996 = vector.broadcast %add3A_995 : i32 to vector<16xi32>
      %add3A_997 = arith.addi %broadcast_in_dim3A_990, %add3A_996 : vector<16xi32>
      %gather3A_998 = tpu.vector_load_idx %arg12[%add3A_994, %add3A_997] : memref<128x16xf32, #tpu.memory_space<vmem>>[vector<16xi32>, vector<16xi32>], vector<16xf32>,
      %add3A_999 = arith.addf %gather3A_998, %gather3A_991 : vector<16xf32>
      %ge3A_1000 = arith.constant 0.000000e+00 : f32
      %ge3A_1001 = vector.broadcast %ge3A_1000 : f32 to vector<16xf32>
      %ge3A_1002 = arith.cmpf oge, %add3A_999, %ge3A_1001 : vector<16xf32>
      %mul3A_1003 = arith.constant 2.000000e-01 : f32
      %mul3A_1004 = vector.broadcast %mul3A_1003 : f32 to vector<16xf32>
      %mul3A_1005 = arith.mulf %mul3A_1004, %add3A_999 : vector<16xf32>
      %select_n3A_1006 = arith.select %ge3A_1002, %add3A_999, %mul3A_1005 : vector<16xi1>, vector<16xf32>
      %exp3A_1007 = math.exp %select_n3A_1006 : vector<16xf32>
      tpu.vector_store_idx %arg16[%add3A_944, %broadcast_in_dim3A_990], %exp3A_1007 : memref<64x16xf32, #tpu.memory_space<vmem>>[vector<16xi32>, vector<16xi32>], vector<16xf32>,
      %broadcast_in_dim3A_1008 = arith.constant 3 : i32
      %broadcast_in_dim3A_1009 = vector.broadcast %broadcast_in_dim3A_1008 : i32 to vector<16xi32>
      %gather3A_1010 = tpu.vector_load_idx %arg12[%add3A_944, %broadcast_in_dim3A_1009] : memref<128x16xf32, #tpu.memory_space<vmem>>[vector<16xi32>, vector<16xi32>], vector<16xf32>,
      %add3A_1011 = arith.constant 64 : i32
      %add3A_1012 = vector.broadcast %add3A_1011 : i32 to vector<16xi32>
      %add3A_1013 = arith.addi %add3A_944, %add3A_1012 : vector<16xi32>
      %add3A_1014 = arith.constant 4 : i32
      %add3A_1015 = vector.broadcast %add3A_1014 : i32 to vector<16xi32>
      %add3A_1016 = arith.addi %broadcast_in_dim3A_1009, %add3A_1015 : vector<16xi32>
      %gather3A_1017 = tpu.vector_load_idx %arg12[%add3A_1013, %add3A_1016] : memref<128x16xf32, #tpu.memory_space<vmem>>[vector<16xi32>, vector<16xi32>], vector<16xf32>,
      %add3A_1018 = arith.addf %gather3A_1017, %gather3A_1010 : vector<16xf32>
      %ge3A_1019 = arith.constant 0.000000e+00 : f32
      %ge3A_1020 = vector.broadcast %ge3A_1019 : f32 to vector<16xf32>
      %ge3A_1021 = arith.cmpf oge, %add3A_1018, %ge3A_1020 : vector<16xf32>
      %mul3A_1022 = arith.constant 2.000000e-01 : f32
      %mul3A_1023 = vector.broadcast %mul3A_1022 : f32 to vector<16xf32>
      %mul3A_1024 = arith.mulf %mul3A_1023, %add3A_1018 : vector<16xf32>
      %select_n3A_1025 = arith.select %ge3A_1021, %add3A_1018, %mul3A_1024 : vector<16xi1>, vector<16xf32>
      %exp3A_1026 = math.exp %select_n3A_1025 : vector<16xf32>
      tpu.vector_store_idx %arg16[%add3A_944, %broadcast_in_dim3A_1009], %exp3A_1026 : memref<64x16xf32, #tpu.memory_space<vmem>>[vector<16xi32>, vector<16xi32>], vector<16xf32>,
      %add3A_1027 = arith.constant 48 : i32
      %add3A_1028 = vector.broadcast %add3A_1027 : i32 to vector<16xi32>
      %add3A_1029 = arith.addi %iota3A, %add3A_1028 : vector<16xi32>
      %broadcast_in_dim3A_1030 = arith.constant 0 : i32
      %broadcast_in_dim3A_1031 = vector.broadcast %broadcast_in_dim3A_1030 : i32 to vector<16xi32>
      %gather3A_1032 = tpu.vector_load_idx %arg12[%add3A_1029, %broadcast_in_dim3A_1031] : memref<128x16xf32, #tpu.memory_space<vmem>>[vector<16xi32>, vector<16xi32>], vector<16xf32>,
      %add3A_1033 = arith.constant 64 : i32
      %add3A_1034 = vector.broadcast %add3A_1033 : i32 to vector<16xi32>
      %add3A_1035 = arith.addi %add3A_1029, %add3A_1034 : vector<16xi32>
      %add3A_1036 = arith.constant 4 : i32
      %add3A_1037 = vector.broadcast %add3A_1036 : i32 to vector<16xi32>
      %add3A_1038 = arith.addi %broadcast_in_dim3A_1031, %add3A_1037 : vector<16xi32>
      %gather3A_1039 = tpu.vector_load_idx %arg12[%add3A_1035, %add3A_1038] : memref<128x16xf32, #tpu.memory_space<vmem>>[vector<16xi32>, vector<16xi32>], vector<16xf32>,
      %add3A_1040 = arith.addf %gather3A_1039, %gather3A_1032 : vector<16xf32>
      %ge3A_1041 = arith.constant 0.000000e+00 : f32
      %ge3A_1042 = vector.broadcast %ge3A_1041 : f32 to vector<16xf32>
      %ge3A_1043 = arith.cmpf oge, %add3A_1040, %ge3A_1042 : vector<16xf32>
      %mul3A_1044 = arith.constant 2.000000e-01 : f32
      %mul3A_1045 = vector.broadcast %mul3A_1044 : f32 to vector<16xf32>
      %mul3A_1046 = arith.mulf %mul3A_1045, %add3A_1040 : vector<16xf32>
      %select_n3A_1047 = arith.select %ge3A_1043, %add3A_1040, %mul3A_1046 : vector<16xi1>, vector<16xf32>
      %exp3A_1048 = math.exp %select_n3A_1047 : vector<16xf32>
      tpu.vector_store_idx %arg16[%add3A_1029, %broadcast_in_dim3A_1031], %exp3A_1048 : memref<64x16xf32, #tpu.memory_space<vmem>>[vector<16xi32>, vector<16xi32>], vector<16xf32>,
      %add3A_1049 = arith.constant 0 : i32
      %add3A_1050 = vector.broadcast %add3A_1049 : i32 to vector<16xi32>
      %add3A_1051 = arith.addi %add3A_1029, %add3A_1050 : vector<16xi32>
      tpu.vector_store_idx %arg17[%add3A_1051], %exp3A_1048 : memref<128xf32, #tpu.memory_space<vmem>>[vector<16xi32>], vector<16xf32>,
      %broadcast_in_dim3A_1052 = arith.constant 1 : i32
      %broadcast_in_dim3A_1053 = vector.broadcast %broadcast_in_dim3A_1052 : i32 to vector<16xi32>
      %gather3A_1054 = tpu.vector_load_idx %arg12[%add3A_1029, %broadcast_in_dim3A_1053] : memref<128x16xf32, #tpu.memory_space<vmem>>[vector<16xi32>, vector<16xi32>], vector<16xf32>,
      %add3A_1055 = arith.constant 64 : i32
      %add3A_1056 = vector.broadcast %add3A_1055 : i32 to vector<16xi32>
      %add3A_1057 = arith.addi %add3A_1029, %add3A_1056 : vector<16xi32>
      %add3A_1058 = arith.constant 4 : i32
      %add3A_1059 = vector.broadcast %add3A_1058 : i32 to vector<16xi32>
      %add3A_1060 = arith.addi %broadcast_in_dim3A_1053, %add3A_1059 : vector<16xi32>
      %gather3A_1061 = tpu.vector_load_idx %arg12[%add3A_1057, %add3A_1060] : memref<128x16xf32, #tpu.memory_space<vmem>>[vector<16xi32>, vector<16xi32>], vector<16xf32>,
      %add3A_1062 = arith.addf %gather3A_1061, %gather3A_1054 : vector<16xf32>
      %ge3A_1063 = arith.constant 0.000000e+00 : f32
      %ge3A_1064 = vector.broadcast %ge3A_1063 : f32 to vector<16xf32>
      %ge3A_1065 = arith.cmpf oge, %add3A_1062, %ge3A_1064 : vector<16xf32>
      %mul3A_1066 = arith.constant 2.000000e-01 : f32
      %mul3A_1067 = vector.broadcast %mul3A_1066 : f32 to vector<16xf32>
      %mul3A_1068 = arith.mulf %mul3A_1067, %add3A_1062 : vector<16xf32>
      %select_n3A_1069 = arith.select %ge3A_1065, %add3A_1062, %mul3A_1068 : vector<16xi1>, vector<16xf32>
      %exp3A_1070 = math.exp %select_n3A_1069 : vector<16xf32>
      tpu.vector_store_idx %arg16[%add3A_1029, %broadcast_in_dim3A_1053], %exp3A_1070 : memref<64x16xf32, #tpu.memory_space<vmem>>[vector<16xi32>, vector<16xi32>], vector<16xf32>,
      %add3A_1071 = arith.constant 64 : i32
      %add3A_1072 = vector.broadcast %add3A_1071 : i32 to vector<16xi32>
      %add3A_1073 = arith.addi %add3A_1029, %add3A_1072 : vector<16xi32>
      tpu.vector_store_idx %arg17[%add3A_1073], %exp3A_1070 : memref<128xf32, #tpu.memory_space<vmem>>[vector<16xi32>], vector<16xf32>,
      %broadcast_in_dim3A_1074 = arith.constant 2 : i32
      %broadcast_in_dim3A_1075 = vector.broadcast %broadcast_in_dim3A_1074 : i32 to vector<16xi32>
      %gather3A_1076 = tpu.vector_load_idx %arg12[%add3A_1029, %broadcast_in_dim3A_1075] : memref<128x16xf32, #tpu.memory_space<vmem>>[vector<16xi32>, vector<16xi32>], vector<16xf32>,
      %add3A_1077 = arith.constant 64 : i32
      %add3A_1078 = vector.broadcast %add3A_1077 : i32 to vector<16xi32>
      %add3A_1079 = arith.addi %add3A_1029, %add3A_1078 : vector<16xi32>
      %add3A_1080 = arith.constant 4 : i32
      %add3A_1081 = vector.broadcast %add3A_1080 : i32 to vector<16xi32>
      %add3A_1082 = arith.addi %broadcast_in_dim3A_1075, %add3A_1081 : vector<16xi32>
      %gather3A_1083 = tpu.vector_load_idx %arg12[%add3A_1079, %add3A_1082] : memref<128x16xf32, #tpu.memory_space<vmem>>[vector<16xi32>, vector<16xi32>], vector<16xf32>,
      %add3A_1084 = arith.addf %gather3A_1083, %gather3A_1076 : vector<16xf32>
      %ge3A_1085 = arith.constant 0.000000e+00 : f32
      %ge3A_1086 = vector.broadcast %ge3A_1085 : f32 to vector<16xf32>
      %ge3A_1087 = arith.cmpf oge, %add3A_1084, %ge3A_1086 : vector<16xf32>
      %mul3A_1088 = arith.constant 2.000000e-01 : f32
      %mul3A_1089 = vector.broadcast %mul3A_1088 : f32 to vector<16xf32>
      %mul3A_1090 = arith.mulf %mul3A_1089, %add3A_1084 : vector<16xf32>
      %select_n3A_1091 = arith.select %ge3A_1087, %add3A_1084, %mul3A_1090 : vector<16xi1>, vector<16xf32>
      %exp3A_1092 = math.exp %select_n3A_1091 : vector<16xf32>
      tpu.vector_store_idx %arg16[%add3A_1029, %broadcast_in_dim3A_1075], %exp3A_1092 : memref<64x16xf32, #tpu.memory_space<vmem>>[vector<16xi32>, vector<16xi32>], vector<16xf32>,
      %broadcast_in_dim3A_1093 = arith.constant 3 : i32
      %broadcast_in_dim3A_1094 = vector.broadcast %broadcast_in_dim3A_1093 : i32 to vector<16xi32>
      %gather3A_1095 = tpu.vector_load_idx %arg12[%add3A_1029, %broadcast_in_dim3A_1094] : memref<128x16xf32, #tpu.memory_space<vmem>>[vector<16xi32>, vector<16xi32>], vector<16xf32>,
      %add3A_1096 = arith.constant 64 : i32
      %add3A_1097 = vector.broadcast %add3A_1096 : i32 to vector<16xi32>
      %add3A_1098 = arith.addi %add3A_1029, %add3A_1097 : vector<16xi32>
      %add3A_1099 = arith.constant 4 : i32
      %add3A_1100 = vector.broadcast %add3A_1099 : i32 to vector<16xi32>
      %add3A_1101 = arith.addi %broadcast_in_dim3A_1094, %add3A_1100 : vector<16xi32>
      %gather3A_1102 = tpu.vector_load_idx %arg12[%add3A_1098, %add3A_1101] : memref<128x16xf32, #tpu.memory_space<vmem>>[vector<16xi32>, vector<16xi32>], vector<16xf32>,
      %add3A_1103 = arith.addf %gather3A_1102, %gather3A_1095 : vector<16xf32>
      %ge3A_1104 = arith.constant 0.000000e+00 : f32
      %ge3A_1105 = vector.broadcast %ge3A_1104 : f32 to vector<16xf32>
      %ge3A_1106 = arith.cmpf oge, %add3A_1103, %ge3A_1105 : vector<16xf32>
      %mul3A_1107 = arith.constant 2.000000e-01 : f32
      %mul3A_1108 = vector.broadcast %mul3A_1107 : f32 to vector<16xf32>
      %mul3A_1109 = arith.mulf %mul3A_1108, %add3A_1103 : vector<16xf32>
      %select_n3A_1110 = arith.select %ge3A_1106, %add3A_1103, %mul3A_1109 : vector<16xi1>, vector<16xf32>
      %exp3A_1111 = math.exp %select_n3A_1110 : vector<16xf32>
      tpu.vector_store_idx %arg16[%add3A_1029, %broadcast_in_dim3A_1094], %exp3A_1111 : memref<64x16xf32, #tpu.memory_space<vmem>>[vector<16xi32>, vector<16xi32>], vector<16xf32>,
      %scan3A_1112 = arith.constant 0 : i32
      %scan3A_1113 = arith.constant 0 : i32
      %scan3A_1114 = arith.constant 32 : i32
      %scan3A_1115 = arith.addi %scan3A_1113, %scan3A_1114 : i32
      %scan3A_1116 = arith.constant 1 : i32
      scf.for %scan3A_1140 = %scan3A_1113 to %scan3A_1115 step %scan3A_1116  : i32 {
        %mul3A_1141 = arith.constant 2 : i32
        %mul3A_1142 = arith.muli %mul3A_1141, %scan3A_1140 : i32
        %add3A_1143 = arith.constant 0 : i32
        %add3A_1144 = arith.addi %mul3A_1142, %add3A_1143 : i32
        %broadcast_in_dim3A_1145 = vector.broadcast %add3A_1144 : i32 to vector<16xi32>
        %gather3A_1146 = tpu.vector_load_idx %arg17[%broadcast_in_dim3A_1145] : memref<128xf32, #tpu.memory_space<vmem>>[vector<16xi32>], vector<16xf32>,
        %add3A_1147 = arith.constant 64 : i32
        %add3A_1148 = vector.broadcast %add3A_1147 : i32 to vector<16xi32>
        %add3A_1149 = arith.addi %broadcast_in_dim3A_1145, %add3A_1148 : vector<16xi32>
        %gather3A_1150 = tpu.vector_load_idx %arg17[%add3A_1149] : memref<128xf32, #tpu.memory_space<vmem>>[vector<16xi32>], vector<16xf32>,
        %get3A_1151 = arith.index_cast %add3A_1144 : i32 to index
        %get3A_1152 = arith.constant 0 : index
        %get3A_1153 = tpu.vector_load %arg10[%get3A_1151, %get3A_1152] {strides = array<i32>} : memref<64x128xf32, #tpu.memory_space<vmem>>, vector<16xf32>,
        %mul3A_1154 = arith.mulf %get3A_1153, %gather3A_1146 : vector<16xf32>
        %swap3A_1155 = arith.index_cast %add3A_1144 : i32 to index
        %swap3A_1156 = arith.constant 0 : index
        %swap3A_1157 = tpu.vector_load %arg10[%swap3A_1155, %swap3A_1156] {strides = array<i32>} : memref<64x128xf32, #tpu.memory_space<vmem>>, vector<16xf32>,
        tpu.vector_store %arg10[%swap3A_1155, %swap3A_1156], %mul3A_1154 {strides = array<i32>} : memref<64x128xf32, #tpu.memory_space<vmem>>, vector<16xf32>,
        %get3A_1158 = arith.index_cast %add3A_1144 : i32 to index
        %get3A_1159 = arith.constant 16 : index
        %get3A_1160 = tpu.vector_load %arg10[%get3A_1158, %get3A_1159] {strides = array<i32>} : memref<64x128xf32, #tpu.memory_space<vmem>>, vector<16xf32>,
        %mul3A_1161 = arith.mulf %get3A_1160, %gather3A_1146 : vector<16xf32>
        %swap3A_1162 = arith.index_cast %add3A_1144 : i32 to index
        %swap3A_1163 = arith.constant 16 : index
        %swap3A_1164 = tpu.vector_load %arg10[%swap3A_1162, %swap3A_1163] {strides = array<i32>} : memref<64x128xf32, #tpu.memory_space<vmem>>, vector<16xf32>,
        tpu.vector_store %arg10[%swap3A_1162, %swap3A_1163], %mul3A_1161 {strides = array<i32>} : memref<64x128xf32, #tpu.memory_space<vmem>>, vector<16xf32>,
        %get3A_1165 = arith.index_cast %add3A_1144 : i32 to index
        %get3A_1166 = arith.constant 32 : index
        %get3A_1167 = tpu.vector_load %arg10[%get3A_1165, %get3A_1166] {strides = array<i32>} : memref<64x128xf32, #tpu.memory_space<vmem>>, vector<16xf32>,
        %mul3A_1168 = arith.mulf %get3A_1167, %gather3A_1146 : vector<16xf32>
        %swap3A_1169 = arith.index_cast %add3A_1144 : i32 to index
        %swap3A_1170 = arith.constant 32 : index
        %swap3A_1171 = tpu.vector_load %arg10[%swap3A_1169, %swap3A_1170] {strides = array<i32>} : memref<64x128xf32, #tpu.memory_space<vmem>>, vector<16xf32>,
        tpu.vector_store %arg10[%swap3A_1169, %swap3A_1170], %mul3A_1168 {strides = array<i32>} : memref<64x128xf32, #tpu.memory_space<vmem>>, vector<16xf32>,
        %get3A_1172 = arith.index_cast %add3A_1144 : i32 to index
        %get3A_1173 = arith.constant 48 : index
        %get3A_1174 = tpu.vector_load %arg10[%get3A_1172, %get3A_1173] {strides = array<i32>} : memref<64x128xf32, #tpu.memory_space<vmem>>, vector<16xf32>,
        %mul3A_1175 = arith.mulf %get3A_1174, %gather3A_1146 : vector<16xf32>
        %swap3A_1176 = arith.index_cast %add3A_1144 : i32 to index
        %swap3A_1177 = arith.constant 48 : index
        %swap3A_1178 = tpu.vector_load %arg10[%swap3A_1176, %swap3A_1177] {strides = array<i32>} : memref<64x128xf32, #tpu.memory_space<vmem>>, vector<16xf32>,
        tpu.vector_store %arg10[%swap3A_1176, %swap3A_1177], %mul3A_1175 {strides = array<i32>} : memref<64x128xf32, #tpu.memory_space<vmem>>, vector<16xf32>,
        %get3A_1179 = arith.index_cast %add3A_1144 : i32 to index
        %get3A_1180 = arith.constant 64 : index
        %get3A_1181 = tpu.vector_load %arg10[%get3A_1179, %get3A_1180] {strides = array<i32>} : memref<64x128xf32, #tpu.memory_space<vmem>>, vector<16xf32>,
        %mul3A_1182 = arith.mulf %get3A_1181, %gather3A_1150 : vector<16xf32>
        %swap3A_1183 = arith.index_cast %add3A_1144 : i32 to index
        %swap3A_1184 = arith.constant 64 : index
        %swap3A_1185 = tpu.vector_load %arg10[%swap3A_1183, %swap3A_1184] {strides = array<i32>} : memref<64x128xf32, #tpu.memory_space<vmem>>, vector<16xf32>,
        tpu.vector_store %arg10[%swap3A_1183, %swap3A_1184], %mul3A_1182 {strides = array<i32>} : memref<64x128xf32, #tpu.memory_space<vmem>>, vector<16xf32>,
        %get3A_1186 = arith.index_cast %add3A_1144 : i32 to index
        %get3A_1187 = arith.constant 80 : index
        %get3A_1188 = tpu.vector_load %arg10[%get3A_1186, %get3A_1187] {strides = array<i32>} : memref<64x128xf32, #tpu.memory_space<vmem>>, vector<16xf32>,
        %mul3A_1189 = arith.mulf %get3A_1188, %gather3A_1150 : vector<16xf32>
        %swap3A_1190 = arith.index_cast %add3A_1144 : i32 to index
        %swap3A_1191 = arith.constant 80 : index
        %swap3A_1192 = tpu.vector_load %arg10[%swap3A_1190, %swap3A_1191] {strides = array<i32>} : memref<64x128xf32, #tpu.memory_space<vmem>>, vector<16xf32>,
        tpu.vector_store %arg10[%swap3A_1190, %swap3A_1191], %mul3A_1189 {strides = array<i32>} : memref<64x128xf32, #tpu.memory_space<vmem>>, vector<16xf32>,
        %get3A_1193 = arith.index_cast %add3A_1144 : i32 to index
        %get3A_1194 = arith.constant 96 : index
        %get3A_1195 = tpu.vector_load %arg10[%get3A_1193, %get3A_1194] {strides = array<i32>} : memref<64x128xf32, #tpu.memory_space<vmem>>, vector<16xf32>,
        %mul3A_1196 = arith.mulf %get3A_1195, %gather3A_1150 : vector<16xf32>
        %swap3A_1197 = arith.index_cast %add3A_1144 : i32 to index
        %swap3A_1198 = arith.constant 96 : index
        %swap3A_1199 = tpu.vector_load %arg10[%swap3A_1197, %swap3A_1198] {strides = array<i32>} : memref<64x128xf32, #tpu.memory_space<vmem>>, vector<16xf32>,
        tpu.vector_store %arg10[%swap3A_1197, %swap3A_1198], %mul3A_1196 {strides = array<i32>} : memref<64x128xf32, #tpu.memory_space<vmem>>, vector<16xf32>,
        %get3A_1200 = arith.index_cast %add3A_1144 : i32 to index
        %get3A_1201 = arith.constant 112 : index
        %get3A_1202 = tpu.vector_load %arg10[%get3A_1200, %get3A_1201] {strides = array<i32>} : memref<64x128xf32, #tpu.memory_space<vmem>>, vector<16xf32>,
        %mul3A_1203 = arith.mulf %get3A_1202, %gather3A_1150 : vector<16xf32>
        %swap3A_1204 = arith.index_cast %add3A_1144 : i32 to index
        %swap3A_1205 = arith.constant 112 : index
        %swap3A_1206 = tpu.vector_load %arg10[%swap3A_1204, %swap3A_1205] {strides = array<i32>} : memref<64x128xf32, #tpu.memory_space<vmem>>, vector<16xf32>,
        tpu.vector_store %arg10[%swap3A_1204, %swap3A_1205], %mul3A_1203 {strides = array<i32>} : memref<64x128xf32, #tpu.memory_space<vmem>>, vector<16xf32>,
        %mul3A_1207 = arith.constant 2 : i32
        %mul3A_1208 = arith.muli %mul3A_1207, %scan3A_1140 : i32
        %add3A_1209 = arith.constant 1 : i32
        %add3A_1210 = arith.addi %mul3A_1208, %add3A_1209 : i32
        %broadcast_in_dim3A_1211 = vector.broadcast %add3A_1210 : i32 to vector<16xi32>
        %gather3A_1212 = tpu.vector_load_idx %arg17[%broadcast_in_dim3A_1211] : memref<128xf32, #tpu.memory_space<vmem>>[vector<16xi32>], vector<16xf32>,
        %add3A_1213 = arith.constant 64 : i32
        %add3A_1214 = vector.broadcast %add3A_1213 : i32 to vector<16xi32>
        %add3A_1215 = arith.addi %broadcast_in_dim3A_1211, %add3A_1214 : vector<16xi32>
        %gather3A_1216 = tpu.vector_load_idx %arg17[%add3A_1215] : memref<128xf32, #tpu.memory_space<vmem>>[vector<16xi32>], vector<16xf32>,
        %get3A_1217 = arith.index_cast %add3A_1210 : i32 to index
        %get3A_1218 = arith.constant 0 : index
        %get3A_1219 = tpu.vector_load %arg10[%get3A_1217, %get3A_1218] {strides = array<i32>} : memref<64x128xf32, #tpu.memory_space<vmem>>, vector<16xf32>,
        %mul3A_1220 = arith.mulf %get3A_1219, %gather3A_1212 : vector<16xf32>
        %swap3A_1221 = arith.index_cast %add3A_1210 : i32 to index
        %swap3A_1222 = arith.constant 0 : index
        %swap3A_1223 = tpu.vector_load %arg10[%swap3A_1221, %swap3A_1222] {strides = array<i32>} : memref<64x128xf32, #tpu.memory_space<vmem>>, vector<16xf32>,
        tpu.vector_store %arg10[%swap3A_1221, %swap3A_1222], %mul3A_1220 {strides = array<i32>} : memref<64x128xf32, #tpu.memory_space<vmem>>, vector<16xf32>,
        %get3A_1224 = arith.index_cast %add3A_1210 : i32 to index
        %get3A_1225 = arith.constant 16 : index
        %get3A_1226 = tpu.vector_load %arg10[%get3A_1224, %get3A_1225] {strides = array<i32>} : memref<64x128xf32, #tpu.memory_space<vmem>>, vector<16xf32>,
        %mul3A_1227 = arith.mulf %get3A_1226, %gather3A_1212 : vector<16xf32>
        %swap3A_1228 = arith.index_cast %add3A_1210 : i32 to index
        %swap3A_1229 = arith.constant 16 : index
        %swap3A_1230 = tpu.vector_load %arg10[%swap3A_1228, %swap3A_1229] {strides = array<i32>} : memref<64x128xf32, #tpu.memory_space<vmem>>, vector<16xf32>,
        tpu.vector_store %arg10[%swap3A_1228, %swap3A_1229], %mul3A_1227 {strides = array<i32>} : memref<64x128xf32, #tpu.memory_space<vmem>>, vector<16xf32>,
        %get3A_1231 = arith.index_cast %add3A_1210 : i32 to index
        %get3A_1232 = arith.constant 32 : index
        %get3A_1233 = tpu.vector_load %arg10[%get3A_1231, %get3A_1232] {strides = array<i32>} : memref<64x128xf32, #tpu.memory_space<vmem>>, vector<16xf32>,
        %mul3A_1234 = arith.mulf %get3A_1233, %gather3A_1212 : vector<16xf32>
        %swap3A_1235 = arith.index_cast %add3A_1210 : i32 to index
        %swap3A_1236 = arith.constant 32 : index
        %swap3A_1237 = tpu.vector_load %arg10[%swap3A_1235, %swap3A_1236] {strides = array<i32>} : memref<64x128xf32, #tpu.memory_space<vmem>>, vector<16xf32>,
        tpu.vector_store %arg10[%swap3A_1235, %swap3A_1236], %mul3A_1234 {strides = array<i32>} : memref<64x128xf32, #tpu.memory_space<vmem>>, vector<16xf32>,
        %get3A_1238 = arith.index_cast %add3A_1210 : i32 to index
        %get3A_1239 = arith.constant 48 : index
        %get3A_1240 = tpu.vector_load %arg10[%get3A_1238, %get3A_1239] {strides = array<i32>} : memref<64x128xf32, #tpu.memory_space<vmem>>, vector<16xf32>,
        %mul3A_1241 = arith.mulf %get3A_1240, %gather3A_1212 : vector<16xf32>
        %swap3A_1242 = arith.index_cast %add3A_1210 : i32 to index
        %swap3A_1243 = arith.constant 48 : index
        %swap3A_1244 = tpu.vector_load %arg10[%swap3A_1242, %swap3A_1243] {strides = array<i32>} : memref<64x128xf32, #tpu.memory_space<vmem>>, vector<16xf32>,
        tpu.vector_store %arg10[%swap3A_1242, %swap3A_1243], %mul3A_1241 {strides = array<i32>} : memref<64x128xf32, #tpu.memory_space<vmem>>, vector<16xf32>,
        %get3A_1245 = arith.index_cast %add3A_1210 : i32 to index
        %get3A_1246 = arith.constant 64 : index
        %get3A_1247 = tpu.vector_load %arg10[%get3A_1245, %get3A_1246] {strides = array<i32>} : memref<64x128xf32, #tpu.memory_space<vmem>>, vector<16xf32>,
        %mul3A_1248 = arith.mulf %get3A_1247, %gather3A_1216 : vector<16xf32>
        %swap3A_1249 = arith.index_cast %add3A_1210 : i32 to index
        %swap3A_1250 = arith.constant 64 : index
        %swap3A_1251 = tpu.vector_load %arg10[%swap3A_1249, %swap3A_1250] {strides = array<i32>} : memref<64x128xf32, #tpu.memory_space<vmem>>, vector<16xf32>,
        tpu.vector_store %arg10[%swap3A_1249, %swap3A_1250], %mul3A_1248 {strides = array<i32>} : memref<64x128xf32, #tpu.memory_space<vmem>>, vector<16xf32>,
        %get3A_1252 = arith.index_cast %add3A_1210 : i32 to index
        %get3A_1253 = arith.constant 80 : index
        %get3A_1254 = tpu.vector_load %arg10[%get3A_1252, %get3A_1253] {strides = array<i32>} : memref<64x128xf32, #tpu.memory_space<vmem>>, vector<16xf32>,
        %mul3A_1255 = arith.mulf %get3A_1254, %gather3A_1216 : vector<16xf32>
        %swap3A_1256 = arith.index_cast %add3A_1210 : i32 to index
        %swap3A_1257 = arith.constant 80 : index
        %swap3A_1258 = tpu.vector_load %arg10[%swap3A_1256, %swap3A_1257] {strides = array<i32>} : memref<64x128xf32, #tpu.memory_space<vmem>>, vector<16xf32>,
        tpu.vector_store %arg10[%swap3A_1256, %swap3A_1257], %mul3A_1255 {strides = array<i32>} : memref<64x128xf32, #tpu.memory_space<vmem>>, vector<16xf32>,
        %get3A_1259 = arith.index_cast %add3A_1210 : i32 to index
        %get3A_1260 = arith.constant 96 : index
        %get3A_1261 = tpu.vector_load %arg10[%get3A_1259, %get3A_1260] {strides = array<i32>} : memref<64x128xf32, #tpu.memory_space<vmem>>, vector<16xf32>,
        %mul3A_1262 = arith.mulf %get3A_1261, %gather3A_1216 : vector<16xf32>
        %swap3A_1263 = arith.index_cast %add3A_1210 : i32 to index
        %swap3A_1264 = arith.constant 96 : index
        %swap3A_1265 = tpu.vector_load %arg10[%swap3A_1263, %swap3A_1264] {strides = array<i32>} : memref<64x128xf32, #tpu.memory_space<vmem>>, vector<16xf32>,
        tpu.vector_store %arg10[%swap3A_1263, %swap3A_1264], %mul3A_1262 {strides = array<i32>} : memref<64x128xf32, #tpu.memory_space<vmem>>, vector<16xf32>,
        %get3A_1266 = arith.index_cast %add3A_1210 : i32 to index
        %get3A_1267 = arith.constant 112 : index
        %get3A_1268 = tpu.vector_load %arg10[%get3A_1266, %get3A_1267] {strides = array<i32>} : memref<64x128xf32, #tpu.memory_space<vmem>>, vector<16xf32>,
        %mul3A_1269 = arith.mulf %get3A_1268, %gather3A_1216 : vector<16xf32>
        %swap3A_1270 = arith.index_cast %add3A_1210 : i32 to index
        %swap3A_1271 = arith.constant 112 : index
        %swap3A_1272 = tpu.vector_load %arg10[%swap3A_1270, %swap3A_1271] {strides = array<i32>} : memref<64x128xf32, #tpu.memory_space<vmem>>, vector<16xf32>,
        tpu.vector_store %arg10[%swap3A_1270, %swap3A_1271], %mul3A_1269 {strides = array<i32>} : memref<64x128xf32, #tpu.memory_space<vmem>>, vector<16xf32>,
      }
      %scan3A_1117 = arith.constant 32 : i32
      %dma_start3A_1118 = arith.constant 0 : i32
      %dma_start3A_1119 = arith.constant 0 : i32
      %dma_start3A_1120 = tpu.memref_slice %arg18[%dma_start3A_1118, %dma_start3A_1119] : memref<10240x128xf32, #tpu.memory_space<vmem_shared>> -> memref<10240x128xf32, #tpu.memory_space<vmem_shared>>
      tpu.enqueue_indirect_dma source(%arg10 : memref<64x128xf32, #tpu.memory_space<vmem>>) target(%dma_start3A_1120 : memref<10240x128xf32, #tpu.memory_space<vmem_shared>>) offsets(%arg14 : memref<64xi32, #tpu.memory_space<vmem>>) semaphore(%arg23 : memref<!tpu.dma_semaphore, #tpu.memory_space<semaphore_mem>>) {add = true}
      %dma_start3A_1121 = arith.constant 0 : i32
      %dma_start3A_1122 = arith.constant 0 : i32
      %dma_start3A_1123 = tpu.memref_slice %arg19[%dma_start3A_1121, %dma_start3A_1122] : memref<10240x16xf32, #tpu.memory_space<vmem_shared>> -> memref<10240x16xf32, #tpu.memory_space<vmem_shared>>
      tpu.enqueue_indirect_dma source(%arg16 : memref<64x16xf32, #tpu.memory_space<vmem>>) target(%dma_start3A_1123 : memref<10240x16xf32, #tpu.memory_space<vmem_shared>>) offsets(%arg14 : memref<64xi32, #tpu.memory_space<vmem>>) semaphore(%arg23 : memref<!tpu.dma_semaphore, #tpu.memory_space<semaphore_mem>>) {add = true}
      %dma_wait3A_1124 = arith.constant 0 : i32
      %dma_wait3A_1125 = arith.constant 0 : i32
      %dma_wait3A_1126 = tpu.memref_slice %arg18[%dma_wait3A_1124, %dma_wait3A_1125] : memref<10240x128xf32, #tpu.memory_space<vmem_shared>> -> memref<10240x128xf32, #tpu.memory_space<vmem_shared>>
      tpu.wait_indirect_dma semaphore(%arg22 : memref<!tpu.dma_semaphore, #tpu.memory_space<semaphore_mem>>) src(%arg9 : memref<64x128xf32, #tpu.memory_space<vmem>>) dst(%dma_wait3A_1126 : memref<10240x128xf32, #tpu.memory_space<vmem_shared>>)
      %dma_wait3A_1127 = arith.constant 0 : i32
      %dma_wait3A_1128 = arith.constant 0 : i32
      %dma_wait3A_1129 = tpu.memref_slice %arg19[%dma_wait3A_1127, %dma_wait3A_1128] : memref<10240x16xf32, #tpu.memory_space<vmem_shared>> -> memref<10240x16xf32, #tpu.memory_space<vmem_shared>>
      tpu.wait_indirect_dma semaphore(%arg22 : memref<!tpu.dma_semaphore, #tpu.memory_space<semaphore_mem>>) src(%arg15 : memref<64x16xf32, #tpu.memory_space<vmem>>) dst(%dma_wait3A_1129 : memref<10240x16xf32, #tpu.memory_space<vmem_shared>>)
      %add3A_1130 = arith.constant 1 : i32
      %add3A_1131 = arith.addi %scan3A_324, %add3A_1130 : i32
      %lt3A = arith.constant 42 : i32
      %lt3A_1132 = arith.cmpi slt, %add3A_1131, %lt3A : i32
      %convert_element_type3A = arith.extui %lt3A_1132 : i1 to i32
      %cond3A = arith.constant 0 : i32
      %cond3A_1133 = arith.cmpi ne, %convert_element_type3A, %cond3A : i32
      scf.if %cond3A_1133 {
        %add3A_1140 = arith.constant 2 : i32
        %add3A_1141 = arith.addi %mul3A_326, %add3A_1140 : i32
        %dma_start3A_1142 = arith.constant 0 : i32
        %dma_start3A_1143 = arith.constant 0 : i32
        %dma_start3A_1144 = tpu.memref_slice %arg8[%add3A_1141, %dma_start3A_1142, %dma_start3A_1143] : memref<84x1x128xi32, #tpu.memory_space<vmem>> -> memref<1x1x64xi32, #tpu.memory_space<vmem>>
        %dma_start3A_1145 = tpu.memref_squeeze %dma_start3A_1144 : memref<1x1x64xi32, #tpu.memory_space<vmem>> -> memref<64xi32, #tpu.memory_space<vmem>>
        %dma_start3A_1146 = arith.constant 0 : i32
        %dma_start3A_1147 = arith.constant 0 : i32
        %dma_start3A_1148 = tpu.memref_slice %arg4[%dma_start3A_1146, %dma_start3A_1147] : memref<10240x128xf32, #tpu.memory_space<hbm>> -> memref<10240x128xf32, #tpu.memory_space<hbm>>
        tpu.enqueue_indirect_dma source(%dma_start3A_1148 : memref<10240x128xf32, #tpu.memory_space<hbm>>) target(%arg9 : memref<64x128xf32, #tpu.memory_space<vmem>>) offsets(%dma_start3A_1145 : memref<64xi32, #tpu.memory_space<vmem>>) semaphore(%arg20 : memref<!tpu.dma_semaphore, #tpu.memory_space<semaphore_mem>>)
        %dma_start3A_1149 = arith.constant 0 : i32
        %dma_start3A_1150 = arith.constant 0 : i32
        %dma_start3A_1151 = tpu.memref_slice %arg8[%add3A_1141, %dma_start3A_1149, %dma_start3A_1150] : memref<84x1x128xi32, #tpu.memory_space<vmem>> -> memref<1x1x128xi32, #tpu.memory_space<vmem>>
        %dma_start3A_1152 = tpu.memref_squeeze %dma_start3A_1151 : memref<1x1x128xi32, #tpu.memory_space<vmem>> -> memref<128xi32, #tpu.memory_space<vmem>>
        %dma_start3A_1153 = arith.constant 0 : i32
        %dma_start3A_1154 = arith.constant 0 : i32
        %dma_start3A_1155 = tpu.memref_slice %arg3[%dma_start3A_1153, %dma_start3A_1154] : memref<10240x16xf32, #tpu.memory_space<hbm>> -> memref<10240x16xf32, #tpu.memory_space<hbm>>
        tpu.enqueue_indirect_dma source(%dma_start3A_1155 : memref<10240x16xf32, #tpu.memory_space<hbm>>) target(%arg11 : memref<128x16xf32, #tpu.memory_space<vmem>>) offsets(%dma_start3A_1152 : memref<128xi32, #tpu.memory_space<vmem>>) semaphore(%arg20 : memref<!tpu.dma_semaphore, #tpu.memory_space<semaphore_mem>>)
      } else {
      }
      %dma_wait3A_1134 = arith.constant 0 : i32
      %dma_wait3A_1135 = arith.constant 0 : i32
      %dma_wait3A_1136 = tpu.memref_slice %arg18[%dma_wait3A_1134, %dma_wait3A_1135] : memref<10240x128xf32, #tpu.memory_space<vmem_shared>> -> memref<10240x128xf32, #tpu.memory_space<vmem_shared>>
      tpu.wait_indirect_dma semaphore(%arg23 : memref<!tpu.dma_semaphore, #tpu.memory_space<semaphore_mem>>) src(%arg10 : memref<64x128xf32, #tpu.memory_space<vmem>>) dst(%dma_wait3A_1136 : memref<10240x128xf32, #tpu.memory_space<vmem_shared>>)
      %dma_wait3A_1137 = arith.constant 0 : i32
      %dma_wait3A_1138 = arith.constant 0 : i32
      %dma_wait3A_1139 = tpu.memref_slice %arg19[%dma_wait3A_1137, %dma_wait3A_1138] : memref<10240x16xf32, #tpu.memory_space<vmem_shared>> -> memref<10240x16xf32, #tpu.memory_space<vmem_shared>>
      tpu.wait_indirect_dma semaphore(%arg23 : memref<!tpu.dma_semaphore, #tpu.memory_space<semaphore_mem>>) src(%arg16 : memref<64x16xf32, #tpu.memory_space<vmem>>) dst(%dma_wait3A_1139 : memref<10240x16xf32, #tpu.memory_space<vmem_shared>>)
    }
    %scan3A_113 = arith.constant 42 : i32
    %barrier3A_114 = arith.constant 0 : index
    tpu.barrier barrier_id(%barrier3A_114)
    %mul3A_115 = arith.constant 640 : i32
    %mul3A_116 = arith.muli %arg1, %mul3A_115 : i32
    %add3A_117 = arith.constant 0 : i32
    %add3A_118 = arith.addi %mul3A_116, %add3A_117 : i32
    %run_scoped3A = arith.constant 0 : i32
    "tpu.region"() ({
      %run_scoped3A_324 = tpu.sem_alloc : memref<!tpu.dma_semaphore, #tpu.memory_space<semaphore_mem>>
      %dma_start3A_325 = arith.constant 0 : i32
      %dma_start3A_326 = tpu.memref_slice %arg6[%run_scoped3A, %arg0, %add3A_118, %dma_start3A_325] : memref<2x2x10240x128xf32, #tpu.memory_space<hbm>> -> memref<1x1x64x128xf32, #tpu.memory_space<hbm>>
      %dma_start3A_327 = tpu.memref_squeeze %dma_start3A_326 : memref<1x1x64x128xf32, #tpu.memory_space<hbm>> -> memref<64x128xf32, #tpu.memory_space<hbm>>
      %dma_start3A_328 = arith.constant 0 : i32
      %dma_start3A_329 = tpu.memref_slice %arg18[%add3A_118, %dma_start3A_328] : memref<10240x128xf32, #tpu.memory_space<vmem_shared>> -> memref<64x128xf32, #tpu.memory_space<vmem_shared>>
      tpu.enqueue_dma source(%dma_start3A_329 : memref<64x128xf32, #tpu.memory_space<vmem_shared>>) target(%dma_start3A_327 : memref<64x128xf32, #tpu.memory_space<hbm>>) target_semaphore(%run_scoped3A_324 : memref<!tpu.dma_semaphore, #tpu.memory_space<semaphore_mem>>)
      %dma_wait3A = arith.constant 0 : i32
      %dma_wait3A_330 = tpu.memref_slice %arg6[%run_scoped3A, %arg0, %add3A_118, %dma_wait3A] : memref<2x2x10240x128xf32, #tpu.memory_space<hbm>> -> memref<1x1x64x128xf32, #tpu.memory_space<hbm>>
      %dma_wait3A_331 = tpu.memref_squeeze %dma_wait3A_330 : memref<1x1x64x128xf32, #tpu.memory_space<hbm>> -> memref<64x128xf32, #tpu.memory_space<hbm>>
      %dma_wait3A_332 = arith.constant 0 : i32
      %dma_wait3A_333 = tpu.memref_slice %arg18[%add3A_118, %dma_wait3A_332] : memref<10240x128xf32, #tpu.memory_space<vmem_shared>> -> memref<64x128xf32, #tpu.memory_space<vmem_shared>>
      tpu.wait_dma2 semaphore(%run_scoped3A_324 : memref<!tpu.dma_semaphore, #tpu.memory_space<semaphore_mem>>) src(%dma_wait3A_333 : memref<64x128xf32, #tpu.memory_space<vmem_shared>>) dst(%dma_wait3A_331 : memref<64x128xf32, #tpu.memory_space<hbm>>)
      tpu.yield
    }) : () -> ()
    %mul3A_119 = arith.constant 640 : i32
    %mul3A_120 = arith.muli %arg1, %mul3A_119 : i32
    %add3A_121 = arith.constant 64 : i32
    %add3A_122 = arith.addi %mul3A_120, %add3A_121 : i32
    %run_scoped3A_123 = arith.constant 0 : i32
    "tpu.region"() ({
      %run_scoped3A_324 = tpu.sem_alloc : memref<!tpu.dma_semaphore, #tpu.memory_space<semaphore_mem>>
      %dma_start3A_325 = arith.constant 0 : i32
      %dma_start3A_326 = tpu.memref_slice %arg6[%run_scoped3A_123, %arg0, %add3A_122, %dma_start3A_325] : memref<2x2x10240x128xf32, #tpu.memory_space<hbm>> -> memref<1x1x64x128xf32, #tpu.memory_space<hbm>>
      %dma_start3A_327 = tpu.memref_squeeze %dma_start3A_326 : memref<1x1x64x128xf32, #tpu.memory_space<hbm>> -> memref<64x128xf32, #tpu.memory_space<hbm>>
      %dma_start3A_328 = arith.constant 0 : i32
      %dma_start3A_329 = tpu.memref_slice %arg18[%add3A_122, %dma_start3A_328] : memref<10240x128xf32, #tpu.memory_space<vmem_shared>> -> memref<64x128xf32, #tpu.memory_space<vmem_shared>>
      tpu.enqueue_dma source(%dma_start3A_329 : memref<64x128xf32, #tpu.memory_space<vmem_shared>>) target(%dma_start3A_327 : memref<64x128xf32, #tpu.memory_space<hbm>>) target_semaphore(%run_scoped3A_324 : memref<!tpu.dma_semaphore, #tpu.memory_space<semaphore_mem>>)
      %dma_wait3A = arith.constant 0 : i32
      %dma_wait3A_330 = tpu.memref_slice %arg6[%run_scoped3A_123, %arg0, %add3A_122, %dma_wait3A] : memref<2x2x10240x128xf32, #tpu.memory_space<hbm>> -> memref<1x1x64x128xf32, #tpu.memory_space<hbm>>
      %dma_wait3A_331 = tpu.memref_squeeze %dma_wait3A_330 : memref<1x1x64x128xf32, #tpu.memory_space<hbm>> -> memref<64x128xf32, #tpu.memory_space<hbm>>
      %dma_wait3A_332 = arith.constant 0 : i32
      %dma_wait3A_333 = tpu.memref_slice %arg18[%add3A_122, %dma_wait3A_332] : memref<10240x128xf32, #tpu.memory_space<vmem_shared>> -> memref<64x128xf32, #tpu.memory_space<vmem_shared>>
      tpu.wait_dma2 semaphore(%run_scoped3A_324 : memref<!tpu.dma_semaphore, #tpu.memory_space<semaphore_mem>>) src(%dma_wait3A_333 : memref<64x128xf32, #tpu.memory_space<vmem_shared>>) dst(%dma_wait3A_331 : memref<64x128xf32, #tpu.memory_space<hbm>>)
      tpu.yield
    }) : () -> ()
    %mul3A_124 = arith.constant 640 : i32
    %mul3A_125 = arith.muli %arg1, %mul3A_124 : i32
    %add3A_126 = arith.constant 128 : i32
    %add3A_127 = arith.addi %mul3A_125, %add3A_126 : i32
    %run_scoped3A_128 = arith.constant 0 : i32
    "tpu.region"() ({
      %run_scoped3A_324 = tpu.sem_alloc : memref<!tpu.dma_semaphore, #tpu.memory_space<semaphore_mem>>
      %dma_start3A_325 = arith.constant 0 : i32
      %dma_start3A_326 = tpu.memref_slice %arg6[%run_scoped3A_128, %arg0, %add3A_127, %dma_start3A_325] : memref<2x2x10240x128xf32, #tpu.memory_space<hbm>> -> memref<1x1x64x128xf32, #tpu.memory_space<hbm>>
      %dma_start3A_327 = tpu.memref_squeeze %dma_start3A_326 : memref<1x1x64x128xf32, #tpu.memory_space<hbm>> -> memref<64x128xf32, #tpu.memory_space<hbm>>
      %dma_start3A_328 = arith.constant 0 : i32
      %dma_start3A_329 = tpu.memref_slice %arg18[%add3A_127, %dma_start3A_328] : memref<10240x128xf32, #tpu.memory_space<vmem_shared>> -> memref<64x128xf32, #tpu.memory_space<vmem_shared>>
      tpu.enqueue_dma source(%dma_start3A_329 : memref<64x128xf32, #tpu.memory_space<vmem_shared>>) target(%dma_start3A_327 : memref<64x128xf32, #tpu.memory_space<hbm>>) target_semaphore(%run_scoped3A_324 : memref<!tpu.dma_semaphore, #tpu.memory_space<semaphore_mem>>)
      %dma_wait3A = arith.constant 0 : i32
      %dma_wait3A_330 = tpu.memref_slice %arg6[%run_scoped3A_128, %arg0, %add3A_127, %dma_wait3A] : memref<2x2x10240x128xf32, #tpu.memory_space<hbm>> -> memref<1x1x64x128xf32, #tpu.memory_space<hbm>>
      %dma_wait3A_331 = tpu.memref_squeeze %dma_wait3A_330 : memref<1x1x64x128xf32, #tpu.memory_space<hbm>> -> memref<64x128xf32, #tpu.memory_space<hbm>>
      %dma_wait3A_332 = arith.constant 0 : i32
      %dma_wait3A_333 = tpu.memref_slice %arg18[%add3A_127, %dma_wait3A_332] : memref<10240x128xf32, #tpu.memory_space<vmem_shared>> -> memref<64x128xf32, #tpu.memory_space<vmem_shared>>
      tpu.wait_dma2 semaphore(%run_scoped3A_324 : memref<!tpu.dma_semaphore, #tpu.memory_space<semaphore_mem>>) src(%dma_wait3A_333 : memref<64x128xf32, #tpu.memory_space<vmem_shared>>) dst(%dma_wait3A_331 : memref<64x128xf32, #tpu.memory_space<hbm>>)
      tpu.yield
    }) : () -> ()
    %mul3A_129 = arith.constant 640 : i32
    %mul3A_130 = arith.muli %arg1, %mul3A_129 : i32
    %add3A_131 = arith.constant 192 : i32
    %add3A_132 = arith.addi %mul3A_130, %add3A_131 : i32
    %run_scoped3A_133 = arith.constant 0 : i32
    "tpu.region"() ({
      %run_scoped3A_324 = tpu.sem_alloc : memref<!tpu.dma_semaphore, #tpu.memory_space<semaphore_mem>>
      %dma_start3A_325 = arith.constant 0 : i32
      %dma_start3A_326 = tpu.memref_slice %arg6[%run_scoped3A_133, %arg0, %add3A_132, %dma_start3A_325] : memref<2x2x10240x128xf32, #tpu.memory_space<hbm>> -> memref<1x1x64x128xf32, #tpu.memory_space<hbm>>
      %dma_start3A_327 = tpu.memref_squeeze %dma_start3A_326 : memref<1x1x64x128xf32, #tpu.memory_space<hbm>> -> memref<64x128xf32, #tpu.memory_space<hbm>>
      %dma_start3A_328 = arith.constant 0 : i32
      %dma_start3A_329 = tpu.memref_slice %arg18[%add3A_132, %dma_start3A_328] : memref<10240x128xf32, #tpu.memory_space<vmem_shared>> -> memref<64x128xf32, #tpu.memory_space<vmem_shared>>
      tpu.enqueue_dma source(%dma_start3A_329 : memref<64x128xf32, #tpu.memory_space<vmem_shared>>) target(%dma_start3A_327 : memref<64x128xf32, #tpu.memory_space<hbm>>) target_semaphore(%run_scoped3A_324 : memref<!tpu.dma_semaphore, #tpu.memory_space<semaphore_mem>>)
      %dma_wait3A = arith.constant 0 : i32
      %dma_wait3A_330 = tpu.memref_slice %arg6[%run_scoped3A_133, %arg0, %add3A_132, %dma_wait3A] : memref<2x2x10240x128xf32, #tpu.memory_space<hbm>> -> memref<1x1x64x128xf32, #tpu.memory_space<hbm>>
      %dma_wait3A_331 = tpu.memref_squeeze %dma_wait3A_330 : memref<1x1x64x128xf32, #tpu.memory_space<hbm>> -> memref<64x128xf32, #tpu.memory_space<hbm>>
      %dma_wait3A_332 = arith.constant 0 : i32
      %dma_wait3A_333 = tpu.memref_slice %arg18[%add3A_132, %dma_wait3A_332] : memref<10240x128xf32, #tpu.memory_space<vmem_shared>> -> memref<64x128xf32, #tpu.memory_space<vmem_shared>>
      tpu.wait_dma2 semaphore(%run_scoped3A_324 : memref<!tpu.dma_semaphore, #tpu.memory_space<semaphore_mem>>) src(%dma_wait3A_333 : memref<64x128xf32, #tpu.memory_space<vmem_shared>>) dst(%dma_wait3A_331 : memref<64x128xf32, #tpu.memory_space<hbm>>)
      tpu.yield
    }) : () -> ()
    %mul3A_134 = arith.constant 640 : i32
    %mul3A_135 = arith.muli %arg1, %mul3A_134 : i32
    %add3A_136 = arith.constant 256 : i32
    %add3A_137 = arith.addi %mul3A_135, %add3A_136 : i32
    %run_scoped3A_138 = arith.constant 0 : i32
    "tpu.region"() ({
      %run_scoped3A_324 = tpu.sem_alloc : memref<!tpu.dma_semaphore, #tpu.memory_space<semaphore_mem>>
      %dma_start3A_325 = arith.constant 0 : i32
      %dma_start3A_326 = tpu.memref_slice %arg6[%run_scoped3A_138, %arg0, %add3A_137, %dma_start3A_325] : memref<2x2x10240x128xf32, #tpu.memory_space<hbm>> -> memref<1x1x64x128xf32, #tpu.memory_space<hbm>>
      %dma_start3A_327 = tpu.memref_squeeze %dma_start3A_326 : memref<1x1x64x128xf32, #tpu.memory_space<hbm>> -> memref<64x128xf32, #tpu.memory_space<hbm>>
      %dma_start3A_328 = arith.constant 0 : i32
      %dma_start3A_329 = tpu.memref_slice %arg18[%add3A_137, %dma_start3A_328] : memref<10240x128xf32, #tpu.memory_space<vmem_shared>> -> memref<64x128xf32, #tpu.memory_space<vmem_shared>>
      tpu.enqueue_dma source(%dma_start3A_329 : memref<64x128xf32, #tpu.memory_space<vmem_shared>>) target(%dma_start3A_327 : memref<64x128xf32, #tpu.memory_space<hbm>>) target_semaphore(%run_scoped3A_324 : memref<!tpu.dma_semaphore, #tpu.memory_space<semaphore_mem>>)
      %dma_wait3A = arith.constant 0 : i32
      %dma_wait3A_330 = tpu.memref_slice %arg6[%run_scoped3A_138, %arg0, %add3A_137, %dma_wait3A] : memref<2x2x10240x128xf32, #tpu.memory_space<hbm>> -> memref<1x1x64x128xf32, #tpu.memory_space<hbm>>
      %dma_wait3A_331 = tpu.memref_squeeze %dma_wait3A_330 : memref<1x1x64x128xf32, #tpu.memory_space<hbm>> -> memref<64x128xf32, #tpu.memory_space<hbm>>
      %dma_wait3A_332 = arith.constant 0 : i32
      %dma_wait3A_333 = tpu.memref_slice %arg18[%add3A_137, %dma_wait3A_332] : memref<10240x128xf32, #tpu.memory_space<vmem_shared>> -> memref<64x128xf32, #tpu.memory_space<vmem_shared>>
      tpu.wait_dma2 semaphore(%run_scoped3A_324 : memref<!tpu.dma_semaphore, #tpu.memory_space<semaphore_mem>>) src(%dma_wait3A_333 : memref<64x128xf32, #tpu.memory_space<vmem_shared>>) dst(%dma_wait3A_331 : memref<64x128xf32, #tpu.memory_space<hbm>>)
      tpu.yield
    }) : () -> ()
    %mul3A_139 = arith.constant 640 : i32
    %mul3A_140 = arith.muli %arg1, %mul3A_139 : i32
    %add3A_141 = arith.constant 320 : i32
    %add3A_142 = arith.addi %mul3A_140, %add3A_141 : i32
    %run_scoped3A_143 = arith.constant 0 : i32
    "tpu.region"() ({
      %run_scoped3A_324 = tpu.sem_alloc : memref<!tpu.dma_semaphore, #tpu.memory_space<semaphore_mem>>
      %dma_start3A_325 = arith.constant 0 : i32
      %dma_start3A_326 = tpu.memref_slice %arg6[%run_scoped3A_143, %arg0, %add3A_142, %dma_start3A_325] : memref<2x2x10240x128xf32, #tpu.memory_space<hbm>> -> memref<1x1x64x128xf32, #tpu.memory_space<hbm>>
      %dma_start3A_327 = tpu.memref_squeeze %dma_start3A_326 : memref<1x1x64x128xf32, #tpu.memory_space<hbm>> -> memref<64x128xf32, #tpu.memory_space<hbm>>
      %dma_start3A_328 = arith.constant 0 : i32
      %dma_start3A_329 = tpu.memref_slice %arg18[%add3A_142, %dma_start3A_328] : memref<10240x128xf32, #tpu.memory_space<vmem_shared>> -> memref<64x128xf32, #tpu.memory_space<vmem_shared>>
      tpu.enqueue_dma source(%dma_start3A_329 : memref<64x128xf32, #tpu.memory_space<vmem_shared>>) target(%dma_start3A_327 : memref<64x128xf32, #tpu.memory_space<hbm>>) target_semaphore(%run_scoped3A_324 : memref<!tpu.dma_semaphore, #tpu.memory_space<semaphore_mem>>)
      %dma_wait3A = arith.constant 0 : i32
      %dma_wait3A_330 = tpu.memref_slice %arg6[%run_scoped3A_143, %arg0, %add3A_142, %dma_wait3A] : memref<2x2x10240x128xf32, #tpu.memory_space<hbm>> -> memref<1x1x64x128xf32, #tpu.memory_space<hbm>>
      %dma_wait3A_331 = tpu.memref_squeeze %dma_wait3A_330 : memref<1x1x64x128xf32, #tpu.memory_space<hbm>> -> memref<64x128xf32, #tpu.memory_space<hbm>>
      %dma_wait3A_332 = arith.constant 0 : i32
      %dma_wait3A_333 = tpu.memref_slice %arg18[%add3A_142, %dma_wait3A_332] : memref<10240x128xf32, #tpu.memory_space<vmem_shared>> -> memref<64x128xf32, #tpu.memory_space<vmem_shared>>
      tpu.wait_dma2 semaphore(%run_scoped3A_324 : memref<!tpu.dma_semaphore, #tpu.memory_space<semaphore_mem>>) src(%dma_wait3A_333 : memref<64x128xf32, #tpu.memory_space<vmem_shared>>) dst(%dma_wait3A_331 : memref<64x128xf32, #tpu.memory_space<hbm>>)
      tpu.yield
    }) : () -> ()
    %mul3A_144 = arith.constant 640 : i32
    %mul3A_145 = arith.muli %arg1, %mul3A_144 : i32
    %add3A_146 = arith.constant 384 : i32
    %add3A_147 = arith.addi %mul3A_145, %add3A_146 : i32
    %run_scoped3A_148 = arith.constant 0 : i32
    "tpu.region"() ({
      %run_scoped3A_324 = tpu.sem_alloc : memref<!tpu.dma_semaphore, #tpu.memory_space<semaphore_mem>>
      %dma_start3A_325 = arith.constant 0 : i32
      %dma_start3A_326 = tpu.memref_slice %arg6[%run_scoped3A_148, %arg0, %add3A_147, %dma_start3A_325] : memref<2x2x10240x128xf32, #tpu.memory_space<hbm>> -> memref<1x1x64x128xf32, #tpu.memory_space<hbm>>
      %dma_start3A_327 = tpu.memref_squeeze %dma_start3A_326 : memref<1x1x64x128xf32, #tpu.memory_space<hbm>> -> memref<64x128xf32, #tpu.memory_space<hbm>>
      %dma_start3A_328 = arith.constant 0 : i32
      %dma_start3A_329 = tpu.memref_slice %arg18[%add3A_147, %dma_start3A_328] : memref<10240x128xf32, #tpu.memory_space<vmem_shared>> -> memref<64x128xf32, #tpu.memory_space<vmem_shared>>
      tpu.enqueue_dma source(%dma_start3A_329 : memref<64x128xf32, #tpu.memory_space<vmem_shared>>) target(%dma_start3A_327 : memref<64x128xf32, #tpu.memory_space<hbm>>) target_semaphore(%run_scoped3A_324 : memref<!tpu.dma_semaphore, #tpu.memory_space<semaphore_mem>>)
      %dma_wait3A = arith.constant 0 : i32
      %dma_wait3A_330 = tpu.memref_slice %arg6[%run_scoped3A_148, %arg0, %add3A_147, %dma_wait3A] : memref<2x2x10240x128xf32, #tpu.memory_space<hbm>> -> memref<1x1x64x128xf32, #tpu.memory_space<hbm>>
      %dma_wait3A_331 = tpu.memref_squeeze %dma_wait3A_330 : memref<1x1x64x128xf32, #tpu.memory_space<hbm>> -> memref<64x128xf32, #tpu.memory_space<hbm>>
      %dma_wait3A_332 = arith.constant 0 : i32
      %dma_wait3A_333 = tpu.memref_slice %arg18[%add3A_147, %dma_wait3A_332] : memref<10240x128xf32, #tpu.memory_space<vmem_shared>> -> memref<64x128xf32, #tpu.memory_space<vmem_shared>>
      tpu.wait_dma2 semaphore(%run_scoped3A_324 : memref<!tpu.dma_semaphore, #tpu.memory_space<semaphore_mem>>) src(%dma_wait3A_333 : memref<64x128xf32, #tpu.memory_space<vmem_shared>>) dst(%dma_wait3A_331 : memref<64x128xf32, #tpu.memory_space<hbm>>)
      tpu.yield
    }) : () -> ()
    %mul3A_149 = arith.constant 640 : i32
    %mul3A_150 = arith.muli %arg1, %mul3A_149 : i32
    %add3A_151 = arith.constant 448 : i32
    %add3A_152 = arith.addi %mul3A_150, %add3A_151 : i32
    %run_scoped3A_153 = arith.constant 0 : i32
    "tpu.region"() ({
      %run_scoped3A_324 = tpu.sem_alloc : memref<!tpu.dma_semaphore, #tpu.memory_space<semaphore_mem>>
      %dma_start3A_325 = arith.constant 0 : i32
      %dma_start3A_326 = tpu.memref_slice %arg6[%run_scoped3A_153, %arg0, %add3A_152, %dma_start3A_325] : memref<2x2x10240x128xf32, #tpu.memory_space<hbm>> -> memref<1x1x64x128xf32, #tpu.memory_space<hbm>>
      %dma_start3A_327 = tpu.memref_squeeze %dma_start3A_326 : memref<1x1x64x128xf32, #tpu.memory_space<hbm>> -> memref<64x128xf32, #tpu.memory_space<hbm>>
      %dma_start3A_328 = arith.constant 0 : i32
      %dma_start3A_329 = tpu.memref_slice %arg18[%add3A_152, %dma_start3A_328] : memref<10240x128xf32, #tpu.memory_space<vmem_shared>> -> memref<64x128xf32, #tpu.memory_space<vmem_shared>>
      tpu.enqueue_dma source(%dma_start3A_329 : memref<64x128xf32, #tpu.memory_space<vmem_shared>>) target(%dma_start3A_327 : memref<64x128xf32, #tpu.memory_space<hbm>>) target_semaphore(%run_scoped3A_324 : memref<!tpu.dma_semaphore, #tpu.memory_space<semaphore_mem>>)
      %dma_wait3A = arith.constant 0 : i32
      %dma_wait3A_330 = tpu.memref_slice %arg6[%run_scoped3A_153, %arg0, %add3A_152, %dma_wait3A] : memref<2x2x10240x128xf32, #tpu.memory_space<hbm>> -> memref<1x1x64x128xf32, #tpu.memory_space<hbm>>
      %dma_wait3A_331 = tpu.memref_squeeze %dma_wait3A_330 : memref<1x1x64x128xf32, #tpu.memory_space<hbm>> -> memref<64x128xf32, #tpu.memory_space<hbm>>
      %dma_wait3A_332 = arith.constant 0 : i32
      %dma_wait3A_333 = tpu.memref_slice %arg18[%add3A_152, %dma_wait3A_332] : memref<10240x128xf32, #tpu.memory_space<vmem_shared>> -> memref<64x128xf32, #tpu.memory_space<vmem_shared>>
      tpu.wait_dma2 semaphore(%run_scoped3A_324 : memref<!tpu.dma_semaphore, #tpu.memory_space<semaphore_mem>>) src(%dma_wait3A_333 : memref<64x128xf32, #tpu.memory_space<vmem_shared>>) dst(%dma_wait3A_331 : memref<64x128xf32, #tpu.memory_space<hbm>>)
      tpu.yield
    }) : () -> ()
    %mul3A_154 = arith.constant 640 : i32
    %mul3A_155 = arith.muli %arg1, %mul3A_154 : i32
    %add3A_156 = arith.constant 512 : i32
    %add3A_157 = arith.addi %mul3A_155, %add3A_156 : i32
    %run_scoped3A_158 = arith.constant 0 : i32
    "tpu.region"() ({
      %run_scoped3A_324 = tpu.sem_alloc : memref<!tpu.dma_semaphore, #tpu.memory_space<semaphore_mem>>
      %dma_start3A_325 = arith.constant 0 : i32
      %dma_start3A_326 = tpu.memref_slice %arg6[%run_scoped3A_158, %arg0, %add3A_157, %dma_start3A_325] : memref<2x2x10240x128xf32, #tpu.memory_space<hbm>> -> memref<1x1x64x128xf32, #tpu.memory_space<hbm>>
      %dma_start3A_327 = tpu.memref_squeeze %dma_start3A_326 : memref<1x1x64x128xf32, #tpu.memory_space<hbm>> -> memref<64x128xf32, #tpu.memory_space<hbm>>
      %dma_start3A_328 = arith.constant 0 : i32
      %dma_start3A_329 = tpu.memref_slice %arg18[%add3A_157, %dma_start3A_328] : memref<10240x128xf32, #tpu.memory_space<vmem_shared>> -> memref<64x128xf32, #tpu.memory_space<vmem_shared>>
      tpu.enqueue_dma source(%dma_start3A_329 : memref<64x128xf32, #tpu.memory_space<vmem_shared>>) target(%dma_start3A_327 : memref<64x128xf32, #tpu.memory_space<hbm>>) target_semaphore(%run_scoped3A_324 : memref<!tpu.dma_semaphore, #tpu.memory_space<semaphore_mem>>)
      %dma_wait3A = arith.constant 0 : i32
      %dma_wait3A_330 = tpu.memref_slice %arg6[%run_scoped3A_158, %arg0, %add3A_157, %dma_wait3A] : memref<2x2x10240x128xf32, #tpu.memory_space<hbm>> -> memref<1x1x64x128xf32, #tpu.memory_space<hbm>>
      %dma_wait3A_331 = tpu.memref_squeeze %dma_wait3A_330 : memref<1x1x64x128xf32, #tpu.memory_space<hbm>> -> memref<64x128xf32, #tpu.memory_space<hbm>>
      %dma_wait3A_332 = arith.constant 0 : i32
      %dma_wait3A_333 = tpu.memref_slice %arg18[%add3A_157, %dma_wait3A_332] : memref<10240x128xf32, #tpu.memory_space<vmem_shared>> -> memref<64x128xf32, #tpu.memory_space<vmem_shared>>
      tpu.wait_dma2 semaphore(%run_scoped3A_324 : memref<!tpu.dma_semaphore, #tpu.memory_space<semaphore_mem>>) src(%dma_wait3A_333 : memref<64x128xf32, #tpu.memory_space<vmem_shared>>) dst(%dma_wait3A_331 : memref<64x128xf32, #tpu.memory_space<hbm>>)
      tpu.yield
    }) : () -> ()
    %mul3A_159 = arith.constant 640 : i32
    %mul3A_160 = arith.muli %arg1, %mul3A_159 : i32
    %add3A_161 = arith.constant 576 : i32
    %add3A_162 = arith.addi %mul3A_160, %add3A_161 : i32
    %run_scoped3A_163 = arith.constant 0 : i32
    "tpu.region"() ({
      %run_scoped3A_324 = tpu.sem_alloc : memref<!tpu.dma_semaphore, #tpu.memory_space<semaphore_mem>>
      %dma_start3A_325 = arith.constant 0 : i32
      %dma_start3A_326 = tpu.memref_slice %arg6[%run_scoped3A_163, %arg0, %add3A_162, %dma_start3A_325] : memref<2x2x10240x128xf32, #tpu.memory_space<hbm>> -> memref<1x1x64x128xf32, #tpu.memory_space<hbm>>
      %dma_start3A_327 = tpu.memref_squeeze %dma_start3A_326 : memref<1x1x64x128xf32, #tpu.memory_space<hbm>> -> memref<64x128xf32, #tpu.memory_space<hbm>>
      %dma_start3A_328 = arith.constant 0 : i32
      %dma_start3A_329 = tpu.memref_slice %arg18[%add3A_162, %dma_start3A_328] : memref<10240x128xf32, #tpu.memory_space<vmem_shared>> -> memref<64x128xf32, #tpu.memory_space<vmem_shared>>
      tpu.enqueue_dma source(%dma_start3A_329 : memref<64x128xf32, #tpu.memory_space<vmem_shared>>) target(%dma_start3A_327 : memref<64x128xf32, #tpu.memory_space<hbm>>) target_semaphore(%run_scoped3A_324 : memref<!tpu.dma_semaphore, #tpu.memory_space<semaphore_mem>>)
      %dma_wait3A = arith.constant 0 : i32
      %dma_wait3A_330 = tpu.memref_slice %arg6[%run_scoped3A_163, %arg0, %add3A_162, %dma_wait3A] : memref<2x2x10240x128xf32, #tpu.memory_space<hbm>> -> memref<1x1x64x128xf32, #tpu.memory_space<hbm>>
      %dma_wait3A_331 = tpu.memref_squeeze %dma_wait3A_330 : memref<1x1x64x128xf32, #tpu.memory_space<hbm>> -> memref<64x128xf32, #tpu.memory_space<hbm>>
      %dma_wait3A_332 = arith.constant 0 : i32
      %dma_wait3A_333 = tpu.memref_slice %arg18[%add3A_162, %dma_wait3A_332] : memref<10240x128xf32, #tpu.memory_space<vmem_shared>> -> memref<64x128xf32, #tpu.memory_space<vmem_shared>>
      tpu.wait_dma2 semaphore(%run_scoped3A_324 : memref<!tpu.dma_semaphore, #tpu.memory_space<semaphore_mem>>) src(%dma_wait3A_333 : memref<64x128xf32, #tpu.memory_space<vmem_shared>>) dst(%dma_wait3A_331 : memref<64x128xf32, #tpu.memory_space<hbm>>)
      tpu.yield
    }) : () -> ()
    %scan3A_164 = arith.constant 0 : i32
    %scan3A_165 = arith.constant 0 : i32
    %scan3A_166 = arith.constant 64 : i32
    %scan3A_167 = arith.addi %scan3A_165, %scan3A_166 : i32
    %scan3A_168 = arith.constant 1 : i32
    scf.for %scan3A_324 = %scan3A_165 to %scan3A_167 step %scan3A_168  : i32 {
      %swap3A = arith.index_cast %scan3A_324 : i32 to index
      %swap3A_325 = arith.constant 0 : index
      %swap3A_326 = tpu.vector_load %arg9[%swap3A, %swap3A_325] {strides = array<i32>} : memref<64x128xf32, #tpu.memory_space<vmem>>, vector<16xf32>,
      tpu.vector_store %arg9[%swap3A, %swap3A_325], %broadcast_in_dim3A_1 {strides = array<i32>} : memref<64x128xf32, #tpu.memory_space<vmem>>, vector<16xf32>,
      %swap3A_327 = arith.index_cast %scan3A_324 : i32 to index
      %swap3A_328 = arith.constant 16 : index
      %swap3A_329 = tpu.vector_load %arg9[%swap3A_327, %swap3A_328] {strides = array<i32>} : memref<64x128xf32, #tpu.memory_space<vmem>>, vector<16xf32>,
      tpu.vector_store %arg9[%swap3A_327, %swap3A_328], %broadcast_in_dim3A_1 {strides = array<i32>} : memref<64x128xf32, #tpu.memory_space<vmem>>, vector<16xf32>,
      %swap3A_330 = arith.index_cast %scan3A_324 : i32 to index
      %swap3A_331 = arith.constant 32 : index
      %swap3A_332 = tpu.vector_load %arg9[%swap3A_330, %swap3A_331] {strides = array<i32>} : memref<64x128xf32, #tpu.memory_space<vmem>>, vector<16xf32>,
      tpu.vector_store %arg9[%swap3A_330, %swap3A_331], %broadcast_in_dim3A_1 {strides = array<i32>} : memref<64x128xf32, #tpu.memory_space<vmem>>, vector<16xf32>,
      %swap3A_333 = arith.index_cast %scan3A_324 : i32 to index
      %swap3A_334 = arith.constant 48 : index
      %swap3A_335 = tpu.vector_load %arg9[%swap3A_333, %swap3A_334] {strides = array<i32>} : memref<64x128xf32, #tpu.memory_space<vmem>>, vector<16xf32>,
      tpu.vector_store %arg9[%swap3A_333, %swap3A_334], %broadcast_in_dim3A_1 {strides = array<i32>} : memref<64x128xf32, #tpu.memory_space<vmem>>, vector<16xf32>,
      %swap3A_336 = arith.index_cast %scan3A_324 : i32 to index
      %swap3A_337 = arith.constant 64 : index
      %swap3A_338 = tpu.vector_load %arg9[%swap3A_336, %swap3A_337] {strides = array<i32>} : memref<64x128xf32, #tpu.memory_space<vmem>>, vector<16xf32>,
      tpu.vector_store %arg9[%swap3A_336, %swap3A_337], %broadcast_in_dim3A_1 {strides = array<i32>} : memref<64x128xf32, #tpu.memory_space<vmem>>, vector<16xf32>,
      %swap3A_339 = arith.index_cast %scan3A_324 : i32 to index
      %swap3A_340 = arith.constant 80 : index
      %swap3A_341 = tpu.vector_load %arg9[%swap3A_339, %swap3A_340] {strides = array<i32>} : memref<64x128xf32, #tpu.memory_space<vmem>>, vector<16xf32>,
      tpu.vector_store %arg9[%swap3A_339, %swap3A_340], %broadcast_in_dim3A_1 {strides = array<i32>} : memref<64x128xf32, #tpu.memory_space<vmem>>, vector<16xf32>,
      %swap3A_342 = arith.index_cast %scan3A_324 : i32 to index
      %swap3A_343 = arith.constant 96 : index
      %swap3A_344 = tpu.vector_load %arg9[%swap3A_342, %swap3A_343] {strides = array<i32>} : memref<64x128xf32, #tpu.memory_space<vmem>>, vector<16xf32>,
      tpu.vector_store %arg9[%swap3A_342, %swap3A_343], %broadcast_in_dim3A_1 {strides = array<i32>} : memref<64x128xf32, #tpu.memory_space<vmem>>, vector<16xf32>,
      %swap3A_345 = arith.index_cast %scan3A_324 : i32 to index
      %swap3A_346 = arith.constant 112 : index
      %swap3A_347 = tpu.vector_load %arg9[%swap3A_345, %swap3A_346] {strides = array<i32>} : memref<64x128xf32, #tpu.memory_space<vmem>>, vector<16xf32>,
      tpu.vector_store %arg9[%swap3A_345, %swap3A_346], %broadcast_in_dim3A_1 {strides = array<i32>} : memref<64x128xf32, #tpu.memory_space<vmem>>, vector<16xf32>,
    }
    %scan3A_169 = arith.constant 64 : i32
    %mul3A_170 = arith.constant 640 : i32
    %mul3A_171 = arith.muli %arg1, %mul3A_170 : i32
    %add3A_172 = arith.constant 0 : i32
    %add3A_173 = arith.addi %mul3A_171, %add3A_172 : i32
    "tpu.region"() ({
      %run_scoped3A_324 = tpu.sem_alloc : memref<!tpu.dma_semaphore, #tpu.memory_space<semaphore_mem>>
      %dma_start3A_325 = arith.constant 0 : i32
      %dma_start3A_326 = tpu.memref_slice %arg18[%add3A_173, %dma_start3A_325] : memref<10240x128xf32, #tpu.memory_space<vmem_shared>> -> memref<64x128xf32, #tpu.memory_space<vmem_shared>>
      %dma_start3A_327 = arith.constant 0 : i32
      %dma_start3A_328 = tpu.memref_slice %arg18[%add3A_173, %dma_start3A_327] : memref<10240x128xf32, #tpu.memory_space<vmem_shared>> -> memref<64x128xf32, #tpu.memory_space<vmem_shared>>
      tpu.enqueue_dma source(%arg9 : memref<64x128xf32, #tpu.memory_space<vmem>>) target(%dma_start3A_328 : memref<64x128xf32, #tpu.memory_space<vmem_shared>>) target_semaphore(%run_scoped3A_324 : memref<!tpu.dma_semaphore, #tpu.memory_space<semaphore_mem>>)
      %dma_wait3A = arith.constant 0 : i32
      %dma_wait3A_329 = tpu.memref_slice %arg18[%add3A_173, %dma_wait3A] : memref<10240x128xf32, #tpu.memory_space<vmem_shared>> -> memref<64x128xf32, #tpu.memory_space<vmem_shared>>
      %dma_wait3A_330 = arith.constant 0 : i32
      %dma_wait3A_331 = tpu.memref_slice %arg18[%add3A_173, %dma_wait3A_330] : memref<10240x128xf32, #tpu.memory_space<vmem_shared>> -> memref<64x128xf32, #tpu.memory_space<vmem_shared>>
      tpu.wait_dma2 semaphore(%run_scoped3A_324 : memref<!tpu.dma_semaphore, #tpu.memory_space<semaphore_mem>>) src(%arg9 : memref<64x128xf32, #tpu.memory_space<vmem>>) dst(%dma_wait3A_331 : memref<64x128xf32, #tpu.memory_space<vmem_shared>>)
      tpu.yield
    }) : () -> ()
    %mul3A_174 = arith.constant 640 : i32
    %mul3A_175 = arith.muli %arg1, %mul3A_174 : i32
    %add3A_176 = arith.constant 64 : i32
    %add3A_177 = arith.addi %mul3A_175, %add3A_176 : i32
    "tpu.region"() ({
      %run_scoped3A_324 = tpu.sem_alloc : memref<!tpu.dma_semaphore, #tpu.memory_space<semaphore_mem>>
      %dma_start3A_325 = arith.constant 0 : i32
      %dma_start3A_326 = tpu.memref_slice %arg18[%add3A_177, %dma_start3A_325] : memref<10240x128xf32, #tpu.memory_space<vmem_shared>> -> memref<64x128xf32, #tpu.memory_space<vmem_shared>>
      %dma_start3A_327 = arith.constant 0 : i32
      %dma_start3A_328 = tpu.memref_slice %arg18[%add3A_177, %dma_start3A_327] : memref<10240x128xf32, #tpu.memory_space<vmem_shared>> -> memref<64x128xf32, #tpu.memory_space<vmem_shared>>
      tpu.enqueue_dma source(%arg9 : memref<64x128xf32, #tpu.memory_space<vmem>>) target(%dma_start3A_328 : memref<64x128xf32, #tpu.memory_space<vmem_shared>>) target_semaphore(%run_scoped3A_324 : memref<!tpu.dma_semaphore, #tpu.memory_space<semaphore_mem>>)
      %dma_wait3A = arith.constant 0 : i32
      %dma_wait3A_329 = tpu.memref_slice %arg18[%add3A_177, %dma_wait3A] : memref<10240x128xf32, #tpu.memory_space<vmem_shared>> -> memref<64x128xf32, #tpu.memory_space<vmem_shared>>
      %dma_wait3A_330 = arith.constant 0 : i32
      %dma_wait3A_331 = tpu.memref_slice %arg18[%add3A_177, %dma_wait3A_330] : memref<10240x128xf32, #tpu.memory_space<vmem_shared>> -> memref<64x128xf32, #tpu.memory_space<vmem_shared>>
      tpu.wait_dma2 semaphore(%run_scoped3A_324 : memref<!tpu.dma_semaphore, #tpu.memory_space<semaphore_mem>>) src(%arg9 : memref<64x128xf32, #tpu.memory_space<vmem>>) dst(%dma_wait3A_331 : memref<64x128xf32, #tpu.memory_space<vmem_shared>>)
      tpu.yield
    }) : () -> ()
    %mul3A_178 = arith.constant 640 : i32
    %mul3A_179 = arith.muli %arg1, %mul3A_178 : i32
    %add3A_180 = arith.constant 128 : i32
    %add3A_181 = arith.addi %mul3A_179, %add3A_180 : i32
    "tpu.region"() ({
      %run_scoped3A_324 = tpu.sem_alloc : memref<!tpu.dma_semaphore, #tpu.memory_space<semaphore_mem>>
      %dma_start3A_325 = arith.constant 0 : i32
      %dma_start3A_326 = tpu.memref_slice %arg18[%add3A_181, %dma_start3A_325] : memref<10240x128xf32, #tpu.memory_space<vmem_shared>> -> memref<64x128xf32, #tpu.memory_space<vmem_shared>>
      %dma_start3A_327 = arith.constant 0 : i32
      %dma_start3A_328 = tpu.memref_slice %arg18[%add3A_181, %dma_start3A_327] : memref<10240x128xf32, #tpu.memory_space<vmem_shared>> -> memref<64x128xf32, #tpu.memory_space<vmem_shared>>
      tpu.enqueue_dma source(%arg9 : memref<64x128xf32, #tpu.memory_space<vmem>>) target(%dma_start3A_328 : memref<64x128xf32, #tpu.memory_space<vmem_shared>>) target_semaphore(%run_scoped3A_324 : memref<!tpu.dma_semaphore, #tpu.memory_space<semaphore_mem>>)
      %dma_wait3A = arith.constant 0 : i32
      %dma_wait3A_329 = tpu.memref_slice %arg18[%add3A_181, %dma_wait3A] : memref<10240x128xf32, #tpu.memory_space<vmem_shared>> -> memref<64x128xf32, #tpu.memory_space<vmem_shared>>
      %dma_wait3A_330 = arith.constant 0 : i32
      %dma_wait3A_331 = tpu.memref_slice %arg18[%add3A_181, %dma_wait3A_330] : memref<10240x128xf32, #tpu.memory_space<vmem_shared>> -> memref<64x128xf32, #tpu.memory_space<vmem_shared>>
      tpu.wait_dma2 semaphore(%run_scoped3A_324 : memref<!tpu.dma_semaphore, #tpu.memory_space<semaphore_mem>>) src(%arg9 : memref<64x128xf32, #tpu.memory_space<vmem>>) dst(%dma_wait3A_331 : memref<64x128xf32, #tpu.memory_space<vmem_shared>>)
      tpu.yield
    }) : () -> ()
    %mul3A_182 = arith.constant 640 : i32
    %mul3A_183 = arith.muli %arg1, %mul3A_182 : i32
    %add3A_184 = arith.constant 192 : i32
    %add3A_185 = arith.addi %mul3A_183, %add3A_184 : i32
    "tpu.region"() ({
      %run_scoped3A_324 = tpu.sem_alloc : memref<!tpu.dma_semaphore, #tpu.memory_space<semaphore_mem>>
      %dma_start3A_325 = arith.constant 0 : i32
      %dma_start3A_326 = tpu.memref_slice %arg18[%add3A_185, %dma_start3A_325] : memref<10240x128xf32, #tpu.memory_space<vmem_shared>> -> memref<64x128xf32, #tpu.memory_space<vmem_shared>>
      %dma_start3A_327 = arith.constant 0 : i32
      %dma_start3A_328 = tpu.memref_slice %arg18[%add3A_185, %dma_start3A_327] : memref<10240x128xf32, #tpu.memory_space<vmem_shared>> -> memref<64x128xf32, #tpu.memory_space<vmem_shared>>
      tpu.enqueue_dma source(%arg9 : memref<64x128xf32, #tpu.memory_space<vmem>>) target(%dma_start3A_328 : memref<64x128xf32, #tpu.memory_space<vmem_shared>>) target_semaphore(%run_scoped3A_324 : memref<!tpu.dma_semaphore, #tpu.memory_space<semaphore_mem>>)
      %dma_wait3A = arith.constant 0 : i32
      %dma_wait3A_329 = tpu.memref_slice %arg18[%add3A_185, %dma_wait3A] : memref<10240x128xf32, #tpu.memory_space<vmem_shared>> -> memref<64x128xf32, #tpu.memory_space<vmem_shared>>
      %dma_wait3A_330 = arith.constant 0 : i32
      %dma_wait3A_331 = tpu.memref_slice %arg18[%add3A_185, %dma_wait3A_330] : memref<10240x128xf32, #tpu.memory_space<vmem_shared>> -> memref<64x128xf32, #tpu.memory_space<vmem_shared>>
      tpu.wait_dma2 semaphore(%run_scoped3A_324 : memref<!tpu.dma_semaphore, #tpu.memory_space<semaphore_mem>>) src(%arg9 : memref<64x128xf32, #tpu.memory_space<vmem>>) dst(%dma_wait3A_331 : memref<64x128xf32, #tpu.memory_space<vmem_shared>>)
      tpu.yield
    }) : () -> ()
    %mul3A_186 = arith.constant 640 : i32
    %mul3A_187 = arith.muli %arg1, %mul3A_186 : i32
    %add3A_188 = arith.constant 256 : i32
    %add3A_189 = arith.addi %mul3A_187, %add3A_188 : i32
    "tpu.region"() ({
      %run_scoped3A_324 = tpu.sem_alloc : memref<!tpu.dma_semaphore, #tpu.memory_space<semaphore_mem>>
      %dma_start3A_325 = arith.constant 0 : i32
      %dma_start3A_326 = tpu.memref_slice %arg18[%add3A_189, %dma_start3A_325] : memref<10240x128xf32, #tpu.memory_space<vmem_shared>> -> memref<64x128xf32, #tpu.memory_space<vmem_shared>>
      %dma_start3A_327 = arith.constant 0 : i32
      %dma_start3A_328 = tpu.memref_slice %arg18[%add3A_189, %dma_start3A_327] : memref<10240x128xf32, #tpu.memory_space<vmem_shared>> -> memref<64x128xf32, #tpu.memory_space<vmem_shared>>
      tpu.enqueue_dma source(%arg9 : memref<64x128xf32, #tpu.memory_space<vmem>>) target(%dma_start3A_328 : memref<64x128xf32, #tpu.memory_space<vmem_shared>>) target_semaphore(%run_scoped3A_324 : memref<!tpu.dma_semaphore, #tpu.memory_space<semaphore_mem>>)
      %dma_wait3A = arith.constant 0 : i32
      %dma_wait3A_329 = tpu.memref_slice %arg18[%add3A_189, %dma_wait3A] : memref<10240x128xf32, #tpu.memory_space<vmem_shared>> -> memref<64x128xf32, #tpu.memory_space<vmem_shared>>
      %dma_wait3A_330 = arith.constant 0 : i32
      %dma_wait3A_331 = tpu.memref_slice %arg18[%add3A_189, %dma_wait3A_330] : memref<10240x128xf32, #tpu.memory_space<vmem_shared>> -> memref<64x128xf32, #tpu.memory_space<vmem_shared>>
      tpu.wait_dma2 semaphore(%run_scoped3A_324 : memref<!tpu.dma_semaphore, #tpu.memory_space<semaphore_mem>>) src(%arg9 : memref<64x128xf32, #tpu.memory_space<vmem>>) dst(%dma_wait3A_331 : memref<64x128xf32, #tpu.memory_space<vmem_shared>>)
      tpu.yield
    }) : () -> ()
    %mul3A_190 = arith.constant 640 : i32
    %mul3A_191 = arith.muli %arg1, %mul3A_190 : i32
    %add3A_192 = arith.constant 320 : i32
    %add3A_193 = arith.addi %mul3A_191, %add3A_192 : i32
    "tpu.region"() ({
      %run_scoped3A_324 = tpu.sem_alloc : memref<!tpu.dma_semaphore, #tpu.memory_space<semaphore_mem>>
      %dma_start3A_325 = arith.constant 0 : i32
      %dma_start3A_326 = tpu.memref_slice %arg18[%add3A_193, %dma_start3A_325] : memref<10240x128xf32, #tpu.memory_space<vmem_shared>> -> memref<64x128xf32, #tpu.memory_space<vmem_shared>>
      %dma_start3A_327 = arith.constant 0 : i32
      %dma_start3A_328 = tpu.memref_slice %arg18[%add3A_193, %dma_start3A_327] : memref<10240x128xf32, #tpu.memory_space<vmem_shared>> -> memref<64x128xf32, #tpu.memory_space<vmem_shared>>
      tpu.enqueue_dma source(%arg9 : memref<64x128xf32, #tpu.memory_space<vmem>>) target(%dma_start3A_328 : memref<64x128xf32, #tpu.memory_space<vmem_shared>>) target_semaphore(%run_scoped3A_324 : memref<!tpu.dma_semaphore, #tpu.memory_space<semaphore_mem>>)
      %dma_wait3A = arith.constant 0 : i32
      %dma_wait3A_329 = tpu.memref_slice %arg18[%add3A_193, %dma_wait3A] : memref<10240x128xf32, #tpu.memory_space<vmem_shared>> -> memref<64x128xf32, #tpu.memory_space<vmem_shared>>
      %dma_wait3A_330 = arith.constant 0 : i32
      %dma_wait3A_331 = tpu.memref_slice %arg18[%add3A_193, %dma_wait3A_330] : memref<10240x128xf32, #tpu.memory_space<vmem_shared>> -> memref<64x128xf32, #tpu.memory_space<vmem_shared>>
      tpu.wait_dma2 semaphore(%run_scoped3A_324 : memref<!tpu.dma_semaphore, #tpu.memory_space<semaphore_mem>>) src(%arg9 : memref<64x128xf32, #tpu.memory_space<vmem>>) dst(%dma_wait3A_331 : memref<64x128xf32, #tpu.memory_space<vmem_shared>>)
      tpu.yield
    }) : () -> ()
    %mul3A_194 = arith.constant 640 : i32
    %mul3A_195 = arith.muli %arg1, %mul3A_194 : i32
    %add3A_196 = arith.constant 384 : i32
    %add3A_197 = arith.addi %mul3A_195, %add3A_196 : i32
    "tpu.region"() ({
      %run_scoped3A_324 = tpu.sem_alloc : memref<!tpu.dma_semaphore, #tpu.memory_space<semaphore_mem>>
      %dma_start3A_325 = arith.constant 0 : i32
      %dma_start3A_326 = tpu.memref_slice %arg18[%add3A_197, %dma_start3A_325] : memref<10240x128xf32, #tpu.memory_space<vmem_shared>> -> memref<64x128xf32, #tpu.memory_space<vmem_shared>>
      %dma_start3A_327 = arith.constant 0 : i32
      %dma_start3A_328 = tpu.memref_slice %arg18[%add3A_197, %dma_start3A_327] : memref<10240x128xf32, #tpu.memory_space<vmem_shared>> -> memref<64x128xf32, #tpu.memory_space<vmem_shared>>
      tpu.enqueue_dma source(%arg9 : memref<64x128xf32, #tpu.memory_space<vmem>>) target(%dma_start3A_328 : memref<64x128xf32, #tpu.memory_space<vmem_shared>>) target_semaphore(%run_scoped3A_324 : memref<!tpu.dma_semaphore, #tpu.memory_space<semaphore_mem>>)
      %dma_wait3A = arith.constant 0 : i32
      %dma_wait3A_329 = tpu.memref_slice %arg18[%add3A_197, %dma_wait3A] : memref<10240x128xf32, #tpu.memory_space<vmem_shared>> -> memref<64x128xf32, #tpu.memory_space<vmem_shared>>
      %dma_wait3A_330 = arith.constant 0 : i32
      %dma_wait3A_331 = tpu.memref_slice %arg18[%add3A_197, %dma_wait3A_330] : memref<10240x128xf32, #tpu.memory_space<vmem_shared>> -> memref<64x128xf32, #tpu.memory_space<vmem_shared>>
      tpu.wait_dma2 semaphore(%run_scoped3A_324 : memref<!tpu.dma_semaphore, #tpu.memory_space<semaphore_mem>>) src(%arg9 : memref<64x128xf32, #tpu.memory_space<vmem>>) dst(%dma_wait3A_331 : memref<64x128xf32, #tpu.memory_space<vmem_shared>>)
      tpu.yield
    }) : () -> ()
    %mul3A_198 = arith.constant 640 : i32
    %mul3A_199 = arith.muli %arg1, %mul3A_198 : i32
    %add3A_200 = arith.constant 448 : i32
    %add3A_201 = arith.addi %mul3A_199, %add3A_200 : i32
    "tpu.region"() ({
      %run_scoped3A_324 = tpu.sem_alloc : memref<!tpu.dma_semaphore, #tpu.memory_space<semaphore_mem>>
      %dma_start3A_325 = arith.constant 0 : i32
      %dma_start3A_326 = tpu.memref_slice %arg18[%add3A_201, %dma_start3A_325] : memref<10240x128xf32, #tpu.memory_space<vmem_shared>> -> memref<64x128xf32, #tpu.memory_space<vmem_shared>>
      %dma_start3A_327 = arith.constant 0 : i32
      %dma_start3A_328 = tpu.memref_slice %arg18[%add3A_201, %dma_start3A_327] : memref<10240x128xf32, #tpu.memory_space<vmem_shared>> -> memref<64x128xf32, #tpu.memory_space<vmem_shared>>
      tpu.enqueue_dma source(%arg9 : memref<64x128xf32, #tpu.memory_space<vmem>>) target(%dma_start3A_328 : memref<64x128xf32, #tpu.memory_space<vmem_shared>>) target_semaphore(%run_scoped3A_324 : memref<!tpu.dma_semaphore, #tpu.memory_space<semaphore_mem>>)
      %dma_wait3A = arith.constant 0 : i32
      %dma_wait3A_329 = tpu.memref_slice %arg18[%add3A_201, %dma_wait3A] : memref<10240x128xf32, #tpu.memory_space<vmem_shared>> -> memref<64x128xf32, #tpu.memory_space<vmem_shared>>
      %dma_wait3A_330 = arith.constant 0 : i32
      %dma_wait3A_331 = tpu.memref_slice %arg18[%add3A_201, %dma_wait3A_330] : memref<10240x128xf32, #tpu.memory_space<vmem_shared>> -> memref<64x128xf32, #tpu.memory_space<vmem_shared>>
      tpu.wait_dma2 semaphore(%run_scoped3A_324 : memref<!tpu.dma_semaphore, #tpu.memory_space<semaphore_mem>>) src(%arg9 : memref<64x128xf32, #tpu.memory_space<vmem>>) dst(%dma_wait3A_331 : memref<64x128xf32, #tpu.memory_space<vmem_shared>>)
      tpu.yield
    }) : () -> ()
    %mul3A_202 = arith.constant 640 : i32
    %mul3A_203 = arith.muli %arg1, %mul3A_202 : i32
    %add3A_204 = arith.constant 512 : i32
    %add3A_205 = arith.addi %mul3A_203, %add3A_204 : i32
    "tpu.region"() ({
      %run_scoped3A_324 = tpu.sem_alloc : memref<!tpu.dma_semaphore, #tpu.memory_space<semaphore_mem>>
      %dma_start3A_325 = arith.constant 0 : i32
      %dma_start3A_326 = tpu.memref_slice %arg18[%add3A_205, %dma_start3A_325] : memref<10240x128xf32, #tpu.memory_space<vmem_shared>> -> memref<64x128xf32, #tpu.memory_space<vmem_shared>>
      %dma_start3A_327 = arith.constant 0 : i32
      %dma_start3A_328 = tpu.memref_slice %arg18[%add3A_205, %dma_start3A_327] : memref<10240x128xf32, #tpu.memory_space<vmem_shared>> -> memref<64x128xf32, #tpu.memory_space<vmem_shared>>
      tpu.enqueue_dma source(%arg9 : memref<64x128xf32, #tpu.memory_space<vmem>>) target(%dma_start3A_328 : memref<64x128xf32, #tpu.memory_space<vmem_shared>>) target_semaphore(%run_scoped3A_324 : memref<!tpu.dma_semaphore, #tpu.memory_space<semaphore_mem>>)
      %dma_wait3A = arith.constant 0 : i32
      %dma_wait3A_329 = tpu.memref_slice %arg18[%add3A_205, %dma_wait3A] : memref<10240x128xf32, #tpu.memory_space<vmem_shared>> -> memref<64x128xf32, #tpu.memory_space<vmem_shared>>
      %dma_wait3A_330 = arith.constant 0 : i32
      %dma_wait3A_331 = tpu.memref_slice %arg18[%add3A_205, %dma_wait3A_330] : memref<10240x128xf32, #tpu.memory_space<vmem_shared>> -> memref<64x128xf32, #tpu.memory_space<vmem_shared>>
      tpu.wait_dma2 semaphore(%run_scoped3A_324 : memref<!tpu.dma_semaphore, #tpu.memory_space<semaphore_mem>>) src(%arg9 : memref<64x128xf32, #tpu.memory_space<vmem>>) dst(%dma_wait3A_331 : memref<64x128xf32, #tpu.memory_space<vmem_shared>>)
      tpu.yield
    }) : () -> ()
    %mul3A_206 = arith.constant 640 : i32
    %mul3A_207 = arith.muli %arg1, %mul3A_206 : i32
    %add3A_208 = arith.constant 576 : i32
    %add3A_209 = arith.addi %mul3A_207, %add3A_208 : i32
    "tpu.region"() ({
      %run_scoped3A_324 = tpu.sem_alloc : memref<!tpu.dma_semaphore, #tpu.memory_space<semaphore_mem>>
      %dma_start3A_325 = arith.constant 0 : i32
      %dma_start3A_326 = tpu.memref_slice %arg18[%add3A_209, %dma_start3A_325] : memref<10240x128xf32, #tpu.memory_space<vmem_shared>> -> memref<64x128xf32, #tpu.memory_space<vmem_shared>>
      %dma_start3A_327 = arith.constant 0 : i32
      %dma_start3A_328 = tpu.memref_slice %arg18[%add3A_209, %dma_start3A_327] : memref<10240x128xf32, #tpu.memory_space<vmem_shared>> -> memref<64x128xf32, #tpu.memory_space<vmem_shared>>
      tpu.enqueue_dma source(%arg9 : memref<64x128xf32, #tpu.memory_space<vmem>>) target(%dma_start3A_328 : memref<64x128xf32, #tpu.memory_space<vmem_shared>>) target_semaphore(%run_scoped3A_324 : memref<!tpu.dma_semaphore, #tpu.memory_space<semaphore_mem>>)
      %dma_wait3A = arith.constant 0 : i32
      %dma_wait3A_329 = tpu.memref_slice %arg18[%add3A_209, %dma_wait3A] : memref<10240x128xf32, #tpu.memory_space<vmem_shared>> -> memref<64x128xf32, #tpu.memory_space<vmem_shared>>
      %dma_wait3A_330 = arith.constant 0 : i32
      %dma_wait3A_331 = tpu.memref_slice %arg18[%add3A_209, %dma_wait3A_330] : memref<10240x128xf32, #tpu.memory_space<vmem_shared>> -> memref<64x128xf32, #tpu.memory_space<vmem_shared>>
      tpu.wait_dma2 semaphore(%run_scoped3A_324 : memref<!tpu.dma_semaphore, #tpu.memory_space<semaphore_mem>>) src(%arg9 : memref<64x128xf32, #tpu.memory_space<vmem>>) dst(%dma_wait3A_331 : memref<64x128xf32, #tpu.memory_space<vmem_shared>>)
      tpu.yield
    }) : () -> ()
    %barrier3A_210 = arith.constant 0 : index
    tpu.barrier barrier_id(%barrier3A_210)
    %dma_start3A_211 = arith.constant 0 : i32
    %dma_start3A_212 = arith.constant 0 : i32
    %dma_start3A_213 = arith.constant 0 : i32
    %dma_start3A_214 = tpu.memref_slice %arg8[%dma_start3A_211, %dma_start3A_212, %dma_start3A_213] : memref<84x1x128xi32, #tpu.memory_space<vmem>> -> memref<1x1x64xi32, #tpu.memory_space<vmem>>
    %dma_start3A_215 = tpu.memref_squeeze %dma_start3A_214 : memref<1x1x64xi32, #tpu.memory_space<vmem>> -> memref<64xi32, #tpu.memory_space<vmem>>
    %dma_start3A_216 = arith.constant 0 : i32
    %dma_start3A_217 = arith.constant 0 : i32
    %dma_start3A_218 = tpu.memref_slice %arg5[%dma_start3A_216, %dma_start3A_217] : memref<10240x128xf32, #tpu.memory_space<hbm>> -> memref<10240x128xf32, #tpu.memory_space<hbm>>
    tpu.enqueue_indirect_dma source(%dma_start3A_218 : memref<10240x128xf32, #tpu.memory_space<hbm>>) target(%arg9 : memref<64x128xf32, #tpu.memory_space<vmem>>) offsets(%dma_start3A_215 : memref<64xi32, #tpu.memory_space<vmem>>) semaphore(%arg20 : memref<!tpu.dma_semaphore, #tpu.memory_space<semaphore_mem>>)
    %dma_start3A_219 = arith.constant 0 : i32
    %dma_start3A_220 = arith.constant 0 : i32
    %dma_start3A_221 = arith.constant 0 : i32
    %dma_start3A_222 = tpu.memref_slice %arg8[%dma_start3A_219, %dma_start3A_220, %dma_start3A_221] : memref<84x1x128xi32, #tpu.memory_space<vmem>> -> memref<1x1x128xi32, #tpu.memory_space<vmem>>
    %dma_start3A_223 = tpu.memref_squeeze %dma_start3A_222 : memref<1x1x128xi32, #tpu.memory_space<vmem>> -> memref<128xi32, #tpu.memory_space<vmem>>
    %dma_start3A_224 = arith.constant 0 : i32
    %dma_start3A_225 = arith.constant 0 : i32
    %dma_start3A_226 = tpu.memref_slice %arg3[%dma_start3A_224, %dma_start3A_225] : memref<10240x16xf32, #tpu.memory_space<hbm>> -> memref<10240x16xf32, #tpu.memory_space<hbm>>
    tpu.enqueue_indirect_dma source(%dma_start3A_226 : memref<10240x16xf32, #tpu.memory_space<hbm>>) target(%arg11 : memref<128x16xf32, #tpu.memory_space<vmem>>) offsets(%dma_start3A_223 : memref<128xi32, #tpu.memory_space<vmem>>) semaphore(%arg20 : memref<!tpu.dma_semaphore, #tpu.memory_space<semaphore_mem>>)
    %scan3A_227 = arith.constant 0 : i32
    %scan3A_228 = arith.constant 0 : i32
    %scan3A_229 = arith.constant 42 : i32
    %scan3A_230 = arith.addi %scan3A_228, %scan3A_229 : i32
    %scan3A_231 = arith.constant 1 : i32
    scf.for %scan3A_324 = %scan3A_228 to %scan3A_230 step %scan3A_231  : i32 {
      %mul3A_325 = arith.constant 2 : i32
      %mul3A_326 = arith.muli %mul3A_325, %scan3A_324 : i32
      %add3A_327 = arith.constant 1 : i32
      %add3A_328 = arith.addi %mul3A_326, %add3A_327 : i32
      %dma_start3A_329 = arith.constant 0 : i32
      %dma_start3A_330 = arith.constant 0 : i32
      %dma_start3A_331 = tpu.memref_slice %arg8[%add3A_328, %dma_start3A_329, %dma_start3A_330] : memref<84x1x128xi32, #tpu.memory_space<vmem>> -> memref<1x1x64xi32, #tpu.memory_space<vmem>>
      %dma_start3A_332 = tpu.memref_squeeze %dma_start3A_331 : memref<1x1x64xi32, #tpu.memory_space<vmem>> -> memref<64xi32, #tpu.memory_space<vmem>>
      %dma_start3A_333 = arith.constant 0 : i32
      %dma_start3A_334 = arith.constant 0 : i32
      %dma_start3A_335 = tpu.memref_slice %arg5[%dma_start3A_333, %dma_start3A_334] : memref<10240x128xf32, #tpu.memory_space<hbm>> -> memref<10240x128xf32, #tpu.memory_space<hbm>>
      tpu.enqueue_indirect_dma source(%dma_start3A_335 : memref<10240x128xf32, #tpu.memory_space<hbm>>) target(%arg10 : memref<64x128xf32, #tpu.memory_space<vmem>>) offsets(%dma_start3A_332 : memref<64xi32, #tpu.memory_space<vmem>>) semaphore(%arg21 : memref<!tpu.dma_semaphore, #tpu.memory_space<semaphore_mem>>)
      %dma_start3A_336 = arith.constant 0 : i32
      %dma_start3A_337 = arith.constant 0 : i32
      %dma_start3A_338 = tpu.memref_slice %arg8[%add3A_328, %dma_start3A_336, %dma_start3A_337] : memref<84x1x128xi32, #tpu.memory_space<vmem>> -> memref<1x1x128xi32, #tpu.memory_space<vmem>>
      %dma_start3A_339 = tpu.memref_squeeze %dma_start3A_338 : memref<1x1x128xi32, #tpu.memory_space<vmem>> -> memref<128xi32, #tpu.memory_space<vmem>>
      %dma_start3A_340 = arith.constant 0 : i32
      %dma_start3A_341 = arith.constant 0 : i32
      %dma_start3A_342 = tpu.memref_slice %arg3[%dma_start3A_340, %dma_start3A_341] : memref<10240x16xf32, #tpu.memory_space<hbm>> -> memref<10240x16xf32, #tpu.memory_space<hbm>>
      tpu.enqueue_indirect_dma source(%dma_start3A_342 : memref<10240x16xf32, #tpu.memory_space<hbm>>) target(%arg12 : memref<128x16xf32, #tpu.memory_space<vmem>>) offsets(%dma_start3A_339 : memref<128xi32, #tpu.memory_space<vmem>>) semaphore(%arg21 : memref<!tpu.dma_semaphore, #tpu.memory_space<semaphore_mem>>)
      %dma_wait3A = arith.constant 0 : i32
      %dma_wait3A_343 = arith.constant 0 : i32
      %dma_wait3A_344 = tpu.memref_slice %arg8[%mul3A_326, %dma_wait3A, %dma_wait3A_343] : memref<84x1x128xi32, #tpu.memory_space<vmem>> -> memref<1x1x64xi32, #tpu.memory_space<vmem>>
      %dma_wait3A_345 = tpu.memref_squeeze %dma_wait3A_344 : memref<1x1x64xi32, #tpu.memory_space<vmem>> -> memref<64xi32, #tpu.memory_space<vmem>>
      %dma_wait3A_346 = arith.constant 0 : i32
      %dma_wait3A_347 = arith.constant 0 : i32
      %dma_wait3A_348 = tpu.memref_slice %arg5[%dma_wait3A_346, %dma_wait3A_347] : memref<10240x128xf32, #tpu.memory_space<hbm>> -> memref<10240x128xf32, #tpu.memory_space<hbm>>
      tpu.wait_indirect_dma semaphore(%arg20 : memref<!tpu.dma_semaphore, #tpu.memory_space<semaphore_mem>>) src(%dma_wait3A_348 : memref<10240x128xf32, #tpu.memory_space<hbm>>) dst(%arg9 : memref<64x128xf32, #tpu.memory_space<vmem>>)
      %dma_wait3A_349 = arith.constant 0 : i32
      %dma_wait3A_350 = arith.constant 0 : i32
      %dma_wait3A_351 = tpu.memref_slice %arg8[%mul3A_326, %dma_wait3A_349, %dma_wait3A_350] : memref<84x1x128xi32, #tpu.memory_space<vmem>> -> memref<1x1x128xi32, #tpu.memory_space<vmem>>
      %dma_wait3A_352 = tpu.memref_squeeze %dma_wait3A_351 : memref<1x1x128xi32, #tpu.memory_space<vmem>> -> memref<128xi32, #tpu.memory_space<vmem>>
      %dma_wait3A_353 = arith.constant 0 : i32
      %dma_wait3A_354 = arith.constant 0 : i32
      %dma_wait3A_355 = tpu.memref_slice %arg3[%dma_wait3A_353, %dma_wait3A_354] : memref<10240x16xf32, #tpu.memory_space<hbm>> -> memref<10240x16xf32, #tpu.memory_space<hbm>>
      tpu.wait_indirect_dma semaphore(%arg20 : memref<!tpu.dma_semaphore, #tpu.memory_space<semaphore_mem>>) src(%dma_wait3A_355 : memref<10240x16xf32, #tpu.memory_space<hbm>>) dst(%arg11 : memref<128x16xf32, #tpu.memory_space<vmem>>)
      %get3A = arith.constant 0 : i32
      %get3A_356 = arith.index_cast %mul3A_326 : i32 to index
      %get3A_357 = arith.index_cast %get3A : i32 to index
      %get3A_358 = arith.constant 64 : index
      %get3A_359 = tpu.vector_load %arg8[%get3A_356, %get3A_357, %get3A_358] {strides = array<i32>} : memref<84x1x128xi32, #tpu.memory_space<vmem>>, vector<16xi32>,
      %swap3A = arith.constant 0 : index
      %swap3A_360 = tpu.vector_load %arg13[%swap3A] {strides = array<i32>} : memref<64xi32, #tpu.memory_space<vmem>>, vector<16xi32>,
      tpu.vector_store %arg13[%swap3A], %get3A_359 {strides = array<i32>} : memref<64xi32, #tpu.memory_space<vmem>>, vector<16xi32>,
      %get3A_361 = arith.constant 0 : i32
      %get3A_362 = arith.index_cast %mul3A_326 : i32 to index
      %get3A_363 = arith.index_cast %get3A_361 : i32 to index
      %get3A_364 = arith.constant 80 : index
      %get3A_365 = tpu.vector_load %arg8[%get3A_362, %get3A_363, %get3A_364] {strides = array<i32>} : memref<84x1x128xi32, #tpu.memory_space<vmem>>, vector<16xi32>,
      %swap3A_366 = arith.constant 16 : index
      %swap3A_367 = tpu.vector_load %arg13[%swap3A_366] {strides = array<i32>} : memref<64xi32, #tpu.memory_space<vmem>>, vector<16xi32>,
      tpu.vector_store %arg13[%swap3A_366], %get3A_365 {strides = array<i32>} : memref<64xi32, #tpu.memory_space<vmem>>, vector<16xi32>,
      %get3A_368 = arith.constant 0 : i32
      %get3A_369 = arith.index_cast %mul3A_326 : i32 to index
      %get3A_370 = arith.index_cast %get3A_368 : i32 to index
      %get3A_371 = arith.constant 96 : index
      %get3A_372 = tpu.vector_load %arg8[%get3A_369, %get3A_370, %get3A_371] {strides = array<i32>} : memref<84x1x128xi32, #tpu.memory_space<vmem>>, vector<16xi32>,
      %swap3A_373 = arith.constant 32 : index
      %swap3A_374 = tpu.vector_load %arg13[%swap3A_373] {strides = array<i32>} : memref<64xi32, #tpu.memory_space<vmem>>, vector<16xi32>,
      tpu.vector_store %arg13[%swap3A_373], %get3A_372 {strides = array<i32>} : memref<64xi32, #tpu.memory_space<vmem>>, vector<16xi32>,
      %get3A_375 = arith.constant 0 : i32
      %get3A_376 = arith.index_cast %mul3A_326 : i32 to index
      %get3A_377 = arith.index_cast %get3A_375 : i32 to index
      %get3A_378 = arith.constant 112 : index
      %get3A_379 = tpu.vector_load %arg8[%get3A_376, %get3A_377, %get3A_378] {strides = array<i32>} : memref<84x1x128xi32, #tpu.memory_space<vmem>>, vector<16xi32>,
      %swap3A_380 = arith.constant 48 : index
      %swap3A_381 = tpu.vector_load %arg13[%swap3A_380] {strides = array<i32>} : memref<64xi32, #tpu.memory_space<vmem>>, vector<16xi32>,
      tpu.vector_store %arg13[%swap3A_380], %get3A_379 {strides = array<i32>} : memref<64xi32, #tpu.memory_space<vmem>>, vector<16xi32>,
      %add3A_382 = arith.constant 0 : i32
      %add3A_383 = vector.broadcast %add3A_382 : i32 to vector<16xi32>
      %add3A_384 = arith.addi %iota3A, %add3A_383 : vector<16xi32>
      %broadcast_in_dim3A_385 = arith.constant 2 : i32
      %broadcast_in_dim3A_386 = vector.broadcast %broadcast_in_dim3A_385 : i32 to vector<16xi32>
      %gather3A = tpu.vector_load_idx %arg11[%add3A_384, %broadcast_in_dim3A_386] : memref<128x16xf32, #tpu.memory_space<vmem>>[vector<16xi32>, vector<16xi32>], vector<16xf32>,
      %add3A_387 = arith.constant 64 : i32
      %add3A_388 = vector.broadcast %add3A_387 : i32 to vector<16xi32>
      %add3A_389 = arith.addi %add3A_384, %add3A_388 : vector<16xi32>
      %add3A_390 = arith.constant 4 : i32
      %add3A_391 = vector.broadcast %add3A_390 : i32 to vector<16xi32>
      %add3A_392 = arith.addi %broadcast_in_dim3A_386, %add3A_391 : vector<16xi32>
      %gather3A_393 = tpu.vector_load_idx %arg11[%add3A_389, %add3A_392] : memref<128x16xf32, #tpu.memory_space<vmem>>[vector<16xi32>, vector<16xi32>], vector<16xf32>,
      %add3A_394 = arith.addf %gather3A_393, %gather3A : vector<16xf32>
      %ge3A = arith.constant 0.000000e+00 : f32
      %ge3A_395 = vector.broadcast %ge3A : f32 to vector<16xf32>
      %ge3A_396 = arith.cmpf oge, %add3A_394, %ge3A_395 : vector<16xf32>
      %mul3A_397 = arith.constant 2.000000e-01 : f32
      %mul3A_398 = vector.broadcast %mul3A_397 : f32 to vector<16xf32>
      %mul3A_399 = arith.mulf %mul3A_398, %add3A_394 : vector<16xf32>
      %select_n3A = arith.select %ge3A_396, %add3A_394, %mul3A_399 : vector<16xi1>, vector<16xf32>
      %exp3A = math.exp %select_n3A : vector<16xf32>
      %add3A_400 = arith.constant 0 : i32
      %add3A_401 = vector.broadcast %add3A_400 : i32 to vector<16xi32>
      %add3A_402 = arith.addi %add3A_384, %add3A_401 : vector<16xi32>
      tpu.vector_store_idx %arg17[%add3A_402], %exp3A : memref<128xf32, #tpu.memory_space<vmem>>[vector<16xi32>], vector<16xf32>,
      %broadcast_in_dim3A_403 = arith.constant 3 : i32
      %broadcast_in_dim3A_404 = vector.broadcast %broadcast_in_dim3A_403 : i32 to vector<16xi32>
      %gather3A_405 = tpu.vector_load_idx %arg11[%add3A_384, %broadcast_in_dim3A_404] : memref<128x16xf32, #tpu.memory_space<vmem>>[vector<16xi32>, vector<16xi32>], vector<16xf32>,
      %add3A_406 = arith.constant 64 : i32
      %add3A_407 = vector.broadcast %add3A_406 : i32 to vector<16xi32>
      %add3A_408 = arith.addi %add3A_384, %add3A_407 : vector<16xi32>
      %add3A_409 = arith.constant 4 : i32
      %add3A_410 = vector.broadcast %add3A_409 : i32 to vector<16xi32>
      %add3A_411 = arith.addi %broadcast_in_dim3A_404, %add3A_410 : vector<16xi32>
      %gather3A_412 = tpu.vector_load_idx %arg11[%add3A_408, %add3A_411] : memref<128x16xf32, #tpu.memory_space<vmem>>[vector<16xi32>, vector<16xi32>], vector<16xf32>,
      %add3A_413 = arith.addf %gather3A_412, %gather3A_405 : vector<16xf32>
      %ge3A_414 = arith.constant 0.000000e+00 : f32
      %ge3A_415 = vector.broadcast %ge3A_414 : f32 to vector<16xf32>
      %ge3A_416 = arith.cmpf oge, %add3A_413, %ge3A_415 : vector<16xf32>
      %mul3A_417 = arith.constant 2.000000e-01 : f32
      %mul3A_418 = vector.broadcast %mul3A_417 : f32 to vector<16xf32>
      %mul3A_419 = arith.mulf %mul3A_418, %add3A_413 : vector<16xf32>
      %select_n3A_420 = arith.select %ge3A_416, %add3A_413, %mul3A_419 : vector<16xi1>, vector<16xf32>
      %exp3A_421 = math.exp %select_n3A_420 : vector<16xf32>
      %add3A_422 = arith.constant 64 : i32
      %add3A_423 = vector.broadcast %add3A_422 : i32 to vector<16xi32>
      %add3A_424 = arith.addi %add3A_384, %add3A_423 : vector<16xi32>
      tpu.vector_store_idx %arg17[%add3A_424], %exp3A_421 : memref<128xf32, #tpu.memory_space<vmem>>[vector<16xi32>], vector<16xf32>,
      %add3A_425 = arith.constant 16 : i32
      %add3A_426 = vector.broadcast %add3A_425 : i32 to vector<16xi32>
      %add3A_427 = arith.addi %iota3A, %add3A_426 : vector<16xi32>
      %broadcast_in_dim3A_428 = arith.constant 2 : i32
      %broadcast_in_dim3A_429 = vector.broadcast %broadcast_in_dim3A_428 : i32 to vector<16xi32>
      %gather3A_430 = tpu.vector_load_idx %arg11[%add3A_427, %broadcast_in_dim3A_429] : memref<128x16xf32, #tpu.memory_space<vmem>>[vector<16xi32>, vector<16xi32>], vector<16xf32>,
      %add3A_431 = arith.constant 64 : i32
      %add3A_432 = vector.broadcast %add3A_431 : i32 to vector<16xi32>
      %add3A_433 = arith.addi %add3A_427, %add3A_432 : vector<16xi32>
      %add3A_434 = arith.constant 4 : i32
      %add3A_435 = vector.broadcast %add3A_434 : i32 to vector<16xi32>
      %add3A_436 = arith.addi %broadcast_in_dim3A_429, %add3A_435 : vector<16xi32>
      %gather3A_437 = tpu.vector_load_idx %arg11[%add3A_433, %add3A_436] : memref<128x16xf32, #tpu.memory_space<vmem>>[vector<16xi32>, vector<16xi32>], vector<16xf32>,
      %add3A_438 = arith.addf %gather3A_437, %gather3A_430 : vector<16xf32>
      %ge3A_439 = arith.constant 0.000000e+00 : f32
      %ge3A_440 = vector.broadcast %ge3A_439 : f32 to vector<16xf32>
      %ge3A_441 = arith.cmpf oge, %add3A_438, %ge3A_440 : vector<16xf32>
      %mul3A_442 = arith.constant 2.000000e-01 : f32
      %mul3A_443 = vector.broadcast %mul3A_442 : f32 to vector<16xf32>
      %mul3A_444 = arith.mulf %mul3A_443, %add3A_438 : vector<16xf32>
      %select_n3A_445 = arith.select %ge3A_441, %add3A_438, %mul3A_444 : vector<16xi1>, vector<16xf32>
      %exp3A_446 = math.exp %select_n3A_445 : vector<16xf32>
      %add3A_447 = arith.constant 0 : i32
      %add3A_448 = vector.broadcast %add3A_447 : i32 to vector<16xi32>
      %add3A_449 = arith.addi %add3A_427, %add3A_448 : vector<16xi32>
      tpu.vector_store_idx %arg17[%add3A_449], %exp3A_446 : memref<128xf32, #tpu.memory_space<vmem>>[vector<16xi32>], vector<16xf32>,
      %broadcast_in_dim3A_450 = arith.constant 3 : i32
      %broadcast_in_dim3A_451 = vector.broadcast %broadcast_in_dim3A_450 : i32 to vector<16xi32>
      %gather3A_452 = tpu.vector_load_idx %arg11[%add3A_427, %broadcast_in_dim3A_451] : memref<128x16xf32, #tpu.memory_space<vmem>>[vector<16xi32>, vector<16xi32>], vector<16xf32>,
      %add3A_453 = arith.constant 64 : i32
      %add3A_454 = vector.broadcast %add3A_453 : i32 to vector<16xi32>
      %add3A_455 = arith.addi %add3A_427, %add3A_454 : vector<16xi32>
      %add3A_456 = arith.constant 4 : i32
      %add3A_457 = vector.broadcast %add3A_456 : i32 to vector<16xi32>
      %add3A_458 = arith.addi %broadcast_in_dim3A_451, %add3A_457 : vector<16xi32>
      %gather3A_459 = tpu.vector_load_idx %arg11[%add3A_455, %add3A_458] : memref<128x16xf32, #tpu.memory_space<vmem>>[vector<16xi32>, vector<16xi32>], vector<16xf32>,
      %add3A_460 = arith.addf %gather3A_459, %gather3A_452 : vector<16xf32>
      %ge3A_461 = arith.constant 0.000000e+00 : f32
      %ge3A_462 = vector.broadcast %ge3A_461 : f32 to vector<16xf32>
      %ge3A_463 = arith.cmpf oge, %add3A_460, %ge3A_462 : vector<16xf32>
      %mul3A_464 = arith.constant 2.000000e-01 : f32
      %mul3A_465 = vector.broadcast %mul3A_464 : f32 to vector<16xf32>
      %mul3A_466 = arith.mulf %mul3A_465, %add3A_460 : vector<16xf32>
      %select_n3A_467 = arith.select %ge3A_463, %add3A_460, %mul3A_466 : vector<16xi1>, vector<16xf32>
      %exp3A_468 = math.exp %select_n3A_467 : vector<16xf32>
      %add3A_469 = arith.constant 64 : i32
      %add3A_470 = vector.broadcast %add3A_469 : i32 to vector<16xi32>
      %add3A_471 = arith.addi %add3A_427, %add3A_470 : vector<16xi32>
      tpu.vector_store_idx %arg17[%add3A_471], %exp3A_468 : memref<128xf32, #tpu.memory_space<vmem>>[vector<16xi32>], vector<16xf32>,
      %add3A_472 = arith.constant 32 : i32
      %add3A_473 = vector.broadcast %add3A_472 : i32 to vector<16xi32>
      %add3A_474 = arith.addi %iota3A, %add3A_473 : vector<16xi32>
      %broadcast_in_dim3A_475 = arith.constant 2 : i32
      %broadcast_in_dim3A_476 = vector.broadcast %broadcast_in_dim3A_475 : i32 to vector<16xi32>
      %gather3A_477 = tpu.vector_load_idx %arg11[%add3A_474, %broadcast_in_dim3A_476] : memref<128x16xf32, #tpu.memory_space<vmem>>[vector<16xi32>, vector<16xi32>], vector<16xf32>,
      %add3A_478 = arith.constant 64 : i32
      %add3A_479 = vector.broadcast %add3A_478 : i32 to vector<16xi32>
      %add3A_480 = arith.addi %add3A_474, %add3A_479 : vector<16xi32>
      %add3A_481 = arith.constant 4 : i32
      %add3A_482 = vector.broadcast %add3A_481 : i32 to vector<16xi32>
      %add3A_483 = arith.addi %broadcast_in_dim3A_476, %add3A_482 : vector<16xi32>
      %gather3A_484 = tpu.vector_load_idx %arg11[%add3A_480, %add3A_483] : memref<128x16xf32, #tpu.memory_space<vmem>>[vector<16xi32>, vector<16xi32>], vector<16xf32>,
      %add3A_485 = arith.addf %gather3A_484, %gather3A_477 : vector<16xf32>
      %ge3A_486 = arith.constant 0.000000e+00 : f32
      %ge3A_487 = vector.broadcast %ge3A_486 : f32 to vector<16xf32>
      %ge3A_488 = arith.cmpf oge, %add3A_485, %ge3A_487 : vector<16xf32>
      %mul3A_489 = arith.constant 2.000000e-01 : f32
      %mul3A_490 = vector.broadcast %mul3A_489 : f32 to vector<16xf32>
      %mul3A_491 = arith.mulf %mul3A_490, %add3A_485 : vector<16xf32>
      %select_n3A_492 = arith.select %ge3A_488, %add3A_485, %mul3A_491 : vector<16xi1>, vector<16xf32>
      %exp3A_493 = math.exp %select_n3A_492 : vector<16xf32>
      %add3A_494 = arith.constant 0 : i32
      %add3A_495 = vector.broadcast %add3A_494 : i32 to vector<16xi32>
      %add3A_496 = arith.addi %add3A_474, %add3A_495 : vector<16xi32>
      tpu.vector_store_idx %arg17[%add3A_496], %exp3A_493 : memref<128xf32, #tpu.memory_space<vmem>>[vector<16xi32>], vector<16xf32>,
      %broadcast_in_dim3A_497 = arith.constant 3 : i32
      %broadcast_in_dim3A_498 = vector.broadcast %broadcast_in_dim3A_497 : i32 to vector<16xi32>
      %gather3A_499 = tpu.vector_load_idx %arg11[%add3A_474, %broadcast_in_dim3A_498] : memref<128x16xf32, #tpu.memory_space<vmem>>[vector<16xi32>, vector<16xi32>], vector<16xf32>,
      %add3A_500 = arith.constant 64 : i32
      %add3A_501 = vector.broadcast %add3A_500 : i32 to vector<16xi32>
      %add3A_502 = arith.addi %add3A_474, %add3A_501 : vector<16xi32>
      %add3A_503 = arith.constant 4 : i32
      %add3A_504 = vector.broadcast %add3A_503 : i32 to vector<16xi32>
      %add3A_505 = arith.addi %broadcast_in_dim3A_498, %add3A_504 : vector<16xi32>
      %gather3A_506 = tpu.vector_load_idx %arg11[%add3A_502, %add3A_505] : memref<128x16xf32, #tpu.memory_space<vmem>>[vector<16xi32>, vector<16xi32>], vector<16xf32>,
      %add3A_507 = arith.addf %gather3A_506, %gather3A_499 : vector<16xf32>
      %ge3A_508 = arith.constant 0.000000e+00 : f32
      %ge3A_509 = vector.broadcast %ge3A_508 : f32 to vector<16xf32>
      %ge3A_510 = arith.cmpf oge, %add3A_507, %ge3A_509 : vector<16xf32>
      %mul3A_511 = arith.constant 2.000000e-01 : f32
      %mul3A_512 = vector.broadcast %mul3A_511 : f32 to vector<16xf32>
      %mul3A_513 = arith.mulf %mul3A_512, %add3A_507 : vector<16xf32>
      %select_n3A_514 = arith.select %ge3A_510, %add3A_507, %mul3A_513 : vector<16xi1>, vector<16xf32>
      %exp3A_515 = math.exp %select_n3A_514 : vector<16xf32>
      %add3A_516 = arith.constant 64 : i32
      %add3A_517 = vector.broadcast %add3A_516 : i32 to vector<16xi32>
      %add3A_518 = arith.addi %add3A_474, %add3A_517 : vector<16xi32>
      tpu.vector_store_idx %arg17[%add3A_518], %exp3A_515 : memref<128xf32, #tpu.memory_space<vmem>>[vector<16xi32>], vector<16xf32>,
      %add3A_519 = arith.constant 48 : i32
      %add3A_520 = vector.broadcast %add3A_519 : i32 to vector<16xi32>
      %add3A_521 = arith.addi %iota3A, %add3A_520 : vector<16xi32>
      %broadcast_in_dim3A_522 = arith.constant 2 : i32
      %broadcast_in_dim3A_523 = vector.broadcast %broadcast_in_dim3A_522 : i32 to vector<16xi32>
      %gather3A_524 = tpu.vector_load_idx %arg11[%add3A_521, %broadcast_in_dim3A_523] : memref<128x16xf32, #tpu.memory_space<vmem>>[vector<16xi32>, vector<16xi32>], vector<16xf32>,
      %add3A_525 = arith.constant 64 : i32
      %add3A_526 = vector.broadcast %add3A_525 : i32 to vector<16xi32>
      %add3A_527 = arith.addi %add3A_521, %add3A_526 : vector<16xi32>
      %add3A_528 = arith.constant 4 : i32
      %add3A_529 = vector.broadcast %add3A_528 : i32 to vector<16xi32>
      %add3A_530 = arith.addi %broadcast_in_dim3A_523, %add3A_529 : vector<16xi32>
      %gather3A_531 = tpu.vector_load_idx %arg11[%add3A_527, %add3A_530] : memref<128x16xf32, #tpu.memory_space<vmem>>[vector<16xi32>, vector<16xi32>], vector<16xf32>,
      %add3A_532 = arith.addf %gather3A_531, %gather3A_524 : vector<16xf32>
      %ge3A_533 = arith.constant 0.000000e+00 : f32
      %ge3A_534 = vector.broadcast %ge3A_533 : f32 to vector<16xf32>
      %ge3A_535 = arith.cmpf oge, %add3A_532, %ge3A_534 : vector<16xf32>
      %mul3A_536 = arith.constant 2.000000e-01 : f32
      %mul3A_537 = vector.broadcast %mul3A_536 : f32 to vector<16xf32>
      %mul3A_538 = arith.mulf %mul3A_537, %add3A_532 : vector<16xf32>
      %select_n3A_539 = arith.select %ge3A_535, %add3A_532, %mul3A_538 : vector<16xi1>, vector<16xf32>
      %exp3A_540 = math.exp %select_n3A_539 : vector<16xf32>
      %add3A_541 = arith.constant 0 : i32
      %add3A_542 = vector.broadcast %add3A_541 : i32 to vector<16xi32>
      %add3A_543 = arith.addi %add3A_521, %add3A_542 : vector<16xi32>
      tpu.vector_store_idx %arg17[%add3A_543], %exp3A_540 : memref<128xf32, #tpu.memory_space<vmem>>[vector<16xi32>], vector<16xf32>,
      %broadcast_in_dim3A_544 = arith.constant 3 : i32
      %broadcast_in_dim3A_545 = vector.broadcast %broadcast_in_dim3A_544 : i32 to vector<16xi32>
      %gather3A_546 = tpu.vector_load_idx %arg11[%add3A_521, %broadcast_in_dim3A_545] : memref<128x16xf32, #tpu.memory_space<vmem>>[vector<16xi32>, vector<16xi32>], vector<16xf32>,
      %add3A_547 = arith.constant 64 : i32
      %add3A_548 = vector.broadcast %add3A_547 : i32 to vector<16xi32>
      %add3A_549 = arith.addi %add3A_521, %add3A_548 : vector<16xi32>
      %add3A_550 = arith.constant 4 : i32
      %add3A_551 = vector.broadcast %add3A_550 : i32 to vector<16xi32>
      %add3A_552 = arith.addi %broadcast_in_dim3A_545, %add3A_551 : vector<16xi32>
      %gather3A_553 = tpu.vector_load_idx %arg11[%add3A_549, %add3A_552] : memref<128x16xf32, #tpu.memory_space<vmem>>[vector<16xi32>, vector<16xi32>], vector<16xf32>,
      %add3A_554 = arith.addf %gather3A_553, %gather3A_546 : vector<16xf32>
      %ge3A_555 = arith.constant 0.000000e+00 : f32
      %ge3A_556 = vector.broadcast %ge3A_555 : f32 to vector<16xf32>
      %ge3A_557 = arith.cmpf oge, %add3A_554, %ge3A_556 : vector<16xf32>
      %mul3A_558 = arith.constant 2.000000e-01 : f32
      %mul3A_559 = vector.broadcast %mul3A_558 : f32 to vector<16xf32>
      %mul3A_560 = arith.mulf %mul3A_559, %add3A_554 : vector<16xf32>
      %select_n3A_561 = arith.select %ge3A_557, %add3A_554, %mul3A_560 : vector<16xi1>, vector<16xf32>
      %exp3A_562 = math.exp %select_n3A_561 : vector<16xf32>
      %add3A_563 = arith.constant 64 : i32
      %add3A_564 = vector.broadcast %add3A_563 : i32 to vector<16xi32>
      %add3A_565 = arith.addi %add3A_521, %add3A_564 : vector<16xi32>
      tpu.vector_store_idx %arg17[%add3A_565], %exp3A_562 : memref<128xf32, #tpu.memory_space<vmem>>[vector<16xi32>], vector<16xf32>,
      %scan3A_566 = arith.constant 0 : i32
      %scan3A_567 = arith.constant 0 : i32
      %scan3A_568 = arith.constant 32 : i32
      %scan3A_569 = arith.addi %scan3A_567, %scan3A_568 : i32
      %scan3A_570 = arith.constant 1 : i32
      scf.for %scan3A_824 = %scan3A_567 to %scan3A_569 step %scan3A_570  : i32 {
        %mul3A_825 = arith.constant 2 : i32
        %mul3A_826 = arith.muli %mul3A_825, %scan3A_824 : i32
        %add3A_827 = arith.constant 0 : i32
        %add3A_828 = arith.addi %mul3A_826, %add3A_827 : i32
        %broadcast_in_dim3A_829 = vector.broadcast %add3A_828 : i32 to vector<16xi32>
        %gather3A_830 = tpu.vector_load_idx %arg17[%broadcast_in_dim3A_829] : memref<128xf32, #tpu.memory_space<vmem>>[vector<16xi32>], vector<16xf32>,
        %add3A_831 = arith.constant 64 : i32
        %add3A_832 = vector.broadcast %add3A_831 : i32 to vector<16xi32>
        %add3A_833 = arith.addi %broadcast_in_dim3A_829, %add3A_832 : vector<16xi32>
        %gather3A_834 = tpu.vector_load_idx %arg17[%add3A_833] : memref<128xf32, #tpu.memory_space<vmem>>[vector<16xi32>], vector<16xf32>,
        %get3A_835 = arith.index_cast %add3A_828 : i32 to index
        %get3A_836 = arith.constant 0 : index
        %get3A_837 = tpu.vector_load %arg9[%get3A_835, %get3A_836] {strides = array<i32>} : memref<64x128xf32, #tpu.memory_space<vmem>>, vector<16xf32>,
        %mul3A_838 = arith.mulf %get3A_837, %gather3A_830 : vector<16xf32>
        %swap3A_839 = arith.index_cast %add3A_828 : i32 to index
        %swap3A_840 = arith.constant 0 : index
        %swap3A_841 = tpu.vector_load %arg9[%swap3A_839, %swap3A_840] {strides = array<i32>} : memref<64x128xf32, #tpu.memory_space<vmem>>, vector<16xf32>,
        tpu.vector_store %arg9[%swap3A_839, %swap3A_840], %mul3A_838 {strides = array<i32>} : memref<64x128xf32, #tpu.memory_space<vmem>>, vector<16xf32>,
        %get3A_842 = arith.index_cast %add3A_828 : i32 to index
        %get3A_843 = arith.constant 16 : index
        %get3A_844 = tpu.vector_load %arg9[%get3A_842, %get3A_843] {strides = array<i32>} : memref<64x128xf32, #tpu.memory_space<vmem>>, vector<16xf32>,
        %mul3A_845 = arith.mulf %get3A_844, %gather3A_830 : vector<16xf32>
        %swap3A_846 = arith.index_cast %add3A_828 : i32 to index
        %swap3A_847 = arith.constant 16 : index
        %swap3A_848 = tpu.vector_load %arg9[%swap3A_846, %swap3A_847] {strides = array<i32>} : memref<64x128xf32, #tpu.memory_space<vmem>>, vector<16xf32>,
        tpu.vector_store %arg9[%swap3A_846, %swap3A_847], %mul3A_845 {strides = array<i32>} : memref<64x128xf32, #tpu.memory_space<vmem>>, vector<16xf32>,
        %get3A_849 = arith.index_cast %add3A_828 : i32 to index
        %get3A_850 = arith.constant 32 : index
        %get3A_851 = tpu.vector_load %arg9[%get3A_849, %get3A_850] {strides = array<i32>} : memref<64x128xf32, #tpu.memory_space<vmem>>, vector<16xf32>,
        %mul3A_852 = arith.mulf %get3A_851, %gather3A_830 : vector<16xf32>
        %swap3A_853 = arith.index_cast %add3A_828 : i32 to index
        %swap3A_854 = arith.constant 32 : index
        %swap3A_855 = tpu.vector_load %arg9[%swap3A_853, %swap3A_854] {strides = array<i32>} : memref<64x128xf32, #tpu.memory_space<vmem>>, vector<16xf32>,
        tpu.vector_store %arg9[%swap3A_853, %swap3A_854], %mul3A_852 {strides = array<i32>} : memref<64x128xf32, #tpu.memory_space<vmem>>, vector<16xf32>,
        %get3A_856 = arith.index_cast %add3A_828 : i32 to index
        %get3A_857 = arith.constant 48 : index
        %get3A_858 = tpu.vector_load %arg9[%get3A_856, %get3A_857] {strides = array<i32>} : memref<64x128xf32, #tpu.memory_space<vmem>>, vector<16xf32>,
        %mul3A_859 = arith.mulf %get3A_858, %gather3A_830 : vector<16xf32>
        %swap3A_860 = arith.index_cast %add3A_828 : i32 to index
        %swap3A_861 = arith.constant 48 : index
        %swap3A_862 = tpu.vector_load %arg9[%swap3A_860, %swap3A_861] {strides = array<i32>} : memref<64x128xf32, #tpu.memory_space<vmem>>, vector<16xf32>,
        tpu.vector_store %arg9[%swap3A_860, %swap3A_861], %mul3A_859 {strides = array<i32>} : memref<64x128xf32, #tpu.memory_space<vmem>>, vector<16xf32>,
        %get3A_863 = arith.index_cast %add3A_828 : i32 to index
        %get3A_864 = arith.constant 64 : index
        %get3A_865 = tpu.vector_load %arg9[%get3A_863, %get3A_864] {strides = array<i32>} : memref<64x128xf32, #tpu.memory_space<vmem>>, vector<16xf32>,
        %mul3A_866 = arith.mulf %get3A_865, %gather3A_834 : vector<16xf32>
        %swap3A_867 = arith.index_cast %add3A_828 : i32 to index
        %swap3A_868 = arith.constant 64 : index
        %swap3A_869 = tpu.vector_load %arg9[%swap3A_867, %swap3A_868] {strides = array<i32>} : memref<64x128xf32, #tpu.memory_space<vmem>>, vector<16xf32>,
        tpu.vector_store %arg9[%swap3A_867, %swap3A_868], %mul3A_866 {strides = array<i32>} : memref<64x128xf32, #tpu.memory_space<vmem>>, vector<16xf32>,
        %get3A_870 = arith.index_cast %add3A_828 : i32 to index
        %get3A_871 = arith.constant 80 : index
        %get3A_872 = tpu.vector_load %arg9[%get3A_870, %get3A_871] {strides = array<i32>} : memref<64x128xf32, #tpu.memory_space<vmem>>, vector<16xf32>,
        %mul3A_873 = arith.mulf %get3A_872, %gather3A_834 : vector<16xf32>
        %swap3A_874 = arith.index_cast %add3A_828 : i32 to index
        %swap3A_875 = arith.constant 80 : index
        %swap3A_876 = tpu.vector_load %arg9[%swap3A_874, %swap3A_875] {strides = array<i32>} : memref<64x128xf32, #tpu.memory_space<vmem>>, vector<16xf32>,
        tpu.vector_store %arg9[%swap3A_874, %swap3A_875], %mul3A_873 {strides = array<i32>} : memref<64x128xf32, #tpu.memory_space<vmem>>, vector<16xf32>,
        %get3A_877 = arith.index_cast %add3A_828 : i32 to index
        %get3A_878 = arith.constant 96 : index
        %get3A_879 = tpu.vector_load %arg9[%get3A_877, %get3A_878] {strides = array<i32>} : memref<64x128xf32, #tpu.memory_space<vmem>>, vector<16xf32>,
        %mul3A_880 = arith.mulf %get3A_879, %gather3A_834 : vector<16xf32>
        %swap3A_881 = arith.index_cast %add3A_828 : i32 to index
        %swap3A_882 = arith.constant 96 : index
        %swap3A_883 = tpu.vector_load %arg9[%swap3A_881, %swap3A_882] {strides = array<i32>} : memref<64x128xf32, #tpu.memory_space<vmem>>, vector<16xf32>,
        tpu.vector_store %arg9[%swap3A_881, %swap3A_882], %mul3A_880 {strides = array<i32>} : memref<64x128xf32, #tpu.memory_space<vmem>>, vector<16xf32>,
        %get3A_884 = arith.index_cast %add3A_828 : i32 to index
        %get3A_885 = arith.constant 112 : index
        %get3A_886 = tpu.vector_load %arg9[%get3A_884, %get3A_885] {strides = array<i32>} : memref<64x128xf32, #tpu.memory_space<vmem>>, vector<16xf32>,
        %mul3A_887 = arith.mulf %get3A_886, %gather3A_834 : vector<16xf32>
        %swap3A_888 = arith.index_cast %add3A_828 : i32 to index
        %swap3A_889 = arith.constant 112 : index
        %swap3A_890 = tpu.vector_load %arg9[%swap3A_888, %swap3A_889] {strides = array<i32>} : memref<64x128xf32, #tpu.memory_space<vmem>>, vector<16xf32>,
        tpu.vector_store %arg9[%swap3A_888, %swap3A_889], %mul3A_887 {strides = array<i32>} : memref<64x128xf32, #tpu.memory_space<vmem>>, vector<16xf32>,
        %mul3A_891 = arith.constant 2 : i32
        %mul3A_892 = arith.muli %mul3A_891, %scan3A_824 : i32
        %add3A_893 = arith.constant 1 : i32
        %add3A_894 = arith.addi %mul3A_892, %add3A_893 : i32
        %broadcast_in_dim3A_895 = vector.broadcast %add3A_894 : i32 to vector<16xi32>
        %gather3A_896 = tpu.vector_load_idx %arg17[%broadcast_in_dim3A_895] : memref<128xf32, #tpu.memory_space<vmem>>[vector<16xi32>], vector<16xf32>,
        %add3A_897 = arith.constant 64 : i32
        %add3A_898 = vector.broadcast %add3A_897 : i32 to vector<16xi32>
        %add3A_899 = arith.addi %broadcast_in_dim3A_895, %add3A_898 : vector<16xi32>
        %gather3A_900 = tpu.vector_load_idx %arg17[%add3A_899] : memref<128xf32, #tpu.memory_space<vmem>>[vector<16xi32>], vector<16xf32>,
        %get3A_901 = arith.index_cast %add3A_894 : i32 to index
        %get3A_902 = arith.constant 0 : index
        %get3A_903 = tpu.vector_load %arg9[%get3A_901, %get3A_902] {strides = array<i32>} : memref<64x128xf32, #tpu.memory_space<vmem>>, vector<16xf32>,
        %mul3A_904 = arith.mulf %get3A_903, %gather3A_896 : vector<16xf32>
        %swap3A_905 = arith.index_cast %add3A_894 : i32 to index
        %swap3A_906 = arith.constant 0 : index
        %swap3A_907 = tpu.vector_load %arg9[%swap3A_905, %swap3A_906] {strides = array<i32>} : memref<64x128xf32, #tpu.memory_space<vmem>>, vector<16xf32>,
        tpu.vector_store %arg9[%swap3A_905, %swap3A_906], %mul3A_904 {strides = array<i32>} : memref<64x128xf32, #tpu.memory_space<vmem>>, vector<16xf32>,
        %get3A_908 = arith.index_cast %add3A_894 : i32 to index
        %get3A_909 = arith.constant 16 : index
        %get3A_910 = tpu.vector_load %arg9[%get3A_908, %get3A_909] {strides = array<i32>} : memref<64x128xf32, #tpu.memory_space<vmem>>, vector<16xf32>,
        %mul3A_911 = arith.mulf %get3A_910, %gather3A_896 : vector<16xf32>
        %swap3A_912 = arith.index_cast %add3A_894 : i32 to index
        %swap3A_913 = arith.constant 16 : index
        %swap3A_914 = tpu.vector_load %arg9[%swap3A_912, %swap3A_913] {strides = array<i32>} : memref<64x128xf32, #tpu.memory_space<vmem>>, vector<16xf32>,
        tpu.vector_store %arg9[%swap3A_912, %swap3A_913], %mul3A_911 {strides = array<i32>} : memref<64x128xf32, #tpu.memory_space<vmem>>, vector<16xf32>,
        %get3A_915 = arith.index_cast %add3A_894 : i32 to index
        %get3A_916 = arith.constant 32 : index
        %get3A_917 = tpu.vector_load %arg9[%get3A_915, %get3A_916] {strides = array<i32>} : memref<64x128xf32, #tpu.memory_space<vmem>>, vector<16xf32>,
        %mul3A_918 = arith.mulf %get3A_917, %gather3A_896 : vector<16xf32>
        %swap3A_919 = arith.index_cast %add3A_894 : i32 to index
        %swap3A_920 = arith.constant 32 : index
        %swap3A_921 = tpu.vector_load %arg9[%swap3A_919, %swap3A_920] {strides = array<i32>} : memref<64x128xf32, #tpu.memory_space<vmem>>, vector<16xf32>,
        tpu.vector_store %arg9[%swap3A_919, %swap3A_920], %mul3A_918 {strides = array<i32>} : memref<64x128xf32, #tpu.memory_space<vmem>>, vector<16xf32>,
        %get3A_922 = arith.index_cast %add3A_894 : i32 to index
        %get3A_923 = arith.constant 48 : index
        %get3A_924 = tpu.vector_load %arg9[%get3A_922, %get3A_923] {strides = array<i32>} : memref<64x128xf32, #tpu.memory_space<vmem>>, vector<16xf32>,
        %mul3A_925 = arith.mulf %get3A_924, %gather3A_896 : vector<16xf32>
        %swap3A_926 = arith.index_cast %add3A_894 : i32 to index
        %swap3A_927 = arith.constant 48 : index
        %swap3A_928 = tpu.vector_load %arg9[%swap3A_926, %swap3A_927] {strides = array<i32>} : memref<64x128xf32, #tpu.memory_space<vmem>>, vector<16xf32>,
        tpu.vector_store %arg9[%swap3A_926, %swap3A_927], %mul3A_925 {strides = array<i32>} : memref<64x128xf32, #tpu.memory_space<vmem>>, vector<16xf32>,
        %get3A_929 = arith.index_cast %add3A_894 : i32 to index
        %get3A_930 = arith.constant 64 : index
        %get3A_931 = tpu.vector_load %arg9[%get3A_929, %get3A_930] {strides = array<i32>} : memref<64x128xf32, #tpu.memory_space<vmem>>, vector<16xf32>,
        %mul3A_932 = arith.mulf %get3A_931, %gather3A_900 : vector<16xf32>
        %swap3A_933 = arith.index_cast %add3A_894 : i32 to index
        %swap3A_934 = arith.constant 64 : index
        %swap3A_935 = tpu.vector_load %arg9[%swap3A_933, %swap3A_934] {strides = array<i32>} : memref<64x128xf32, #tpu.memory_space<vmem>>, vector<16xf32>,
        tpu.vector_store %arg9[%swap3A_933, %swap3A_934], %mul3A_932 {strides = array<i32>} : memref<64x128xf32, #tpu.memory_space<vmem>>, vector<16xf32>,
        %get3A_936 = arith.index_cast %add3A_894 : i32 to index
        %get3A_937 = arith.constant 80 : index
        %get3A_938 = tpu.vector_load %arg9[%get3A_936, %get3A_937] {strides = array<i32>} : memref<64x128xf32, #tpu.memory_space<vmem>>, vector<16xf32>,
        %mul3A_939 = arith.mulf %get3A_938, %gather3A_900 : vector<16xf32>
        %swap3A_940 = arith.index_cast %add3A_894 : i32 to index
        %swap3A_941 = arith.constant 80 : index
        %swap3A_942 = tpu.vector_load %arg9[%swap3A_940, %swap3A_941] {strides = array<i32>} : memref<64x128xf32, #tpu.memory_space<vmem>>, vector<16xf32>,
        tpu.vector_store %arg9[%swap3A_940, %swap3A_941], %mul3A_939 {strides = array<i32>} : memref<64x128xf32, #tpu.memory_space<vmem>>, vector<16xf32>,
        %get3A_943 = arith.index_cast %add3A_894 : i32 to index
        %get3A_944 = arith.constant 96 : index
        %get3A_945 = tpu.vector_load %arg9[%get3A_943, %get3A_944] {strides = array<i32>} : memref<64x128xf32, #tpu.memory_space<vmem>>, vector<16xf32>,
        %mul3A_946 = arith.mulf %get3A_945, %gather3A_900 : vector<16xf32>
        %swap3A_947 = arith.index_cast %add3A_894 : i32 to index
        %swap3A_948 = arith.constant 96 : index
        %swap3A_949 = tpu.vector_load %arg9[%swap3A_947, %swap3A_948] {strides = array<i32>} : memref<64x128xf32, #tpu.memory_space<vmem>>, vector<16xf32>,
        tpu.vector_store %arg9[%swap3A_947, %swap3A_948], %mul3A_946 {strides = array<i32>} : memref<64x128xf32, #tpu.memory_space<vmem>>, vector<16xf32>,
        %get3A_950 = arith.index_cast %add3A_894 : i32 to index
        %get3A_951 = arith.constant 112 : index
        %get3A_952 = tpu.vector_load %arg9[%get3A_950, %get3A_951] {strides = array<i32>} : memref<64x128xf32, #tpu.memory_space<vmem>>, vector<16xf32>,
        %mul3A_953 = arith.mulf %get3A_952, %gather3A_900 : vector<16xf32>
        %swap3A_954 = arith.index_cast %add3A_894 : i32 to index
        %swap3A_955 = arith.constant 112 : index
        %swap3A_956 = tpu.vector_load %arg9[%swap3A_954, %swap3A_955] {strides = array<i32>} : memref<64x128xf32, #tpu.memory_space<vmem>>, vector<16xf32>,
        tpu.vector_store %arg9[%swap3A_954, %swap3A_955], %mul3A_953 {strides = array<i32>} : memref<64x128xf32, #tpu.memory_space<vmem>>, vector<16xf32>,
      }
      %scan3A_571 = arith.constant 32 : i32
      %dma_start3A_572 = arith.constant 0 : i32
      %dma_start3A_573 = arith.constant 0 : i32
      %dma_start3A_574 = tpu.memref_slice %arg18[%dma_start3A_572, %dma_start3A_573] : memref<10240x128xf32, #tpu.memory_space<vmem_shared>> -> memref<10240x128xf32, #tpu.memory_space<vmem_shared>>
      tpu.enqueue_indirect_dma source(%arg9 : memref<64x128xf32, #tpu.memory_space<vmem>>) target(%dma_start3A_574 : memref<10240x128xf32, #tpu.memory_space<vmem_shared>>) offsets(%arg13 : memref<64xi32, #tpu.memory_space<vmem>>) semaphore(%arg22 : memref<!tpu.dma_semaphore, #tpu.memory_space<semaphore_mem>>) {add = true}
      %dma_wait3A_575 = arith.constant 0 : i32
      %dma_wait3A_576 = arith.constant 0 : i32
      %dma_wait3A_577 = tpu.memref_slice %arg8[%add3A_328, %dma_wait3A_575, %dma_wait3A_576] : memref<84x1x128xi32, #tpu.memory_space<vmem>> -> memref<1x1x64xi32, #tpu.memory_space<vmem>>
      %dma_wait3A_578 = tpu.memref_squeeze %dma_wait3A_577 : memref<1x1x64xi32, #tpu.memory_space<vmem>> -> memref<64xi32, #tpu.memory_space<vmem>>
      %dma_wait3A_579 = arith.constant 0 : i32
      %dma_wait3A_580 = arith.constant 0 : i32
      %dma_wait3A_581 = tpu.memref_slice %arg5[%dma_wait3A_579, %dma_wait3A_580] : memref<10240x128xf32, #tpu.memory_space<hbm>> -> memref<10240x128xf32, #tpu.memory_space<hbm>>
      tpu.wait_indirect_dma semaphore(%arg21 : memref<!tpu.dma_semaphore, #tpu.memory_space<semaphore_mem>>) src(%dma_wait3A_581 : memref<10240x128xf32, #tpu.memory_space<hbm>>) dst(%arg10 : memref<64x128xf32, #tpu.memory_space<vmem>>)
      %dma_wait3A_582 = arith.constant 0 : i32
      %dma_wait3A_583 = arith.constant 0 : i32
      %dma_wait3A_584 = tpu.memref_slice %arg8[%add3A_328, %dma_wait3A_582, %dma_wait3A_583] : memref<84x1x128xi32, #tpu.memory_space<vmem>> -> memref<1x1x128xi32, #tpu.memory_space<vmem>>
      %dma_wait3A_585 = tpu.memref_squeeze %dma_wait3A_584 : memref<1x1x128xi32, #tpu.memory_space<vmem>> -> memref<128xi32, #tpu.memory_space<vmem>>
      %dma_wait3A_586 = arith.constant 0 : i32
      %dma_wait3A_587 = arith.constant 0 : i32
      %dma_wait3A_588 = tpu.memref_slice %arg3[%dma_wait3A_586, %dma_wait3A_587] : memref<10240x16xf32, #tpu.memory_space<hbm>> -> memref<10240x16xf32, #tpu.memory_space<hbm>>
      tpu.wait_indirect_dma semaphore(%arg21 : memref<!tpu.dma_semaphore, #tpu.memory_space<semaphore_mem>>) src(%dma_wait3A_588 : memref<10240x16xf32, #tpu.memory_space<hbm>>) dst(%arg12 : memref<128x16xf32, #tpu.memory_space<vmem>>)
      %get3A_589 = arith.constant 0 : i32
      %get3A_590 = arith.index_cast %add3A_328 : i32 to index
      %get3A_591 = arith.index_cast %get3A_589 : i32 to index
      %get3A_592 = arith.constant 64 : index
      %get3A_593 = tpu.vector_load %arg8[%get3A_590, %get3A_591, %get3A_592] {strides = array<i32>} : memref<84x1x128xi32, #tpu.memory_space<vmem>>, vector<16xi32>,
      %swap3A_594 = arith.constant 0 : index
      %swap3A_595 = tpu.vector_load %arg14[%swap3A_594] {strides = array<i32>} : memref<64xi32, #tpu.memory_space<vmem>>, vector<16xi32>,
      tpu.vector_store %arg14[%swap3A_594], %get3A_593 {strides = array<i32>} : memref<64xi32, #tpu.memory_space<vmem>>, vector<16xi32>,
      %get3A_596 = arith.constant 0 : i32
      %get3A_597 = arith.index_cast %add3A_328 : i32 to index
      %get3A_598 = arith.index_cast %get3A_596 : i32 to index
      %get3A_599 = arith.constant 80 : index
      %get3A_600 = tpu.vector_load %arg8[%get3A_597, %get3A_598, %get3A_599] {strides = array<i32>} : memref<84x1x128xi32, #tpu.memory_space<vmem>>, vector<16xi32>,
      %swap3A_601 = arith.constant 16 : index
      %swap3A_602 = tpu.vector_load %arg14[%swap3A_601] {strides = array<i32>} : memref<64xi32, #tpu.memory_space<vmem>>, vector<16xi32>,
      tpu.vector_store %arg14[%swap3A_601], %get3A_600 {strides = array<i32>} : memref<64xi32, #tpu.memory_space<vmem>>, vector<16xi32>,
      %get3A_603 = arith.constant 0 : i32
      %get3A_604 = arith.index_cast %add3A_328 : i32 to index
      %get3A_605 = arith.index_cast %get3A_603 : i32 to index
      %get3A_606 = arith.constant 96 : index
      %get3A_607 = tpu.vector_load %arg8[%get3A_604, %get3A_605, %get3A_606] {strides = array<i32>} : memref<84x1x128xi32, #tpu.memory_space<vmem>>, vector<16xi32>,
      %swap3A_608 = arith.constant 32 : index
      %swap3A_609 = tpu.vector_load %arg14[%swap3A_608] {strides = array<i32>} : memref<64xi32, #tpu.memory_space<vmem>>, vector<16xi32>,
      tpu.vector_store %arg14[%swap3A_608], %get3A_607 {strides = array<i32>} : memref<64xi32, #tpu.memory_space<vmem>>, vector<16xi32>,
      %get3A_610 = arith.constant 0 : i32
      %get3A_611 = arith.index_cast %add3A_328 : i32 to index
      %get3A_612 = arith.index_cast %get3A_610 : i32 to index
      %get3A_613 = arith.constant 112 : index
      %get3A_614 = tpu.vector_load %arg8[%get3A_611, %get3A_612, %get3A_613] {strides = array<i32>} : memref<84x1x128xi32, #tpu.memory_space<vmem>>, vector<16xi32>,
      %swap3A_615 = arith.constant 48 : index
      %swap3A_616 = tpu.vector_load %arg14[%swap3A_615] {strides = array<i32>} : memref<64xi32, #tpu.memory_space<vmem>>, vector<16xi32>,
      tpu.vector_store %arg14[%swap3A_615], %get3A_614 {strides = array<i32>} : memref<64xi32, #tpu.memory_space<vmem>>, vector<16xi32>,
      %add3A_617 = arith.constant 0 : i32
      %add3A_618 = vector.broadcast %add3A_617 : i32 to vector<16xi32>
      %add3A_619 = arith.addi %iota3A, %add3A_618 : vector<16xi32>
      %broadcast_in_dim3A_620 = arith.constant 2 : i32
      %broadcast_in_dim3A_621 = vector.broadcast %broadcast_in_dim3A_620 : i32 to vector<16xi32>
      %gather3A_622 = tpu.vector_load_idx %arg12[%add3A_619, %broadcast_in_dim3A_621] : memref<128x16xf32, #tpu.memory_space<vmem>>[vector<16xi32>, vector<16xi32>], vector<16xf32>,
      %add3A_623 = arith.constant 64 : i32
      %add3A_624 = vector.broadcast %add3A_623 : i32 to vector<16xi32>
      %add3A_625 = arith.addi %add3A_619, %add3A_624 : vector<16xi32>
      %add3A_626 = arith.constant 4 : i32
      %add3A_627 = vector.broadcast %add3A_626 : i32 to vector<16xi32>
      %add3A_628 = arith.addi %broadcast_in_dim3A_621, %add3A_627 : vector<16xi32>
      %gather3A_629 = tpu.vector_load_idx %arg12[%add3A_625, %add3A_628] : memref<128x16xf32, #tpu.memory_space<vmem>>[vector<16xi32>, vector<16xi32>], vector<16xf32>,
      %add3A_630 = arith.addf %gather3A_629, %gather3A_622 : vector<16xf32>
      %ge3A_631 = arith.constant 0.000000e+00 : f32
      %ge3A_632 = vector.broadcast %ge3A_631 : f32 to vector<16xf32>
      %ge3A_633 = arith.cmpf oge, %add3A_630, %ge3A_632 : vector<16xf32>
      %mul3A_634 = arith.constant 2.000000e-01 : f32
      %mul3A_635 = vector.broadcast %mul3A_634 : f32 to vector<16xf32>
      %mul3A_636 = arith.mulf %mul3A_635, %add3A_630 : vector<16xf32>
      %select_n3A_637 = arith.select %ge3A_633, %add3A_630, %mul3A_636 : vector<16xi1>, vector<16xf32>
      %exp3A_638 = math.exp %select_n3A_637 : vector<16xf32>
      %add3A_639 = arith.constant 0 : i32
      %add3A_640 = vector.broadcast %add3A_639 : i32 to vector<16xi32>
      %add3A_641 = arith.addi %add3A_619, %add3A_640 : vector<16xi32>
      tpu.vector_store_idx %arg17[%add3A_641], %exp3A_638 : memref<128xf32, #tpu.memory_space<vmem>>[vector<16xi32>], vector<16xf32>,
      %broadcast_in_dim3A_642 = arith.constant 3 : i32
      %broadcast_in_dim3A_643 = vector.broadcast %broadcast_in_dim3A_642 : i32 to vector<16xi32>
      %gather3A_644 = tpu.vector_load_idx %arg12[%add3A_619, %broadcast_in_dim3A_643] : memref<128x16xf32, #tpu.memory_space<vmem>>[vector<16xi32>, vector<16xi32>], vector<16xf32>,
      %add3A_645 = arith.constant 64 : i32
      %add3A_646 = vector.broadcast %add3A_645 : i32 to vector<16xi32>
      %add3A_647 = arith.addi %add3A_619, %add3A_646 : vector<16xi32>
      %add3A_648 = arith.constant 4 : i32
      %add3A_649 = vector.broadcast %add3A_648 : i32 to vector<16xi32>
      %add3A_650 = arith.addi %broadcast_in_dim3A_643, %add3A_649 : vector<16xi32>
      %gather3A_651 = tpu.vector_load_idx %arg12[%add3A_647, %add3A_650] : memref<128x16xf32, #tpu.memory_space<vmem>>[vector<16xi32>, vector<16xi32>], vector<16xf32>,
      %add3A_652 = arith.addf %gather3A_651, %gather3A_644 : vector<16xf32>
      %ge3A_653 = arith.constant 0.000000e+00 : f32
      %ge3A_654 = vector.broadcast %ge3A_653 : f32 to vector<16xf32>
      %ge3A_655 = arith.cmpf oge, %add3A_652, %ge3A_654 : vector<16xf32>
      %mul3A_656 = arith.constant 2.000000e-01 : f32
      %mul3A_657 = vector.broadcast %mul3A_656 : f32 to vector<16xf32>
      %mul3A_658 = arith.mulf %mul3A_657, %add3A_652 : vector<16xf32>
      %select_n3A_659 = arith.select %ge3A_655, %add3A_652, %mul3A_658 : vector<16xi1>, vector<16xf32>
      %exp3A_660 = math.exp %select_n3A_659 : vector<16xf32>
      %add3A_661 = arith.constant 64 : i32
      %add3A_662 = vector.broadcast %add3A_661 : i32 to vector<16xi32>
      %add3A_663 = arith.addi %add3A_619, %add3A_662 : vector<16xi32>
      tpu.vector_store_idx %arg17[%add3A_663], %exp3A_660 : memref<128xf32, #tpu.memory_space<vmem>>[vector<16xi32>], vector<16xf32>,
      %add3A_664 = arith.constant 16 : i32
      %add3A_665 = vector.broadcast %add3A_664 : i32 to vector<16xi32>
      %add3A_666 = arith.addi %iota3A, %add3A_665 : vector<16xi32>
      %broadcast_in_dim3A_667 = arith.constant 2 : i32
      %broadcast_in_dim3A_668 = vector.broadcast %broadcast_in_dim3A_667 : i32 to vector<16xi32>
      %gather3A_669 = tpu.vector_load_idx %arg12[%add3A_666, %broadcast_in_dim3A_668] : memref<128x16xf32, #tpu.memory_space<vmem>>[vector<16xi32>, vector<16xi32>], vector<16xf32>,
      %add3A_670 = arith.constant 64 : i32
      %add3A_671 = vector.broadcast %add3A_670 : i32 to vector<16xi32>
      %add3A_672 = arith.addi %add3A_666, %add3A_671 : vector<16xi32>
      %add3A_673 = arith.constant 4 : i32
      %add3A_674 = vector.broadcast %add3A_673 : i32 to vector<16xi32>
      %add3A_675 = arith.addi %broadcast_in_dim3A_668, %add3A_674 : vector<16xi32>
      %gather3A_676 = tpu.vector_load_idx %arg12[%add3A_672, %add3A_675] : memref<128x16xf32, #tpu.memory_space<vmem>>[vector<16xi32>, vector<16xi32>], vector<16xf32>,
      %add3A_677 = arith.addf %gather3A_676, %gather3A_669 : vector<16xf32>
      %ge3A_678 = arith.constant 0.000000e+00 : f32
      %ge3A_679 = vector.broadcast %ge3A_678 : f32 to vector<16xf32>
      %ge3A_680 = arith.cmpf oge, %add3A_677, %ge3A_679 : vector<16xf32>
      %mul3A_681 = arith.constant 2.000000e-01 : f32
      %mul3A_682 = vector.broadcast %mul3A_681 : f32 to vector<16xf32>
      %mul3A_683 = arith.mulf %mul3A_682, %add3A_677 : vector<16xf32>
      %select_n3A_684 = arith.select %ge3A_680, %add3A_677, %mul3A_683 : vector<16xi1>, vector<16xf32>
      %exp3A_685 = math.exp %select_n3A_684 : vector<16xf32>
      %add3A_686 = arith.constant 0 : i32
      %add3A_687 = vector.broadcast %add3A_686 : i32 to vector<16xi32>
      %add3A_688 = arith.addi %add3A_666, %add3A_687 : vector<16xi32>
      tpu.vector_store_idx %arg17[%add3A_688], %exp3A_685 : memref<128xf32, #tpu.memory_space<vmem>>[vector<16xi32>], vector<16xf32>,
      %broadcast_in_dim3A_689 = arith.constant 3 : i32
      %broadcast_in_dim3A_690 = vector.broadcast %broadcast_in_dim3A_689 : i32 to vector<16xi32>
      %gather3A_691 = tpu.vector_load_idx %arg12[%add3A_666, %broadcast_in_dim3A_690] : memref<128x16xf32, #tpu.memory_space<vmem>>[vector<16xi32>, vector<16xi32>], vector<16xf32>,
      %add3A_692 = arith.constant 64 : i32
      %add3A_693 = vector.broadcast %add3A_692 : i32 to vector<16xi32>
      %add3A_694 = arith.addi %add3A_666, %add3A_693 : vector<16xi32>
      %add3A_695 = arith.constant 4 : i32
      %add3A_696 = vector.broadcast %add3A_695 : i32 to vector<16xi32>
      %add3A_697 = arith.addi %broadcast_in_dim3A_690, %add3A_696 : vector<16xi32>
      %gather3A_698 = tpu.vector_load_idx %arg12[%add3A_694, %add3A_697] : memref<128x16xf32, #tpu.memory_space<vmem>>[vector<16xi32>, vector<16xi32>], vector<16xf32>,
      %add3A_699 = arith.addf %gather3A_698, %gather3A_691 : vector<16xf32>
      %ge3A_700 = arith.constant 0.000000e+00 : f32
      %ge3A_701 = vector.broadcast %ge3A_700 : f32 to vector<16xf32>
      %ge3A_702 = arith.cmpf oge, %add3A_699, %ge3A_701 : vector<16xf32>
      %mul3A_703 = arith.constant 2.000000e-01 : f32
      %mul3A_704 = vector.broadcast %mul3A_703 : f32 to vector<16xf32>
      %mul3A_705 = arith.mulf %mul3A_704, %add3A_699 : vector<16xf32>
      %select_n3A_706 = arith.select %ge3A_702, %add3A_699, %mul3A_705 : vector<16xi1>, vector<16xf32>
      %exp3A_707 = math.exp %select_n3A_706 : vector<16xf32>
      %add3A_708 = arith.constant 64 : i32
      %add3A_709 = vector.broadcast %add3A_708 : i32 to vector<16xi32>
      %add3A_710 = arith.addi %add3A_666, %add3A_709 : vector<16xi32>
      tpu.vector_store_idx %arg17[%add3A_710], %exp3A_707 : memref<128xf32, #tpu.memory_space<vmem>>[vector<16xi32>], vector<16xf32>,
      %add3A_711 = arith.constant 32 : i32
      %add3A_712 = vector.broadcast %add3A_711 : i32 to vector<16xi32>
      %add3A_713 = arith.addi %iota3A, %add3A_712 : vector<16xi32>
      %broadcast_in_dim3A_714 = arith.constant 2 : i32
      %broadcast_in_dim3A_715 = vector.broadcast %broadcast_in_dim3A_714 : i32 to vector<16xi32>
      %gather3A_716 = tpu.vector_load_idx %arg12[%add3A_713, %broadcast_in_dim3A_715] : memref<128x16xf32, #tpu.memory_space<vmem>>[vector<16xi32>, vector<16xi32>], vector<16xf32>,
      %add3A_717 = arith.constant 64 : i32
      %add3A_718 = vector.broadcast %add3A_717 : i32 to vector<16xi32>
      %add3A_719 = arith.addi %add3A_713, %add3A_718 : vector<16xi32>
      %add3A_720 = arith.constant 4 : i32
      %add3A_721 = vector.broadcast %add3A_720 : i32 to vector<16xi32>
      %add3A_722 = arith.addi %broadcast_in_dim3A_715, %add3A_721 : vector<16xi32>
      %gather3A_723 = tpu.vector_load_idx %arg12[%add3A_719, %add3A_722] : memref<128x16xf32, #tpu.memory_space<vmem>>[vector<16xi32>, vector<16xi32>], vector<16xf32>,
      %add3A_724 = arith.addf %gather3A_723, %gather3A_716 : vector<16xf32>
      %ge3A_725 = arith.constant 0.000000e+00 : f32
      %ge3A_726 = vector.broadcast %ge3A_725 : f32 to vector<16xf32>
      %ge3A_727 = arith.cmpf oge, %add3A_724, %ge3A_726 : vector<16xf32>
      %mul3A_728 = arith.constant 2.000000e-01 : f32
      %mul3A_729 = vector.broadcast %mul3A_728 : f32 to vector<16xf32>
      %mul3A_730 = arith.mulf %mul3A_729, %add3A_724 : vector<16xf32>
      %select_n3A_731 = arith.select %ge3A_727, %add3A_724, %mul3A_730 : vector<16xi1>, vector<16xf32>
      %exp3A_732 = math.exp %select_n3A_731 : vector<16xf32>
      %add3A_733 = arith.constant 0 : i32
      %add3A_734 = vector.broadcast %add3A_733 : i32 to vector<16xi32>
      %add3A_735 = arith.addi %add3A_713, %add3A_734 : vector<16xi32>
      tpu.vector_store_idx %arg17[%add3A_735], %exp3A_732 : memref<128xf32, #tpu.memory_space<vmem>>[vector<16xi32>], vector<16xf32>,
      %broadcast_in_dim3A_736 = arith.constant 3 : i32
      %broadcast_in_dim3A_737 = vector.broadcast %broadcast_in_dim3A_736 : i32 to vector<16xi32>
      %gather3A_738 = tpu.vector_load_idx %arg12[%add3A_713, %broadcast_in_dim3A_737] : memref<128x16xf32, #tpu.memory_space<vmem>>[vector<16xi32>, vector<16xi32>], vector<16xf32>,
      %add3A_739 = arith.constant 64 : i32
      %add3A_740 = vector.broadcast %add3A_739 : i32 to vector<16xi32>
      %add3A_741 = arith.addi %add3A_713, %add3A_740 : vector<16xi32>
      %add3A_742 = arith.constant 4 : i32
      %add3A_743 = vector.broadcast %add3A_742 : i32 to vector<16xi32>
      %add3A_744 = arith.addi %broadcast_in_dim3A_737, %add3A_743 : vector<16xi32>
      %gather3A_745 = tpu.vector_load_idx %arg12[%add3A_741, %add3A_744] : memref<128x16xf32, #tpu.memory_space<vmem>>[vector<16xi32>, vector<16xi32>], vector<16xf32>,
      %add3A_746 = arith.addf %gather3A_745, %gather3A_738 : vector<16xf32>
      %ge3A_747 = arith.constant 0.000000e+00 : f32
      %ge3A_748 = vector.broadcast %ge3A_747 : f32 to vector<16xf32>
      %ge3A_749 = arith.cmpf oge, %add3A_746, %ge3A_748 : vector<16xf32>
      %mul3A_750 = arith.constant 2.000000e-01 : f32
      %mul3A_751 = vector.broadcast %mul3A_750 : f32 to vector<16xf32>
      %mul3A_752 = arith.mulf %mul3A_751, %add3A_746 : vector<16xf32>
      %select_n3A_753 = arith.select %ge3A_749, %add3A_746, %mul3A_752 : vector<16xi1>, vector<16xf32>
      %exp3A_754 = math.exp %select_n3A_753 : vector<16xf32>
      %add3A_755 = arith.constant 64 : i32
      %add3A_756 = vector.broadcast %add3A_755 : i32 to vector<16xi32>
      %add3A_757 = arith.addi %add3A_713, %add3A_756 : vector<16xi32>
      tpu.vector_store_idx %arg17[%add3A_757], %exp3A_754 : memref<128xf32, #tpu.memory_space<vmem>>[vector<16xi32>], vector<16xf32>,
      %add3A_758 = arith.constant 48 : i32
      %add3A_759 = vector.broadcast %add3A_758 : i32 to vector<16xi32>
      %add3A_760 = arith.addi %iota3A, %add3A_759 : vector<16xi32>
      %broadcast_in_dim3A_761 = arith.constant 2 : i32
      %broadcast_in_dim3A_762 = vector.broadcast %broadcast_in_dim3A_761 : i32 to vector<16xi32>
      %gather3A_763 = tpu.vector_load_idx %arg12[%add3A_760, %broadcast_in_dim3A_762] : memref<128x16xf32, #tpu.memory_space<vmem>>[vector<16xi32>, vector<16xi32>], vector<16xf32>,
      %add3A_764 = arith.constant 64 : i32
      %add3A_765 = vector.broadcast %add3A_764 : i32 to vector<16xi32>
      %add3A_766 = arith.addi %add3A_760, %add3A_765 : vector<16xi32>
      %add3A_767 = arith.constant 4 : i32
      %add3A_768 = vector.broadcast %add3A_767 : i32 to vector<16xi32>
      %add3A_769 = arith.addi %broadcast_in_dim3A_762, %add3A_768 : vector<16xi32>
      %gather3A_770 = tpu.vector_load_idx %arg12[%add3A_766, %add3A_769] : memref<128x16xf32, #tpu.memory_space<vmem>>[vector<16xi32>, vector<16xi32>], vector<16xf32>,
      %add3A_771 = arith.addf %gather3A_770, %gather3A_763 : vector<16xf32>
      %ge3A_772 = arith.constant 0.000000e+00 : f32
      %ge3A_773 = vector.broadcast %ge3A_772 : f32 to vector<16xf32>
      %ge3A_774 = arith.cmpf oge, %add3A_771, %ge3A_773 : vector<16xf32>
      %mul3A_775 = arith.constant 2.000000e-01 : f32
      %mul3A_776 = vector.broadcast %mul3A_775 : f32 to vector<16xf32>
      %mul3A_777 = arith.mulf %mul3A_776, %add3A_771 : vector<16xf32>
      %select_n3A_778 = arith.select %ge3A_774, %add3A_771, %mul3A_777 : vector<16xi1>, vector<16xf32>
      %exp3A_779 = math.exp %select_n3A_778 : vector<16xf32>
      %add3A_780 = arith.constant 0 : i32
      %add3A_781 = vector.broadcast %add3A_780 : i32 to vector<16xi32>
      %add3A_782 = arith.addi %add3A_760, %add3A_781 : vector<16xi32>
      tpu.vector_store_idx %arg17[%add3A_782], %exp3A_779 : memref<128xf32, #tpu.memory_space<vmem>>[vector<16xi32>], vector<16xf32>,
      %broadcast_in_dim3A_783 = arith.constant 3 : i32
      %broadcast_in_dim3A_784 = vector.broadcast %broadcast_in_dim3A_783 : i32 to vector<16xi32>
      %gather3A_785 = tpu.vector_load_idx %arg12[%add3A_760, %broadcast_in_dim3A_784] : memref<128x16xf32, #tpu.memory_space<vmem>>[vector<16xi32>, vector<16xi32>], vector<16xf32>,
      %add3A_786 = arith.constant 64 : i32
      %add3A_787 = vector.broadcast %add3A_786 : i32 to vector<16xi32>
      %add3A_788 = arith.addi %add3A_760, %add3A_787 : vector<16xi32>
      %add3A_789 = arith.constant 4 : i32
      %add3A_790 = vector.broadcast %add3A_789 : i32 to vector<16xi32>
      %add3A_791 = arith.addi %broadcast_in_dim3A_784, %add3A_790 : vector<16xi32>
      %gather3A_792 = tpu.vector_load_idx %arg12[%add3A_788, %add3A_791] : memref<128x16xf32, #tpu.memory_space<vmem>>[vector<16xi32>, vector<16xi32>], vector<16xf32>,
      %add3A_793 = arith.addf %gather3A_792, %gather3A_785 : vector<16xf32>
      %ge3A_794 = arith.constant 0.000000e+00 : f32
      %ge3A_795 = vector.broadcast %ge3A_794 : f32 to vector<16xf32>
      %ge3A_796 = arith.cmpf oge, %add3A_793, %ge3A_795 : vector<16xf32>
      %mul3A_797 = arith.constant 2.000000e-01 : f32
      %mul3A_798 = vector.broadcast %mul3A_797 : f32 to vector<16xf32>
      %mul3A_799 = arith.mulf %mul3A_798, %add3A_793 : vector<16xf32>
      %select_n3A_800 = arith.select %ge3A_796, %add3A_793, %mul3A_799 : vector<16xi1>, vector<16xf32>
      %exp3A_801 = math.exp %select_n3A_800 : vector<16xf32>
      %add3A_802 = arith.constant 64 : i32
      %add3A_803 = vector.broadcast %add3A_802 : i32 to vector<16xi32>
      %add3A_804 = arith.addi %add3A_760, %add3A_803 : vector<16xi32>
      tpu.vector_store_idx %arg17[%add3A_804], %exp3A_801 : memref<128xf32, #tpu.memory_space<vmem>>[vector<16xi32>], vector<16xf32>,
      %scan3A_805 = arith.constant 0 : i32
      %scan3A_806 = arith.constant 0 : i32
      %scan3A_807 = arith.constant 32 : i32
      %scan3A_808 = arith.addi %scan3A_806, %scan3A_807 : i32
      %scan3A_809 = arith.constant 1 : i32
      scf.for %scan3A_824 = %scan3A_806 to %scan3A_808 step %scan3A_809  : i32 {
        %mul3A_825 = arith.constant 2 : i32
        %mul3A_826 = arith.muli %mul3A_825, %scan3A_824 : i32
        %add3A_827 = arith.constant 0 : i32
        %add3A_828 = arith.addi %mul3A_826, %add3A_827 : i32
        %broadcast_in_dim3A_829 = vector.broadcast %add3A_828 : i32 to vector<16xi32>
        %gather3A_830 = tpu.vector_load_idx %arg17[%broadcast_in_dim3A_829] : memref<128xf32, #tpu.memory_space<vmem>>[vector<16xi32>], vector<16xf32>,
        %add3A_831 = arith.constant 64 : i32
        %add3A_832 = vector.broadcast %add3A_831 : i32 to vector<16xi32>
        %add3A_833 = arith.addi %broadcast_in_dim3A_829, %add3A_832 : vector<16xi32>
        %gather3A_834 = tpu.vector_load_idx %arg17[%add3A_833] : memref<128xf32, #tpu.memory_space<vmem>>[vector<16xi32>], vector<16xf32>,
        %get3A_835 = arith.index_cast %add3A_828 : i32 to index
        %get3A_836 = arith.constant 0 : index
        %get3A_837 = tpu.vector_load %arg10[%get3A_835, %get3A_836] {strides = array<i32>} : memref<64x128xf32, #tpu.memory_space<vmem>>, vector<16xf32>,
        %mul3A_838 = arith.mulf %get3A_837, %gather3A_830 : vector<16xf32>
        %swap3A_839 = arith.index_cast %add3A_828 : i32 to index
        %swap3A_840 = arith.constant 0 : index
        %swap3A_841 = tpu.vector_load %arg10[%swap3A_839, %swap3A_840] {strides = array<i32>} : memref<64x128xf32, #tpu.memory_space<vmem>>, vector<16xf32>,
        tpu.vector_store %arg10[%swap3A_839, %swap3A_840], %mul3A_838 {strides = array<i32>} : memref<64x128xf32, #tpu.memory_space<vmem>>, vector<16xf32>,
        %get3A_842 = arith.index_cast %add3A_828 : i32 to index
        %get3A_843 = arith.constant 16 : index
        %get3A_844 = tpu.vector_load %arg10[%get3A_842, %get3A_843] {strides = array<i32>} : memref<64x128xf32, #tpu.memory_space<vmem>>, vector<16xf32>,
        %mul3A_845 = arith.mulf %get3A_844, %gather3A_830 : vector<16xf32>
        %swap3A_846 = arith.index_cast %add3A_828 : i32 to index
        %swap3A_847 = arith.constant 16 : index
        %swap3A_848 = tpu.vector_load %arg10[%swap3A_846, %swap3A_847] {strides = array<i32>} : memref<64x128xf32, #tpu.memory_space<vmem>>, vector<16xf32>,
        tpu.vector_store %arg10[%swap3A_846, %swap3A_847], %mul3A_845 {strides = array<i32>} : memref<64x128xf32, #tpu.memory_space<vmem>>, vector<16xf32>,
        %get3A_849 = arith.index_cast %add3A_828 : i32 to index
        %get3A_850 = arith.constant 32 : index
        %get3A_851 = tpu.vector_load %arg10[%get3A_849, %get3A_850] {strides = array<i32>} : memref<64x128xf32, #tpu.memory_space<vmem>>, vector<16xf32>,
        %mul3A_852 = arith.mulf %get3A_851, %gather3A_830 : vector<16xf32>
        %swap3A_853 = arith.index_cast %add3A_828 : i32 to index
        %swap3A_854 = arith.constant 32 : index
        %swap3A_855 = tpu.vector_load %arg10[%swap3A_853, %swap3A_854] {strides = array<i32>} : memref<64x128xf32, #tpu.memory_space<vmem>>, vector<16xf32>,
        tpu.vector_store %arg10[%swap3A_853, %swap3A_854], %mul3A_852 {strides = array<i32>} : memref<64x128xf32, #tpu.memory_space<vmem>>, vector<16xf32>,
        %get3A_856 = arith.index_cast %add3A_828 : i32 to index
        %get3A_857 = arith.constant 48 : index
        %get3A_858 = tpu.vector_load %arg10[%get3A_856, %get3A_857] {strides = array<i32>} : memref<64x128xf32, #tpu.memory_space<vmem>>, vector<16xf32>,
        %mul3A_859 = arith.mulf %get3A_858, %gather3A_830 : vector<16xf32>
        %swap3A_860 = arith.index_cast %add3A_828 : i32 to index
        %swap3A_861 = arith.constant 48 : index
        %swap3A_862 = tpu.vector_load %arg10[%swap3A_860, %swap3A_861] {strides = array<i32>} : memref<64x128xf32, #tpu.memory_space<vmem>>, vector<16xf32>,
        tpu.vector_store %arg10[%swap3A_860, %swap3A_861], %mul3A_859 {strides = array<i32>} : memref<64x128xf32, #tpu.memory_space<vmem>>, vector<16xf32>,
        %get3A_863 = arith.index_cast %add3A_828 : i32 to index
        %get3A_864 = arith.constant 64 : index
        %get3A_865 = tpu.vector_load %arg10[%get3A_863, %get3A_864] {strides = array<i32>} : memref<64x128xf32, #tpu.memory_space<vmem>>, vector<16xf32>,
        %mul3A_866 = arith.mulf %get3A_865, %gather3A_834 : vector<16xf32>
        %swap3A_867 = arith.index_cast %add3A_828 : i32 to index
        %swap3A_868 = arith.constant 64 : index
        %swap3A_869 = tpu.vector_load %arg10[%swap3A_867, %swap3A_868] {strides = array<i32>} : memref<64x128xf32, #tpu.memory_space<vmem>>, vector<16xf32>,
        tpu.vector_store %arg10[%swap3A_867, %swap3A_868], %mul3A_866 {strides = array<i32>} : memref<64x128xf32, #tpu.memory_space<vmem>>, vector<16xf32>,
        %get3A_870 = arith.index_cast %add3A_828 : i32 to index
        %get3A_871 = arith.constant 80 : index
        %get3A_872 = tpu.vector_load %arg10[%get3A_870, %get3A_871] {strides = array<i32>} : memref<64x128xf32, #tpu.memory_space<vmem>>, vector<16xf32>,
        %mul3A_873 = arith.mulf %get3A_872, %gather3A_834 : vector<16xf32>
        %swap3A_874 = arith.index_cast %add3A_828 : i32 to index
        %swap3A_875 = arith.constant 80 : index
        %swap3A_876 = tpu.vector_load %arg10[%swap3A_874, %swap3A_875] {strides = array<i32>} : memref<64x128xf32, #tpu.memory_space<vmem>>, vector<16xf32>,
        tpu.vector_store %arg10[%swap3A_874, %swap3A_875], %mul3A_873 {strides = array<i32>} : memref<64x128xf32, #tpu.memory_space<vmem>>, vector<16xf32>,
        %get3A_877 = arith.index_cast %add3A_828 : i32 to index
        %get3A_878 = arith.constant 96 : index
        %get3A_879 = tpu.vector_load %arg10[%get3A_877, %get3A_878] {strides = array<i32>} : memref<64x128xf32, #tpu.memory_space<vmem>>, vector<16xf32>,
        %mul3A_880 = arith.mulf %get3A_879, %gather3A_834 : vector<16xf32>
        %swap3A_881 = arith.index_cast %add3A_828 : i32 to index
        %swap3A_882 = arith.constant 96 : index
        %swap3A_883 = tpu.vector_load %arg10[%swap3A_881, %swap3A_882] {strides = array<i32>} : memref<64x128xf32, #tpu.memory_space<vmem>>, vector<16xf32>,
        tpu.vector_store %arg10[%swap3A_881, %swap3A_882], %mul3A_880 {strides = array<i32>} : memref<64x128xf32, #tpu.memory_space<vmem>>, vector<16xf32>,
        %get3A_884 = arith.index_cast %add3A_828 : i32 to index
        %get3A_885 = arith.constant 112 : index
        %get3A_886 = tpu.vector_load %arg10[%get3A_884, %get3A_885] {strides = array<i32>} : memref<64x128xf32, #tpu.memory_space<vmem>>, vector<16xf32>,
        %mul3A_887 = arith.mulf %get3A_886, %gather3A_834 : vector<16xf32>
        %swap3A_888 = arith.index_cast %add3A_828 : i32 to index
        %swap3A_889 = arith.constant 112 : index
        %swap3A_890 = tpu.vector_load %arg10[%swap3A_888, %swap3A_889] {strides = array<i32>} : memref<64x128xf32, #tpu.memory_space<vmem>>, vector<16xf32>,
        tpu.vector_store %arg10[%swap3A_888, %swap3A_889], %mul3A_887 {strides = array<i32>} : memref<64x128xf32, #tpu.memory_space<vmem>>, vector<16xf32>,
        %mul3A_891 = arith.constant 2 : i32
        %mul3A_892 = arith.muli %mul3A_891, %scan3A_824 : i32
        %add3A_893 = arith.constant 1 : i32
        %add3A_894 = arith.addi %mul3A_892, %add3A_893 : i32
        %broadcast_in_dim3A_895 = vector.broadcast %add3A_894 : i32 to vector<16xi32>
        %gather3A_896 = tpu.vector_load_idx %arg17[%broadcast_in_dim3A_895] : memref<128xf32, #tpu.memory_space<vmem>>[vector<16xi32>], vector<16xf32>,
        %add3A_897 = arith.constant 64 : i32
        %add3A_898 = vector.broadcast %add3A_897 : i32 to vector<16xi32>
        %add3A_899 = arith.addi %broadcast_in_dim3A_895, %add3A_898 : vector<16xi32>
        %gather3A_900 = tpu.vector_load_idx %arg17[%add3A_899] : memref<128xf32, #tpu.memory_space<vmem>>[vector<16xi32>], vector<16xf32>,
        %get3A_901 = arith.index_cast %add3A_894 : i32 to index
        %get3A_902 = arith.constant 0 : index
        %get3A_903 = tpu.vector_load %arg10[%get3A_901, %get3A_902] {strides = array<i32>} : memref<64x128xf32, #tpu.memory_space<vmem>>, vector<16xf32>,
        %mul3A_904 = arith.mulf %get3A_903, %gather3A_896 : vector<16xf32>
        %swap3A_905 = arith.index_cast %add3A_894 : i32 to index
        %swap3A_906 = arith.constant 0 : index
        %swap3A_907 = tpu.vector_load %arg10[%swap3A_905, %swap3A_906] {strides = array<i32>} : memref<64x128xf32, #tpu.memory_space<vmem>>, vector<16xf32>,
        tpu.vector_store %arg10[%swap3A_905, %swap3A_906], %mul3A_904 {strides = array<i32>} : memref<64x128xf32, #tpu.memory_space<vmem>>, vector<16xf32>,
        %get3A_908 = arith.index_cast %add3A_894 : i32 to index
        %get3A_909 = arith.constant 16 : index
        %get3A_910 = tpu.vector_load %arg10[%get3A_908, %get3A_909] {strides = array<i32>} : memref<64x128xf32, #tpu.memory_space<vmem>>, vector<16xf32>,
        %mul3A_911 = arith.mulf %get3A_910, %gather3A_896 : vector<16xf32>
        %swap3A_912 = arith.index_cast %add3A_894 : i32 to index
        %swap3A_913 = arith.constant 16 : index
        %swap3A_914 = tpu.vector_load %arg10[%swap3A_912, %swap3A_913] {strides = array<i32>} : memref<64x128xf32, #tpu.memory_space<vmem>>, vector<16xf32>,
        tpu.vector_store %arg10[%swap3A_912, %swap3A_913], %mul3A_911 {strides = array<i32>} : memref<64x128xf32, #tpu.memory_space<vmem>>, vector<16xf32>,
        %get3A_915 = arith.index_cast %add3A_894 : i32 to index
        %get3A_916 = arith.constant 32 : index
        %get3A_917 = tpu.vector_load %arg10[%get3A_915, %get3A_916] {strides = array<i32>} : memref<64x128xf32, #tpu.memory_space<vmem>>, vector<16xf32>,
        %mul3A_918 = arith.mulf %get3A_917, %gather3A_896 : vector<16xf32>
        %swap3A_919 = arith.index_cast %add3A_894 : i32 to index
        %swap3A_920 = arith.constant 32 : index
        %swap3A_921 = tpu.vector_load %arg10[%swap3A_919, %swap3A_920] {strides = array<i32>} : memref<64x128xf32, #tpu.memory_space<vmem>>, vector<16xf32>,
        tpu.vector_store %arg10[%swap3A_919, %swap3A_920], %mul3A_918 {strides = array<i32>} : memref<64x128xf32, #tpu.memory_space<vmem>>, vector<16xf32>,
        %get3A_922 = arith.index_cast %add3A_894 : i32 to index
        %get3A_923 = arith.constant 48 : index
        %get3A_924 = tpu.vector_load %arg10[%get3A_922, %get3A_923] {strides = array<i32>} : memref<64x128xf32, #tpu.memory_space<vmem>>, vector<16xf32>,
        %mul3A_925 = arith.mulf %get3A_924, %gather3A_896 : vector<16xf32>
        %swap3A_926 = arith.index_cast %add3A_894 : i32 to index
        %swap3A_927 = arith.constant 48 : index
        %swap3A_928 = tpu.vector_load %arg10[%swap3A_926, %swap3A_927] {strides = array<i32>} : memref<64x128xf32, #tpu.memory_space<vmem>>, vector<16xf32>,
        tpu.vector_store %arg10[%swap3A_926, %swap3A_927], %mul3A_925 {strides = array<i32>} : memref<64x128xf32, #tpu.memory_space<vmem>>, vector<16xf32>,
        %get3A_929 = arith.index_cast %add3A_894 : i32 to index
        %get3A_930 = arith.constant 64 : index
        %get3A_931 = tpu.vector_load %arg10[%get3A_929, %get3A_930] {strides = array<i32>} : memref<64x128xf32, #tpu.memory_space<vmem>>, vector<16xf32>,
        %mul3A_932 = arith.mulf %get3A_931, %gather3A_900 : vector<16xf32>
        %swap3A_933 = arith.index_cast %add3A_894 : i32 to index
        %swap3A_934 = arith.constant 64 : index
        %swap3A_935 = tpu.vector_load %arg10[%swap3A_933, %swap3A_934] {strides = array<i32>} : memref<64x128xf32, #tpu.memory_space<vmem>>, vector<16xf32>,
        tpu.vector_store %arg10[%swap3A_933, %swap3A_934], %mul3A_932 {strides = array<i32>} : memref<64x128xf32, #tpu.memory_space<vmem>>, vector<16xf32>,
        %get3A_936 = arith.index_cast %add3A_894 : i32 to index
        %get3A_937 = arith.constant 80 : index
        %get3A_938 = tpu.vector_load %arg10[%get3A_936, %get3A_937] {strides = array<i32>} : memref<64x128xf32, #tpu.memory_space<vmem>>, vector<16xf32>,
        %mul3A_939 = arith.mulf %get3A_938, %gather3A_900 : vector<16xf32>
        %swap3A_940 = arith.index_cast %add3A_894 : i32 to index
        %swap3A_941 = arith.constant 80 : index
        %swap3A_942 = tpu.vector_load %arg10[%swap3A_940, %swap3A_941] {strides = array<i32>} : memref<64x128xf32, #tpu.memory_space<vmem>>, vector<16xf32>,
        tpu.vector_store %arg10[%swap3A_940, %swap3A_941], %mul3A_939 {strides = array<i32>} : memref<64x128xf32, #tpu.memory_space<vmem>>, vector<16xf32>,
        %get3A_943 = arith.index_cast %add3A_894 : i32 to index
        %get3A_944 = arith.constant 96 : index
        %get3A_945 = tpu.vector_load %arg10[%get3A_943, %get3A_944] {strides = array<i32>} : memref<64x128xf32, #tpu.memory_space<vmem>>, vector<16xf32>,
        %mul3A_946 = arith.mulf %get3A_945, %gather3A_900 : vector<16xf32>
        %swap3A_947 = arith.index_cast %add3A_894 : i32 to index
        %swap3A_948 = arith.constant 96 : index
        %swap3A_949 = tpu.vector_load %arg10[%swap3A_947, %swap3A_948] {strides = array<i32>} : memref<64x128xf32, #tpu.memory_space<vmem>>, vector<16xf32>,
        tpu.vector_store %arg10[%swap3A_947, %swap3A_948], %mul3A_946 {strides = array<i32>} : memref<64x128xf32, #tpu.memory_space<vmem>>, vector<16xf32>,
        %get3A_950 = arith.index_cast %add3A_894 : i32 to index
        %get3A_951 = arith.constant 112 : index
        %get3A_952 = tpu.vector_load %arg10[%get3A_950, %get3A_951] {strides = array<i32>} : memref<64x128xf32, #tpu.memory_space<vmem>>, vector<16xf32>,
        %mul3A_953 = arith.mulf %get3A_952, %gather3A_900 : vector<16xf32>
        %swap3A_954 = arith.index_cast %add3A_894 : i32 to index
        %swap3A_955 = arith.constant 112 : index
        %swap3A_956 = tpu.vector_load %arg10[%swap3A_954, %swap3A_955] {strides = array<i32>} : memref<64x128xf32, #tpu.memory_space<vmem>>, vector<16xf32>,
        tpu.vector_store %arg10[%swap3A_954, %swap3A_955], %mul3A_953 {strides = array<i32>} : memref<64x128xf32, #tpu.memory_space<vmem>>, vector<16xf32>,
      }
      %scan3A_810 = arith.constant 32 : i32
      %dma_start3A_811 = arith.constant 0 : i32
      %dma_start3A_812 = arith.constant 0 : i32
      %dma_start3A_813 = tpu.memref_slice %arg18[%dma_start3A_811, %dma_start3A_812] : memref<10240x128xf32, #tpu.memory_space<vmem_shared>> -> memref<10240x128xf32, #tpu.memory_space<vmem_shared>>
      tpu.enqueue_indirect_dma source(%arg10 : memref<64x128xf32, #tpu.memory_space<vmem>>) target(%dma_start3A_813 : memref<10240x128xf32, #tpu.memory_space<vmem_shared>>) offsets(%arg14 : memref<64xi32, #tpu.memory_space<vmem>>) semaphore(%arg23 : memref<!tpu.dma_semaphore, #tpu.memory_space<semaphore_mem>>) {add = true}
      %dma_wait3A_814 = arith.constant 0 : i32
      %dma_wait3A_815 = arith.constant 0 : i32
      %dma_wait3A_816 = tpu.memref_slice %arg18[%dma_wait3A_814, %dma_wait3A_815] : memref<10240x128xf32, #tpu.memory_space<vmem_shared>> -> memref<10240x128xf32, #tpu.memory_space<vmem_shared>>
      tpu.wait_indirect_dma semaphore(%arg22 : memref<!tpu.dma_semaphore, #tpu.memory_space<semaphore_mem>>) src(%arg9 : memref<64x128xf32, #tpu.memory_space<vmem>>) dst(%dma_wait3A_816 : memref<10240x128xf32, #tpu.memory_space<vmem_shared>>)
      %add3A_817 = arith.constant 1 : i32
      %add3A_818 = arith.addi %scan3A_324, %add3A_817 : i32
      %lt3A = arith.constant 42 : i32
      %lt3A_819 = arith.cmpi slt, %add3A_818, %lt3A : i32
      %convert_element_type3A = arith.extui %lt3A_819 : i1 to i32
      %cond3A = arith.constant 0 : i32
      %cond3A_820 = arith.cmpi ne, %convert_element_type3A, %cond3A : i32
      scf.if %cond3A_820 {
        %add3A_824 = arith.constant 2 : i32
        %add3A_825 = arith.addi %mul3A_326, %add3A_824 : i32
        %dma_start3A_826 = arith.constant 0 : i32
        %dma_start3A_827 = arith.constant 0 : i32
        %dma_start3A_828 = tpu.memref_slice %arg8[%add3A_825, %dma_start3A_826, %dma_start3A_827] : memref<84x1x128xi32, #tpu.memory_space<vmem>> -> memref<1x1x64xi32, #tpu.memory_space<vmem>>
        %dma_start3A_829 = tpu.memref_squeeze %dma_start3A_828 : memref<1x1x64xi32, #tpu.memory_space<vmem>> -> memref<64xi32, #tpu.memory_space<vmem>>
        %dma_start3A_830 = arith.constant 0 : i32
        %dma_start3A_831 = arith.constant 0 : i32
        %dma_start3A_832 = tpu.memref_slice %arg5[%dma_start3A_830, %dma_start3A_831] : memref<10240x128xf32, #tpu.memory_space<hbm>> -> memref<10240x128xf32, #tpu.memory_space<hbm>>
        tpu.enqueue_indirect_dma source(%dma_start3A_832 : memref<10240x128xf32, #tpu.memory_space<hbm>>) target(%arg9 : memref<64x128xf32, #tpu.memory_space<vmem>>) offsets(%dma_start3A_829 : memref<64xi32, #tpu.memory_space<vmem>>) semaphore(%arg20 : memref<!tpu.dma_semaphore, #tpu.memory_space<semaphore_mem>>)
        %dma_start3A_833 = arith.constant 0 : i32
        %dma_start3A_834 = arith.constant 0 : i32
        %dma_start3A_835 = tpu.memref_slice %arg8[%add3A_825, %dma_start3A_833, %dma_start3A_834] : memref<84x1x128xi32, #tpu.memory_space<vmem>> -> memref<1x1x128xi32, #tpu.memory_space<vmem>>
        %dma_start3A_836 = tpu.memref_squeeze %dma_start3A_835 : memref<1x1x128xi32, #tpu.memory_space<vmem>> -> memref<128xi32, #tpu.memory_space<vmem>>
        %dma_start3A_837 = arith.constant 0 : i32
        %dma_start3A_838 = arith.constant 0 : i32
        %dma_start3A_839 = tpu.memref_slice %arg3[%dma_start3A_837, %dma_start3A_838] : memref<10240x16xf32, #tpu.memory_space<hbm>> -> memref<10240x16xf32, #tpu.memory_space<hbm>>
        tpu.enqueue_indirect_dma source(%dma_start3A_839 : memref<10240x16xf32, #tpu.memory_space<hbm>>) target(%arg11 : memref<128x16xf32, #tpu.memory_space<vmem>>) offsets(%dma_start3A_836 : memref<128xi32, #tpu.memory_space<vmem>>) semaphore(%arg20 : memref<!tpu.dma_semaphore, #tpu.memory_space<semaphore_mem>>)
      } else {
      }
      %dma_wait3A_821 = arith.constant 0 : i32
      %dma_wait3A_822 = arith.constant 0 : i32
      %dma_wait3A_823 = tpu.memref_slice %arg18[%dma_wait3A_821, %dma_wait3A_822] : memref<10240x128xf32, #tpu.memory_space<vmem_shared>> -> memref<10240x128xf32, #tpu.memory_space<vmem_shared>>
      tpu.wait_indirect_dma semaphore(%arg23 : memref<!tpu.dma_semaphore, #tpu.memory_space<semaphore_mem>>) src(%arg10 : memref<64x128xf32, #tpu.memory_space<vmem>>) dst(%dma_wait3A_823 : memref<10240x128xf32, #tpu.memory_space<vmem_shared>>)
    }
    %scan3A_232 = arith.constant 42 : i32
    %barrier3A_233 = arith.constant 0 : index
    tpu.barrier barrier_id(%barrier3A_233)
    %mul3A_234 = arith.constant 640 : i32
    %mul3A_235 = arith.muli %arg1, %mul3A_234 : i32
    %add3A_236 = arith.constant 0 : i32
    %add3A_237 = arith.addi %mul3A_235, %add3A_236 : i32
    %run_scoped3A_238 = arith.constant 1 : i32
    "tpu.region"() ({
      %run_scoped3A_324 = tpu.sem_alloc : memref<!tpu.dma_semaphore, #tpu.memory_space<semaphore_mem>>
      %dma_start3A_325 = arith.constant 0 : i32
      %dma_start3A_326 = tpu.memref_slice %arg6[%run_scoped3A_238, %arg0, %add3A_237, %dma_start3A_325] : memref<2x2x10240x128xf32, #tpu.memory_space<hbm>> -> memref<1x1x64x128xf32, #tpu.memory_space<hbm>>
      %dma_start3A_327 = tpu.memref_squeeze %dma_start3A_326 : memref<1x1x64x128xf32, #tpu.memory_space<hbm>> -> memref<64x128xf32, #tpu.memory_space<hbm>>
      %dma_start3A_328 = arith.constant 0 : i32
      %dma_start3A_329 = tpu.memref_slice %arg18[%add3A_237, %dma_start3A_328] : memref<10240x128xf32, #tpu.memory_space<vmem_shared>> -> memref<64x128xf32, #tpu.memory_space<vmem_shared>>
      tpu.enqueue_dma source(%dma_start3A_329 : memref<64x128xf32, #tpu.memory_space<vmem_shared>>) target(%dma_start3A_327 : memref<64x128xf32, #tpu.memory_space<hbm>>) target_semaphore(%run_scoped3A_324 : memref<!tpu.dma_semaphore, #tpu.memory_space<semaphore_mem>>)
      %dma_wait3A = arith.constant 0 : i32
      %dma_wait3A_330 = tpu.memref_slice %arg6[%run_scoped3A_238, %arg0, %add3A_237, %dma_wait3A] : memref<2x2x10240x128xf32, #tpu.memory_space<hbm>> -> memref<1x1x64x128xf32, #tpu.memory_space<hbm>>
      %dma_wait3A_331 = tpu.memref_squeeze %dma_wait3A_330 : memref<1x1x64x128xf32, #tpu.memory_space<hbm>> -> memref<64x128xf32, #tpu.memory_space<hbm>>
      %dma_wait3A_332 = arith.constant 0 : i32
      %dma_wait3A_333 = tpu.memref_slice %arg18[%add3A_237, %dma_wait3A_332] : memref<10240x128xf32, #tpu.memory_space<vmem_shared>> -> memref<64x128xf32, #tpu.memory_space<vmem_shared>>
      tpu.wait_dma2 semaphore(%run_scoped3A_324 : memref<!tpu.dma_semaphore, #tpu.memory_space<semaphore_mem>>) src(%dma_wait3A_333 : memref<64x128xf32, #tpu.memory_space<vmem_shared>>) dst(%dma_wait3A_331 : memref<64x128xf32, #tpu.memory_space<hbm>>)
      tpu.yield
    }) : () -> ()
    %mul3A_239 = arith.constant 640 : i32
    %mul3A_240 = arith.muli %arg1, %mul3A_239 : i32
    %add3A_241 = arith.constant 64 : i32
    %add3A_242 = arith.addi %mul3A_240, %add3A_241 : i32
    %run_scoped3A_243 = arith.constant 1 : i32
    "tpu.region"() ({
      %run_scoped3A_324 = tpu.sem_alloc : memref<!tpu.dma_semaphore, #tpu.memory_space<semaphore_mem>>
      %dma_start3A_325 = arith.constant 0 : i32
      %dma_start3A_326 = tpu.memref_slice %arg6[%run_scoped3A_243, %arg0, %add3A_242, %dma_start3A_325] : memref<2x2x10240x128xf32, #tpu.memory_space<hbm>> -> memref<1x1x64x128xf32, #tpu.memory_space<hbm>>
      %dma_start3A_327 = tpu.memref_squeeze %dma_start3A_326 : memref<1x1x64x128xf32, #tpu.memory_space<hbm>> -> memref<64x128xf32, #tpu.memory_space<hbm>>
      %dma_start3A_328 = arith.constant 0 : i32
      %dma_start3A_329 = tpu.memref_slice %arg18[%add3A_242, %dma_start3A_328] : memref<10240x128xf32, #tpu.memory_space<vmem_shared>> -> memref<64x128xf32, #tpu.memory_space<vmem_shared>>
      tpu.enqueue_dma source(%dma_start3A_329 : memref<64x128xf32, #tpu.memory_space<vmem_shared>>) target(%dma_start3A_327 : memref<64x128xf32, #tpu.memory_space<hbm>>) target_semaphore(%run_scoped3A_324 : memref<!tpu.dma_semaphore, #tpu.memory_space<semaphore_mem>>)
      %dma_wait3A = arith.constant 0 : i32
      %dma_wait3A_330 = tpu.memref_slice %arg6[%run_scoped3A_243, %arg0, %add3A_242, %dma_wait3A] : memref<2x2x10240x128xf32, #tpu.memory_space<hbm>> -> memref<1x1x64x128xf32, #tpu.memory_space<hbm>>
      %dma_wait3A_331 = tpu.memref_squeeze %dma_wait3A_330 : memref<1x1x64x128xf32, #tpu.memory_space<hbm>> -> memref<64x128xf32, #tpu.memory_space<hbm>>
      %dma_wait3A_332 = arith.constant 0 : i32
      %dma_wait3A_333 = tpu.memref_slice %arg18[%add3A_242, %dma_wait3A_332] : memref<10240x128xf32, #tpu.memory_space<vmem_shared>> -> memref<64x128xf32, #tpu.memory_space<vmem_shared>>
      tpu.wait_dma2 semaphore(%run_scoped3A_324 : memref<!tpu.dma_semaphore, #tpu.memory_space<semaphore_mem>>) src(%dma_wait3A_333 : memref<64x128xf32, #tpu.memory_space<vmem_shared>>) dst(%dma_wait3A_331 : memref<64x128xf32, #tpu.memory_space<hbm>>)
      tpu.yield
    }) : () -> ()
    %mul3A_244 = arith.constant 640 : i32
    %mul3A_245 = arith.muli %arg1, %mul3A_244 : i32
    %add3A_246 = arith.constant 128 : i32
    %add3A_247 = arith.addi %mul3A_245, %add3A_246 : i32
    %run_scoped3A_248 = arith.constant 1 : i32
    "tpu.region"() ({
      %run_scoped3A_324 = tpu.sem_alloc : memref<!tpu.dma_semaphore, #tpu.memory_space<semaphore_mem>>
      %dma_start3A_325 = arith.constant 0 : i32
      %dma_start3A_326 = tpu.memref_slice %arg6[%run_scoped3A_248, %arg0, %add3A_247, %dma_start3A_325] : memref<2x2x10240x128xf32, #tpu.memory_space<hbm>> -> memref<1x1x64x128xf32, #tpu.memory_space<hbm>>
      %dma_start3A_327 = tpu.memref_squeeze %dma_start3A_326 : memref<1x1x64x128xf32, #tpu.memory_space<hbm>> -> memref<64x128xf32, #tpu.memory_space<hbm>>
      %dma_start3A_328 = arith.constant 0 : i32
      %dma_start3A_329 = tpu.memref_slice %arg18[%add3A_247, %dma_start3A_328] : memref<10240x128xf32, #tpu.memory_space<vmem_shared>> -> memref<64x128xf32, #tpu.memory_space<vmem_shared>>
      tpu.enqueue_dma source(%dma_start3A_329 : memref<64x128xf32, #tpu.memory_space<vmem_shared>>) target(%dma_start3A_327 : memref<64x128xf32, #tpu.memory_space<hbm>>) target_semaphore(%run_scoped3A_324 : memref<!tpu.dma_semaphore, #tpu.memory_space<semaphore_mem>>)
      %dma_wait3A = arith.constant 0 : i32
      %dma_wait3A_330 = tpu.memref_slice %arg6[%run_scoped3A_248, %arg0, %add3A_247, %dma_wait3A] : memref<2x2x10240x128xf32, #tpu.memory_space<hbm>> -> memref<1x1x64x128xf32, #tpu.memory_space<hbm>>
      %dma_wait3A_331 = tpu.memref_squeeze %dma_wait3A_330 : memref<1x1x64x128xf32, #tpu.memory_space<hbm>> -> memref<64x128xf32, #tpu.memory_space<hbm>>
      %dma_wait3A_332 = arith.constant 0 : i32
      %dma_wait3A_333 = tpu.memref_slice %arg18[%add3A_247, %dma_wait3A_332] : memref<10240x128xf32, #tpu.memory_space<vmem_shared>> -> memref<64x128xf32, #tpu.memory_space<vmem_shared>>
      tpu.wait_dma2 semaphore(%run_scoped3A_324 : memref<!tpu.dma_semaphore, #tpu.memory_space<semaphore_mem>>) src(%dma_wait3A_333 : memref<64x128xf32, #tpu.memory_space<vmem_shared>>) dst(%dma_wait3A_331 : memref<64x128xf32, #tpu.memory_space<hbm>>)
      tpu.yield
    }) : () -> ()
    %mul3A_249 = arith.constant 640 : i32
    %mul3A_250 = arith.muli %arg1, %mul3A_249 : i32
    %add3A_251 = arith.constant 192 : i32
    %add3A_252 = arith.addi %mul3A_250, %add3A_251 : i32
    %run_scoped3A_253 = arith.constant 1 : i32
    "tpu.region"() ({
      %run_scoped3A_324 = tpu.sem_alloc : memref<!tpu.dma_semaphore, #tpu.memory_space<semaphore_mem>>
      %dma_start3A_325 = arith.constant 0 : i32
      %dma_start3A_326 = tpu.memref_slice %arg6[%run_scoped3A_253, %arg0, %add3A_252, %dma_start3A_325] : memref<2x2x10240x128xf32, #tpu.memory_space<hbm>> -> memref<1x1x64x128xf32, #tpu.memory_space<hbm>>
      %dma_start3A_327 = tpu.memref_squeeze %dma_start3A_326 : memref<1x1x64x128xf32, #tpu.memory_space<hbm>> -> memref<64x128xf32, #tpu.memory_space<hbm>>
      %dma_start3A_328 = arith.constant 0 : i32
      %dma_start3A_329 = tpu.memref_slice %arg18[%add3A_252, %dma_start3A_328] : memref<10240x128xf32, #tpu.memory_space<vmem_shared>> -> memref<64x128xf32, #tpu.memory_space<vmem_shared>>
      tpu.enqueue_dma source(%dma_start3A_329 : memref<64x128xf32, #tpu.memory_space<vmem_shared>>) target(%dma_start3A_327 : memref<64x128xf32, #tpu.memory_space<hbm>>) target_semaphore(%run_scoped3A_324 : memref<!tpu.dma_semaphore, #tpu.memory_space<semaphore_mem>>)
      %dma_wait3A = arith.constant 0 : i32
      %dma_wait3A_330 = tpu.memref_slice %arg6[%run_scoped3A_253, %arg0, %add3A_252, %dma_wait3A] : memref<2x2x10240x128xf32, #tpu.memory_space<hbm>> -> memref<1x1x64x128xf32, #tpu.memory_space<hbm>>
      %dma_wait3A_331 = tpu.memref_squeeze %dma_wait3A_330 : memref<1x1x64x128xf32, #tpu.memory_space<hbm>> -> memref<64x128xf32, #tpu.memory_space<hbm>>
      %dma_wait3A_332 = arith.constant 0 : i32
      %dma_wait3A_333 = tpu.memref_slice %arg18[%add3A_252, %dma_wait3A_332] : memref<10240x128xf32, #tpu.memory_space<vmem_shared>> -> memref<64x128xf32, #tpu.memory_space<vmem_shared>>
      tpu.wait_dma2 semaphore(%run_scoped3A_324 : memref<!tpu.dma_semaphore, #tpu.memory_space<semaphore_mem>>) src(%dma_wait3A_333 : memref<64x128xf32, #tpu.memory_space<vmem_shared>>) dst(%dma_wait3A_331 : memref<64x128xf32, #tpu.memory_space<hbm>>)
      tpu.yield
    }) : () -> ()
    %mul3A_254 = arith.constant 640 : i32
    %mul3A_255 = arith.muli %arg1, %mul3A_254 : i32
    %add3A_256 = arith.constant 256 : i32
    %add3A_257 = arith.addi %mul3A_255, %add3A_256 : i32
    %run_scoped3A_258 = arith.constant 1 : i32
    "tpu.region"() ({
      %run_scoped3A_324 = tpu.sem_alloc : memref<!tpu.dma_semaphore, #tpu.memory_space<semaphore_mem>>
      %dma_start3A_325 = arith.constant 0 : i32
      %dma_start3A_326 = tpu.memref_slice %arg6[%run_scoped3A_258, %arg0, %add3A_257, %dma_start3A_325] : memref<2x2x10240x128xf32, #tpu.memory_space<hbm>> -> memref<1x1x64x128xf32, #tpu.memory_space<hbm>>
      %dma_start3A_327 = tpu.memref_squeeze %dma_start3A_326 : memref<1x1x64x128xf32, #tpu.memory_space<hbm>> -> memref<64x128xf32, #tpu.memory_space<hbm>>
      %dma_start3A_328 = arith.constant 0 : i32
      %dma_start3A_329 = tpu.memref_slice %arg18[%add3A_257, %dma_start3A_328] : memref<10240x128xf32, #tpu.memory_space<vmem_shared>> -> memref<64x128xf32, #tpu.memory_space<vmem_shared>>
      tpu.enqueue_dma source(%dma_start3A_329 : memref<64x128xf32, #tpu.memory_space<vmem_shared>>) target(%dma_start3A_327 : memref<64x128xf32, #tpu.memory_space<hbm>>) target_semaphore(%run_scoped3A_324 : memref<!tpu.dma_semaphore, #tpu.memory_space<semaphore_mem>>)
      %dma_wait3A = arith.constant 0 : i32
      %dma_wait3A_330 = tpu.memref_slice %arg6[%run_scoped3A_258, %arg0, %add3A_257, %dma_wait3A] : memref<2x2x10240x128xf32, #tpu.memory_space<hbm>> -> memref<1x1x64x128xf32, #tpu.memory_space<hbm>>
      %dma_wait3A_331 = tpu.memref_squeeze %dma_wait3A_330 : memref<1x1x64x128xf32, #tpu.memory_space<hbm>> -> memref<64x128xf32, #tpu.memory_space<hbm>>
      %dma_wait3A_332 = arith.constant 0 : i32
      %dma_wait3A_333 = tpu.memref_slice %arg18[%add3A_257, %dma_wait3A_332] : memref<10240x128xf32, #tpu.memory_space<vmem_shared>> -> memref<64x128xf32, #tpu.memory_space<vmem_shared>>
      tpu.wait_dma2 semaphore(%run_scoped3A_324 : memref<!tpu.dma_semaphore, #tpu.memory_space<semaphore_mem>>) src(%dma_wait3A_333 : memref<64x128xf32, #tpu.memory_space<vmem_shared>>) dst(%dma_wait3A_331 : memref<64x128xf32, #tpu.memory_space<hbm>>)
      tpu.yield
    }) : () -> ()
    %mul3A_259 = arith.constant 640 : i32
    %mul3A_260 = arith.muli %arg1, %mul3A_259 : i32
    %add3A_261 = arith.constant 320 : i32
    %add3A_262 = arith.addi %mul3A_260, %add3A_261 : i32
    %run_scoped3A_263 = arith.constant 1 : i32
    "tpu.region"() ({
      %run_scoped3A_324 = tpu.sem_alloc : memref<!tpu.dma_semaphore, #tpu.memory_space<semaphore_mem>>
      %dma_start3A_325 = arith.constant 0 : i32
      %dma_start3A_326 = tpu.memref_slice %arg6[%run_scoped3A_263, %arg0, %add3A_262, %dma_start3A_325] : memref<2x2x10240x128xf32, #tpu.memory_space<hbm>> -> memref<1x1x64x128xf32, #tpu.memory_space<hbm>>
      %dma_start3A_327 = tpu.memref_squeeze %dma_start3A_326 : memref<1x1x64x128xf32, #tpu.memory_space<hbm>> -> memref<64x128xf32, #tpu.memory_space<hbm>>
      %dma_start3A_328 = arith.constant 0 : i32
      %dma_start3A_329 = tpu.memref_slice %arg18[%add3A_262, %dma_start3A_328] : memref<10240x128xf32, #tpu.memory_space<vmem_shared>> -> memref<64x128xf32, #tpu.memory_space<vmem_shared>>
      tpu.enqueue_dma source(%dma_start3A_329 : memref<64x128xf32, #tpu.memory_space<vmem_shared>>) target(%dma_start3A_327 : memref<64x128xf32, #tpu.memory_space<hbm>>) target_semaphore(%run_scoped3A_324 : memref<!tpu.dma_semaphore, #tpu.memory_space<semaphore_mem>>)
      %dma_wait3A = arith.constant 0 : i32
      %dma_wait3A_330 = tpu.memref_slice %arg6[%run_scoped3A_263, %arg0, %add3A_262, %dma_wait3A] : memref<2x2x10240x128xf32, #tpu.memory_space<hbm>> -> memref<1x1x64x128xf32, #tpu.memory_space<hbm>>
      %dma_wait3A_331 = tpu.memref_squeeze %dma_wait3A_330 : memref<1x1x64x128xf32, #tpu.memory_space<hbm>> -> memref<64x128xf32, #tpu.memory_space<hbm>>
      %dma_wait3A_332 = arith.constant 0 : i32
      %dma_wait3A_333 = tpu.memref_slice %arg18[%add3A_262, %dma_wait3A_332] : memref<10240x128xf32, #tpu.memory_space<vmem_shared>> -> memref<64x128xf32, #tpu.memory_space<vmem_shared>>
      tpu.wait_dma2 semaphore(%run_scoped3A_324 : memref<!tpu.dma_semaphore, #tpu.memory_space<semaphore_mem>>) src(%dma_wait3A_333 : memref<64x128xf32, #tpu.memory_space<vmem_shared>>) dst(%dma_wait3A_331 : memref<64x128xf32, #tpu.memory_space<hbm>>)
      tpu.yield
    }) : () -> ()
    %mul3A_264 = arith.constant 640 : i32
    %mul3A_265 = arith.muli %arg1, %mul3A_264 : i32
    %add3A_266 = arith.constant 384 : i32
    %add3A_267 = arith.addi %mul3A_265, %add3A_266 : i32
    %run_scoped3A_268 = arith.constant 1 : i32
    "tpu.region"() ({
      %run_scoped3A_324 = tpu.sem_alloc : memref<!tpu.dma_semaphore, #tpu.memory_space<semaphore_mem>>
      %dma_start3A_325 = arith.constant 0 : i32
      %dma_start3A_326 = tpu.memref_slice %arg6[%run_scoped3A_268, %arg0, %add3A_267, %dma_start3A_325] : memref<2x2x10240x128xf32, #tpu.memory_space<hbm>> -> memref<1x1x64x128xf32, #tpu.memory_space<hbm>>
      %dma_start3A_327 = tpu.memref_squeeze %dma_start3A_326 : memref<1x1x64x128xf32, #tpu.memory_space<hbm>> -> memref<64x128xf32, #tpu.memory_space<hbm>>
      %dma_start3A_328 = arith.constant 0 : i32
      %dma_start3A_329 = tpu.memref_slice %arg18[%add3A_267, %dma_start3A_328] : memref<10240x128xf32, #tpu.memory_space<vmem_shared>> -> memref<64x128xf32, #tpu.memory_space<vmem_shared>>
      tpu.enqueue_dma source(%dma_start3A_329 : memref<64x128xf32, #tpu.memory_space<vmem_shared>>) target(%dma_start3A_327 : memref<64x128xf32, #tpu.memory_space<hbm>>) target_semaphore(%run_scoped3A_324 : memref<!tpu.dma_semaphore, #tpu.memory_space<semaphore_mem>>)
      %dma_wait3A = arith.constant 0 : i32
      %dma_wait3A_330 = tpu.memref_slice %arg6[%run_scoped3A_268, %arg0, %add3A_267, %dma_wait3A] : memref<2x2x10240x128xf32, #tpu.memory_space<hbm>> -> memref<1x1x64x128xf32, #tpu.memory_space<hbm>>
      %dma_wait3A_331 = tpu.memref_squeeze %dma_wait3A_330 : memref<1x1x64x128xf32, #tpu.memory_space<hbm>> -> memref<64x128xf32, #tpu.memory_space<hbm>>
      %dma_wait3A_332 = arith.constant 0 : i32
      %dma_wait3A_333 = tpu.memref_slice %arg18[%add3A_267, %dma_wait3A_332] : memref<10240x128xf32, #tpu.memory_space<vmem_shared>> -> memref<64x128xf32, #tpu.memory_space<vmem_shared>>
      tpu.wait_dma2 semaphore(%run_scoped3A_324 : memref<!tpu.dma_semaphore, #tpu.memory_space<semaphore_mem>>) src(%dma_wait3A_333 : memref<64x128xf32, #tpu.memory_space<vmem_shared>>) dst(%dma_wait3A_331 : memref<64x128xf32, #tpu.memory_space<hbm>>)
      tpu.yield
    }) : () -> ()
    %mul3A_269 = arith.constant 640 : i32
    %mul3A_270 = arith.muli %arg1, %mul3A_269 : i32
    %add3A_271 = arith.constant 448 : i32
    %add3A_272 = arith.addi %mul3A_270, %add3A_271 : i32
    %run_scoped3A_273 = arith.constant 1 : i32
    "tpu.region"() ({
      %run_scoped3A_324 = tpu.sem_alloc : memref<!tpu.dma_semaphore, #tpu.memory_space<semaphore_mem>>
      %dma_start3A_325 = arith.constant 0 : i32
      %dma_start3A_326 = tpu.memref_slice %arg6[%run_scoped3A_273, %arg0, %add3A_272, %dma_start3A_325] : memref<2x2x10240x128xf32, #tpu.memory_space<hbm>> -> memref<1x1x64x128xf32, #tpu.memory_space<hbm>>
      %dma_start3A_327 = tpu.memref_squeeze %dma_start3A_326 : memref<1x1x64x128xf32, #tpu.memory_space<hbm>> -> memref<64x128xf32, #tpu.memory_space<hbm>>
      %dma_start3A_328 = arith.constant 0 : i32
      %dma_start3A_329 = tpu.memref_slice %arg18[%add3A_272, %dma_start3A_328] : memref<10240x128xf32, #tpu.memory_space<vmem_shared>> -> memref<64x128xf32, #tpu.memory_space<vmem_shared>>
      tpu.enqueue_dma source(%dma_start3A_329 : memref<64x128xf32, #tpu.memory_space<vmem_shared>>) target(%dma_start3A_327 : memref<64x128xf32, #tpu.memory_space<hbm>>) target_semaphore(%run_scoped3A_324 : memref<!tpu.dma_semaphore, #tpu.memory_space<semaphore_mem>>)
      %dma_wait3A = arith.constant 0 : i32
      %dma_wait3A_330 = tpu.memref_slice %arg6[%run_scoped3A_273, %arg0, %add3A_272, %dma_wait3A] : memref<2x2x10240x128xf32, #tpu.memory_space<hbm>> -> memref<1x1x64x128xf32, #tpu.memory_space<hbm>>
      %dma_wait3A_331 = tpu.memref_squeeze %dma_wait3A_330 : memref<1x1x64x128xf32, #tpu.memory_space<hbm>> -> memref<64x128xf32, #tpu.memory_space<hbm>>
      %dma_wait3A_332 = arith.constant 0 : i32
      %dma_wait3A_333 = tpu.memref_slice %arg18[%add3A_272, %dma_wait3A_332] : memref<10240x128xf32, #tpu.memory_space<vmem_shared>> -> memref<64x128xf32, #tpu.memory_space<vmem_shared>>
      tpu.wait_dma2 semaphore(%run_scoped3A_324 : memref<!tpu.dma_semaphore, #tpu.memory_space<semaphore_mem>>) src(%dma_wait3A_333 : memref<64x128xf32, #tpu.memory_space<vmem_shared>>) dst(%dma_wait3A_331 : memref<64x128xf32, #tpu.memory_space<hbm>>)
      tpu.yield
    }) : () -> ()
    %mul3A_274 = arith.constant 640 : i32
    %mul3A_275 = arith.muli %arg1, %mul3A_274 : i32
    %add3A_276 = arith.constant 512 : i32
    %add3A_277 = arith.addi %mul3A_275, %add3A_276 : i32
    %run_scoped3A_278 = arith.constant 1 : i32
    "tpu.region"() ({
      %run_scoped3A_324 = tpu.sem_alloc : memref<!tpu.dma_semaphore, #tpu.memory_space<semaphore_mem>>
      %dma_start3A_325 = arith.constant 0 : i32
      %dma_start3A_326 = tpu.memref_slice %arg6[%run_scoped3A_278, %arg0, %add3A_277, %dma_start3A_325] : memref<2x2x10240x128xf32, #tpu.memory_space<hbm>> -> memref<1x1x64x128xf32, #tpu.memory_space<hbm>>
      %dma_start3A_327 = tpu.memref_squeeze %dma_start3A_326 : memref<1x1x64x128xf32, #tpu.memory_space<hbm>> -> memref<64x128xf32, #tpu.memory_space<hbm>>
      %dma_start3A_328 = arith.constant 0 : i32
      %dma_start3A_329 = tpu.memref_slice %arg18[%add3A_277, %dma_start3A_328] : memref<10240x128xf32, #tpu.memory_space<vmem_shared>> -> memref<64x128xf32, #tpu.memory_space<vmem_shared>>
      tpu.enqueue_dma source(%dma_start3A_329 : memref<64x128xf32, #tpu.memory_space<vmem_shared>>) target(%dma_start3A_327 : memref<64x128xf32, #tpu.memory_space<hbm>>) target_semaphore(%run_scoped3A_324 : memref<!tpu.dma_semaphore, #tpu.memory_space<semaphore_mem>>)
      %dma_wait3A = arith.constant 0 : i32
      %dma_wait3A_330 = tpu.memref_slice %arg6[%run_scoped3A_278, %arg0, %add3A_277, %dma_wait3A] : memref<2x2x10240x128xf32, #tpu.memory_space<hbm>> -> memref<1x1x64x128xf32, #tpu.memory_space<hbm>>
      %dma_wait3A_331 = tpu.memref_squeeze %dma_wait3A_330 : memref<1x1x64x128xf32, #tpu.memory_space<hbm>> -> memref<64x128xf32, #tpu.memory_space<hbm>>
      %dma_wait3A_332 = arith.constant 0 : i32
      %dma_wait3A_333 = tpu.memref_slice %arg18[%add3A_277, %dma_wait3A_332] : memref<10240x128xf32, #tpu.memory_space<vmem_shared>> -> memref<64x128xf32, #tpu.memory_space<vmem_shared>>
      tpu.wait_dma2 semaphore(%run_scoped3A_324 : memref<!tpu.dma_semaphore, #tpu.memory_space<semaphore_mem>>) src(%dma_wait3A_333 : memref<64x128xf32, #tpu.memory_space<vmem_shared>>) dst(%dma_wait3A_331 : memref<64x128xf32, #tpu.memory_space<hbm>>)
      tpu.yield
    }) : () -> ()
    %mul3A_279 = arith.constant 640 : i32
    %mul3A_280 = arith.muli %arg1, %mul3A_279 : i32
    %add3A_281 = arith.constant 576 : i32
    %add3A_282 = arith.addi %mul3A_280, %add3A_281 : i32
    %run_scoped3A_283 = arith.constant 1 : i32
    "tpu.region"() ({
      %run_scoped3A_324 = tpu.sem_alloc : memref<!tpu.dma_semaphore, #tpu.memory_space<semaphore_mem>>
      %dma_start3A_325 = arith.constant 0 : i32
      %dma_start3A_326 = tpu.memref_slice %arg6[%run_scoped3A_283, %arg0, %add3A_282, %dma_start3A_325] : memref<2x2x10240x128xf32, #tpu.memory_space<hbm>> -> memref<1x1x64x128xf32, #tpu.memory_space<hbm>>
      %dma_start3A_327 = tpu.memref_squeeze %dma_start3A_326 : memref<1x1x64x128xf32, #tpu.memory_space<hbm>> -> memref<64x128xf32, #tpu.memory_space<hbm>>
      %dma_start3A_328 = arith.constant 0 : i32
      %dma_start3A_329 = tpu.memref_slice %arg18[%add3A_282, %dma_start3A_328] : memref<10240x128xf32, #tpu.memory_space<vmem_shared>> -> memref<64x128xf32, #tpu.memory_space<vmem_shared>>
      tpu.enqueue_dma source(%dma_start3A_329 : memref<64x128xf32, #tpu.memory_space<vmem_shared>>) target(%dma_start3A_327 : memref<64x128xf32, #tpu.memory_space<hbm>>) target_semaphore(%run_scoped3A_324 : memref<!tpu.dma_semaphore, #tpu.memory_space<semaphore_mem>>)
      %dma_wait3A = arith.constant 0 : i32
      %dma_wait3A_330 = tpu.memref_slice %arg6[%run_scoped3A_283, %arg0, %add3A_282, %dma_wait3A] : memref<2x2x10240x128xf32, #tpu.memory_space<hbm>> -> memref<1x1x64x128xf32, #tpu.memory_space<hbm>>
      %dma_wait3A_331 = tpu.memref_squeeze %dma_wait3A_330 : memref<1x1x64x128xf32, #tpu.memory_space<hbm>> -> memref<64x128xf32, #tpu.memory_space<hbm>>
      %dma_wait3A_332 = arith.constant 0 : i32
      %dma_wait3A_333 = tpu.memref_slice %arg18[%add3A_282, %dma_wait3A_332] : memref<10240x128xf32, #tpu.memory_space<vmem_shared>> -> memref<64x128xf32, #tpu.memory_space<vmem_shared>>
      tpu.wait_dma2 semaphore(%run_scoped3A_324 : memref<!tpu.dma_semaphore, #tpu.memory_space<semaphore_mem>>) src(%dma_wait3A_333 : memref<64x128xf32, #tpu.memory_space<vmem_shared>>) dst(%dma_wait3A_331 : memref<64x128xf32, #tpu.memory_space<hbm>>)
      tpu.yield
    }) : () -> ()
    %mul3A_284 = arith.constant 640 : i32
    %mul3A_285 = arith.muli %arg1, %mul3A_284 : i32
    %add3A_286 = arith.constant 0 : i32
    %add3A_287 = arith.addi %mul3A_285, %add3A_286 : i32
    "tpu.region"() ({
      %run_scoped3A_324 = tpu.sem_alloc : memref<!tpu.dma_semaphore, #tpu.memory_space<semaphore_mem>>
      %dma_start3A_325 = arith.constant 0 : i32
      %dma_start3A_326 = tpu.memref_slice %arg7[%arg0, %add3A_287, %dma_start3A_325] : memref<2x10240x16xf32, #tpu.memory_space<hbm>> -> memref<1x64x16xf32, #tpu.memory_space<hbm>>
      %dma_start3A_327 = tpu.memref_squeeze %dma_start3A_326 : memref<1x64x16xf32, #tpu.memory_space<hbm>> -> memref<64x16xf32, #tpu.memory_space<hbm>>
      %dma_start3A_328 = arith.constant 0 : i32
      %dma_start3A_329 = tpu.memref_slice %arg19[%add3A_287, %dma_start3A_328] : memref<10240x16xf32, #tpu.memory_space<vmem_shared>> -> memref<64x16xf32, #tpu.memory_space<vmem_shared>>
      tpu.enqueue_dma source(%dma_start3A_329 : memref<64x16xf32, #tpu.memory_space<vmem_shared>>) target(%dma_start3A_327 : memref<64x16xf32, #tpu.memory_space<hbm>>) target_semaphore(%run_scoped3A_324 : memref<!tpu.dma_semaphore, #tpu.memory_space<semaphore_mem>>)
      %dma_wait3A = arith.constant 0 : i32
      %dma_wait3A_330 = tpu.memref_slice %arg7[%arg0, %add3A_287, %dma_wait3A] : memref<2x10240x16xf32, #tpu.memory_space<hbm>> -> memref<1x64x16xf32, #tpu.memory_space<hbm>>
      %dma_wait3A_331 = tpu.memref_squeeze %dma_wait3A_330 : memref<1x64x16xf32, #tpu.memory_space<hbm>> -> memref<64x16xf32, #tpu.memory_space<hbm>>
      %dma_wait3A_332 = arith.constant 0 : i32
      %dma_wait3A_333 = tpu.memref_slice %arg19[%add3A_287, %dma_wait3A_332] : memref<10240x16xf32, #tpu.memory_space<vmem_shared>> -> memref<64x16xf32, #tpu.memory_space<vmem_shared>>
      tpu.wait_dma2 semaphore(%run_scoped3A_324 : memref<!tpu.dma_semaphore, #tpu.memory_space<semaphore_mem>>) src(%dma_wait3A_333 : memref<64x16xf32, #tpu.memory_space<vmem_shared>>) dst(%dma_wait3A_331 : memref<64x16xf32, #tpu.memory_space<hbm>>)
      tpu.yield
    }) : () -> ()
    %mul3A_288 = arith.constant 640 : i32
    %mul3A_289 = arith.muli %arg1, %mul3A_288 : i32
    %add3A_290 = arith.constant 64 : i32
    %add3A_291 = arith.addi %mul3A_289, %add3A_290 : i32
    "tpu.region"() ({
      %run_scoped3A_324 = tpu.sem_alloc : memref<!tpu.dma_semaphore, #tpu.memory_space<semaphore_mem>>
      %dma_start3A_325 = arith.constant 0 : i32
      %dma_start3A_326 = tpu.memref_slice %arg7[%arg0, %add3A_291, %dma_start3A_325] : memref<2x10240x16xf32, #tpu.memory_space<hbm>> -> memref<1x64x16xf32, #tpu.memory_space<hbm>>
      %dma_start3A_327 = tpu.memref_squeeze %dma_start3A_326 : memref<1x64x16xf32, #tpu.memory_space<hbm>> -> memref<64x16xf32, #tpu.memory_space<hbm>>
      %dma_start3A_328 = arith.constant 0 : i32
      %dma_start3A_329 = tpu.memref_slice %arg19[%add3A_291, %dma_start3A_328] : memref<10240x16xf32, #tpu.memory_space<vmem_shared>> -> memref<64x16xf32, #tpu.memory_space<vmem_shared>>
      tpu.enqueue_dma source(%dma_start3A_329 : memref<64x16xf32, #tpu.memory_space<vmem_shared>>) target(%dma_start3A_327 : memref<64x16xf32, #tpu.memory_space<hbm>>) target_semaphore(%run_scoped3A_324 : memref<!tpu.dma_semaphore, #tpu.memory_space<semaphore_mem>>)
      %dma_wait3A = arith.constant 0 : i32
      %dma_wait3A_330 = tpu.memref_slice %arg7[%arg0, %add3A_291, %dma_wait3A] : memref<2x10240x16xf32, #tpu.memory_space<hbm>> -> memref<1x64x16xf32, #tpu.memory_space<hbm>>
      %dma_wait3A_331 = tpu.memref_squeeze %dma_wait3A_330 : memref<1x64x16xf32, #tpu.memory_space<hbm>> -> memref<64x16xf32, #tpu.memory_space<hbm>>
      %dma_wait3A_332 = arith.constant 0 : i32
      %dma_wait3A_333 = tpu.memref_slice %arg19[%add3A_291, %dma_wait3A_332] : memref<10240x16xf32, #tpu.memory_space<vmem_shared>> -> memref<64x16xf32, #tpu.memory_space<vmem_shared>>
      tpu.wait_dma2 semaphore(%run_scoped3A_324 : memref<!tpu.dma_semaphore, #tpu.memory_space<semaphore_mem>>) src(%dma_wait3A_333 : memref<64x16xf32, #tpu.memory_space<vmem_shared>>) dst(%dma_wait3A_331 : memref<64x16xf32, #tpu.memory_space<hbm>>)
      tpu.yield
    }) : () -> ()
    %mul3A_292 = arith.constant 640 : i32
    %mul3A_293 = arith.muli %arg1, %mul3A_292 : i32
    %add3A_294 = arith.constant 128 : i32
    %add3A_295 = arith.addi %mul3A_293, %add3A_294 : i32
    "tpu.region"() ({
      %run_scoped3A_324 = tpu.sem_alloc : memref<!tpu.dma_semaphore, #tpu.memory_space<semaphore_mem>>
      %dma_start3A_325 = arith.constant 0 : i32
      %dma_start3A_326 = tpu.memref_slice %arg7[%arg0, %add3A_295, %dma_start3A_325] : memref<2x10240x16xf32, #tpu.memory_space<hbm>> -> memref<1x64x16xf32, #tpu.memory_space<hbm>>
      %dma_start3A_327 = tpu.memref_squeeze %dma_start3A_326 : memref<1x64x16xf32, #tpu.memory_space<hbm>> -> memref<64x16xf32, #tpu.memory_space<hbm>>
      %dma_start3A_328 = arith.constant 0 : i32
      %dma_start3A_329 = tpu.memref_slice %arg19[%add3A_295, %dma_start3A_328] : memref<10240x16xf32, #tpu.memory_space<vmem_shared>> -> memref<64x16xf32, #tpu.memory_space<vmem_shared>>
      tpu.enqueue_dma source(%dma_start3A_329 : memref<64x16xf32, #tpu.memory_space<vmem_shared>>) target(%dma_start3A_327 : memref<64x16xf32, #tpu.memory_space<hbm>>) target_semaphore(%run_scoped3A_324 : memref<!tpu.dma_semaphore, #tpu.memory_space<semaphore_mem>>)
      %dma_wait3A = arith.constant 0 : i32
      %dma_wait3A_330 = tpu.memref_slice %arg7[%arg0, %add3A_295, %dma_wait3A] : memref<2x10240x16xf32, #tpu.memory_space<hbm>> -> memref<1x64x16xf32, #tpu.memory_space<hbm>>
      %dma_wait3A_331 = tpu.memref_squeeze %dma_wait3A_330 : memref<1x64x16xf32, #tpu.memory_space<hbm>> -> memref<64x16xf32, #tpu.memory_space<hbm>>
      %dma_wait3A_332 = arith.constant 0 : i32
      %dma_wait3A_333 = tpu.memref_slice %arg19[%add3A_295, %dma_wait3A_332] : memref<10240x16xf32, #tpu.memory_space<vmem_shared>> -> memref<64x16xf32, #tpu.memory_space<vmem_shared>>
      tpu.wait_dma2 semaphore(%run_scoped3A_324 : memref<!tpu.dma_semaphore, #tpu.memory_space<semaphore_mem>>) src(%dma_wait3A_333 : memref<64x16xf32, #tpu.memory_space<vmem_shared>>) dst(%dma_wait3A_331 : memref<64x16xf32, #tpu.memory_space<hbm>>)
      tpu.yield
    }) : () -> ()
    %mul3A_296 = arith.constant 640 : i32
    %mul3A_297 = arith.muli %arg1, %mul3A_296 : i32
    %add3A_298 = arith.constant 192 : i32
    %add3A_299 = arith.addi %mul3A_297, %add3A_298 : i32
    "tpu.region"() ({
      %run_scoped3A_324 = tpu.sem_alloc : memref<!tpu.dma_semaphore, #tpu.memory_space<semaphore_mem>>
      %dma_start3A_325 = arith.constant 0 : i32
      %dma_start3A_326 = tpu.memref_slice %arg7[%arg0, %add3A_299, %dma_start3A_325] : memref<2x10240x16xf32, #tpu.memory_space<hbm>> -> memref<1x64x16xf32, #tpu.memory_space<hbm>>
      %dma_start3A_327 = tpu.memref_squeeze %dma_start3A_326 : memref<1x64x16xf32, #tpu.memory_space<hbm>> -> memref<64x16xf32, #tpu.memory_space<hbm>>
      %dma_start3A_328 = arith.constant 0 : i32
      %dma_start3A_329 = tpu.memref_slice %arg19[%add3A_299, %dma_start3A_328] : memref<10240x16xf32, #tpu.memory_space<vmem_shared>> -> memref<64x16xf32, #tpu.memory_space<vmem_shared>>
      tpu.enqueue_dma source(%dma_start3A_329 : memref<64x16xf32, #tpu.memory_space<vmem_shared>>) target(%dma_start3A_327 : memref<64x16xf32, #tpu.memory_space<hbm>>) target_semaphore(%run_scoped3A_324 : memref<!tpu.dma_semaphore, #tpu.memory_space<semaphore_mem>>)
      %dma_wait3A = arith.constant 0 : i32
      %dma_wait3A_330 = tpu.memref_slice %arg7[%arg0, %add3A_299, %dma_wait3A] : memref<2x10240x16xf32, #tpu.memory_space<hbm>> -> memref<1x64x16xf32, #tpu.memory_space<hbm>>
      %dma_wait3A_331 = tpu.memref_squeeze %dma_wait3A_330 : memref<1x64x16xf32, #tpu.memory_space<hbm>> -> memref<64x16xf32, #tpu.memory_space<hbm>>
      %dma_wait3A_332 = arith.constant 0 : i32
      %dma_wait3A_333 = tpu.memref_slice %arg19[%add3A_299, %dma_wait3A_332] : memref<10240x16xf32, #tpu.memory_space<vmem_shared>> -> memref<64x16xf32, #tpu.memory_space<vmem_shared>>
      tpu.wait_dma2 semaphore(%run_scoped3A_324 : memref<!tpu.dma_semaphore, #tpu.memory_space<semaphore_mem>>) src(%dma_wait3A_333 : memref<64x16xf32, #tpu.memory_space<vmem_shared>>) dst(%dma_wait3A_331 : memref<64x16xf32, #tpu.memory_space<hbm>>)
      tpu.yield
    }) : () -> ()
    %mul3A_300 = arith.constant 640 : i32
    %mul3A_301 = arith.muli %arg1, %mul3A_300 : i32
    %add3A_302 = arith.constant 256 : i32
    %add3A_303 = arith.addi %mul3A_301, %add3A_302 : i32
    "tpu.region"() ({
      %run_scoped3A_324 = tpu.sem_alloc : memref<!tpu.dma_semaphore, #tpu.memory_space<semaphore_mem>>
      %dma_start3A_325 = arith.constant 0 : i32
      %dma_start3A_326 = tpu.memref_slice %arg7[%arg0, %add3A_303, %dma_start3A_325] : memref<2x10240x16xf32, #tpu.memory_space<hbm>> -> memref<1x64x16xf32, #tpu.memory_space<hbm>>
      %dma_start3A_327 = tpu.memref_squeeze %dma_start3A_326 : memref<1x64x16xf32, #tpu.memory_space<hbm>> -> memref<64x16xf32, #tpu.memory_space<hbm>>
      %dma_start3A_328 = arith.constant 0 : i32
      %dma_start3A_329 = tpu.memref_slice %arg19[%add3A_303, %dma_start3A_328] : memref<10240x16xf32, #tpu.memory_space<vmem_shared>> -> memref<64x16xf32, #tpu.memory_space<vmem_shared>>
      tpu.enqueue_dma source(%dma_start3A_329 : memref<64x16xf32, #tpu.memory_space<vmem_shared>>) target(%dma_start3A_327 : memref<64x16xf32, #tpu.memory_space<hbm>>) target_semaphore(%run_scoped3A_324 : memref<!tpu.dma_semaphore, #tpu.memory_space<semaphore_mem>>)
      %dma_wait3A = arith.constant 0 : i32
      %dma_wait3A_330 = tpu.memref_slice %arg7[%arg0, %add3A_303, %dma_wait3A] : memref<2x10240x16xf32, #tpu.memory_space<hbm>> -> memref<1x64x16xf32, #tpu.memory_space<hbm>>
      %dma_wait3A_331 = tpu.memref_squeeze %dma_wait3A_330 : memref<1x64x16xf32, #tpu.memory_space<hbm>> -> memref<64x16xf32, #tpu.memory_space<hbm>>
      %dma_wait3A_332 = arith.constant 0 : i32
      %dma_wait3A_333 = tpu.memref_slice %arg19[%add3A_303, %dma_wait3A_332] : memref<10240x16xf32, #tpu.memory_space<vmem_shared>> -> memref<64x16xf32, #tpu.memory_space<vmem_shared>>
      tpu.wait_dma2 semaphore(%run_scoped3A_324 : memref<!tpu.dma_semaphore, #tpu.memory_space<semaphore_mem>>) src(%dma_wait3A_333 : memref<64x16xf32, #tpu.memory_space<vmem_shared>>) dst(%dma_wait3A_331 : memref<64x16xf32, #tpu.memory_space<hbm>>)
      tpu.yield
    }) : () -> ()
    %mul3A_304 = arith.constant 640 : i32
    %mul3A_305 = arith.muli %arg1, %mul3A_304 : i32
    %add3A_306 = arith.constant 320 : i32
    %add3A_307 = arith.addi %mul3A_305, %add3A_306 : i32
    "tpu.region"() ({
      %run_scoped3A_324 = tpu.sem_alloc : memref<!tpu.dma_semaphore, #tpu.memory_space<semaphore_mem>>
      %dma_start3A_325 = arith.constant 0 : i32
      %dma_start3A_326 = tpu.memref_slice %arg7[%arg0, %add3A_307, %dma_start3A_325] : memref<2x10240x16xf32, #tpu.memory_space<hbm>> -> memref<1x64x16xf32, #tpu.memory_space<hbm>>
      %dma_start3A_327 = tpu.memref_squeeze %dma_start3A_326 : memref<1x64x16xf32, #tpu.memory_space<hbm>> -> memref<64x16xf32, #tpu.memory_space<hbm>>
      %dma_start3A_328 = arith.constant 0 : i32
      %dma_start3A_329 = tpu.memref_slice %arg19[%add3A_307, %dma_start3A_328] : memref<10240x16xf32, #tpu.memory_space<vmem_shared>> -> memref<64x16xf32, #tpu.memory_space<vmem_shared>>
      tpu.enqueue_dma source(%dma_start3A_329 : memref<64x16xf32, #tpu.memory_space<vmem_shared>>) target(%dma_start3A_327 : memref<64x16xf32, #tpu.memory_space<hbm>>) target_semaphore(%run_scoped3A_324 : memref<!tpu.dma_semaphore, #tpu.memory_space<semaphore_mem>>)
      %dma_wait3A = arith.constant 0 : i32
      %dma_wait3A_330 = tpu.memref_slice %arg7[%arg0, %add3A_307, %dma_wait3A] : memref<2x10240x16xf32, #tpu.memory_space<hbm>> -> memref<1x64x16xf32, #tpu.memory_space<hbm>>
      %dma_wait3A_331 = tpu.memref_squeeze %dma_wait3A_330 : memref<1x64x16xf32, #tpu.memory_space<hbm>> -> memref<64x16xf32, #tpu.memory_space<hbm>>
      %dma_wait3A_332 = arith.constant 0 : i32
      %dma_wait3A_333 = tpu.memref_slice %arg19[%add3A_307, %dma_wait3A_332] : memref<10240x16xf32, #tpu.memory_space<vmem_shared>> -> memref<64x16xf32, #tpu.memory_space<vmem_shared>>
      tpu.wait_dma2 semaphore(%run_scoped3A_324 : memref<!tpu.dma_semaphore, #tpu.memory_space<semaphore_mem>>) src(%dma_wait3A_333 : memref<64x16xf32, #tpu.memory_space<vmem_shared>>) dst(%dma_wait3A_331 : memref<64x16xf32, #tpu.memory_space<hbm>>)
      tpu.yield
    }) : () -> ()
    %mul3A_308 = arith.constant 640 : i32
    %mul3A_309 = arith.muli %arg1, %mul3A_308 : i32
    %add3A_310 = arith.constant 384 : i32
    %add3A_311 = arith.addi %mul3A_309, %add3A_310 : i32
    "tpu.region"() ({
      %run_scoped3A_324 = tpu.sem_alloc : memref<!tpu.dma_semaphore, #tpu.memory_space<semaphore_mem>>
      %dma_start3A_325 = arith.constant 0 : i32
      %dma_start3A_326 = tpu.memref_slice %arg7[%arg0, %add3A_311, %dma_start3A_325] : memref<2x10240x16xf32, #tpu.memory_space<hbm>> -> memref<1x64x16xf32, #tpu.memory_space<hbm>>
      %dma_start3A_327 = tpu.memref_squeeze %dma_start3A_326 : memref<1x64x16xf32, #tpu.memory_space<hbm>> -> memref<64x16xf32, #tpu.memory_space<hbm>>
      %dma_start3A_328 = arith.constant 0 : i32
      %dma_start3A_329 = tpu.memref_slice %arg19[%add3A_311, %dma_start3A_328] : memref<10240x16xf32, #tpu.memory_space<vmem_shared>> -> memref<64x16xf32, #tpu.memory_space<vmem_shared>>
      tpu.enqueue_dma source(%dma_start3A_329 : memref<64x16xf32, #tpu.memory_space<vmem_shared>>) target(%dma_start3A_327 : memref<64x16xf32, #tpu.memory_space<hbm>>) target_semaphore(%run_scoped3A_324 : memref<!tpu.dma_semaphore, #tpu.memory_space<semaphore_mem>>)
      %dma_wait3A = arith.constant 0 : i32
      %dma_wait3A_330 = tpu.memref_slice %arg7[%arg0, %add3A_311, %dma_wait3A] : memref<2x10240x16xf32, #tpu.memory_space<hbm>> -> memref<1x64x16xf32, #tpu.memory_space<hbm>>
      %dma_wait3A_331 = tpu.memref_squeeze %dma_wait3A_330 : memref<1x64x16xf32, #tpu.memory_space<hbm>> -> memref<64x16xf32, #tpu.memory_space<hbm>>
      %dma_wait3A_332 = arith.constant 0 : i32
      %dma_wait3A_333 = tpu.memref_slice %arg19[%add3A_311, %dma_wait3A_332] : memref<10240x16xf32, #tpu.memory_space<vmem_shared>> -> memref<64x16xf32, #tpu.memory_space<vmem_shared>>
      tpu.wait_dma2 semaphore(%run_scoped3A_324 : memref<!tpu.dma_semaphore, #tpu.memory_space<semaphore_mem>>) src(%dma_wait3A_333 : memref<64x16xf32, #tpu.memory_space<vmem_shared>>) dst(%dma_wait3A_331 : memref<64x16xf32, #tpu.memory_space<hbm>>)
      tpu.yield
    }) : () -> ()
    %mul3A_312 = arith.constant 640 : i32
    %mul3A_313 = arith.muli %arg1, %mul3A_312 : i32
    %add3A_314 = arith.constant 448 : i32
    %add3A_315 = arith.addi %mul3A_313, %add3A_314 : i32
    "tpu.region"() ({
      %run_scoped3A_324 = tpu.sem_alloc : memref<!tpu.dma_semaphore, #tpu.memory_space<semaphore_mem>>
      %dma_start3A_325 = arith.constant 0 : i32
      %dma_start3A_326 = tpu.memref_slice %arg7[%arg0, %add3A_315, %dma_start3A_325] : memref<2x10240x16xf32, #tpu.memory_space<hbm>> -> memref<1x64x16xf32, #tpu.memory_space<hbm>>
      %dma_start3A_327 = tpu.memref_squeeze %dma_start3A_326 : memref<1x64x16xf32, #tpu.memory_space<hbm>> -> memref<64x16xf32, #tpu.memory_space<hbm>>
      %dma_start3A_328 = arith.constant 0 : i32
      %dma_start3A_329 = tpu.memref_slice %arg19[%add3A_315, %dma_start3A_328] : memref<10240x16xf32, #tpu.memory_space<vmem_shared>> -> memref<64x16xf32, #tpu.memory_space<vmem_shared>>
      tpu.enqueue_dma source(%dma_start3A_329 : memref<64x16xf32, #tpu.memory_space<vmem_shared>>) target(%dma_start3A_327 : memref<64x16xf32, #tpu.memory_space<hbm>>) target_semaphore(%run_scoped3A_324 : memref<!tpu.dma_semaphore, #tpu.memory_space<semaphore_mem>>)
      %dma_wait3A = arith.constant 0 : i32
      %dma_wait3A_330 = tpu.memref_slice %arg7[%arg0, %add3A_315, %dma_wait3A] : memref<2x10240x16xf32, #tpu.memory_space<hbm>> -> memref<1x64x16xf32, #tpu.memory_space<hbm>>
      %dma_wait3A_331 = tpu.memref_squeeze %dma_wait3A_330 : memref<1x64x16xf32, #tpu.memory_space<hbm>> -> memref<64x16xf32, #tpu.memory_space<hbm>>
      %dma_wait3A_332 = arith.constant 0 : i32
      %dma_wait3A_333 = tpu.memref_slice %arg19[%add3A_315, %dma_wait3A_332] : memref<10240x16xf32, #tpu.memory_space<vmem_shared>> -> memref<64x16xf32, #tpu.memory_space<vmem_shared>>
      tpu.wait_dma2 semaphore(%run_scoped3A_324 : memref<!tpu.dma_semaphore, #tpu.memory_space<semaphore_mem>>) src(%dma_wait3A_333 : memref<64x16xf32, #tpu.memory_space<vmem_shared>>) dst(%dma_wait3A_331 : memref<64x16xf32, #tpu.memory_space<hbm>>)
      tpu.yield
    }) : () -> ()
    %mul3A_316 = arith.constant 640 : i32
    %mul3A_317 = arith.muli %arg1, %mul3A_316 : i32
    %add3A_318 = arith.constant 512 : i32
    %add3A_319 = arith.addi %mul3A_317, %add3A_318 : i32
    "tpu.region"() ({
      %run_scoped3A_324 = tpu.sem_alloc : memref<!tpu.dma_semaphore, #tpu.memory_space<semaphore_mem>>
      %dma_start3A_325 = arith.constant 0 : i32
      %dma_start3A_326 = tpu.memref_slice %arg7[%arg0, %add3A_319, %dma_start3A_325] : memref<2x10240x16xf32, #tpu.memory_space<hbm>> -> memref<1x64x16xf32, #tpu.memory_space<hbm>>
      %dma_start3A_327 = tpu.memref_squeeze %dma_start3A_326 : memref<1x64x16xf32, #tpu.memory_space<hbm>> -> memref<64x16xf32, #tpu.memory_space<hbm>>
      %dma_start3A_328 = arith.constant 0 : i32
      %dma_start3A_329 = tpu.memref_slice %arg19[%add3A_319, %dma_start3A_328] : memref<10240x16xf32, #tpu.memory_space<vmem_shared>> -> memref<64x16xf32, #tpu.memory_space<vmem_shared>>
      tpu.enqueue_dma source(%dma_start3A_329 : memref<64x16xf32, #tpu.memory_space<vmem_shared>>) target(%dma_start3A_327 : memref<64x16xf32, #tpu.memory_space<hbm>>) target_semaphore(%run_scoped3A_324 : memref<!tpu.dma_semaphore, #tpu.memory_space<semaphore_mem>>)
      %dma_wait3A = arith.constant 0 : i32
      %dma_wait3A_330 = tpu.memref_slice %arg7[%arg0, %add3A_319, %dma_wait3A] : memref<2x10240x16xf32, #tpu.memory_space<hbm>> -> memref<1x64x16xf32, #tpu.memory_space<hbm>>
      %dma_wait3A_331 = tpu.memref_squeeze %dma_wait3A_330 : memref<1x64x16xf32, #tpu.memory_space<hbm>> -> memref<64x16xf32, #tpu.memory_space<hbm>>
      %dma_wait3A_332 = arith.constant 0 : i32
      %dma_wait3A_333 = tpu.memref_slice %arg19[%add3A_319, %dma_wait3A_332] : memref<10240x16xf32, #tpu.memory_space<vmem_shared>> -> memref<64x16xf32, #tpu.memory_space<vmem_shared>>
      tpu.wait_dma2 semaphore(%run_scoped3A_324 : memref<!tpu.dma_semaphore, #tpu.memory_space<semaphore_mem>>) src(%dma_wait3A_333 : memref<64x16xf32, #tpu.memory_space<vmem_shared>>) dst(%dma_wait3A_331 : memref<64x16xf32, #tpu.memory_space<hbm>>)
      tpu.yield
    }) : () -> ()
    %mul3A_320 = arith.constant 640 : i32
    %mul3A_321 = arith.muli %arg1, %mul3A_320 : i32
    %add3A_322 = arith.constant 576 : i32
    %add3A_323 = arith.addi %mul3A_321, %add3A_322 : i32
    "tpu.region"() ({
      %run_scoped3A_324 = tpu.sem_alloc : memref<!tpu.dma_semaphore, #tpu.memory_space<semaphore_mem>>
      %dma_start3A_325 = arith.constant 0 : i32
      %dma_start3A_326 = tpu.memref_slice %arg7[%arg0, %add3A_323, %dma_start3A_325] : memref<2x10240x16xf32, #tpu.memory_space<hbm>> -> memref<1x64x16xf32, #tpu.memory_space<hbm>>
      %dma_start3A_327 = tpu.memref_squeeze %dma_start3A_326 : memref<1x64x16xf32, #tpu.memory_space<hbm>> -> memref<64x16xf32, #tpu.memory_space<hbm>>
      %dma_start3A_328 = arith.constant 0 : i32
      %dma_start3A_329 = tpu.memref_slice %arg19[%add3A_323, %dma_start3A_328] : memref<10240x16xf32, #tpu.memory_space<vmem_shared>> -> memref<64x16xf32, #tpu.memory_space<vmem_shared>>
      tpu.enqueue_dma source(%dma_start3A_329 : memref<64x16xf32, #tpu.memory_space<vmem_shared>>) target(%dma_start3A_327 : memref<64x16xf32, #tpu.memory_space<hbm>>) target_semaphore(%run_scoped3A_324 : memref<!tpu.dma_semaphore, #tpu.memory_space<semaphore_mem>>)
      %dma_wait3A = arith.constant 0 : i32
      %dma_wait3A_330 = tpu.memref_slice %arg7[%arg0, %add3A_323, %dma_wait3A] : memref<2x10240x16xf32, #tpu.memory_space<hbm>> -> memref<1x64x16xf32, #tpu.memory_space<hbm>>
      %dma_wait3A_331 = tpu.memref_squeeze %dma_wait3A_330 : memref<1x64x16xf32, #tpu.memory_space<hbm>> -> memref<64x16xf32, #tpu.memory_space<hbm>>
      %dma_wait3A_332 = arith.constant 0 : i32
      %dma_wait3A_333 = tpu.memref_slice %arg19[%add3A_323, %dma_wait3A_332] : memref<10240x16xf32, #tpu.memory_space<vmem_shared>> -> memref<64x16xf32, #tpu.memory_space<vmem_shared>>
      tpu.wait_dma2 semaphore(%run_scoped3A_324 : memref<!tpu.dma_semaphore, #tpu.memory_space<semaphore_mem>>) src(%dma_wait3A_333 : memref<64x16xf32, #tpu.memory_space<vmem_shared>>) dst(%dma_wait3A_331 : memref<64x16xf32, #tpu.memory_space<hbm>>)
      tpu.yield
    }) : () -> ()
    return
  }
}

module attributes {stable_mosaic.version = 14 : i64} {
  func.func @_dense_body(%arg0: i32, %arg1: memref<512x256xf32, #tpu.memory_space<vmem>>, %arg2: memref<256x256xf32, #tpu.memory_space<vmem>>, %arg3: memref<256x16xf32, #tpu.memory_space<vmem>>, %arg4: memref<512x128xf32, #tpu.memory_space<vmem>>, %arg5: memref<512x128xf32, #tpu.memory_space<vmem>>, %arg6: memref<512x16xf32, #tpu.memory_space<vmem>>) attributes {dimension_semantics = [#tpu.dimension_semantics<arbitrary>], iteration_bounds = array<i64: 20>, scalar_prefetch = 0 : i64, scratch_operands = 0 : i64, tpu.core_type = #tpu.core_type<tc>, window_params = [{transform_indices = @transform_0, window_bounds = array<i64: 512, 256>}, {pipeline_mode = #tpu.pipeline_mode<synchronous>, transform_indices = @transform_1, window_bounds = array<i64: 256, 256>}, {pipeline_mode = #tpu.pipeline_mode<synchronous>, transform_indices = @transform_2, window_bounds = array<i64: 256, 16>}, {transform_indices = @transform_3, window_bounds = array<i64: 512, 128>}, {transform_indices = @transform_4, window_bounds = array<i64: 512, 128>}, {transform_indices = @transform_5, window_bounds = array<i64: 512, 16>}]} {
    %get3A = arith.constant 0 : index
    %get3A_0 = arith.constant 0 : index
    %get3A_1 = vector.load %arg1[%get3A, %get3A_0] : memref<512x256xf32, #tpu.memory_space<vmem>>, vector<512x256xf32>
    %get3A_2 = arith.constant 0 : index
    %get3A_3 = arith.constant 0 : index
    %get3A_4 = vector.load %arg2[%get3A_2, %get3A_3] : memref<256x256xf32, #tpu.memory_space<vmem>>, vector<256x256xf32>
    %dot_general3A = arith.constant dense<0.000000e+00> : vector<512x256xf32>
    %dot_general3A_5 = tpu.matmul %get3A_1, %get3A_4, %dot_general3A {dimension_numbers = #tpu.dot_dimension_numbers<[1], [0], [0], [1], [0, 0, 1, 1], [], []>, transpose_lhs_hint = false} : vector<512x256xf32>, vector<256x256xf32>, vector<512x256xf32> -> vector<512x256xf32>
    %slice3A = vector.extract_strided_slice %dot_general3A_5 {offsets = [0, 0], sizes = [512, 128], strides = [1, 1]} : vector<512x256xf32> to vector<512x128xf32>
    %swap3A = arith.constant 0 : index
    %swap3A_6 = arith.constant 0 : index
    %swap3A_7 = vector.load %arg4[%swap3A, %swap3A_6] : memref<512x128xf32, #tpu.memory_space<vmem>>, vector<512x128xf32>
    tpu.vector_store %arg4[%swap3A, %swap3A_6], %slice3A {strides = array<i32>} : memref<512x128xf32, #tpu.memory_space<vmem>>, vector<512x128xf32>,
    %slice3A_8 = vector.extract_strided_slice %dot_general3A_5 {offsets = [0, 128], sizes = [512, 128], strides = [1, 1]} : vector<512x256xf32> to vector<512x128xf32>
    %swap3A_9 = arith.constant 0 : index
    %swap3A_10 = arith.constant 0 : index
    %swap3A_11 = vector.load %arg5[%swap3A_9, %swap3A_10] : memref<512x128xf32, #tpu.memory_space<vmem>>, vector<512x128xf32>
    tpu.vector_store %arg5[%swap3A_9, %swap3A_10], %slice3A_8 {strides = array<i32>} : memref<512x128xf32, #tpu.memory_space<vmem>>, vector<512x128xf32>,
    %get3A_12 = arith.constant 0 : index
    %get3A_13 = arith.constant 0 : index
    %get3A_14 = vector.load %arg3[%get3A_12, %get3A_13] : memref<256x16xf32, #tpu.memory_space<vmem>>, vector<256x16xf32>
    %dot_general3A_15 = arith.constant dense<0.000000e+00> : vector<512x16xf32>
    %dot_general3A_16 = tpu.matmul %dot_general3A_5, %get3A_14, %dot_general3A_15 {dimension_numbers = #tpu.dot_dimension_numbers<[1], [0], [0], [1], [0, 0, 1, 1], [], []>, transpose_lhs_hint = false} : vector<512x256xf32>, vector<256x16xf32>, vector<512x16xf32> -> vector<512x16xf32>
    %swap3A_17 = arith.constant 0 : index
    %swap3A_18 = arith.constant 0 : index
    %swap3A_19 = vector.load %arg6[%swap3A_17, %swap3A_18] : memref<512x16xf32, #tpu.memory_space<vmem>>, vector<512x16xf32>
    tpu.vector_store %arg6[%swap3A_17, %swap3A_18], %dot_general3A_16 {strides = array<i32>} : memref<512x16xf32, #tpu.memory_space<vmem>>, vector<512x16xf32>,
    return
  }
  func.func @transform_0(%arg0: i32) -> (i32, i32) {
    %c0_i32 = arith.constant 0 : i32
    %c0_i32_0 = arith.constant 0 : i32
    return %arg0, %c0_i32 : i32, i32
  }
  func.func @transform_1(%arg0: i32) -> (i32, i32) {
    %c0_i32 = arith.constant 0 : i32
    %c0_i32_0 = arith.constant 0 : i32
    %c0_i32_1 = arith.constant 0 : i32
    return %c0_i32, %c0_i32_0 : i32, i32
  }
  func.func @transform_2(%arg0: i32) -> (i32, i32) {
    %c0_i32 = arith.constant 0 : i32
    %c0_i32_0 = arith.constant 0 : i32
    %c0_i32_1 = arith.constant 0 : i32
    return %c0_i32, %c0_i32_0 : i32, i32
  }
  func.func @transform_3(%arg0: i32) -> (i32, i32) {
    %c0_i32 = arith.constant 0 : i32
    %c0_i32_0 = arith.constant 0 : i32
    return %arg0, %c0_i32 : i32, i32
  }
  func.func @transform_4(%arg0: i32) -> (i32, i32) {
    %c0_i32 = arith.constant 0 : i32
    %c0_i32_0 = arith.constant 0 : i32
    return %arg0, %c0_i32 : i32, i32
  }
  func.func @transform_5(%arg0: i32) -> (i32, i32) {
    %c0_i32 = arith.constant 0 : i32
    %c0_i32_0 = arith.constant 0 : i32
    return %arg0, %c0_i32 : i32, i32
  }
}

module attributes {stable_mosaic.version = 14 : i64} {
  func.func @_finish_body(%arg0: i32, %arg1: memref<4x400x128xf32, #tpu.memory_space<vmem>>, %arg2: memref<2x400x16xf32, #tpu.memory_space<vmem>>, %arg3: memref<1x256xf32, #tpu.memory_space<vmem>>, %arg4: memref<400x256xf32, #tpu.memory_space<vmem>>) attributes {dimension_semantics = [#tpu.dimension_semantics<arbitrary>], iteration_bounds = array<i64: 25>, scalar_prefetch = 0 : i64, scratch_operands = 0 : i64, tpu.core_type = #tpu.core_type<tc>, window_params = [{transform_indices = @transform_0, window_bounds = array<i64: 4, 400, 128>}, {transform_indices = @transform_1, window_bounds = array<i64: 2, 400, 16>}, {pipeline_mode = #tpu.pipeline_mode<synchronous>, transform_indices = @transform_2, window_bounds = array<i64: 1, 256>}, {transform_indices = @transform_3, window_bounds = array<i64: 400, 256>}]} {
    %get3A = arith.constant 0 : index
    %get3A_0 = arith.constant 0 : index
    %get3A_1 = arith.constant 0 : index
    %get3A_2 = vector.load %arg1[%get3A, %get3A_0, %get3A_1] : memref<4x400x128xf32, #tpu.memory_space<vmem>>, vector<1x400x128xf32>
    %get3A_3 = vector.shape_cast %get3A_2 : vector<1x400x128xf32> to vector<400x128xf32>
    %get3A_4 = arith.constant 1 : index
    %get3A_5 = arith.constant 0 : index
    %get3A_6 = arith.constant 0 : index
    %get3A_7 = vector.load %arg1[%get3A_4, %get3A_5, %get3A_6] : memref<4x400x128xf32, #tpu.memory_space<vmem>>, vector<1x400x128xf32>
    %get3A_8 = vector.shape_cast %get3A_7 : vector<1x400x128xf32> to vector<400x128xf32>
    %add3A = arith.addf %get3A_3, %get3A_8 : vector<400x128xf32>
    %get3A_9 = arith.constant 2 : index
    %get3A_10 = arith.constant 0 : index
    %get3A_11 = arith.constant 0 : index
    %get3A_12 = vector.load %arg1[%get3A_9, %get3A_10, %get3A_11] : memref<4x400x128xf32, #tpu.memory_space<vmem>>, vector<1x400x128xf32>
    %get3A_13 = vector.shape_cast %get3A_12 : vector<1x400x128xf32> to vector<400x128xf32>
    %get3A_14 = arith.constant 3 : index
    %get3A_15 = arith.constant 0 : index
    %get3A_16 = arith.constant 0 : index
    %get3A_17 = vector.load %arg1[%get3A_14, %get3A_15, %get3A_16] : memref<4x400x128xf32, #tpu.memory_space<vmem>>, vector<1x400x128xf32>
    %get3A_18 = vector.shape_cast %get3A_17 : vector<1x400x128xf32> to vector<400x128xf32>
    %add3A_19 = arith.addf %get3A_13, %get3A_18 : vector<400x128xf32>
    %get3A_20 = arith.constant 0 : index
    %get3A_21 = arith.constant 0 : index
    %get3A_22 = arith.constant 0 : index
    %get3A_23 = vector.load %arg2[%get3A_20, %get3A_21, %get3A_22] : memref<2x400x16xf32, #tpu.memory_space<vmem>>, vector<1x400x16xf32>
    %get3A_24 = vector.shape_cast %get3A_23 : vector<1x400x16xf32> to vector<400x16xf32>
    %get3A_25 = arith.constant 1 : index
    %get3A_26 = arith.constant 0 : index
    %get3A_27 = arith.constant 0 : index
    %get3A_28 = vector.load %arg2[%get3A_25, %get3A_26, %get3A_27] : memref<2x400x16xf32, #tpu.memory_space<vmem>>, vector<1x400x16xf32>
    %get3A_29 = vector.shape_cast %get3A_28 : vector<1x400x16xf32> to vector<400x16xf32>
    %add3A_30 = arith.addf %get3A_24, %get3A_29 : vector<400x16xf32>
    %slice3A = vector.extract_strided_slice %add3A {offsets = [0, 0], sizes = [400, 64], strides = [1, 1]} : vector<400x128xf32> to vector<400x64xf32>
    %slice3A_31 = vector.extract_strided_slice %add3A_30 {offsets = [0, 0], sizes = [400, 1], strides = [1, 1]} : vector<400x16xf32> to vector<400x1xf32>
    %broadcast_in_dim3A = vector.shape_cast %slice3A_31 : vector<400x1xf32> to vector<400x1xf32>
    %broadcast_in_dim3A_32 = vector.broadcast %broadcast_in_dim3A : vector<400x1xf32> to vector<400x64xf32>
    %add3A_33 = arith.constant 1.000000e-16 : f32
    %add3A_34 = vector.broadcast %add3A_33 : f32 to vector<400x64xf32>
    %add3A_35 = arith.addf %broadcast_in_dim3A_32, %add3A_34 : vector<400x64xf32>
    %div3A = arith.divf %slice3A, %add3A_35 : vector<400x64xf32>
    %slice3A_36 = vector.extract_strided_slice %add3A {offsets = [0, 64], sizes = [400, 64], strides = [1, 1]} : vector<400x128xf32> to vector<400x64xf32>
    %slice3A_37 = vector.extract_strided_slice %add3A_30 {offsets = [0, 1], sizes = [400, 1], strides = [1, 1]} : vector<400x16xf32> to vector<400x1xf32>
    %broadcast_in_dim3A_38 = vector.shape_cast %slice3A_37 : vector<400x1xf32> to vector<400x1xf32>
    %broadcast_in_dim3A_39 = vector.broadcast %broadcast_in_dim3A_38 : vector<400x1xf32> to vector<400x64xf32>
    %add3A_40 = arith.constant 1.000000e-16 : f32
    %add3A_41 = vector.broadcast %add3A_40 : f32 to vector<400x64xf32>
    %add3A_42 = arith.addf %broadcast_in_dim3A_39, %add3A_41 : vector<400x64xf32>
    %div3A_43 = arith.divf %slice3A_36, %add3A_42 : vector<400x64xf32>
    %slice3A_44 = vector.extract_strided_slice %add3A_19 {offsets = [0, 0], sizes = [400, 64], strides = [1, 1]} : vector<400x128xf32> to vector<400x64xf32>
    %slice3A_45 = vector.extract_strided_slice %add3A_30 {offsets = [0, 2], sizes = [400, 1], strides = [1, 1]} : vector<400x16xf32> to vector<400x1xf32>
    %broadcast_in_dim3A_46 = vector.shape_cast %slice3A_45 : vector<400x1xf32> to vector<400x1xf32>
    %broadcast_in_dim3A_47 = vector.broadcast %broadcast_in_dim3A_46 : vector<400x1xf32> to vector<400x64xf32>
    %add3A_48 = arith.constant 1.000000e-16 : f32
    %add3A_49 = vector.broadcast %add3A_48 : f32 to vector<400x64xf32>
    %add3A_50 = arith.addf %broadcast_in_dim3A_47, %add3A_49 : vector<400x64xf32>
    %div3A_51 = arith.divf %slice3A_44, %add3A_50 : vector<400x64xf32>
    %slice3A_52 = vector.extract_strided_slice %add3A_19 {offsets = [0, 64], sizes = [400, 64], strides = [1, 1]} : vector<400x128xf32> to vector<400x64xf32>
    %slice3A_53 = vector.extract_strided_slice %add3A_30 {offsets = [0, 3], sizes = [400, 1], strides = [1, 1]} : vector<400x16xf32> to vector<400x1xf32>
    %broadcast_in_dim3A_54 = vector.shape_cast %slice3A_53 : vector<400x1xf32> to vector<400x1xf32>
    %broadcast_in_dim3A_55 = vector.broadcast %broadcast_in_dim3A_54 : vector<400x1xf32> to vector<400x64xf32>
    %add3A_56 = arith.constant 1.000000e-16 : f32
    %add3A_57 = vector.broadcast %add3A_56 : f32 to vector<400x64xf32>
    %add3A_58 = arith.addf %broadcast_in_dim3A_55, %add3A_57 : vector<400x64xf32>
    %div3A_59 = arith.divf %slice3A_52, %add3A_58 : vector<400x64xf32>
    %concatenate3A = tpu.concatenate %div3A, %div3A_43, %div3A_51, %div3A_59 in 1 : vector<400x64xf32>, vector<400x64xf32>, vector<400x64xf32>, vector<400x64xf32> -> vector<400x256xf32>
    %get3A_60 = arith.constant 0 : index
    %get3A_61 = arith.constant 0 : index
    %get3A_62 = vector.load %arg3[%get3A_60, %get3A_61] : memref<1x256xf32, #tpu.memory_space<vmem>>, vector<1x256xf32>
    %add3A_63 = vector.broadcast %get3A_62 : vector<1x256xf32> to vector<400x256xf32>
    %add3A_64 = arith.addf %concatenate3A, %add3A_63 : vector<400x256xf32>
    %swap3A = arith.constant 0 : index
    %swap3A_65 = arith.constant 0 : index
    %swap3A_66 = vector.load %arg4[%swap3A, %swap3A_65] : memref<400x256xf32, #tpu.memory_space<vmem>>, vector<400x256xf32>
    tpu.vector_store %arg4[%swap3A, %swap3A_65], %add3A_64 {strides = array<i32>} : memref<400x256xf32, #tpu.memory_space<vmem>>, vector<400x256xf32>,
    return
  }
  func.func @transform_0(%arg0: i32) -> (i32, i32, i32) {
    %c0_i32 = arith.constant 0 : i32
    %c0_i32_0 = arith.constant 0 : i32
    %c0_i32_1 = arith.constant 0 : i32
    return %c0_i32, %arg0, %c0_i32_0 : i32, i32, i32
  }
  func.func @transform_1(%arg0: i32) -> (i32, i32, i32) {
    %c0_i32 = arith.constant 0 : i32
    %c0_i32_0 = arith.constant 0 : i32
    %c0_i32_1 = arith.constant 0 : i32
    return %c0_i32, %arg0, %c0_i32_0 : i32, i32, i32
  }
  func.func @transform_2(%arg0: i32) -> (i32, i32) {
    %c0_i32 = arith.constant 0 : i32
    %c0_i32_0 = arith.constant 0 : i32
    %c0_i32_1 = arith.constant 0 : i32
    return %c0_i32, %c0_i32_0 : i32, i32
  }
  func.func @transform_3(%arg0: i32) -> (i32, i32) {
    %c0_i32 = arith.constant 0 : i32
    %c0_i32_0 = arith.constant 0 : i32
    return %arg0, %c0_i32 : i32, i32
  }
}

</mosaic_0001>

<sc_bundles>
// kernel: kernel.5.cloned.1.call-start
scs
__scs_entry_jumppad:
0x0: {  	(pc) =	sbr.rel $0x88, $3  }
0x1: {  	(tag) =	ssettag $0x0;
	lr =	simm.s32 $0x1  }
0x2: {  	[smem:$0x3F9C] =	sst lr;
	_ =	strace $0xD0000000  }
0x3: {  	_ = 	snop  }
0x4: {  	_ = 	snop  }
0x5: {  	_ = 	snop  }
0x6: {  	_ = 	snop  }
0x7: {  	_ = 	snop  }
__scs_overlays_trampoline_lowered:
0x8: {  	[smem:$0x3FAB] =	sst s0  }
0x9: {  	[smem:$0x3FAC] =	sst s1  }
0xa: {  	[smem:$0x3FAD] =	sst s2  }
0xb: {  	[smem:$0x3FAE] =	sst s3  }
0xc: {  	[smem:$0x3FAF] =	sst s4  }
0xd: {  	[smem:$0x3FB0] =	sst s5  }
0xe: {  	[smem:$0x3FB1] =	sst s6  }
0xf: {  	[smem:$0x3FB2] =	sst s7  }
0x10: {  	[smem:$0x3FB3] =	sst s8  }
0x11: {  	[smem:$0x3FB4] =	sst s9;
	s0 =	simm.s32 @!p0 $0x0  }
0x12: {  	s1 =	sld [smem:$0x3F9A];
	s0 =	simm.s32 @p0 $0x1  }
0x13: {  	[smem:$0x3FB5] =	sst s0;
	s0 =	simm.s32 @!p1 $0x0  }
0x14: {  	s2 =	sld [smem:$0x3F99];
	s0 =	simm.s32 @p1 $0x1  }
0x15: {  	[smem:$0x3FB6] =	sst s0;
	s0 =	simm.s32 @!p2 $0x0  }
0x16: {  	s3 =	sld [smem:$0x3FDB];
	s0 =	simm.s32 @p2 $0x1  }
0x17: {  	s4 =	simm.s32 $0x1BF5;
	[smem:$0x3FB8] =	sst s0  }
0x18: {  	s0 =	sld [smem:$0x3F9B];
	_ =	swait.ge [sflag:s4], $0x0  }
0x19: {  	s7 =	sld [smem:$0x3F9C]  }
0x1a: {  	s8 =	sadd.s32 $0xFFFFE003, lr  }
0x1b: {  	s9 =	sadd.s32 $0xFFFFFEF7, lr;
	s5 =	simm.s32 $0xFFFFFFFF;
	p2 =	slt.u32 s8, $0xFFFFF086  }
0x1c: {  	p1 =	slt.u32 s9, $0xF7A;
	s5 =	simm.s32 @!p2 $0x0  }
0x1d: {  	s5 =	simm.s32 @p1 $0x1;
	p0 =	seq.s32 s7, s2  }
0x1e: {  	s7 =	smul.u32 @!p0 $0xF7A, s2;
	p2 =	seq.s32 @!p0 s5, $0x0  }
0x1f: {  	s9 =	smul.u32 $0xF7A, s1;
	s8 =	simm.s32 @!p0 $0x1BF5;
	p2 =	por !p2, p0  }
0x20: {  	[sflag:s8] =	ssyncset.s32 @!p0 $0xFFFFF086;
	s6 =	sadd.s32 @!p0 s3, s7;
	s7 =	simm.s32 @!p0 $0x108  }
0x21: {  	s3 =	sadd.s32 s3, s9;
	s6 =	sadd.s32 @!p0 $0x88, s6;
	s7 =	simm.s32 @p2 $0x1082  }
0x22: {  	[simem:s7], [sflag:s8] =	dma.local @!p0 [hbm:s6], $0xF7A  }
0x23: {  	s9 =	sor.u32 $0xD0000000, s2;
	s6 =	simm.s32 $0x108;
	_ =	swait.ge @!p0 [sflag:s8], $0x0  }
0x24: {  	s3 =	sadd.s32 $0x88, s3;
	s6 =	simm.s32 @!p1 $0x1082;
	[sflag:s4] =	ssyncset.s32 $0xFFFFF086  }
0x25: {  	[simem:s6], [sflag:s4] =	dma.local [hbm:s3], $0xF7A  }
0x26: {  	[smem:$0x3F9C] =	sst s1;
	(tag) =	ssettag s2;
	_ =	strace s9  }
0x27: {  	s1 =	sld [smem:$0x3FAC]  }
0x28: {  	s2 =	sld [smem:$0x3FAD]  }
0x29: {  	s4 =	sld [smem:$0x3FAF]  }
0x2a: {  	p0 =	seq.s32 s5, $0x0;
	s5 =	sld [smem:$0x3FB0]  }
0x2b: {  	s6 =	sld [smem:$0x3FB1]  }
0x2c: {  	s7 =	sld [smem:$0x3FB2]  }
0x2d: {  	s3 =	simm.s32 $0x108;
	s8 =	sld [smem:$0x3FB3]  }
0x2e: {  	s3 =	simm.s32 @!p0 $0x1082;
	s9 =	sld [smem:$0x3FB4]  }
0x2f: {  	lr =	sadd.s32 s0, s3;
	s0 =	sld [smem:$0x3FAB]  }
0x30: {  	s3 =	sld [smem:$0x3FAE]  }
0x31: {  	[smem:$0x3FB7] =	sst s10  }
0x32: {  	s10 =	sld [smem:$0x3FB5];
	_ =	sdelay $0x3  }
0x33: {  	p0 =	seq.s32 s10, $0x1;
	s10 =	sld [smem:$0x3FB7];
	_ =	sdelay $0x3  }
0x34: {  	[smem:$0x3FB7] =	sst s10  }
0x35: {  	s10 =	sld [smem:$0x3FB6];
	_ =	sdelay $0x3  }
0x36: {  	p1 =	seq.s32 s10, $0x1;
	s10 =	sld [smem:$0x3FB7];
	_ =	sdelay $0x3  }
0x37: {  	[smem:$0x3FB7] =	sst s10  }
0x38: {  	s10 =	sld [smem:$0x3FB8]  }
0x39: {  	_ = 	snop;
	(pc) =	sbr.ind lr, $3  }
0x3a: {  	_ = 	snop  }
0x3b: {  	_ = 	snop  }
0x3c: {  	p2 =	seq.s32 s10, $0x1;
	s10 =	sld [smem:$0x3FB7]  }
0x3d: {  	_ =	shalt  }
0x3e: {  	_ =	shalt  }
0x3f: {  	_ =	shalt  }
0x40: {  	_ =	shalt  }
0x41: {  	_ =	shalt  }
0x42: {  	_ =	shalt  }
0x43: {  	_ =	shalt  }
0x44: {  	_ =	shalt  }
0x45: {  	_ =	shalt  }
0x46: {  	_ =	shalt  }
0x47: {  	_ =	shalt  }
0x48: {  	_ =	shalt  }
0x49: {  	_ =	shalt  }
0x4a: {  	_ =	shalt  }
0x4b: {  	_ =	shalt  }
0x4c: {  	_ =	shalt  }
0x4d: {  	_ =	shalt  }
0x4e: {  	_ =	shalt  }
0x4f: {  	_ =	shalt  }
0x50: {  	_ =	shalt  }
0x51: {  	_ =	shalt  }
0x52: {  	_ =	shalt  }
0x53: {  	_ =	shalt  }
0x54: {  	_ =	shalt  }
0x55: {  	_ =	shalt  }
0x56: {  	_ =	shalt  }
0x57: {  	_ =	shalt  }
0x58: {  	_ =	shalt  }
0x59: {  	_ =	shalt  }
0x5a: {  	_ =	shalt  }
0x5b: {  	_ =	shalt  }
0x5c: {  	_ =	shalt  }
0x5d: {  	_ =	shalt  }
0x5e: {  	_ =	shalt  }
0x5f: {  	_ =	shalt  }
0x60: {  	_ =	shalt  }
0x61: {  	_ =	shalt  }
0x62: {  	_ =	shalt  }
0x63: {  	_ =	shalt  }
0x64: {  	_ =	shalt  }
0x65: {  	_ =	shalt  }
0x66: {  	_ =	shalt  }
0x67: {  	_ =	shalt  }
0x68: {  	_ =	shalt  }
0x69: {  	_ =	shalt  }
0x6a: {  	_ =	shalt  }
0x6b: {  	_ =	shalt  }
0x6c: {  	_ =	shalt  }
0x6d: {  	_ =	shalt  }
0x6e: {  	_ =	shalt  }
0x6f: {  	_ =	shalt  }
0x70: {  	_ =	shalt  }
0x71: {  	_ =	shalt  }
0x72: {  	_ =	shalt  }
0x73: {  	_ =	shalt  }
0x74: {  	_ =	shalt  }
0x75: {  	_ =	shalt  }
0x76: {  	_ =	shalt  }
0x77: {  	_ =	shalt  }
0x78: {  	_ =	shalt  }
0x79: {  	_ =	shalt  }
0x7a: {  	_ =	shalt  }
0x7b: {  	_ =	shalt  }
0x7c: {  	_ =	shalt  }
0x7d: {  	_ =	shalt  }
0x7e: {  	_ =	shalt  }
0x7f: {  	_ =	shalt  }
0x80: {  	_ =	shalt  }
0x81: {  	_ =	shalt  }
0x82: {  	_ =	shalt  }
0x83: {  	_ =	shalt  }
0x84: {  	_ =	shalt  }
0x85: {  	_ =	shalt  }
0x86: {  	_ =	shalt  }
0x87: {  	_ =	shalt  }
.Lfunc_end0:
.L_simem_size_0:
called_computation_lowered:
.L_overlay_start_0:
0x88: {  	s2 =	sld [smem:$0x3FD9]  }
0x89: {  	s3 =	sld [smem:$0x3FFE];
	_ =	sdelay $0x1  }
0x8a: {  	s1 =	srdreg.scid  }
0x8b: {  	s0 =	sand.u32 $0x1, s1  }
0x8c: {  	s14 =	sshll.u32 s0, $0xA;
	s2 =	sadd.s32 s3, s2  }
0x8d: {  	s2 =	sadd.s32 s2, s14  }
0x8e: {  	[smem:$0x3FC3] =	sst s2  }
0x8f: {  	_ = 	snop  }
0x90: {  	s2 =	sld [smem:$0x3FD0];
	_ =	sdelay $0x2  }
0x91: {  	s15 =	simm.s32 $0xA;
	s4 =	simm.s32 $0x10  }
0x92: {  	[smem:s4], [sflag:s15] =	dma.local [hbm:s2], $0x1  }
0x93: {  	_ =	swait.eq [sflag:s15], $0x1  }
0x94: {  	[sflag:s15] =	ssyncset.done $0x0  }
0x95: {  	[sflag:s15] =	ssyncadd.s32 $0xFFFFFFFF  }
0x96: {  	s16 =	sld [smem:$0x10];
	(tm) =	ssettm $0x1  }
0x97: {  	s17 =	sld [smem:$0x3FFB];
	_ =	sdelay $0x3  }
0x98: {  	_ =	strace s17  }
0x99: {  	s3 =	sld [smem:$0x3FFC];
	_ =	sdelay $0x3  }
0x9a: {  	_ =	strace s3  }
0x9b: {  	s3 =	sld [smem:$0x3FFD];
	_ =	sdelay $0x3  }
0x9c: {  	_ =	strace s3  }
0x9d: {  	_ =	strace $0x8FFFFFFF  }
0x9e: {  	s18 =	sld [smem:$0x3FDB];
	_ =	sdelay $0x1  }
0x9f: {  	s19 =	simm.s32 $_scs_section_size  }
0xa0: {  	s5 =	simm.s32 $_size__tile_overlayer_lowered;
	s6 =	simm.s32 $_tile_overlayer_lowered  }
0xa1: {  	s22 =	simm.s32 $0x1BFF;
	s21 =	sshll.u32 s6, $0x1;
	s3 =	sadd.s32 s19, s18  }
0xa2: {  	s7 =	simm.s32 $0x0;
	s20 =	sshll.u32 s5, $0x1;
	s5 =	sadd.s32 s21, s3  }
0xa3: {  	[timem:s7], [sflag:s22] =	dma.local [hbm:s5], s20  }
0xa4: {  	_ =	swait.ge [sflag:s22], s20  }
0xa5: {  	s4 =	ssub.s32 $0x0, s20;
	[sflag:s22] =	ssyncset.done $0x0  }
0xa6: {  	[sflag:s22] =	ssyncadd.s32 s4;
	_ =	sdelay $0x1  }
0xa7: {  	s23 =	simm.s32 $0x1B8B  }
0xa8: {  	_ =	swait.ge [sflag:s23], $0x1  }
0xa9: {  	[sflag:s23] =	ssyncset.done $0x0  }
0xaa: {  	s25 =	simm.s32 $0x1B8E;
	s24 =	sld [smem:$0x3FFE];
	[sflag:s23] =	ssyncadd.s32 $0xFFFFFFFF  }
0xab: {  	s26 =	simm.s32 $execute0_lowered;
	[smem:$0x3FD2] =	sst s25  }
0xac: {  	s5 =	sshll.u32 s26, $0x1;
	_ =	strace $0x80000046;
	[dreg:$0x1] =	wrdreg $0xFFFFFFFF  }
0xad: {  	s28 =	simm.s32 $_size_execute0_lowered;
	s3 =	sadd.s32 s3, s5;
	[dreg:$0x0] =	wrdreg $0x0  }
0xae: {  	s5 =	sshll.u32 s28, $0x1;
	[dreg:$0x2] =	wrdreg s3  }
0xaf: {  	[dreg:$0x3] =	wrdreg s5  }
0xb0: {  	[dreg:$0x4] =	wrdreg $0xC0  }
0xb1: {  	_ =	task [dreg:s7], $0x5FFFF  }
0xb2: {  	[dreg:$0x1] =	wrdreg $0xFFFFFFFF  }
0xb3: {  	[dreg:$0x0] =	wrdreg $0x60  }
0xb4: {  	[dreg:$0x2] =	wrdreg s24  }
0xb5: {  	[dreg:$0x3] =	wrdreg s16  }
0xb6: {  	[dreg:$0x4] =	wrdreg $0x83000  }
0xb7: {  	[dreg:$0x5] =	wrdreg $0x1C3000  }
0xb8: {  	[dreg:$0x6] =	wrdreg $0x9  }
0xb9: {  	_ =	task.clear_ibuf [dreg:s7], $0x7FFFF;
	_ =	strace $0x90000046  }
0xba: {  	s29 =	simm.s32 $0x9;
	_ =	strace $0x80000048  }
0xbb: {  	_ =	swait.ge [sflag:s29], $0x1  }
0xbc: {  	[sflag:s29] =	ssyncadd.s32 $0xFFFFFFFF  }
0xbd: {  	_ =	strace $0x90000048  }
0xbe: {  	_ =	sfence  }
0xbf: {  	s30 =	sld [smem:$0x0];
	_ =	sdelay $0x2  }
0xc0: {  	s31 =	sshll.u32 s1, $0xD;
	s1 =	sshrl.u32 s1, $0x2  }
0xc1: {  	s3 =	sand.u32 $0x4000, s31;
	s1 =	sadd.s32 s1, s30  }
0xc2: {  	s0 =	sor.u32 s3, s0;
	s1 =	sshll.u32 s1, $0x11  }
0xc3: {  	s0 =	sor.u32 s1, s0  }
0xc4: {  	s0 =	sadd.s32 $0x8F2B, s0  }
0xc5: {  	[sflag:s0] =	ssyncadd.remote.s32 $0x1  }
0xc6: {  	_ =	sfence.sel $0xFFFF  }
0xc7: {  	[dreg:$0x0] =	wrdreg $0xFFFFFFFF;
	(pc) =	sbr.abs _section_cstart, $3  }
0xc8: {  	[dreg:$0x1] =	wrdreg $0xFFFFFFFF  }
0xc9: {  	_ =	task.clear_ibuf [dreg:s7], $0x2FFFF;
	_ =	strace $0x9FFFFFFF  }
0xca: {  	(tm) =	ssettm $0x7FFFFFFF  }
0xcb: {  	_ =	shalt  }
tec
execute0_lowered:
.L_overlay_start_1:
0x0: {  	(tag) =	ssettag $0x1  }
0x1: {  	s0 =	srdreg.scid;
	s30 =	stileid.u32  }
0x2: {  	s1 =	rddreg [dreg:$0x0];
	s12 =	sand.u32 $0x1, s0;
	s8 =	smul.u32 $0x280, s30  }
0x3: {  	s14 =	sadd.s32 $0x42C00, s1;
	s0 =	sshll.u32 s12, $0x4;
	s17 =	smul.u32 $0x140000, s12  }
0x4: {  	s2 =	ssub.s32 $0x2, s12;
	s29 =	smul.u32 $0x28000, s12;
	s13 =	sor.u32 s30, s0  }
0x5: {  	s10 =	sshrl.u32 s2, $0x1;
	s15 =	sor.u32 $0x40, s8;
	s16 =	sadd.s32 $0x80, s8  }
0x6: {  	s18 =	sadd.s32 $0xC0, s8;
	s19 =	sadd.s32 $0x100, s8;
	s21 =	sadd.s32 $0x140, s8  }
0x7: {  	s23 =	sadd.s32 $0x180, s8;
	s24 =	sadd.s32 $0x1C0, s8;
	s25 =	sadd.s32 $0x200, s8  }
0x8: {  	s26 =	sadd.s32 $0x240, s8;
	s0 =	ssub.s32 s2, s10;
	s2 =	smul.u32 $0x14000, s30  }
0x9: {  	s3 =	sshll.u32 s15, $0x7;
	s4 =	sshll.u32 s16, $0x7;
	s5 =	sshll.u32 s18, $0x7  }
0xa: {  	s6 =	sshll.u32 s19, $0x7;
	s7 =	sshll.u32 s21, $0x7;
	s28 =	smul.u32 $0x540, s13  }
0xb: {  	s18 =	sshll.u32 s18, $0x4;
	s30 =	smul.u32 $0x2800, s30;
	s12 =	sshll.u32 s25, $0x4  }
0xc: {  	s13 =	sshll.u32 s26, $0x4;
	[smem:$0x7EE] =	sst s0;
	s20 =	sadd.s32 s17, s3  }
0xd: {  	s22 =	sadd.s32 s17, s4;
	s10 =	sadd.s32 s17, s5;
	s9 =	sadd.s32 s2, s17  }
0xe: {  	s8 =	sshrl.u32 s20, $0x3;
	s0 =	sshrl.u32 s22, $0x3;
	s1 =	sshrl.u32 s10, $0x3  }
0xf: {  	s22 =	sadd.s32 s17, s7;
	s9 =	sshrl.u32 s9, $0x3;
	s31 =	sadd.s32 s14, s8  }
0x10: {  	s8 =	sadd.s32 s14, s0;
	s10 =	sadd.s32 s14, s1;
	[dreg:$0x6] =	wrdreg s31  }
0x11: {  	s0 =	sshrl.u32 s22, $0x3;
	s11 =	sadd.s32 s14, s9;
	[dreg:$0x7] =	wrdreg s8  }
0x12: {  	[dreg:$0x8] =	wrdreg s10;
	s8 =	sshll.u32 s23, $0x7;
	s9 =	sadd.s32 s14, s0  }
0x13: {  	s0 =	simm.s32 $0x0;
	[dreg:$0x5] =	wrdreg s11;
	s11 =	sadd.s32 s17, s6  }
0x14: {  	s1 =	sadd.s32 s17, s8;
	[dreg:$0xa] =	wrdreg s9;
	s9 =	sshll.u32 s24, $0x7  }
0x15: {  	[smem:$0x7FF] =	sst s0;
	s20 =	sshrl.u32 s11, $0x3;
	s10 =	sshrl.u32 s1, $0x3  }
0x16: {  	s0 =	rddreg [dreg:$0x0];
	s31 =	sadd.s32 s14, s20;
	s11 =	sadd.s32 s14, s10  }
0x17: {  	s10 =	sshll.u32 s25, $0x7;
	[dreg:$0xb] =	wrdreg s11;
	s11 =	sadd.s32 s17, s9  }
0x18: {  	[dreg:$0x9] =	wrdreg s31;
	s22 =	sadd.s32 s17, s10;
	s20 =	sshrl.u32 s11, $0x3  }
0x19: {  	s11 =	sshll.u32 s26, $0x7;
	s31 =	sshrl.u32 s22, $0x3;
	s22 =	sshll.u32 s15, $0x4  }
0x1a: {  	s15 =	sshll.u32 s23, $0x4;
	s20 =	sadd.s32 s14, s20;
	s17 =	sadd.s32 s17, s11  }
0x1b: {  	s1 =	sadd.s32 s14, s31;
	s23 =	sadd.s32 s29, s22;
	[dreg:$0xc] =	wrdreg s20  }
0x1c: {  	s17 =	sshrl.u32 s17, $0x3;
	s20 =	sshll.u32 s19, $0x4;
	s25 =	sshrl.u32 s23, $0x3  }
0x1d: {  	s23 =	sadd.s32 s29, s18;
	s31 =	sadd.s32 s14, s17;
	s17 =	sshll.u32 s16, $0x4  }
0x1e: {  	s14 =	sshll.u32 s21, $0x4;
	s16 =	sshll.u32 s24, $0x4;
	s21 =	sadd.s32 s30, s29  }
0x1f: {  	s24 =	sadd.s32 $0x38C00, s0;
	s19 =	sshrl.u32 s21, $0x3;
	s26 =	sadd.s32 s29, s17  }
0x20: {  	s19 =	sadd.s32 s24, s19;
	s21 =	sshrl.u32 s26, $0x3;
	s26 =	sadd.s32 s29, s20  }
0x21: {  	[dreg:$0xf] =	wrdreg s19;
	s19 =	sadd.s32 s24, s25;
	s25 =	sshrl.u32 s23, $0x3  }
0x22: {  	s23 =	sadd.s32 s29, s14;
	[dreg:$0x10] =	wrdreg s19;
	s19 =	sadd.s32 s24, s21  }
0x23: {  	s21 =	sshrl.u32 s26, $0x3;
	[dreg:$0x11] =	wrdreg s19;
	s19 =	sadd.s32 s24, s25  }
0x24: {  	s25 =	sshrl.u32 s23, $0x3;
	[dreg:$0x12] =	wrdreg s19;
	s19 =	sadd.s32 s24, s21  }
0x25: {  	s26 =	sadd.s32 s29, s15;
	[dreg:$0x13] =	wrdreg s19;
	s19 =	sadd.s32 s24, s25  }
0x26: {  	s23 =	sadd.s32 s29, s16;
	s21 =	sshrl.u32 s26, $0x3;
	[dreg:$0x14] =	wrdreg s19  }
0x27: {  	s19 =	sadd.s32 s24, s21;
	s21 =	sshrl.u32 s23, $0x3;
	s23 =	rddreg [dreg:$0x3]  }
0x28: {  	[dreg:$0x15] =	wrdreg s19  }
0x29: {  	s25 =	sadd.s32 s29, s12;
	s19 =	rddreg [dreg:$0x1];
	s21 =	sadd.s32 s24, s21  }
0x2a: {  	s26 =	sadd.s32 s29, s13;
	s25 =	sshrl.u32 s25, $0x3;
	[dreg:$0x16] =	wrdreg s21  }
0x2b: {  	s26 =	sshrl.u32 s26, $0x3;
	s25 =	sadd.s32 s24, s25;
	s21 =	rddreg [dreg:$0x2]  }
0x2c: {  	s24 =	sadd.s32 s24, s26;
	[dreg:$0x17] =	wrdreg s25  }
0x2d: {  	[dreg:$0x18] =	wrdreg s24  }
0x2e: {  	_ =	strace $0x80000047;
	[dreg:$0xd] =	wrdreg s1  }
0x2f: {  	s22 =	sadd.s32 s22, s23;
	[dreg:$0xe] =	wrdreg s31  }
0x30: {  	s12 =	sadd.s32 s12, s23;
	s25 =	sadd.s32 s28, s0;
	[smem:$0x7FB] =	sst s22  }
0x31: {  	s24 =	sadd.s32 $0x2E400, s25;
	[smem:$0x7FD] =	sst s12  }
0x32: {  	s2 =	sadd.s32 s2, s21;
	[dreg:$0x19] =	wrdreg s24  }
0x33: {  	s3 =	sadd.s32 s3, s21;
	[dreg:$0x1a] =	wrdreg s2  }
0x34: {  	s4 =	sadd.s32 s4, s21;
	[dreg:$0x1b] =	wrdreg s3  }
0x35: {  	s5 =	sadd.s32 s5, s21;
	[dreg:$0x1c] =	wrdreg s4  }
0x36: {  	s6 =	sadd.s32 s6, s21;
	[dreg:$0x1d] =	wrdreg s5  }
0x37: {  	s7 =	sadd.s32 s7, s21;
	[dreg:$0x1e] =	wrdreg s6  }
0x38: {  	s8 =	sadd.s32 s8, s21;
	[dreg:$0x1f] =	wrdreg s7  }
0x39: {  	s26 =	sadd.s32 $0x29400, s0;
	s25 =	sadd.s32 s10, s21;
	[smem:$0x7E4] =	sst s8  }
0x3a: {  	s28 =	sadd.s32 $0x1400, s0;
	s0 =	sadd.s32 s11, s21;
	[smem:$0x7E6] =	sst s25  }
0x3b: {  	[smem:$0x7E7] =	sst s0  }
0x3c: {  	s24 =	sadd.s32 s9, s21;
	s9 =	sld [smem:$0x7EE]  }
0x3d: {  	s11 =	rddreg [dreg:$0x5]  }
0x3e: {  	s8 =	sadd.s32 s13, s23;
	s13 =	rddreg [dreg:$0x6]  }
0x3f: {  	s5 =	sadd.s32 s14, s23;
	s14 =	rddreg [dreg:$0x7]  }
0x40: {  	s6 =	sadd.s32 s15, s23;
	s15 =	rddreg [dreg:$0x8]  }
0x41: {  	s7 =	sadd.s32 s16, s23;
	s16 =	rddreg [dreg:$0x9]  }
0x42: {  	s10 =	sadd.s32 s30, s23;
	s30 =	sadd.s32 s17, s23;
	s17 =	rddreg [dreg:$0xa]  }
0x43: {  	s3 =	sadd.s32 s18, s23;
	s18 =	rddreg [dreg:$0xb]  }
0x44: {  	s31 =	sadd.s32 $0x50000, s31;
	s4 =	sadd.s32 s20, s23;
	s20 =	rddreg [dreg:$0xc]  }
0x45: {  	[smem:$0x7F9] =	sst s31  }
0x46: {  	[smem:$0x7FA] =	sst s10  }
0x47: {  	[smem:$0x7FC] =	sst s30  }
0x48: {  	[smem:$0x7E5] =	sst s24  }
0x49: {  	[smem:$0x7E8] =	sst s3  }
0x4a: {  	[smem:$0x7E9] =	sst s4  }
0x4b: {  	[smem:$0x7EA] =	sst s5  }
0x4c: {  	v0 =	vlaneseq.u32;
	v2 =	vimm.f32 $0.0e+00;
	[smem:$0x7EB] =	sst s6  }
0x4d: {  	v1 =	vmul.u32 $0x10, v0;
	v6 =	vor.u32 $0x40, v0;
	v13 =	vor.u32 $0x10, v0;
	s29 =	simm.s32 $0x5;
	s25 =	sadd.s32 $0x50000, s1;
	[smem:$0x7EC] =	sst s7  }
0x4e: {  	v16 =	vor.u32 $0x50, v0;
	v23 =	vor.u32 $0x20, v0;
	v26 =	vor.u32 $0x60, v0;
	s1 =	simm.s32 $0x0;
	[smem:$0x7ED] =	sst s8;
	s24 =	sadd.s32 $0x50000, s20  }
0x4f: {  	v33 =	vor.u32 $0x30, v0;
	v36 =	vor.u32 $0x70, v0;
	v3 =	vor.u32 $0x404, v1;
	[smem:$0x7F8] =	sst s25;
	s8 =	simm.s32 $0x7A80;
	s25 =	simm.s32 $0x40  }
0x50: {  	v4 =	vor.u32 $0x1, v1;
	v5 =	vor.u32 $0x405, v1;
	v7 =	vor.u32 $0x2, v1;
	s3 =	simm.s32 $0x7200;
	s4 =	simm.s32 $0x8280;
	s5 =	simm.s32 $0x2  }
0x51: {  	v8 =	vor.u32 $0x406, v1;
	v9 =	vor.u32 $0x3, v1;
	v10 =	vor.u32 $0x407, v1;
	s6 =	simm.s32 $0x7A40;
	[smem:$0x7F7] =	sst s24;
	s2 =	smax.u32 s9, $0x1  }
0x52: {  	v11 =	vor.u32 $0x100, v1;
	v12 =	vor.u32 $0x504, v1;
	v14 =	vor.u32 $0x101, v1;
	s20 =	simm.s32 $0x3;
	[smem:$0x7EF] =	sst s2;
	s2 =	sadd.s32 $0x50000, s11  }
0x53: {  	v15 =	vor.u32 $0x505, v1;
	v17 =	vor.u32 $0x102, v1;
	v18 =	vor.u32 $0x506, v1;
	s7 =	simm.s32 $0x4;
	[smem:$0x7F0] =	sst s2;
	s2 =	sadd.s32 $0x50000, s13  }
0x54: {  	v19 =	vor.u32 $0x103, v1;
	v20 =	vor.u32 $0x507, v1;
	v21 =	vor.u32 $0x200, v1;
	s24 =	simm.s32 $0x2A00;
	[smem:$0x7F1] =	sst s2;
	s2 =	sadd.s32 $0x50000, s14  }
0x55: {  	v22 =	vor.u32 $0x604, v1;
	v24 =	vor.u32 $0x201, v1;
	v25 =	vor.u32 $0x605, v1;
	s9 =	simm.s32 $0x80;
	[smem:$0x7F2] =	sst s2;
	s2 =	sadd.s32 $0x50000, s15  }
0x56: {  	v27 =	vor.u32 $0x202, v1;
	v28 =	vor.u32 $0x606, v1;
	v29 =	vor.u32 $0x203, v1;
	s11 =	simm.s32 $0x6A00;
	[smem:$0x7F3] =	sst s2;
	s2 =	sadd.s32 $0x50000, s16  }
0x57: {  	v30 =	vor.u32 $0x607, v1;
	v31 =	vor.u32 $0x300, v1;
	v32 =	vor.u32 $0x704, v1;
	s15 =	simm.s32 $0x4A00;
	[smem:$0x7F4] =	sst s2;
	s2 =	sadd.s32 $0x50000, s17  }
0x58: {  	v34 =	vor.u32 $0x301, v1;
	v35 =	vor.u32 $0x705, v1;
	v37 =	vor.u32 $0x302, v1;
	s16 =	simm.s32 $0x1;
	[smem:$0x7F5] =	sst s2;
	s2 =	sadd.s32 $0x50000, s18  }
0x59: {  	v38 =	vor.u32 $0x706, v1;
	v39 =	vor.u32 $0x303, v1;
	v40 =	vor.u32 $0x707, v1;
	s17 =	simm.s32 $0x7A00;
	s18 =	simm.s32 $0x7E80;
	[smem:$0x7F6] =	sst s2  }
.LBB2_1:
0x5a: {  	[smem:$0x7E3] =	sst s1  }
0x5b: {  	s0 =	simm.s32 $0x0;
	s31 =	rddreg [dreg:$0x19]  }
0x5c: {  	[tilespmem:s0], [sflag:$0x5] =	stream.linear.gather [hbm4b:s31+s0], $0x2A00, $0x38;
	[tilespmem:$0x1EB00] =	vst v63  }
0x5d: {  	_ =	swait.ge [sflag:s29], $0x2A00  }
0x5e: {  	[sflag:s29] =	ssyncset.done $0x0  }
0x5f: {  	s1 =	simm.s32 $0x200;
	s0 =	simm.s32 $0x0;
	[sflag:s29] =	ssyncadd.s32 $0xFFFFD600  }
.LBB2_2:
0x60: {  	p0 =	sne.s32 s1, $0x7E00;
	[tilespmem:s0+$0x2A70] =	vst v2  }
0x61: {  	[tilespmem:s0+$0x2A00] =	vst v2  }
0x62: {  	[tilespmem:s0+$0x2A10] =	vst v2  }
.Ltmp0:
0x63: {  	[tilespmem:s0+$0x2A20] =	vst v2;
	(pc) =	sbr.rel @p0 .LBB2_2-.Ltmp0, $4  }
0x64: {  	[tilespmem:s0+$0x2A30] =	vst v2  }
0x65: {  	[tilespmem:s0+$0x2A40] =	vst v2  }
0x66: {  	[tilespmem:s0+$0x2A50] =	vst v2  }
0x67: {  	[tilespmem:s0+$0x2A60] =	vst v2;
	s0 =	sshra.s32 s1, $0x2;
	s1 =	sadd.s32 $0x200, s1  }
0x68: {  	[tilespmem:s0+$0x2A70] =	vst v2  }
0x69: {  	[tilespmem:s0+$0x2A00] =	vst v2  }
0x6a: {  	[tilespmem:s0+$0x2A10] =	vst v2  }
0x6b: {  	[tilespmem:s0+$0x2A20] =	vst v2  }
0x6c: {  	[tilespmem:s0+$0x2A30] =	vst v2  }
0x6d: {  	[tilespmem:s0+$0x2A40] =	vst v2  }
0x6e: {  	[tilespmem:s0+$0x2A50] =	vst v2  }
0x6f: {  	[tilespmem:s0+$0x2A60] =	vst v2;
	s13 =	rddreg [dreg:$0x1a]  }
0x70: {  	[spmem:s13] =	stream.linear.scatter [tilespmem:s24], [sflag:$0x5], $0x2000, $0x38;
	[tilespmem:$0x1EB00] =	vst v63  }
0x71: {  	_ =	swait.ge [sflag:s29], $0x2000  }
0x72: {  	[sflag:s29] =	ssyncset.done $0x0  }
0x73: {  	s14 =	rddreg [dreg:$0x1b];
	[sflag:s29] =	ssyncadd.s32 $0xFFFFE000  }
0x74: {  	[spmem:s14] =	stream.linear.scatter [tilespmem:s24], [sflag:$0x5], $0x2000, $0x38;
	[tilespmem:$0x1EB00] =	vst v63  }
0x75: {  	_ =	swait.ge [sflag:s29], $0x2000  }
0x76: {  	[sflag:s29] =	ssyncset.done $0x0  }
0x77: {  	s2 =	rddreg [dreg:$0x1c];
	[sflag:s29] =	ssyncadd.s32 $0xFFFFE000  }
0x78: {  	[spmem:s2] =	stream.linear.scatter [tilespmem:s24], [sflag:$0x5], $0x2000, $0x38;
	[tilespmem:$0x1EB00] =	vst v63  }
0x79: {  	_ =	swait.ge [sflag:s29], $0x2000  }
0x7a: {  	[sflag:s29] =	ssyncset.done $0x0  }
0x7b: {  	s31 =	rddreg [dreg:$0x1d];
	[sflag:s29] =	ssyncadd.s32 $0xFFFFE000  }
0x7c: {  	[spmem:s31] =	stream.linear.scatter [tilespmem:s24], [sflag:$0x5], $0x2000, $0x38;
	[tilespmem:$0x1EB00] =	vst v63  }
0x7d: {  	_ =	swait.ge [sflag:s29], $0x2000  }
0x7e: {  	[sflag:s29] =	ssyncset.done $0x0  }
0x7f: {  	s1 =	rddreg [dreg:$0x1e];
	[sflag:s29] =	ssyncadd.s32 $0xFFFFE000  }
0x80: {  	[spmem:s1] =	stream.linear.scatter [tilespmem:s24], [sflag:$0x5], $0x2000, $0x38;
	[tilespmem:$0x1EB00] =	vst v63  }
0x81: {  	_ =	swait.ge [sflag:s29], $0x2000  }
0x82: {  	[sflag:s29] =	ssyncset.done $0x0  }
0x83: {  	s2 =	rddreg [dreg:$0x1f];
	[sflag:s29] =	ssyncadd.s32 $0xFFFFE000  }
0x84: {  	[spmem:s2] =	stream.linear.scatter [tilespmem:s24], [sflag:$0x5], $0x2000, $0x38;
	[tilespmem:$0x1EB00] =	vst v63  }
0x85: {  	_ =	swait.ge [sflag:s29], $0x2000  }
0x86: {  	s31 =	sld [smem:$0x7E4]  }
0x87: {  	[sflag:s29] =	ssyncset.done $0x0  }
0x88: {  	[sflag:s29] =	ssyncadd.s32 $0xFFFFE000  }
0x89: {  	[spmem:s31] =	stream.linear.scatter [tilespmem:s24], [sflag:$0x5], $0x2000, $0x38;
	[tilespmem:$0x1EB00] =	vst v63  }
0x8a: {  	_ =	swait.ge [sflag:s29], $0x2000  }
0x8b: {  	s1 =	sld [smem:$0x7E5]  }
0x8c: {  	[sflag:s29] =	ssyncset.done $0x0  }
0x8d: {  	[sflag:s29] =	ssyncadd.s32 $0xFFFFE000  }
0x8e: {  	[spmem:s1] =	stream.linear.scatter [tilespmem:s24], [sflag:$0x5], $0x2000, $0x38;
	[tilespmem:$0x1EB00] =	vst v63  }
0x8f: {  	_ =	swait.ge [sflag:s29], $0x2000  }
0x90: {  	s2 =	sld [smem:$0x7E6]  }
0x91: {  	[sflag:s29] =	ssyncset.done $0x0  }
0x92: {  	[sflag:s29] =	ssyncadd.s32 $0xFFFFE000  }
0x93: {  	[spmem:s2] =	stream.linear.scatter [tilespmem:s24], [sflag:$0x5], $0x2000, $0x38;
	[tilespmem:$0x1EB00] =	vst v63  }
0x94: {  	_ =	swait.ge [sflag:s29], $0x2000  }
0x95: {  	s31 =	sld [smem:$0x7E7]  }
0x96: {  	[sflag:s29] =	ssyncset.done $0x0  }
0x97: {  	[sflag:s29] =	ssyncadd.s32 $0xFFFFE000  }
0x98: {  	[spmem:s31] =	stream.linear.scatter [tilespmem:s24], [sflag:$0x5], $0x2000, $0x38;
	[tilespmem:$0x1EB00] =	vst v63  }
0x99: {  	_ =	swait.ge [sflag:s29], $0x2000  }
0x9a: {  	[sflag:s29] =	ssyncset.done $0x0  }
0x9b: {  	s0 =	simm.s32 $0x40;
	s1 =	simm.s32 $0x0;
	[sflag:s29] =	ssyncadd.s32 $0xFFFFE000  }
.LBB2_4:
0x9c: {  	p0 =	sne.s32 s0, $0xFC0;
	[tilespmem:s1+$0x7A80] =	vst v2;
	s2 =	smov.u32 s0;
	s0 =	sadd.s32 $0x40, s0  }
.Ltmp1:
0x9d: {  	[tilespmem:s1+$0x7E80] =	vst v2;
	(pc) =	sbr.rel @p0 .LBB2_4-.Ltmp1, $2  }
0x9e: {  	_ =	sdelay $0x2  }
0x9f: {  	s1 =	sshra.s32 s2, $0x2  }
0xa0: {  	[tilespmem:s1+$0x7A80] =	vst v2  }
0xa1: {  	[tilespmem:s1+$0x7E80] =	vst v2  }
0xa2: {  	[spmem:s10] =	stream.linear.scatter [tilespmem:s8], [sflag:$0x5], $0x400, $0x38;
	[tilespmem:$0x1EB00] =	vst v63  }
0xa3: {  	_ =	swait.ge [sflag:s29], $0x400  }
0xa4: {  	[sflag:s29] =	ssyncset.done $0x0  }
0xa5: {  	[sflag:s29] =	ssyncadd.s32 $0xFFFFFC00  }
0xa6: {  	[spmem:s22] =	stream.linear.scatter [tilespmem:s8], [sflag:$0x5], $0x400, $0x38;
	[tilespmem:$0x1EB00] =	vst v63  }
0xa7: {  	_ =	swait.ge [sflag:s29], $0x400  }
0xa8: {  	[sflag:s29] =	ssyncset.done $0x0  }
0xa9: {  	[sflag:s29] =	ssyncadd.s32 $0xFFFFFC00  }
0xaa: {  	[spmem:s30] =	stream.linear.scatter [tilespmem:s8], [sflag:$0x5], $0x400, $0x38;
	[tilespmem:$0x1EB00] =	vst v63  }
0xab: {  	_ =	swait.ge [sflag:s29], $0x400  }
0xac: {  	s0 =	sld [smem:$0x7E8]  }
0xad: {  	[sflag:s29] =	ssyncset.done $0x0  }
0xae: {  	[sflag:s29] =	ssyncadd.s32 $0xFFFFFC00  }
0xaf: {  	[spmem:s0] =	stream.linear.scatter [tilespmem:s8], [sflag:$0x5], $0x400, $0x38;
	[tilespmem:$0x1EB00] =	vst v63  }
0xb0: {  	_ =	swait.ge [sflag:s29], $0x400  }
0xb1: {  	s1 =	sld [smem:$0x7E9]  }
0xb2: {  	[sflag:s29] =	ssyncset.done $0x0  }
0xb3: {  	[sflag:s29] =	ssyncadd.s32 $0xFFFFFC00  }
0xb4: {  	[spmem:s1] =	stream.linear.scatter [tilespmem:s8], [sflag:$0x5], $0x400, $0x38;
	[tilespmem:$0x1EB00] =	vst v63  }
0xb5: {  	_ =	swait.ge [sflag:s29], $0x400  }
0xb6: {  	s2 =	sld [smem:$0x7EA]  }
0xb7: {  	[sflag:s29] =	ssyncset.done $0x0  }
0xb8: {  	[sflag:s29] =	ssyncadd.s32 $0xFFFFFC00  }
0xb9: {  	[spmem:s2] =	stream.linear.scatter [tilespmem:s8], [sflag:$0x5], $0x400, $0x38;
	[tilespmem:$0x1EB00] =	vst v63  }
0xba: {  	_ =	swait.ge [sflag:s29], $0x400  }
0xbb: {  	s10 =	sld [smem:$0x7EB]  }
0xbc: {  	[sflag:s29] =	ssyncset.done $0x0  }
0xbd: {  	[sflag:s29] =	ssyncadd.s32 $0xFFFFFC00  }
0xbe: {  	[spmem:s10] =	stream.linear.scatter [tilespmem:s8], [sflag:$0x5], $0x400, $0x38;
	[tilespmem:$0x1EB00] =	vst v63  }
0xbf: {  	_ =	swait.ge [sflag:s29], $0x400  }
0xc0: {  	s22 =	sld [smem:$0x7EC]  }
0xc1: {  	[sflag:s29] =	ssyncset.done $0x0  }
0xc2: {  	[sflag:s29] =	ssyncadd.s32 $0xFFFFFC00  }
0xc3: {  	[spmem:s22] =	stream.linear.scatter [tilespmem:s8], [sflag:$0x5], $0x400, $0x38;
	[tilespmem:$0x1EB00] =	vst v63  }
0xc4: {  	_ =	swait.ge [sflag:s29], $0x400  }
0xc5: {  	[sflag:s29] =	ssyncset.done $0x0  }
0xc6: {  	[sflag:s29] =	ssyncadd.s32 $0xFFFFFC00  }
0xc7: {  	[spmem:s12] =	stream.linear.scatter [tilespmem:s8], [sflag:$0x5], $0x400, $0x38;
	[tilespmem:$0x1EB00] =	vst v63  }
0xc8: {  	_ =	swait.ge [sflag:s29], $0x400  }
0xc9: {  	s30 =	sld [smem:$0x7ED]  }
0xca: {  	[sflag:s29] =	ssyncset.done $0x0  }
0xcb: {  	[sflag:s29] =	ssyncadd.s32 $0xFFFFFC00  }
0xcc: {  	[spmem:s30] =	stream.linear.scatter [tilespmem:s8], [sflag:$0x5], $0x400, $0x38;
	[tilespmem:$0x1EB00] =	vst v63  }
0xcd: {  	_ =	swait.ge [sflag:s29], $0x400  }
0xce: {  	[sflag:s29] =	ssyncset.done $0x0  }
0xcf: {  	[sflag:s29] =	ssyncadd.s32 $0xFFFFFC00  }
0xd0: {  	s31 =	simm.s32 $0x0;
	[bflag:$0x0] =	sbarrier.arrive $0xFFFF  }
0xd1: {  	[tilespmem:s24], [sflag:$0x1] =	stream.indirect.gather [hbm4b:s19+s25], $0x80, s31, s25, $0xb8;
	[tilespmem:$0x1EB00] =	vst v63  }
0xd2: {  	s22 =	simm.s32 $0x0  }
0xd3: {  	[tilespmem:s11], [sflag:$0x1] =	stream.indirect.gather [hbm4b:s26+s9], $0x10, s31, s9, $0xb8;
	[tilespmem:$0x1EB00] =	vst v63  }
.LBB2_6:
0xd4: {  	s0 =	sshll.u32 s22, $0x8  }
0xd5: {  	s10 =	sand.u32 $0x3FFFFF00, s0  }
0xd6: {  	s0 =	sor.u32 $0x80, s10  }
0xd7: {  	[tilespmem:s15], [sflag:$0x2] =	stream.indirect.gather [hbm4b:s19+s25], $0x80, s0, s25, $0xb8;
	[tilespmem:$0x1EB00] =	vst v63  }
0xd8: {  	_ = 	snop  }
0xd9: {  	[tilespmem:s3], [sflag:$0x2] =	stream.indirect.gather [hbm4b:s26+s9], $0x10, s0, s9, $0xb8;
	[tilespmem:$0x1EB00] =	vst v63  }
0xda: {  	_ =	swait.ge [sflag:s16], $0x2000  }
0xdb: {  	[sflag:s16] =	ssyncset.done $0x0  }
0xdc: {  	[sflag:s16] =	ssyncadd.s32 $0xFFFFE000  }
0xdd: {  	_ =	swait.ge [sflag:s16], $0x800  }
0xde: {  	[sflag:s16] =	ssyncset.done $0x0  }
0xdf: {  	[sflag:s16] =	ssyncadd.s32 $0xFFFFF800  }
0xe0: {  	v41 =	vld [tilespmem:s10+$0x40];
	_ =	sdelay $0x4  }
0xe1: {  	[tilespmem:$0x7A00] =	vst v41  }
0xe2: {  	v41 =	vld [tilespmem:s10+$0x50];
	_ =	sdelay $0x4  }
0xe3: {  	[tilespmem:$0x7A10] =	vst v41  }
0xe4: {  	v41 =	vld [tilespmem:s10+$0x60];
	_ =	sdelay $0x4  }
0xe5: {  	[tilespmem:$0x7A20] =	vst v41  }
0xe6: {  	v41 =	vld [tilespmem:s10+$0x70];
	_ =	sdelay $0x4  }
0xe7: {  	[tilespmem:$0x7A30] =	vst v41  }
0xe8: {  	v41 =	vld.idx.msk [tilespmem:v1+s11+$0x0], $0xffff  }
0xe9: {  	v42 =	vld.idx.msk [tilespmem:v3+s11+$0x0], $0xffff;
	_ =	sdelay $0x4  }
0xea: {  	v41 =	vadd.f32 v42, v41;
	_ =	sdelay $0x1  }
0xeb: {  	v42 =	vmul.f32 $2.000000030e-01, v41  }
0xec: {  	vm0 =	vge.f32 v41, $0.0e+00  }
0xed: {  	v41 =	vsel vm0, v41, v42  }
0xee: {  	v41 =	vmul.f32 $1.442695020e+00, v41;
	_ =	sdelay $0x1  }
0xef: {  	(erf) = vpow2.f32 v41;
	_ =	sdelay $0x8  }
0xf0: {  	v41 =	vpop (erf)  }
0xf1: {  	[tilespmem:v1+s8+$0x0] =	vst.idx.msk $0xffff, v41  }
0xf2: {  	[tilespmem:v0+s4+$0x0] =	vst.idx.msk $0xffff, v41  }
0xf3: {  	v41 =	vld.idx.msk [tilespmem:v4+s11+$0x0], $0xffff  }
0xf4: {  	v45 =	vld.idx.msk [tilespmem:v5+s11+$0x0], $0xffff;
	_ =	sdelay $0x4  }
0xf5: {  	v41 =	vadd.f32 v45, v41;
	_ =	sdelay $0x1  }
0xf6: {  	v42 =	vmul.f32 $2.000000030e-01, v41  }
0xf7: {  	vm13 =	vge.f32 v41, $0.0e+00  }
0xf8: {  	v41 =	vsel vm13, v41, v42  }
0xf9: {  	v41 =	vmul.f32 $1.442695020e+00, v41;
	_ =	sdelay $0x1  }
0xfa: {  	(erf) = vpow2.f32 v41;
	_ =	sdelay $0x8  }
0xfb: {  	v41 =	vpop (erf)  }
0xfc: {  	[tilespmem:v4+s8+$0x0] =	vst.idx.msk $0xffff, v41  }
0xfd: {  	[tilespmem:v6+s4+$0x0] =	vst.idx.msk $0xffff, v41  }
0xfe: {  	v41 =	vld.idx.msk [tilespmem:v7+s11+$0x0], $0xffff  }
0xff: {  	v46 =	vld.idx.msk [tilespmem:v8+s11+$0x0], $0xffff;
	_ =	sdelay $0x4  }
0x100: {  	v41 =	vadd.f32 v46, v41;
	_ =	sdelay $0x1  }
0x101: {  	v42 =	vmul.f32 $2.000000030e-01, v41  }
0x102: {  	vm14 =	vge.f32 v41, $0.0e+00  }
0x103: {  	v41 =	vsel vm14, v41, v42  }
0x104: {  	v41 =	vmul.f32 $1.442695020e+00, v41;
	_ =	sdelay $0x1  }
0x105: {  	(erf) = vpow2.f32 v41;
	_ =	sdelay $0x8  }
0x106: {  	v41 =	vpop (erf)  }
0x107: {  	[tilespmem:v7+s8+$0x0] =	vst.idx.msk $0xffff, v41  }
0x108: {  	v41 =	vld.idx.msk [tilespmem:v9+s11+$0x0], $0xffff  }
0x109: {  	v47 =	vld.idx.msk [tilespmem:v10+s11+$0x0], $0xffff;
	_ =	sdelay $0x4  }
0x10a: {  	v41 =	vadd.f32 v47, v41;
	_ =	sdelay $0x1  }
0x10b: {  	v42 =	vmul.f32 $2.000000030e-01, v41  }
0x10c: {  	vm15 =	vge.f32 v41, $0.0e+00  }
0x10d: {  	v41 =	vsel vm15, v41, v42  }
0x10e: {  	v41 =	vmul.f32 $1.442695020e+00, v41;
	_ =	sdelay $0x1  }
0x10f: {  	(erf) = vpow2.f32 v41;
	_ =	sdelay $0x8  }
0x110: {  	v41 =	vpop (erf)  }
0x111: {  	[tilespmem:v9+s8+$0x0] =	vst.idx.msk $0xffff, v41  }
0x112: {  	v41 =	vld.idx.msk [tilespmem:v11+s11+$0x0], $0xffff  }
0x113: {  	v48 =	vld.idx.msk [tilespmem:v12+s11+$0x0], $0xffff;
	_ =	sdelay $0x4  }
0x114: {  	v41 =	vadd.f32 v48, v41;
	_ =	sdelay $0x1  }
0x115: {  	v42 =	vmul.f32 $2.000000030e-01, v41  }
0x116: {  	vm4 =	vge.f32 v41, $0.0e+00  }
0x117: {  	v41 =	vsel vm4, v41, v42  }
0x118: {  	v41 =	vmul.f32 $1.442695020e+00, v41;
	_ =	sdelay $0x1  }
0x119: {  	(erf) = vpow2.f32 v41;
	_ =	sdelay $0x8  }
0x11a: {  	v41 =	vpop (erf)  }
0x11b: {  	[tilespmem:v11+s8+$0x0] =	vst.idx.msk $0xffff, v41  }
0x11c: {  	[tilespmem:v13+s4+$0x0] =	vst.idx.msk $0xffff, v41  }
0x11d: {  	v41 =	vld.idx.msk [tilespmem:v14+s11+$0x0], $0xffff  }
0x11e: {  	v49 =	vld.idx.msk [tilespmem:v15+s11+$0x0], $0xffff;
	_ =	sdelay $0x4  }
0x11f: {  	v41 =	vadd.f32 v49, v41;
	_ =	sdelay $0x1  }
0x120: {  	v42 =	vmul.f32 $2.000000030e-01, v41  }
0x121: {  	vm5 =	vge.f32 v41, $0.0e+00  }
0x122: {  	v41 =	vsel vm5, v41, v42  }
0x123: {  	v41 =	vmul.f32 $1.442695020e+00, v41;
	_ =	sdelay $0x1  }
0x124: {  	(erf) = vpow2.f32 v41;
	_ =	sdelay $0x8  }
0x125: {  	v41 =	vpop (erf)  }
0x126: {  	[tilespmem:v14+s8+$0x0] =	vst.idx.msk $0xffff, v41  }
0x127: {  	[tilespmem:v16+s4+$0x0] =	vst.idx.msk $0xffff, v41  }
0x128: {  	v41 =	vld.idx.msk [tilespmem:v17+s11+$0x0], $0xffff  }
0x129: {  	v50 =	vld.idx.msk [tilespmem:v18+s11+$0x0], $0xffff;
	_ =	sdelay $0x4  }
0x12a: {  	v41 =	vadd.f32 v50, v41;
	_ =	sdelay $0x1  }
0x12b: {  	v42 =	vmul.f32 $2.000000030e-01, v41  }
0x12c: {  	vm6 =	vge.f32 v41, $0.0e+00  }
0x12d: {  	v41 =	vsel vm6, v41, v42  }
0x12e: {  	v41 =	vmul.f32 $1.442695020e+00, v41;
	_ =	sdelay $0x1  }
0x12f: {  	(erf) = vpow2.f32 v41;
	_ =	sdelay $0x8  }
0x130: {  	v41 =	vpop (erf)  }
0x131: {  	[tilespmem:v17+s8+$0x0] =	vst.idx.msk $0xffff, v41  }
0x132: {  	v41 =	vld.idx.msk [tilespmem:v19+s11+$0x0], $0xffff  }
0x133: {  	v51 =	vld.idx.msk [tilespmem:v20+s11+$0x0], $0xffff;
	_ =	sdelay $0x4  }
0x134: {  	v41 =	vadd.f32 v51, v41;
	_ =	sdelay $0x1  }
0x135: {  	v42 =	vmul.f32 $2.000000030e-01, v41  }
0x136: {  	vm7 =	vge.f32 v41, $0.0e+00  }
0x137: {  	v41 =	vsel vm7, v41, v42  }
0x138: {  	v41 =	vmul.f32 $1.442695020e+00, v41;
	_ =	sdelay $0x1  }
0x139: {  	(erf) = vpow2.f32 v41;
	_ =	sdelay $0x8  }
0x13a: {  	v41 =	vpop (erf)  }
0x13b: {  	[tilespmem:v19+s8+$0x0] =	vst.idx.msk $0xffff, v41  }
0x13c: {  	v41 =	vld.idx.msk [tilespmem:v21+s11+$0x0], $0xffff  }
0x13d: {  	v52 =	vld.idx.msk [tilespmem:v22+s11+$0x0], $0xffff;
	_ =	sdelay $0x4  }
0x13e: {  	v41 =	vadd.f32 v52, v41;
	_ =	sdelay $0x1  }
0x13f: {  	v42 =	vmul.f32 $2.000000030e-01, v41  }
0x140: {  	vm8 =	vge.f32 v41, $0.0e+00  }
0x141: {  	v41 =	vsel vm8, v41, v42  }
0x142: {  	v41 =	vmul.f32 $1.442695020e+00, v41;
	_ =	sdelay $0x1  }
0x143: {  	(erf) = vpow2.f32 v41;
	_ =	sdelay $0x8  }
0x144: {  	v41 =	vpop (erf)  }
0x145: {  	[tilespmem:v21+s8+$0x0] =	vst.idx.msk $0xffff, v41  }
0x146: {  	[tilespmem:v23+s4+$0x0] =	vst.idx.msk $0xffff, v41  }
0x147: {  	v41 =	vld.idx.msk [tilespmem:v24+s11+$0x0], $0xffff  }
0x148: {  	v53 =	vld.idx.msk [tilespmem:v25+s11+$0x0], $0xffff;
	_ =	sdelay $0x4  }
0x149: {  	v41 =	vadd.f32 v53, v41;
	_ =	sdelay $0x1  }
0x14a: {  	v42 =	vmul.f32 $2.000000030e-01, v41  }
0x14b: {  	vm9 =	vge.f32 v41, $0.0e+00  }
0x14c: {  	v41 =	vsel vm9, v41, v42  }
0x14d: {  	v41 =	vmul.f32 $1.442695020e+00, v41;
	_ =	sdelay $0x1  }
0x14e: {  	(erf) = vpow2.f32 v41;
	_ =	sdelay $0x8  }
0x14f: {  	v41 =	vpop (erf)  }
0x150: {  	[tilespmem:v24+s8+$0x0] =	vst.idx.msk $0xffff, v41  }
0x151: {  	[tilespmem:v26+s4+$0x0] =	vst.idx.msk $0xffff, v41  }
0x152: {  	v41 =	vld.idx.msk [tilespmem:v27+s11+$0x0], $0xffff  }
0x153: {  	v54 =	vld.idx.msk [tilespmem:v28+s11+$0x0], $0xffff;
	_ =	sdelay $0x4  }
0x154: {  	v41 =	vadd.f32 v54, v41;
	_ =	sdelay $0x1  }
0x155: {  	v42 =	vmul.f32 $2.000000030e-01, v41  }
0x156: {  	vm10 =	vge.f32 v41, $0.0e+00  }
0x157: {  	v41 =	vsel vm10, v41, v42  }
0x158: {  	v41 =	vmul.f32 $1.442695020e+00, v41;
	_ =	sdelay $0x1  }
0x159: {  	(erf) = vpow2.f32 v41;
	_ =	sdelay $0x8  }
0x15a: {  	v41 =	vpop (erf)  }
0x15b: {  	[tilespmem:v27+s8+$0x0] =	vst.idx.msk $0xffff, v41  }
0x15c: {  	v41 =	vld.idx.msk [tilespmem:v29+s11+$0x0], $0xffff  }
0x15d: {  	v55 =	vld.idx.msk [tilespmem:v30+s11+$0x0], $0xffff;
	_ =	sdelay $0x4  }
0x15e: {  	v41 =	vadd.f32 v55, v41;
	_ =	sdelay $0x1  }
0x15f: {  	v42 =	vmul.f32 $2.000000030e-01, v41  }
0x160: {  	vm11 =	vge.f32 v41, $0.0e+00  }
0x161: {  	v41 =	vsel vm11, v41, v42  }
0x162: {  	v41 =	vmul.f32 $1.442695020e+00, v41;
	_ =	sdelay $0x1  }
0x163: {  	(erf) = vpow2.f32 v41;
	_ =	sdelay $0x8  }
0x164: {  	v41 =	vpop (erf)  }
0x165: {  	[tilespmem:v29+s8+$0x0] =	vst.idx.msk $0xffff, v41  }
0x166: {  	v41 =	vld.idx.msk [tilespmem:v31+s11+$0x0], $0xffff  }
0x167: {  	v56 =	vld.idx.msk [tilespmem:v32+s11+$0x0], $0xffff;
	_ =	sdelay $0x4  }
0x168: {  	v41 =	vadd.f32 v56, v41;
	_ =	sdelay $0x1  }
0x169: {  	v42 =	vmul.f32 $2.000000030e-01, v41  }
0x16a: {  	vm12 =	vge.f32 v41, $0.0e+00  }
0x16b: {  	v41 =	vsel vm12, v41, v42  }
0x16c: {  	v41 =	vmul.f32 $1.442695020e+00, v41;
	_ =	sdelay $0x1  }
0x16d: {  	(erf) = vpow2.f32 v41;
	_ =	sdelay $0x8  }
0x16e: {  	v41 =	vpop (erf)  }
0x16f: {  	[tilespmem:v31+s8+$0x0] =	vst.idx.msk $0xffff, v41  }
0x170: {  	[tilespmem:v33+s4+$0x0] =	vst.idx.msk $0xffff, v41  }
0x171: {  	v41 =	vld.idx.msk [tilespmem:v34+s11+$0x0], $0xffff  }
0x172: {  	v57 =	vld.idx.msk [tilespmem:v35+s11+$0x0], $0xffff;
	_ =	sdelay $0x4  }
0x173: {  	v41 =	vadd.f32 v57, v41;
	_ =	sdelay $0x1  }
0x174: {  	v42 =	vmul.f32 $2.000000030e-01, v41  }
0x175: {  	vm13 =	vge.f32 v41, $0.0e+00  }
0x176: {  	v41 =	vsel vm13, v41, v42  }
0x177: {  	v41 =	vmul.f32 $1.442695020e+00, v41;
	_ =	sdelay $0x1  }
0x178: {  	(erf) = vpow2.f32 v41;
	_ =	sdelay $0x8  }
0x179: {  	v41 =	vpop (erf)  }
0x17a: {  	[tilespmem:v34+s8+$0x0] =	vst.idx.msk $0xffff, v41  }
0x17b: {  	[tilespmem:v36+s4+$0x0] =	vst.idx.msk $0xffff, v41  }
0x17c: {  	v41 =	vld.idx.msk [tilespmem:v37+s11+$0x0], $0xffff  }
0x17d: {  	v58 =	vld.idx.msk [tilespmem:v38+s11+$0x0], $0xffff;
	_ =	sdelay $0x4  }
0x17e: {  	v41 =	vadd.f32 v58, v41;
	_ =	sdelay $0x1  }
0x17f: {  	v42 =	vmul.f32 $2.000000030e-01, v41  }
0x180: {  	vm14 =	vge.f32 v41, $0.0e+00  }
0x181: {  	v41 =	vsel vm14, v41, v42  }
0x182: {  	v41 =	vmul.f32 $1.442695020e+00, v41;
	_ =	sdelay $0x1  }
0x183: {  	(erf) = vpow2.f32 v41;
	_ =	sdelay $0x8  }
0x184: {  	v41 =	vpop (erf)  }
0x185: {  	[tilespmem:v37+s8+$0x0] =	vst.idx.msk $0xffff, v41  }
0x186: {  	v41 =	vld.idx.msk [tilespmem:v39+s11+$0x0], $0xffff  }
0x187: {  	v59 =	vld.idx.msk [tilespmem:v40+s11+$0x0], $0xffff;
	_ =	sdelay $0x4  }
0x188: {  	v41 =	vadd.f32 v59, v41;
	_ =	sdelay $0x1  }
0x189: {  	v42 =	vmul.f32 $2.000000030e-01, v41  }
0x18a: {  	vm15 =	vge.f32 v41, $0.0e+00  }
0x18b: {  	v41 =	vsel vm15, v41, v42  }
0x18c: {  	v41 =	vmul.f32 $1.442695020e+00, v41;
	_ =	sdelay $0x1  }
0x18d: {  	(erf) = vpow2.f32 v41;
	_ =	sdelay $0x5  }
0x18e: {  	v43 =	vmov s31  }
0x18f: {  	v44 =	vor.u32 $0x40, v43;
	_ =	sdelay $0x1  }
0x190: {  	v41 =	vpop (erf)  }
0x191: {  	s0 =	simm.s32 $0x2A80;
	[tilespmem:v39+s8+$0x0] =	vst.idx.msk $0xffff, v41  }
0x192: {  	v45 =	vld [tilespmem:s0+$0xFFFFFFF0]  }
0x193: {  	v44 =	vld.idx.msk [tilespmem:v44+s4+$0x0], $0xffff  }
0x194: {  	v46 =	vld [tilespmem:s0+$0xFFFFFFC0]  }
0x195: {  	v47 =	vld [tilespmem:s0+$0xFFFFFFD0]  }
0x196: {  	v43 =	vld.idx.msk [tilespmem:v43+s4+$0x0], $0xffff  }
0x197: {  	v48 =	vld [tilespmem:s0+$0xFFFFFF80]  }
0x198: {  	v49 =	vld [tilespmem:s0+$0xFFFFFFE0]  }
0x199: {  	v50 =	vld [tilespmem:s0+$0xFFFFFF90];
	v45 =	vmul.f32 v45, v44  }
0x19a: {  	v51 =	vld [tilespmem:s0+$0xFFFFFFA0];
	v46 =	vmul.f32 v46, v44  }
0x19b: {  	v52 =	vld [tilespmem:s0+$0xFFFFFFB0];
	v47 =	vmul.f32 v47, v44;
	[tilespmem:s0+$0xFFFFFFF0] =	vst v45  }
0x19c: {  	v60 =	vmul.f32 v48, v43;
	[tilespmem:s0+$0xFFFFFFC0] =	vst v46  }
0x19d: {  	s1 =	simm.s32 $0x1;
	v44 =	vmul.f32 v49, v44;
	[tilespmem:s0+$0xFFFFFFD0] =	vst v47  }
0x19e: {  	v62 =	vmov s1;
	v61 =	vmul.f32 v50, v43;
	[tilespmem:s0+$0xFFFFFF80] =	vst v60  }
0x19f: {  	v41 =	vld [tilespmem:s0+$0x0];
	v63 =	vmul.f32 v51, v43;
	[tilespmem:s0+$0xFFFFFFE0] =	vst v44  }
0x1a0: {  	v42 =	vld [tilespmem:s0+$0x10];
	v43 =	vmul.f32 v52, v43;
	[tilespmem:s0+$0xFFFFFF90] =	vst v61;
	v46 =	vor.u32 $0x40, v62  }
0x1a1: {  	[tilespmem:s0+$0xFFFFFFA0] =	vst v63;
	v44 =	vld [tilespmem:s0+$0x30]  }
0x1a2: {  	[tilespmem:s0+$0xFFFFFFB0] =	vst v43;
	v45 =	vld [tilespmem:s0+$0x50]  }
0x1a3: {  	s2 =	simm.s32 $0x2;
	s1 =	simm.s32 $0x2A80;
	v43 =	vld.idx.msk [tilespmem:v62+s4+$0x0], $0xffff  }
.LBB2_7:
0x1a4: {  	p0 =	sne.s32 s2, $0x3E  }
0x1a5: {  	v46 =	vld.idx.msk [tilespmem:v46+s4+$0x0], $0xffff;
	s0 =	sadd.s32 $0x100, s0;
	s12 =	smov.u32 s2;
	s2 =	sadd.s32 $0x2, s2  }
0x1a6: {  	v47 =	vld [tilespmem:s1+$0x40]  }
0x1a7: {  	v48 =	vld [tilespmem:s1+$0x60]  }
0x1a8: {  	v49 =	vld [tilespmem:s1+$0x70];
	_ =	sdelay $0x1  }
0x1a9: {  	v41 =	vmul.f32 v41, v43;
	v42 =	vmul.f32 v42, v43;
	v50 =	vld [tilespmem:s1+$0x20]  }
0x1aa: {  	v45 =	vmul.f32 v45, v46;
	v47 =	vmul.f32 v47, v46  }
0x1ab: {  	v44 =	vmul.f32 v44, v43;
	[tilespmem:s1+$0x0] =	vst v41;
	v48 =	vmul.f32 v48, v46  }
0x1ac: {  	v41 =	vld [tilespmem:s0+$0x0];
	[tilespmem:s1+$0x10] =	vst v42;
	v46 =	vmul.f32 v49, v46  }
0x1ad: {  	v49 =	vmov s12;
	v42 =	vld [tilespmem:s0+$0x10];
	[tilespmem:s1+$0x50] =	vst v45  }
0x1ae: {  	v45 =	vor.u32 $0x40, v49;
	v43 =	vmul.f32 v50, v43;
	[tilespmem:s1+$0x30] =	vst v44  }
0x1af: {  	v44 =	vld [tilespmem:s0+$0xFFFFFFB0];
	[tilespmem:s1+$0x40] =	vst v47  }
0x1b0: {  	v47 =	vld [tilespmem:s0+$0xFFFFFF90];
	[tilespmem:s1+$0x20] =	vst v43  }
0x1b1: {  	v43 =	vld [tilespmem:s0+$0xFFFFFFE0];
	[tilespmem:s1+$0x60] =	vst v48  }
0x1b2: {  	v48 =	vld [tilespmem:s0+$0xFFFFFFF0];
	[tilespmem:s1+$0x70] =	vst v46;
	s1 =	smov.u32 s0  }
0x1b3: {  	v45 =	vld.idx.msk [tilespmem:v45+s4+$0x0], $0xffff  }
0x1b4: {  	v46 =	vld [tilespmem:s0+$0xFFFFFFC0]  }
0x1b5: {  	v50 =	vld [tilespmem:s0+$0xFFFFFFD0]  }
0x1b6: {  	v49 =	vld.idx.msk [tilespmem:v49+s4+$0x0], $0xffff  }
0x1b7: {  	v51 =	vld [tilespmem:s0+$0xFFFFFF80]  }
0x1b8: {  	v52 =	vld [tilespmem:s0+$0xFFFFFFA0]  }
0x1b9: {  	v48 =	vmul.f32 v48, v45;
	v46 =	vmul.f32 v46, v45  }
0x1ba: {  	v43 =	vmul.f32 v43, v45;
	v50 =	vmul.f32 v50, v45  }
0x1bb: {  	[tilespmem:s0+$0xFFFFFFF0] =	vst v48  }
0x1bc: {  	v47 =	vmul.f32 v47, v49;
	v45 =	vmul.f32 v51, v49;
	[tilespmem:s0+$0xFFFFFFC0] =	vst v46  }
0x1bd: {  	s12 =	sadd.s32 $0x1, s12;
	v48 =	vmul.f32 v52, v49;
	v49 =	vmul.f32 v44, v49;
	[tilespmem:s0+$0xFFFFFFD0] =	vst v50  }
0x1be: {  	v50 =	vmov s12;
	[tilespmem:s0+$0xFFFFFF80] =	vst v45  }
.Ltmp2:
0x1bf: {  	v46 =	vor.u32 $0x40, v50;
	[tilespmem:s0+$0xFFFFFFE0] =	vst v43;
	(pc) =	sbr.rel @p0 .LBB2_7-.Ltmp2, $4  }
0x1c0: {  	[tilespmem:s0+$0xFFFFFF90] =	vst v47  }
0x1c1: {  	[tilespmem:s0+$0xFFFFFFA0] =	vst v48;
	v44 =	vld [tilespmem:s0+$0x30]  }
0x1c2: {  	[tilespmem:s0+$0xFFFFFFB0] =	vst v49;
	v45 =	vld [tilespmem:s0+$0x50]  }
0x1c3: {  	v43 =	vld.idx.msk [tilespmem:v50+s4+$0x0], $0xffff  }
0x1c4: {  	_ =	sdelay $0x3  }
0x1c5: {  	v46 =	vld.idx.msk [tilespmem:v46+s4+$0x0], $0xffff  }
0x1c6: {  	v47 =	vld [tilespmem:s1+$0x40]  }
0x1c7: {  	v48 =	vld [tilespmem:s1+$0x20];
	v41 =	vmul.f32 v41, v43  }
0x1c8: {  	v49 =	vld [tilespmem:s1+$0x60];
	v42 =	vmul.f32 v42, v43  }
0x1c9: {  	v50 =	vld [tilespmem:s1+$0x70];
	v63 =	vmul.f32 v44, v43;
	[tilespmem:s1+$0x0] =	vst v41  }
0x1ca: {  	v45 =	vmul.f32 v45, v46;
	[tilespmem:s1+$0x10] =	vst v42  }
0x1cb: {  	v47 =	vmul.f32 v47, v46;
	[tilespmem:s1+$0x30] =	vst v63  }
0x1cc: {  	v51 =	vmul.f32 v48, v43;
	[tilespmem:s1+$0x50] =	vst v45  }
0x1cd: {  	v52 =	vmul.f32 v49, v46;
	[tilespmem:s1+$0x40] =	vst v47  }
0x1ce: {  	v53 =	vmul.f32 v50, v46;
	[tilespmem:s1+$0x20] =	vst v51  }
0x1cf: {  	[tilespmem:s1+$0x60] =	vst v52  }
0x1d0: {  	[tilespmem:s1+$0x70] =	vst v53  }
0x1d1: {  	[spmem:s21] =	stream.indirect.scatter.add.f32 [tilespmem:s24], [sflag:$0x3], $0x80, s17, s25, $0xb8;
	[tilespmem:$0x1EB00] =	vst v63  }
0x1d2: {  	_ = 	snop  }
0x1d3: {  	[spmem:s23] =	stream.indirect.scatter.add.f32 [tilespmem:s8], [sflag:$0x3], $0x10, s17, s25, $0xb8;
	[tilespmem:$0x1EB00] =	vst v63  }
0x1d4: {  	_ =	swait.ge [sflag:s5], $0x2000  }
0x1d5: {  	[sflag:s5] =	ssyncset.done $0x0  }
0x1d6: {  	[sflag:s5] =	ssyncadd.s32 $0xFFFFE000  }
0x1d7: {  	_ =	swait.ge [sflag:s5], $0x800  }
0x1d8: {  	[sflag:s5] =	ssyncset.done $0x0  }
0x1d9: {  	[sflag:s5] =	ssyncadd.s32 $0xFFFFF800  }
0x1da: {  	v54 =	vld [tilespmem:s10+$0xC0];
	_ =	sdelay $0x4  }
0x1db: {  	[tilespmem:$0x7A40] =	vst v54  }
0x1dc: {  	v41 =	vld [tilespmem:s10+$0xD0];
	_ =	sdelay $0x4  }
0x1dd: {  	[tilespmem:$0x7A50] =	vst v41  }
0x1de: {  	v41 =	vld [tilespmem:s10+$0xE0];
	_ =	sdelay $0x4  }
0x1df: {  	[tilespmem:$0x7A60] =	vst v41  }
0x1e0: {  	v41 =	vld [tilespmem:s10+$0xF0];
	_ =	sdelay $0x4  }
0x1e1: {  	[tilespmem:$0x7A70] =	vst v41  }
0x1e2: {  	v41 =	vld.idx.msk [tilespmem:v1+s3+$0x0], $0xffff  }
0x1e3: {  	v55 =	vld.idx.msk [tilespmem:v3+s3+$0x0], $0xffff;
	_ =	sdelay $0x4  }
0x1e4: {  	v41 =	vadd.f32 v55, v41;
	_ =	sdelay $0x1  }
0x1e5: {  	v42 =	vmul.f32 $2.000000030e-01, v41  }
0x1e6: {  	vm0 =	vge.f32 v41, $0.0e+00  }
0x1e7: {  	v41 =	vsel vm0, v41, v42  }
0x1e8: {  	v41 =	vmul.f32 $1.442695020e+00, v41;
	_ =	sdelay $0x1  }
0x1e9: {  	(erf) = vpow2.f32 v41;
	_ =	sdelay $0x8  }
0x1ea: {  	v41 =	vpop (erf)  }
0x1eb: {  	[tilespmem:v1+s18+$0x0] =	vst.idx.msk $0xffff, v41  }
0x1ec: {  	[tilespmem:v0+s4+$0x0] =	vst.idx.msk $0xffff, v41  }
0x1ed: {  	v41 =	vld.idx.msk [tilespmem:v4+s3+$0x0], $0xffff  }
0x1ee: {  	v56 =	vld.idx.msk [tilespmem:v5+s3+$0x0], $0xffff;
	_ =	sdelay $0x4  }
0x1ef: {  	v41 =	vadd.f32 v56, v41;
	_ =	sdelay $0x1  }
0x1f0: {  	v42 =	vmul.f32 $2.000000030e-01, v41  }
0x1f1: {  	vm13 =	vge.f32 v41, $0.0e+00  }
0x1f2: {  	v41 =	vsel vm13, v41, v42  }
0x1f3: {  	v41 =	vmul.f32 $1.442695020e+00, v41;
	_ =	sdelay $0x1  }
0x1f4: {  	(erf) = vpow2.f32 v41;
	_ =	sdelay $0x8  }
0x1f5: {  	v41 =	vpop (erf)  }
0x1f6: {  	[tilespmem:v4+s18+$0x0] =	vst.idx.msk $0xffff, v41  }
0x1f7: {  	[tilespmem:v6+s4+$0x0] =	vst.idx.msk $0xffff, v41  }
0x1f8: {  	v41 =	vld.idx.msk [tilespmem:v7+s3+$0x0], $0xffff  }
0x1f9: {  	v57 =	vld.idx.msk [tilespmem:v8+s3+$0x0], $0xffff;
	_ =	sdelay $0x4  }
0x1fa: {  	v41 =	vadd.f32 v57, v41;
	_ =	sdelay $0x1  }
0x1fb: {  	v42 =	vmul.f32 $2.000000030e-01, v41  }
0x1fc: {  	vm14 =	vge.f32 v41, $0.0e+00  }
0x1fd: {  	v41 =	vsel vm14, v41, v42  }
0x1fe: {  	v41 =	vmul.f32 $1.442695020e+00, v41;
	_ =	sdelay $0x1  }
0x1ff: {  	(erf) = vpow2.f32 v41;
	_ =	sdelay $0x8  }
0x200: {  	v41 =	vpop (erf)  }
0x201: {  	[tilespmem:v7+s18+$0x0] =	vst.idx.msk $0xffff, v41  }
0x202: {  	v41 =	vld.idx.msk [tilespmem:v9+s3+$0x0], $0xffff  }
0x203: {  	v58 =	vld.idx.msk [tilespmem:v10+s3+$0x0], $0xffff;
	_ =	sdelay $0x4  }
0x204: {  	v41 =	vadd.f32 v58, v41;
	_ =	sdelay $0x1  }
0x205: {  	v42 =	vmul.f32 $2.000000030e-01, v41  }
0x206: {  	vm15 =	vge.f32 v41, $0.0e+00  }
0x207: {  	v41 =	vsel vm15, v41, v42  }
0x208: {  	v41 =	vmul.f32 $1.442695020e+00, v41;
	_ =	sdelay $0x1  }
0x209: {  	(erf) = vpow2.f32 v41;
	_ =	sdelay $0x8  }
0x20a: {  	v41 =	vpop (erf)  }
0x20b: {  	[tilespmem:v9+s18+$0x0] =	vst.idx.msk $0xffff, v41  }
0x20c: {  	v41 =	vld.idx.msk [tilespmem:v11+s3+$0x0], $0xffff  }
0x20d: {  	v59 =	vld.idx.msk [tilespmem:v12+s3+$0x0], $0xffff;
	_ =	sdelay $0x4  }
0x20e: {  	v41 =	vadd.f32 v59, v41;
	_ =	sdelay $0x1  }
0x20f: {  	v42 =	vmul.f32 $2.000000030e-01, v41  }
0x210: {  	vm4 =	vge.f32 v41, $0.0e+00  }
0x211: {  	v41 =	vsel vm4, v41, v42  }
0x212: {  	v41 =	vmul.f32 $1.442695020e+00, v41;
	_ =	sdelay $0x1  }
0x213: {  	(erf) = vpow2.f32 v41;
	_ =	sdelay $0x8  }
0x214: {  	v41 =	vpop (erf)  }
0x215: {  	[tilespmem:v11+s18+$0x0] =	vst.idx.msk $0xffff, v41  }
0x216: {  	[tilespmem:v13+s4+$0x0] =	vst.idx.msk $0xffff, v41  }
0x217: {  	v41 =	vld.idx.msk [tilespmem:v14+s3+$0x0], $0xffff  }
0x218: {  	v60 =	vld.idx.msk [tilespmem:v15+s3+$0x0], $0xffff;
	_ =	sdelay $0x4  }
0x219: {  	v41 =	vadd.f32 v60, v41;
	_ =	sdelay $0x1  }
0x21a: {  	v42 =	vmul.f32 $2.000000030e-01, v41  }
0x21b: {  	vm5 =	vge.f32 v41, $0.0e+00  }
0x21c: {  	v41 =	vsel vm5, v41, v42  }
0x21d: {  	v41 =	vmul.f32 $1.442695020e+00, v41;
	_ =	sdelay $0x1  }
0x21e: {  	(erf) = vpow2.f32 v41;
	_ =	sdelay $0x8  }
0x21f: {  	v41 =	vpop (erf)  }
0x220: {  	[tilespmem:v14+s18+$0x0] =	vst.idx.msk $0xffff, v41  }
0x221: {  	[tilespmem:v16+s4+$0x0] =	vst.idx.msk $0xffff, v41  }
0x222: {  	v41 =	vld.idx.msk [tilespmem:v17+s3+$0x0], $0xffff  }
0x223: {  	v61 =	vld.idx.msk [tilespmem:v18+s3+$0x0], $0xffff;
	_ =	sdelay $0x4  }
0x224: {  	v41 =	vadd.f32 v61, v41;
	_ =	sdelay $0x1  }
0x225: {  	v42 =	vmul.f32 $2.000000030e-01, v41  }
0x226: {  	vm6 =	vge.f32 v41, $0.0e+00  }
0x227: {  	v41 =	vsel vm6, v41, v42  }
0x228: {  	v41 =	vmul.f32 $1.442695020e+00, v41;
	_ =	sdelay $0x1  }
0x229: {  	(erf) = vpow2.f32 v41;
	_ =	sdelay $0x8  }
0x22a: {  	v41 =	vpop (erf)  }
0x22b: {  	[tilespmem:v17+s18+$0x0] =	vst.idx.msk $0xffff, v41  }
0x22c: {  	v41 =	vld.idx.msk [tilespmem:v19+s3+$0x0], $0xffff  }
0x22d: {  	v62 =	vld.idx.msk [tilespmem:v20+s3+$0x0], $0xffff;
	_ =	sdelay $0x4  }
0x22e: {  	v41 =	vadd.f32 v62, v41;
	_ =	sdelay $0x1  }
0x22f: {  	v42 =	vmul.f32 $2.000000030e-01, v41  }
0x230: {  	vm7 =	vge.f32 v41, $0.0e+00  }
0x231: {  	v41 =	vsel vm7, v41, v42  }
0x232: {  	v41 =	vmul.f32 $1.442695020e+00, v41;
	_ =	sdelay $0x1  }
0x233: {  	(erf) = vpow2.f32 v41;
	_ =	sdelay $0x8  }
0x234: {  	v41 =	vpop (erf)  }
0x235: {  	[tilespmem:v19+s18+$0x0] =	vst.idx.msk $0xffff, v41  }
0x236: {  	v41 =	vld.idx.msk [tilespmem:v21+s3+$0x0], $0xffff  }
0x237: {  	v63 =	vld.idx.msk [tilespmem:v22+s3+$0x0], $0xffff;
	_ =	sdelay $0x4  }
0x238: {  	v41 =	vadd.f32 v63, v41;
	_ =	sdelay $0x1  }
0x239: {  	v42 =	vmul.f32 $2.000000030e-01, v41  }
0x23a: {  	vm8 =	vge.f32 v41, $0.0e+00  }
0x23b: {  	v41 =	vsel vm8, v41, v42  }
0x23c: {  	v41 =	vmul.f32 $1.442695020e+00, v41;
	_ =	sdelay $0x1  }
0x23d: {  	(erf) = vpow2.f32 v41;
	_ =	sdelay $0x8  }
0x23e: {  	v41 =	vpop (erf)  }
0x23f: {  	[tilespmem:v21+s18+$0x0] =	vst.idx.msk $0xffff, v41  }
0x240: {  	[tilespmem:v23+s4+$0x0] =	vst.idx.msk $0xffff, v41  }
0x241: {  	v41 =	vld.idx.msk [tilespmem:v24+s3+$0x0], $0xffff  }
0x242: {  	v45 =	vld.idx.msk [tilespmem:v25+s3+$0x0], $0xffff;
	_ =	sdelay $0x4  }
0x243: {  	v41 =	vadd.f32 v45, v41;
	_ =	sdelay $0x1  }
0x244: {  	v42 =	vmul.f32 $2.000000030e-01, v41  }
0x245: {  	vm9 =	vge.f32 v41, $0.0e+00  }
0x246: {  	v41 =	vsel vm9, v41, v42  }
0x247: {  	v41 =	vmul.f32 $1.442695020e+00, v41;
	_ =	sdelay $0x1  }
0x248: {  	(erf) = vpow2.f32 v41;
	_ =	sdelay $0x8  }
0x249: {  	v41 =	vpop (erf)  }
0x24a: {  	[tilespmem:v24+s18+$0x0] =	vst.idx.msk $0xffff, v41  }
0x24b: {  	[tilespmem:v26+s4+$0x0] =	vst.idx.msk $0xffff, v41  }
0x24c: {  	v41 =	vld.idx.msk [tilespmem:v27+s3+$0x0], $0xffff  }
0x24d: {  	v46 =	vld.idx.msk [tilespmem:v28+s3+$0x0], $0xffff;
	_ =	sdelay $0x4  }
0x24e: {  	v41 =	vadd.f32 v46, v41;
	_ =	sdelay $0x1  }
0x24f: {  	v42 =	vmul.f32 $2.000000030e-01, v41  }
0x250: {  	vm10 =	vge.f32 v41, $0.0e+00  }
0x251: {  	v41 =	vsel vm10, v41, v42  }
0x252: {  	v41 =	vmul.f32 $1.442695020e+00, v41;
	_ =	sdelay $0x1  }
0x253: {  	(erf) = vpow2.f32 v41;
	_ =	sdelay $0x8  }
0x254: {  	v41 =	vpop (erf)  }
0x255: {  	[tilespmem:v27+s18+$0x0] =	vst.idx.msk $0xffff, v41  }
0x256: {  	v41 =	vld.idx.msk [tilespmem:v29+s3+$0x0], $0xffff  }
0x257: {  	v47 =	vld.idx.msk [tilespmem:v30+s3+$0x0], $0xffff;
	_ =	sdelay $0x4  }
0x258: {  	v41 =	vadd.f32 v47, v41;
	_ =	sdelay $0x1  }
0x259: {  	v42 =	vmul.f32 $2.000000030e-01, v41  }
0x25a: {  	vm11 =	vge.f32 v41, $0.0e+00  }
0x25b: {  	v41 =	vsel vm11, v41, v42  }
0x25c: {  	v41 =	vmul.f32 $1.442695020e+00, v41;
	_ =	sdelay $0x1  }
0x25d: {  	(erf) = vpow2.f32 v41;
	_ =	sdelay $0x8  }
0x25e: {  	v41 =	vpop (erf)  }
0x25f: {  	[tilespmem:v29+s18+$0x0] =	vst.idx.msk $0xffff, v41  }
0x260: {  	v41 =	vld.idx.msk [tilespmem:v31+s3+$0x0], $0xffff  }
0x261: {  	v48 =	vld.idx.msk [tilespmem:v32+s3+$0x0], $0xffff;
	_ =	sdelay $0x4  }
0x262: {  	v41 =	vadd.f32 v48, v41;
	_ =	sdelay $0x1  }
0x263: {  	v42 =	vmul.f32 $2.000000030e-01, v41  }
0x264: {  	vm12 =	vge.f32 v41, $0.0e+00  }
0x265: {  	v41 =	vsel vm12, v41, v42  }
0x266: {  	v41 =	vmul.f32 $1.442695020e+00, v41;
	_ =	sdelay $0x1  }
0x267: {  	(erf) = vpow2.f32 v41;
	_ =	sdelay $0x8  }
0x268: {  	v41 =	vpop (erf)  }
0x269: {  	[tilespmem:v31+s18+$0x0] =	vst.idx.msk $0xffff, v41  }
0x26a: {  	[tilespmem:v33+s4+$0x0] =	vst.idx.msk $0xffff, v41  }
0x26b: {  	v41 =	vld.idx.msk [tilespmem:v34+s3+$0x0], $0xffff  }
0x26c: {  	v49 =	vld.idx.msk [tilespmem:v35+s3+$0x0], $0xffff;
	_ =	sdelay $0x4  }
0x26d: {  	v41 =	vadd.f32 v49, v41;
	_ =	sdelay $0x1  }
0x26e: {  	v42 =	vmul.f32 $2.000000030e-01, v41  }
0x26f: {  	vm13 =	vge.f32 v41, $0.0e+00  }
0x270: {  	v41 =	vsel vm13, v41, v42  }
0x271: {  	v41 =	vmul.f32 $1.442695020e+00, v41;
	_ =	sdelay $0x1  }
0x272: {  	(erf) = vpow2.f32 v41;
	_ =	sdelay $0x8  }
0x273: {  	v41 =	vpop (erf)  }
0x274: {  	[tilespmem:v34+s18+$0x0] =	vst.idx.msk $0xffff, v41  }
0x275: {  	[tilespmem:v36+s4+$0x0] =	vst.idx.msk $0xffff, v41  }
0x276: {  	v41 =	vld.idx.msk [tilespmem:v37+s3+$0x0], $0xffff  }
0x277: {  	v50 =	vld.idx.msk [tilespmem:v38+s3+$0x0], $0xffff;
	_ =	sdelay $0x4  }
0x278: {  	v41 =	vadd.f32 v50, v41;
	_ =	sdelay $0x1  }
0x279: {  	v42 =	vmul.f32 $2.000000030e-01, v41  }
0x27a: {  	vm14 =	vge.f32 v41, $0.0e+00  }
0x27b: {  	v41 =	vsel vm14, v41, v42  }
0x27c: {  	v41 =	vmul.f32 $1.442695020e+00, v41;
	_ =	sdelay $0x1  }
0x27d: {  	(erf) = vpow2.f32 v41;
	_ =	sdelay $0x8  }
0x27e: {  	v41 =	vpop (erf)  }
0x27f: {  	[tilespmem:v37+s18+$0x0] =	vst.idx.msk $0xffff, v41  }
0x280: {  	v41 =	vld.idx.msk [tilespmem:v39+s3+$0x0], $0xffff  }
0x281: {  	v51 =	vld.idx.msk [tilespmem:v40+s3+$0x0], $0xffff;
	_ =	sdelay $0x4  }
0x282: {  	v41 =	vadd.f32 v51, v41;
	_ =	sdelay $0x1  }
0x283: {  	v42 =	vmul.f32 $2.000000030e-01, v41  }
0x284: {  	vm15 =	vge.f32 v41, $0.0e+00  }
0x285: {  	v41 =	vsel vm15, v41, v42  }
0x286: {  	v41 =	vmul.f32 $1.442695020e+00, v41;
	_ =	sdelay $0x1  }
0x287: {  	(erf) = vpow2.f32 v41;
	_ =	sdelay $0x4  }
0x288: {  	s0 =	simm.s32 $0x0  }
0x289: {  	v52 =	vmov s0  }
0x28a: {  	v53 =	vor.u32 $0x40, v52;
	_ =	sdelay $0x1  }
0x28b: {  	v41 =	vpop (erf)  }
0x28c: {  	s0 =	simm.s32 $0x4A80;
	[tilespmem:v39+s18+$0x0] =	vst.idx.msk $0xffff, v41  }
0x28d: {  	v54 =	vld [tilespmem:s0+$0xFFFFFFF0]  }
0x28e: {  	v44 =	vld.idx.msk [tilespmem:v53+s4+$0x0], $0xffff  }
0x28f: {  	v55 =	vld [tilespmem:s0+$0xFFFFFFC0]  }
0x290: {  	v56 =	vld [tilespmem:s0+$0xFFFFFFD0]  }
0x291: {  	v43 =	vld.idx.msk [tilespmem:v52+s4+$0x0], $0xffff  }
0x292: {  	v57 =	vld [tilespmem:s0+$0xFFFFFF80]  }
0x293: {  	v58 =	vld [tilespmem:s0+$0xFFFFFFE0]  }
0x294: {  	v59 =	vld [tilespmem:s0+$0xFFFFFF90];
	v45 =	vmul.f32 v54, v44  }
0x295: {  	v51 =	vld [tilespmem:s0+$0xFFFFFFA0];
	v46 =	vmul.f32 v55, v44  }
0x296: {  	v52 =	vld [tilespmem:s0+$0xFFFFFFB0];
	v47 =	vmul.f32 v56, v44;
	[tilespmem:s0+$0xFFFFFFF0] =	vst v45  }
0x297: {  	v60 =	vmul.f32 v57, v43;
	[tilespmem:s0+$0xFFFFFFC0] =	vst v46  }
0x298: {  	s30 =	simm.s32 $0x1;
	v44 =	vmul.f32 v58, v44;
	[tilespmem:s0+$0xFFFFFFD0] =	vst v47  }
0x299: {  	v62 =	vmov s30;
	v61 =	vmul.f32 v59, v43;
	[tilespmem:s0+$0xFFFFFF80] =	vst v60  }
0x29a: {  	v41 =	vld [tilespmem:s0+$0x0];
	v63 =	vmul.f32 v51, v43;
	[tilespmem:s0+$0xFFFFFFE0] =	vst v44  }
0x29b: {  	v42 =	vld [tilespmem:s0+$0x10];
	v43 =	vmul.f32 v52, v43;
	[tilespmem:s0+$0xFFFFFF90] =	vst v61;
	v46 =	vor.u32 $0x40, v62  }
0x29c: {  	[tilespmem:s0+$0xFFFFFFA0] =	vst v63;
	v44 =	vld [tilespmem:s0+$0x30]  }
0x29d: {  	[tilespmem:s0+$0xFFFFFFB0] =	vst v43;
	v45 =	vld [tilespmem:s0+$0x50]  }
0x29e: {  	s2 =	simm.s32 $0x2;
	s1 =	simm.s32 $0x4A80;
	v43 =	vld.idx.msk [tilespmem:v62+s4+$0x0], $0xffff  }
.LBB2_9:
0x29f: {  	p0 =	sne.s32 s2, $0x3E  }
0x2a0: {  	v46 =	vld.idx.msk [tilespmem:v46+s4+$0x0], $0xffff;
	s0 =	sadd.s32 $0x100, s0;
	s12 =	smov.u32 s2;
	s2 =	sadd.s32 $0x2, s2  }
0x2a1: {  	v47 =	vld [tilespmem:s1+$0x40]  }
0x2a2: {  	v48 =	vld [tilespmem:s1+$0x60]  }
0x2a3: {  	v49 =	vld [tilespmem:s1+$0x70];
	_ =	sdelay $0x1  }
0x2a4: {  	v41 =	vmul.f32 v41, v43;
	v42 =	vmul.f32 v42, v43;
	v50 =	vld [tilespmem:s1+$0x20]  }
0x2a5: {  	v45 =	vmul.f32 v45, v46;
	v47 =	vmul.f32 v47, v46  }
0x2a6: {  	v44 =	vmul.f32 v44, v43;
	[tilespmem:s1+$0x0] =	vst v41;
	v48 =	vmul.f32 v48, v46  }
0x2a7: {  	v41 =	vld [tilespmem:s0+$0x0];
	[tilespmem:s1+$0x10] =	vst v42;
	v46 =	vmul.f32 v49, v46  }
0x2a8: {  	v49 =	vmov s12;
	v42 =	vld [tilespmem:s0+$0x10];
	[tilespmem:s1+$0x50] =	vst v45  }
0x2a9: {  	v45 =	vor.u32 $0x40, v49;
	v43 =	vmul.f32 v50, v43;
	[tilespmem:s1+$0x30] =	vst v44  }
0x2aa: {  	v44 =	vld [tilespmem:s0+$0xFFFFFFB0];
	[tilespmem:s1+$0x40] =	vst v47  }
0x2ab: {  	v47 =	vld [tilespmem:s0+$0xFFFFFF90];
	[tilespmem:s1+$0x20] =	vst v43  }
0x2ac: {  	v43 =	vld [tilespmem:s0+$0xFFFFFFE0];
	[tilespmem:s1+$0x60] =	vst v48  }
0x2ad: {  	v48 =	vld [tilespmem:s0+$0xFFFFFFF0];
	[tilespmem:s1+$0x70] =	vst v46;
	s1 =	smov.u32 s0  }
0x2ae: {  	v45 =	vld.idx.msk [tilespmem:v45+s4+$0x0], $0xffff  }
0x2af: {  	v46 =	vld [tilespmem:s0+$0xFFFFFFC0]  }
0x2b0: {  	v50 =	vld [tilespmem:s0+$0xFFFFFFD0]  }
0x2b1: {  	v49 =	vld.idx.msk [tilespmem:v49+s4+$0x0], $0xffff  }
0x2b2: {  	v51 =	vld [tilespmem:s0+$0xFFFFFF80]  }
0x2b3: {  	v52 =	vld [tilespmem:s0+$0xFFFFFFA0]  }
0x2b4: {  	v48 =	vmul.f32 v48, v45;
	v46 =	vmul.f32 v46, v45  }
0x2b5: {  	v43 =	vmul.f32 v43, v45;
	v50 =	vmul.f32 v50, v45  }
0x2b6: {  	[tilespmem:s0+$0xFFFFFFF0] =	vst v48  }
0x2b7: {  	v47 =	vmul.f32 v47, v49;
	v45 =	vmul.f32 v51, v49;
	[tilespmem:s0+$0xFFFFFFC0] =	vst v46  }
0x2b8: {  	s12 =	sadd.s32 $0x1, s12;
	v48 =	vmul.f32 v52, v49;
	v49 =	vmul.f32 v44, v49;
	[tilespmem:s0+$0xFFFFFFD0] =	vst v50  }
0x2b9: {  	v50 =	vmov s12;
	[tilespmem:s0+$0xFFFFFF80] =	vst v45  }
.Ltmp3:
0x2ba: {  	v46 =	vor.u32 $0x40, v50;
	[tilespmem:s0+$0xFFFFFFE0] =	vst v43;
	(pc) =	sbr.rel @p0 .LBB2_9-.Ltmp3, $4  }
0x2bb: {  	[tilespmem:s0+$0xFFFFFF90] =	vst v47  }
0x2bc: {  	[tilespmem:s0+$0xFFFFFFA0] =	vst v48;
	v44 =	vld [tilespmem:s0+$0x30]  }
0x2bd: {  	[tilespmem:s0+$0xFFFFFFB0] =	vst v49;
	v45 =	vld [tilespmem:s0+$0x50]  }
0x2be: {  	v43 =	vld.idx.msk [tilespmem:v50+s4+$0x0], $0xffff  }
0x2bf: {  	_ =	sdelay $0x3  }
0x2c0: {  	v46 =	vld.idx.msk [tilespmem:v46+s4+$0x0], $0xffff  }
0x2c1: {  	v47 =	vld [tilespmem:s1+$0x40]  }
0x2c2: {  	v48 =	vld [tilespmem:s1+$0x20];
	v41 =	vmul.f32 v41, v43  }
0x2c3: {  	v49 =	vld [tilespmem:s1+$0x60];
	v42 =	vmul.f32 v42, v43  }
0x2c4: {  	v50 =	vld [tilespmem:s1+$0x70];
	v59 =	vmul.f32 v44, v43;
	[tilespmem:s1+$0x0] =	vst v41  }
0x2c5: {  	v45 =	vmul.f32 v45, v46;
	[tilespmem:s1+$0x10] =	vst v42  }
0x2c6: {  	v60 =	vmul.f32 v47, v46;
	[tilespmem:s1+$0x30] =	vst v59  }
0x2c7: {  	v61 =	vmul.f32 v48, v43;
	[tilespmem:s1+$0x50] =	vst v45  }
0x2c8: {  	v62 =	vmul.f32 v49, v46;
	[tilespmem:s1+$0x40] =	vst v60  }
0x2c9: {  	v63 =	vmul.f32 v50, v46;
	[tilespmem:s1+$0x20] =	vst v61  }
0x2ca: {  	[tilespmem:s1+$0x60] =	vst v62  }
0x2cb: {  	[tilespmem:s1+$0x70] =	vst v63  }
0x2cc: {  	[spmem:s21] =	stream.indirect.scatter.add.f32 [tilespmem:s15], [sflag:$0x4], $0x80, s6, s25, $0xb8;
	[tilespmem:$0x1EB00] =	vst v63  }
0x2cd: {  	_ = 	snop  }
0x2ce: {  	[spmem:s23] =	stream.indirect.scatter.add.f32 [tilespmem:s18], [sflag:$0x4], $0x10, s6, s25, $0xb8;
	[tilespmem:$0x1EB00] =	vst v63  }
0x2cf: {  	_ =	swait.ge [sflag:s20], $0x2000  }
0x2d0: {  	[sflag:s20] =	ssyncset.done $0x0  }
0x2d1: {  	[sflag:s20] =	ssyncadd.s32 $0xFFFFE000  }
0x2d2: {  	p0 =	seq.s32 s22, $0x29;
	_ =	swait.ge [sflag:s20], $0x400  }
0x2d3: {  	s0 =	sadd.s32 @!p0 $0x100, s10;
	[sflag:s20] =	ssyncset.done $0x0  }
0x2d4: {  	s2 =	simm.s32 @!p0 $0x2A00;
	s1 =	simm.s32 @!p0 $0x40;
	[sflag:s20] =	ssyncadd.s32 $0xFFFFFC00  }
0x2d5: {  	[tilespmem:s2], [sflag:$0x1] =	stream.indirect.gather @!p0 [hbm4b:s19+s1], $0x80, s0, s1, $0xb8;
	[tilespmem:$0x1EB00] =	vst v63  }
0x2d6: {  	s22 =	sadd.s32 $0x1, s22;
	s1 =	simm.s32 @!p0 $0x80;
	s2 =	simm.s32 @!p0 $0x6A00  }
0x2d7: {  	[tilespmem:s2], [sflag:$0x1] =	stream.indirect.gather @!p0 [hbm4b:s26+s1], $0x10, s0, s1, $0xb8;
	[tilespmem:$0x1EB00] =	vst v63  }
0x2d8: {  	p0 =	sne.s32 s22, $0x2A;
	_ =	swait.ge [sflag:s7], $0x2000  }
.Ltmp4:
0x2d9: {  	[sflag:s7] =	ssyncset.done $0x0;
	(pc) =	sbr.rel @p0 .LBB2_6-.Ltmp4, $4  }
0x2da: {  	[sflag:s7] =	ssyncadd.s32 $0xFFFFE000  }
0x2db: {  	_ =	swait.ge [sflag:s7], $0x400  }
0x2dc: {  	[sflag:s7] =	ssyncset.done $0x0  }
0x2dd: {  	[sflag:s7] =	ssyncadd.s32 $0xFFFFFC00  }
0x2de: {  	s0 =	stileid.u32;
	[bflag:$0x0] =	sbarrier.arrive $0xFFFF  }
0x2df: {  	s1 =	sshrl.u32 s13, $0x3;
	s0 =	sshll.u32 s0, $0x6;
	s10 =	rddreg [dreg:$0x5]  }
0x2e0: {  	[smem:$0x7DB] =	sst s1;
	s31 =	sor.u32 $0x1C05, s0  }
0x2e1: {  	[hbm:s10], [sflag:s31] =	dma.local [spmem:s1], $0x400  }
0x2e2: {  	_ =	swait.ge [sflag:s29], $0x400  }
0x2e3: {  	s12 =	sshrl.u32 s14, $0x3;
	[sflag:s29] =	ssyncset.done $0x0;
	s22 =	rddreg [dreg:$0x6]  }
0x2e4: {  	[smem:$0x7DC] =	sst s12;
	[sflag:s29] =	ssyncadd.s32 $0xFFFFFC00  }
0x2e5: {  	[hbm:s22], [sflag:s31] =	dma.local [spmem:s12], $0x400  }
0x2e6: {  	_ =	swait.ge [sflag:s29], $0x400  }
0x2e7: {  	s2 =	rddreg [dreg:$0x1c]  }
0x2e8: {  	[sflag:s29] =	ssyncset.done $0x0;
	s12 =	rddreg [dreg:$0x7];
	s10 =	sshrl.u32 s2, $0x3  }
0x2e9: {  	[sflag:s29] =	ssyncadd.s32 $0xFFFFFC00;
	[smem:$0x7DD] =	sst s10  }
0x2ea: {  	[hbm:s12], [sflag:s31] =	dma.local [spmem:s10], $0x400  }
0x2eb: {  	_ =	swait.ge [sflag:s29], $0x400  }
0x2ec: {  	s22 =	rddreg [dreg:$0x1d]  }
0x2ed: {  	[sflag:s29] =	ssyncset.done $0x0;
	s2 =	rddreg [dreg:$0x8];
	s0 =	sshrl.u32 s22, $0x3  }
0x2ee: {  	[sflag:s29] =	ssyncadd.s32 $0xFFFFFC00;
	[smem:$0x7DE] =	sst s0  }
0x2ef: {  	[hbm:s2], [sflag:s31] =	dma.local [spmem:s0], $0x400  }
0x2f0: {  	_ =	swait.ge [sflag:s29], $0x400  }
0x2f1: {  	s10 =	rddreg [dreg:$0x1e]  }
0x2f2: {  	[sflag:s29] =	ssyncset.done $0x0;
	s22 =	rddreg [dreg:$0x9];
	s12 =	sshrl.u32 s10, $0x3  }
0x2f3: {  	[sflag:s29] =	ssyncadd.s32 $0xFFFFFC00;
	[smem:$0x7DF] =	sst s12  }
0x2f4: {  	[hbm:s22], [sflag:s31] =	dma.local [spmem:s12], $0x400  }
0x2f5: {  	_ =	swait.ge [sflag:s29], $0x400  }
0x2f6: {  	s2 =	rddreg [dreg:$0x1f]  }
0x2f7: {  	[sflag:s29] =	ssyncset.done $0x0;
	s12 =	rddreg [dreg:$0xa];
	s10 =	sshrl.u32 s2, $0x3  }
0x2f8: {  	[sflag:s29] =	ssyncadd.s32 $0xFFFFFC00;
	[smem:$0x7E0] =	sst s10  }
0x2f9: {  	[hbm:s12], [sflag:s31] =	dma.local [spmem:s10], $0x400  }
0x2fa: {  	_ =	swait.ge [sflag:s29], $0x400  }
0x2fb: {  	s22 =	sld [smem:$0x7E4];
	_ =	sdelay $0x2  }
0x2fc: {  	[sflag:s29] =	ssyncset.done $0x0;
	s2 =	rddreg [dreg:$0xb];
	s0 =	sshrl.u32 s22, $0x3  }
0x2fd: {  	[sflag:s29] =	ssyncadd.s32 $0xFFFFFC00;
	[smem:$0x7E1] =	sst s0  }
0x2fe: {  	[hbm:s2], [sflag:s31] =	dma.local [spmem:s0], $0x400  }
0x2ff: {  	_ =	swait.ge [sflag:s29], $0x400  }
0x300: {  	s10 =	sld [smem:$0x7E5];
	_ =	sdelay $0x2  }
0x301: {  	[sflag:s29] =	ssyncset.done $0x0;
	s22 =	rddreg [dreg:$0xc];
	s12 =	sshrl.u32 s10, $0x3  }
0x302: {  	[sflag:s29] =	ssyncadd.s32 $0xFFFFFC00;
	[smem:$0x7E2] =	sst s12  }
0x303: {  	[hbm:s22], [sflag:s31] =	dma.local [spmem:s12], $0x400  }
0x304: {  	_ =	swait.ge [sflag:s29], $0x400  }
0x305: {  	s2 =	sld [smem:$0x7E6];
	_ =	sdelay $0x1  }
0x306: {  	[sflag:s29] =	ssyncset.done $0x0  }
0x307: {  	s10 =	rddreg [dreg:$0xd];
	[sflag:s29] =	ssyncadd.s32 $0xFFFFFC00;
	s30 =	sshrl.u32 s2, $0x3  }
0x308: {  	[hbm:s10], [sflag:s31] =	dma.local [spmem:s30], $0x400  }
0x309: {  	_ =	swait.ge [sflag:s29], $0x400  }
0x30a: {  	s12 =	sld [smem:$0x7E7];
	_ =	sdelay $0x1  }
0x30b: {  	[sflag:s29] =	ssyncset.done $0x0  }
0x30c: {  	s22 =	rddreg [dreg:$0xe];
	[sflag:s29] =	ssyncadd.s32 $0xFFFFFC00;
	s10 =	sshrl.u32 s12, $0x3  }
0x30d: {  	[hbm:s22], [sflag:s31] =	dma.local [spmem:s10], $0x400  }
0x30e: {  	_ =	swait.ge [sflag:s29], $0x400  }
0x30f: {  	[sflag:s29] =	ssyncset.done $0x0  }
0x310: {  	s1 =	simm.s32 $0x200;
	s0 =	simm.s32 $0x0;
	[sflag:s29] =	ssyncadd.s32 $0xFFFFFC00  }
.LBB2_12:
0x311: {  	p0 =	sne.s32 s1, $0x7E00;
	[tilespmem:s0+$0x2A70] =	vst v2  }
0x312: {  	[tilespmem:s0+$0x2A00] =	vst v2  }
0x313: {  	[tilespmem:s0+$0x2A10] =	vst v2  }
.Ltmp5:
0x314: {  	[tilespmem:s0+$0x2A20] =	vst v2;
	(pc) =	sbr.rel @p0 .LBB2_12-.Ltmp5, $4  }
0x315: {  	[tilespmem:s0+$0x2A30] =	vst v2  }
0x316: {  	[tilespmem:s0+$0x2A40] =	vst v2  }
0x317: {  	[tilespmem:s0+$0x2A50] =	vst v2  }
0x318: {  	[tilespmem:s0+$0x2A60] =	vst v2;
	s0 =	sshra.s32 s1, $0x2;
	s1 =	sadd.s32 $0x200, s1  }
0x319: {  	[tilespmem:s0+$0x2A70] =	vst v2  }
0x31a: {  	[tilespmem:s0+$0x2A00] =	vst v2  }
0x31b: {  	[tilespmem:s0+$0x2A10] =	vst v2  }
0x31c: {  	[tilespmem:s0+$0x2A20] =	vst v2  }
0x31d: {  	[tilespmem:s0+$0x2A30] =	vst v2  }
0x31e: {  	[tilespmem:s0+$0x2A40] =	vst v2  }
0x31f: {  	[tilespmem:s0+$0x2A50] =	vst v2  }
0x320: {  	[tilespmem:s0+$0x2A60] =	vst v2  }
0x321: {  	[spmem:s13] =	stream.linear.scatter [tilespmem:s24], [sflag:$0x5], $0x2000, $0x38;
	[tilespmem:$0x1EB00] =	vst v63  }
0x322: {  	_ =	swait.ge [sflag:s29], $0x2000  }
0x323: {  	[sflag:s29] =	ssyncset.done $0x0  }
0x324: {  	[sflag:s29] =	ssyncadd.s32 $0xFFFFE000  }
0x325: {  	[spmem:s14] =	stream.linear.scatter [tilespmem:s24], [sflag:$0x5], $0x2000, $0x38;
	[tilespmem:$0x1EB00] =	vst v63  }
0x326: {  	_ =	swait.ge [sflag:s29], $0x2000  }
0x327: {  	[sflag:s29] =	ssyncset.done $0x0  }
0x328: {  	s14 =	rddreg [dreg:$0x1c];
	[sflag:s29] =	ssyncadd.s32 $0xFFFFE000  }
0x329: {  	[spmem:s14] =	stream.linear.scatter [tilespmem:s24], [sflag:$0x5], $0x2000, $0x38;
	[tilespmem:$0x1EB00] =	vst v63  }
0x32a: {  	_ =	swait.ge [sflag:s29], $0x2000  }
0x32b: {  	[sflag:s29] =	ssyncset.done $0x0  }
0x32c: {  	s22 =	rddreg [dreg:$0x1d];
	[sflag:s29] =	ssyncadd.s32 $0xFFFFE000  }
0x32d: {  	[spmem:s22] =	stream.linear.scatter [tilespmem:s24], [sflag:$0x5], $0x2000, $0x38;
	[tilespmem:$0x1EB00] =	vst v63  }
0x32e: {  	_ =	swait.ge [sflag:s29], $0x2000  }
0x32f: {  	[sflag:s29] =	ssyncset.done $0x0  }
0x330: {  	s1 =	rddreg [dreg:$0x1e];
	[sflag:s29] =	ssyncadd.s32 $0xFFFFE000  }
0x331: {  	[spmem:s1] =	stream.linear.scatter [tilespmem:s24], [sflag:$0x5], $0x2000, $0x38;
	[tilespmem:$0x1EB00] =	vst v63  }
0x332: {  	_ =	swait.ge [sflag:s29], $0x2000  }
0x333: {  	[sflag:s29] =	ssyncset.done $0x0  }
0x334: {  	s2 =	rddreg [dreg:$0x1f];
	[sflag:s29] =	ssyncadd.s32 $0xFFFFE000  }
0x335: {  	[spmem:s2] =	stream.linear.scatter [tilespmem:s24], [sflag:$0x5], $0x2000, $0x38;
	[tilespmem:$0x1EB00] =	vst v63  }
0x336: {  	_ =	swait.ge [sflag:s29], $0x2000  }
0x337: {  	s12 =	sld [smem:$0x7E4]  }
0x338: {  	[sflag:s29] =	ssyncset.done $0x0  }
0x339: {  	[sflag:s29] =	ssyncadd.s32 $0xFFFFE000  }
0x33a: {  	[spmem:s12] =	stream.linear.scatter [tilespmem:s24], [sflag:$0x5], $0x2000, $0x38;
	[tilespmem:$0x1EB00] =	vst v63  }
0x33b: {  	_ =	swait.ge [sflag:s29], $0x2000  }
0x33c: {  	s13 =	sld [smem:$0x7E5]  }
0x33d: {  	[sflag:s29] =	ssyncset.done $0x0  }
0x33e: {  	[sflag:s29] =	ssyncadd.s32 $0xFFFFE000  }
0x33f: {  	[spmem:s13] =	stream.linear.scatter [tilespmem:s24], [sflag:$0x5], $0x2000, $0x38;
	[tilespmem:$0x1EB00] =	vst v63  }
0x340: {  	_ =	swait.ge [sflag:s29], $0x2000  }
0x341: {  	s14 =	sld [smem:$0x7E6]  }
0x342: {  	[sflag:s29] =	ssyncset.done $0x0  }
0x343: {  	[sflag:s29] =	ssyncadd.s32 $0xFFFFE000  }
0x344: {  	[spmem:s14] =	stream.linear.scatter [tilespmem:s24], [sflag:$0x5], $0x2000, $0x38;
	[tilespmem:$0x1EB00] =	vst v63  }
0x345: {  	_ =	swait.ge [sflag:s29], $0x2000  }
0x346: {  	s22 =	sld [smem:$0x7E7]  }
0x347: {  	[sflag:s29] =	ssyncset.done $0x0  }
0x348: {  	[sflag:s29] =	ssyncadd.s32 $0xFFFFE000  }
0x349: {  	[spmem:s22] =	stream.linear.scatter [tilespmem:s24], [sflag:$0x5], $0x2000, $0x38;
	[tilespmem:$0x1EB00] =	vst v63  }
0x34a: {  	_ =	swait.ge [sflag:s29], $0x2000  }
0x34b: {  	[sflag:s29] =	ssyncset.done $0x0  }
0x34c: {  	[sflag:s29] =	ssyncadd.s32 $0xFFFFE000  }
0x34d: {  	s22 =	simm.s32 $0x0;
	[bflag:$0x0] =	sbarrier.arrive $0xFFFF  }
0x34e: {  	[tilespmem:s24], [sflag:$0x1] =	stream.indirect.gather [hbm4b:s28+s25], $0x80, s22, s25, $0xb8;
	[tilespmem:$0x1EB00] =	vst v63  }
0x34f: {  	s0 =	simm.s32 $0x0  }
0x350: {  	[tilespmem:s11], [sflag:$0x1] =	stream.indirect.gather [hbm4b:s26+s9], $0x10, s22, s9, $0xb8;
	[tilespmem:$0x1EB00] =	vst v63  }
.LBB2_14:
0x351: {  	s1 =	sshll.u32 s0, $0x8  }
0x352: {  	s12 =	sand.u32 $0x3FFFFF00, s1  }
0x353: {  	s1 =	sor.u32 $0x80, s12  }
0x354: {  	[tilespmem:s15], [sflag:$0x2] =	stream.indirect.gather [hbm4b:s28+s25], $0x80, s1, s25, $0xb8;
	[tilespmem:$0x1EB00] =	vst v63  }
0x355: {  	_ = 	snop  }
0x356: {  	[tilespmem:s3], [sflag:$0x2] =	stream.indirect.gather [hbm4b:s26+s9], $0x10, s1, s9, $0xb8;
	[tilespmem:$0x1EB00] =	vst v63  }
0x357: {  	_ =	swait.ge [sflag:s16], $0x2000  }
0x358: {  	[sflag:s16] =	ssyncset.done $0x0  }
0x359: {  	[sflag:s16] =	ssyncadd.s32 $0xFFFFE000  }
0x35a: {  	_ =	swait.ge [sflag:s16], $0x800  }
0x35b: {  	[sflag:s16] =	ssyncset.done $0x0  }
0x35c: {  	[sflag:s16] =	ssyncadd.s32 $0xFFFFF800  }
0x35d: {  	v41 =	vld [tilespmem:s12+$0x40];
	_ =	sdelay $0x4  }
0x35e: {  	[tilespmem:$0x7A00] =	vst v41  }
0x35f: {  	v41 =	vld [tilespmem:s12+$0x50];
	_ =	sdelay $0x4  }
0x360: {  	[tilespmem:$0x7A10] =	vst v41  }
0x361: {  	v41 =	vld [tilespmem:s12+$0x60];
	_ =	sdelay $0x4  }
0x362: {  	[tilespmem:$0x7A20] =	vst v41  }
0x363: {  	v41 =	vld [tilespmem:s12+$0x70];
	_ =	sdelay $0x4  }
0x364: {  	[tilespmem:$0x7A30] =	vst v41  }
0x365: {  	v41 =	vld.idx.msk [tilespmem:v7+s11+$0x0], $0xffff  }
0x366: {  	v42 =	vld.idx.msk [tilespmem:v8+s11+$0x0], $0xffff;
	_ =	sdelay $0x4  }
0x367: {  	v41 =	vadd.f32 v42, v41;
	_ =	sdelay $0x1  }
0x368: {  	v42 =	vmul.f32 $2.000000030e-01, v41  }
0x369: {  	vm0 =	vge.f32 v41, $0.0e+00  }
0x36a: {  	v41 =	vsel vm0, v41, v42  }
0x36b: {  	v41 =	vmul.f32 $1.442695020e+00, v41;
	_ =	sdelay $0x1  }
0x36c: {  	(erf) = vpow2.f32 v41;
	_ =	sdelay $0x8  }
0x36d: {  	v41 =	vpop (erf)  }
0x36e: {  	[tilespmem:v0+s4+$0x0] =	vst.idx.msk $0xffff, v41  }
0x36f: {  	v41 =	vld.idx.msk [tilespmem:v9+s11+$0x0], $0xffff  }
0x370: {  	v53 =	vld.idx.msk [tilespmem:v10+s11+$0x0], $0xffff;
	_ =	sdelay $0x4  }
0x371: {  	v41 =	vadd.f32 v53, v41;
	_ =	sdelay $0x1  }
0x372: {  	v42 =	vmul.f32 $2.000000030e-01, v41  }
0x373: {  	vm9 =	vge.f32 v41, $0.0e+00  }
0x374: {  	v41 =	vsel vm9, v41, v42  }
0x375: {  	v41 =	vmul.f32 $1.442695020e+00, v41;
	_ =	sdelay $0x1  }
0x376: {  	(erf) = vpow2.f32 v41;
	_ =	sdelay $0x8  }
0x377: {  	v41 =	vpop (erf)  }
0x378: {  	[tilespmem:v6+s4+$0x0] =	vst.idx.msk $0xffff, v41  }
0x379: {  	v41 =	vld.idx.msk [tilespmem:v17+s11+$0x0], $0xffff  }
0x37a: {  	v54 =	vld.idx.msk [tilespmem:v18+s11+$0x0], $0xffff;
	_ =	sdelay $0x4  }
0x37b: {  	v41 =	vadd.f32 v54, v41;
	_ =	sdelay $0x1  }
0x37c: {  	v42 =	vmul.f32 $2.000000030e-01, v41  }
0x37d: {  	vm10 =	vge.f32 v41, $0.0e+00  }
0x37e: {  	v41 =	vsel vm10, v41, v42  }
0x37f: {  	v41 =	vmul.f32 $1.442695020e+00, v41;
	_ =	sdelay $0x1  }
0x380: {  	(erf) = vpow2.f32 v41;
	_ =	sdelay $0x8  }
0x381: {  	v41 =	vpop (erf)  }
0x382: {  	[tilespmem:v13+s4+$0x0] =	vst.idx.msk $0xffff, v41  }
0x383: {  	v41 =	vld.idx.msk [tilespmem:v19+s11+$0x0], $0xffff  }
0x384: {  	v55 =	vld.idx.msk [tilespmem:v20+s11+$0x0], $0xffff;
	_ =	sdelay $0x4  }
0x385: {  	v41 =	vadd.f32 v55, v41;
	_ =	sdelay $0x1  }
0x386: {  	v42 =	vmul.f32 $2.000000030e-01, v41  }
0x387: {  	vm11 =	vge.f32 v41, $0.0e+00  }
0x388: {  	v41 =	vsel vm11, v41, v42  }
0x389: {  	v41 =	vmul.f32 $1.442695020e+00, v41;
	_ =	sdelay $0x1  }
0x38a: {  	(erf) = vpow2.f32 v41;
	_ =	sdelay $0x8  }
0x38b: {  	v41 =	vpop (erf)  }
0x38c: {  	[tilespmem:v16+s4+$0x0] =	vst.idx.msk $0xffff, v41  }
0x38d: {  	v41 =	vld.idx.msk [tilespmem:v27+s11+$0x0], $0xffff  }
0x38e: {  	v56 =	vld.idx.msk [tilespmem:v28+s11+$0x0], $0xffff;
	_ =	sdelay $0x4  }
0x38f: {  	v41 =	vadd.f32 v56, v41;
	_ =	sdelay $0x1  }
0x390: {  	v42 =	vmul.f32 $2.000000030e-01, v41  }
0x391: {  	vm12 =	vge.f32 v41, $0.0e+00  }
0x392: {  	v41 =	vsel vm12, v41, v42  }
0x393: {  	v41 =	vmul.f32 $1.442695020e+00, v41;
	_ =	sdelay $0x1  }
0x394: {  	(erf) = vpow2.f32 v41;
	_ =	sdelay $0x8  }
0x395: {  	v41 =	vpop (erf)  }
0x396: {  	[tilespmem:v23+s4+$0x0] =	vst.idx.msk $0xffff, v41  }
0x397: {  	v41 =	vld.idx.msk [tilespmem:v29+s11+$0x0], $0xffff  }
0x398: {  	v57 =	vld.idx.msk [tilespmem:v30+s11+$0x0], $0xffff;
	_ =	sdelay $0x4  }
0x399: {  	v41 =	vadd.f32 v57, v41;
	_ =	sdelay $0x1  }
0x39a: {  	v42 =	vmul.f32 $2.000000030e-01, v41  }
0x39b: {  	vm13 =	vge.f32 v41, $0.0e+00  }
0x39c: {  	v41 =	vsel vm13, v41, v42  }
0x39d: {  	v41 =	vmul.f32 $1.442695020e+00, v41;
	_ =	sdelay $0x1  }
0x39e: {  	(erf) = vpow2.f32 v41;
	_ =	sdelay $0x8  }
0x39f: {  	v41 =	vpop (erf)  }
0x3a0: {  	[tilespmem:v26+s4+$0x0] =	vst.idx.msk $0xffff, v41  }
0x3a1: {  	v41 =	vld.idx.msk [tilespmem:v37+s11+$0x0], $0xffff  }
0x3a2: {  	v58 =	vld.idx.msk [tilespmem:v38+s11+$0x0], $0xffff;
	_ =	sdelay $0x4  }
0x3a3: {  	v41 =	vadd.f32 v58, v41;
	_ =	sdelay $0x1  }
0x3a4: {  	v42 =	vmul.f32 $2.000000030e-01, v41  }
0x3a5: {  	vm14 =	vge.f32 v41, $0.0e+00  }
0x3a6: {  	v41 =	vsel vm14, v41, v42  }
0x3a7: {  	v41 =	vmul.f32 $1.442695020e+00, v41;
	_ =	sdelay $0x1  }
0x3a8: {  	(erf) = vpow2.f32 v41;
	_ =	sdelay $0x8  }
0x3a9: {  	v41 =	vpop (erf)  }
0x3aa: {  	[tilespmem:v33+s4+$0x0] =	vst.idx.msk $0xffff, v41  }
0x3ab: {  	v41 =	vld.idx.msk [tilespmem:v39+s11+$0x0], $0xffff  }
0x3ac: {  	v59 =	vld.idx.msk [tilespmem:v40+s11+$0x0], $0xffff;
	_ =	sdelay $0x4  }
0x3ad: {  	v41 =	vadd.f32 v59, v41;
	_ =	sdelay $0x1  }
0x3ae: {  	v42 =	vmul.f32 $2.000000030e-01, v41  }
0x3af: {  	vm15 =	vge.f32 v41, $0.0e+00  }
0x3b0: {  	v41 =	vsel vm15, v41, v42  }
0x3b1: {  	v41 =	vmul.f32 $1.442695020e+00, v41;
	_ =	sdelay $0x1  }
0x3b2: {  	(erf) = vpow2.f32 v41;
	_ =	sdelay $0x5  }
0x3b3: {  	v43 =	vmov s22  }
0x3b4: {  	v44 =	vor.u32 $0x40, v43;
	_ =	sdelay $0x1  }
0x3b5: {  	v41 =	vpop (erf)  }
0x3b6: {  	s13 =	simm.s32 $0x2A80;
	[tilespmem:v36+s4+$0x0] =	vst.idx.msk $0xffff, v41  }
0x3b7: {  	v45 =	vld [tilespmem:s13+$0xFFFFFFF0]  }
0x3b8: {  	v44 =	vld.idx.msk [tilespmem:v44+s4+$0x0], $0xffff  }
0x3b9: {  	v46 =	vld [tilespmem:s13+$0xFFFFFFC0]  }
0x3ba: {  	v47 =	vld [tilespmem:s13+$0xFFFFFFD0]  }
0x3bb: {  	v43 =	vld.idx.msk [tilespmem:v43+s4+$0x0], $0xffff  }
0x3bc: {  	v48 =	vld [tilespmem:s13+$0xFFFFFF80]  }
0x3bd: {  	v49 =	vld [tilespmem:s13+$0xFFFFFFE0]  }
0x3be: {  	v50 =	vld [tilespmem:s13+$0xFFFFFF90];
	v45 =	vmul.f32 v45, v44  }
0x3bf: {  	v51 =	vld [tilespmem:s13+$0xFFFFFFA0];
	v46 =	vmul.f32 v46, v44  }
0x3c0: {  	v52 =	vld [tilespmem:s13+$0xFFFFFFB0];
	v47 =	vmul.f32 v47, v44;
	[tilespmem:s13+$0xFFFFFFF0] =	vst v45  }
0x3c1: {  	v60 =	vmul.f32 v48, v43;
	[tilespmem:s13+$0xFFFFFFC0] =	vst v46  }
0x3c2: {  	s14 =	simm.s32 $0x1;
	v44 =	vmul.f32 v49, v44;
	[tilespmem:s13+$0xFFFFFFD0] =	vst v47  }
0x3c3: {  	v62 =	vmov s14;
	v61 =	vmul.f32 v50, v43;
	[tilespmem:s13+$0xFFFFFF80] =	vst v60  }
0x3c4: {  	v41 =	vld [tilespmem:s13+$0x0];
	v63 =	vmul.f32 v51, v43;
	[tilespmem:s13+$0xFFFFFFE0] =	vst v44  }
0x3c5: {  	v42 =	vld [tilespmem:s13+$0x10];
	v43 =	vmul.f32 v52, v43;
	[tilespmem:s13+$0xFFFFFF90] =	vst v61;
	v46 =	vor.u32 $0x40, v62  }
0x3c6: {  	[tilespmem:s13+$0xFFFFFFA0] =	vst v63;
	v44 =	vld [tilespmem:s13+$0x30]  }
0x3c7: {  	[tilespmem:s13+$0xFFFFFFB0] =	vst v43;
	v45 =	vld [tilespmem:s13+$0x50]  }
0x3c8: {  	s14 =	simm.s32 $0x2;
	s1 =	simm.s32 $0x2A80;
	v43 =	vld.idx.msk [tilespmem:v62+s4+$0x0], $0xffff  }
.LBB2_15:
0x3c9: {  	p0 =	sne.s32 s14, $0x3E  }
0x3ca: {  	v46 =	vld.idx.msk [tilespmem:v46+s4+$0x0], $0xffff;
	s13 =	sadd.s32 $0x100, s13;
	s2 =	smov.u32 s14;
	s14 =	sadd.s32 $0x2, s14  }
0x3cb: {  	v47 =	vld [tilespmem:s1+$0x40]  }
0x3cc: {  	v48 =	vld [tilespmem:s1+$0x60]  }
0x3cd: {  	v49 =	vld [tilespmem:s1+$0x70];
	_ =	sdelay $0x1  }
0x3ce: {  	v41 =	vmul.f32 v41, v43;
	v42 =	vmul.f32 v42, v43;
	v50 =	vld [tilespmem:s1+$0x20]  }
0x3cf: {  	v45 =	vmul.f32 v45, v46;
	v47 =	vmul.f32 v47, v46  }
0x3d0: {  	v44 =	vmul.f32 v44, v43;
	[tilespmem:s1+$0x0] =	vst v41;
	v48 =	vmul.f32 v48, v46  }
0x3d1: {  	v41 =	vld [tilespmem:s13+$0x0];
	[tilespmem:s1+$0x10] =	vst v42;
	v46 =	vmul.f32 v49, v46  }
0x3d2: {  	v49 =	vmov s2;
	v42 =	vld [tilespmem:s13+$0x10];
	[tilespmem:s1+$0x50] =	vst v45  }
0x3d3: {  	v45 =	vor.u32 $0x40, v49;
	v43 =	vmul.f32 v50, v43;
	[tilespmem:s1+$0x30] =	vst v44  }
0x3d4: {  	v44 =	vld [tilespmem:s13+$0xFFFFFFB0];
	[tilespmem:s1+$0x40] =	vst v47  }
0x3d5: {  	v47 =	vld [tilespmem:s13+$0xFFFFFF90];
	[tilespmem:s1+$0x20] =	vst v43  }
0x3d6: {  	v43 =	vld [tilespmem:s13+$0xFFFFFFE0];
	[tilespmem:s1+$0x60] =	vst v48  }
0x3d7: {  	v48 =	vld [tilespmem:s13+$0xFFFFFFF0];
	[tilespmem:s1+$0x70] =	vst v46;
	s1 =	smov.u32 s13  }
0x3d8: {  	v45 =	vld.idx.msk [tilespmem:v45+s4+$0x0], $0xffff  }
0x3d9: {  	v46 =	vld [tilespmem:s13+$0xFFFFFFC0]  }
0x3da: {  	v50 =	vld [tilespmem:s13+$0xFFFFFFD0]  }
0x3db: {  	v49 =	vld.idx.msk [tilespmem:v49+s4+$0x0], $0xffff  }
0x3dc: {  	v51 =	vld [tilespmem:s13+$0xFFFFFF80]  }
0x3dd: {  	v52 =	vld [tilespmem:s13+$0xFFFFFFA0]  }
0x3de: {  	v48 =	vmul.f32 v48, v45;
	v46 =	vmul.f32 v46, v45  }
0x3df: {  	v43 =	vmul.f32 v43, v45;
	v50 =	vmul.f32 v50, v45  }
0x3e0: {  	[tilespmem:s13+$0xFFFFFFF0] =	vst v48  }
0x3e1: {  	v47 =	vmul.f32 v47, v49;
	v45 =	vmul.f32 v51, v49;
	[tilespmem:s13+$0xFFFFFFC0] =	vst v46  }
0x3e2: {  	s2 =	sadd.s32 $0x1, s2;
	v48 =	vmul.f32 v52, v49;
	v49 =	vmul.f32 v44, v49;
	[tilespmem:s13+$0xFFFFFFD0] =	vst v50  }
0x3e3: {  	v50 =	vmov s2;
	[tilespmem:s13+$0xFFFFFF80] =	vst v45  }
.Ltmp6:
0x3e4: {  	v46 =	vor.u32 $0x40, v50;
	[tilespmem:s13+$0xFFFFFFE0] =	vst v43;
	(pc) =	sbr.rel @p0 .LBB2_15-.Ltmp6, $4  }
0x3e5: {  	[tilespmem:s13+$0xFFFFFF90] =	vst v47  }
0x3e6: {  	[tilespmem:s13+$0xFFFFFFA0] =	vst v48;
	v44 =	vld [tilespmem:s13+$0x30]  }
0x3e7: {  	[tilespmem:s13+$0xFFFFFFB0] =	vst v49;
	v45 =	vld [tilespmem:s13+$0x50]  }
0x3e8: {  	v43 =	vld.idx.msk [tilespmem:v50+s4+$0x0], $0xffff  }
0x3e9: {  	_ =	sdelay $0x3  }
0x3ea: {  	v46 =	vld.idx.msk [tilespmem:v46+s4+$0x0], $0xffff  }
0x3eb: {  	v47 =	vld [tilespmem:s1+$0x40]  }
0x3ec: {  	v48 =	vld [tilespmem:s1+$0x20];
	v41 =	vmul.f32 v41, v43  }
0x3ed: {  	v49 =	vld [tilespmem:s1+$0x60];
	v42 =	vmul.f32 v42, v43  }
0x3ee: {  	v50 =	vld [tilespmem:s1+$0x70];
	v57 =	vmul.f32 v44, v43;
	[tilespmem:s1+$0x0] =	vst v41  }
0x3ef: {  	v45 =	vmul.f32 v45, v46;
	[tilespmem:s1+$0x10] =	vst v42  }
0x3f0: {  	v58 =	vmul.f32 v47, v46;
	[tilespmem:s1+$0x30] =	vst v57  }
0x3f1: {  	v59 =	vmul.f32 v48, v43;
	[tilespmem:s1+$0x50] =	vst v45  }
0x3f2: {  	v60 =	vmul.f32 v49, v46;
	[tilespmem:s1+$0x40] =	vst v58  }
0x3f3: {  	v61 =	vmul.f32 v50, v46;
	[tilespmem:s1+$0x20] =	vst v59  }
0x3f4: {  	[tilespmem:s1+$0x60] =	vst v60  }
0x3f5: {  	[tilespmem:s1+$0x70] =	vst v61  }
0x3f6: {  	[spmem:s21] =	stream.indirect.scatter.add.f32 [tilespmem:s24], [sflag:$0x3], $0x80, s17, s25, $0xb8;
	[tilespmem:$0x1EB00] =	vst v63  }
0x3f7: {  	_ =	swait.ge [sflag:s5], $0x2000  }
0x3f8: {  	[sflag:s5] =	ssyncset.done $0x0  }
0x3f9: {  	[sflag:s5] =	ssyncadd.s32 $0xFFFFE000  }
0x3fa: {  	_ =	swait.ge [sflag:s5], $0x800  }
0x3fb: {  	[sflag:s5] =	ssyncset.done $0x0  }
0x3fc: {  	[sflag:s5] =	ssyncadd.s32 $0xFFFFF800  }
0x3fd: {  	v62 =	vld [tilespmem:s12+$0xC0];
	_ =	sdelay $0x4  }
0x3fe: {  	[tilespmem:$0x7A40] =	vst v62  }
0x3ff: {  	v41 =	vld [tilespmem:s12+$0xD0];
	_ =	sdelay $0x4  }
0x400: {  	[tilespmem:$0x7A50] =	vst v41  }
0x401: {  	v41 =	vld [tilespmem:s12+$0xE0];
	_ =	sdelay $0x4  }
0x402: {  	[tilespmem:$0x7A60] =	vst v41  }
0x403: {  	v41 =	vld [tilespmem:s12+$0xF0];
	_ =	sdelay $0x4  }
0x404: {  	[tilespmem:$0x7A70] =	vst v41  }
0x405: {  	v41 =	vld.idx.msk [tilespmem:v7+s3+$0x0], $0xffff  }
0x406: {  	v63 =	vld.idx.msk [tilespmem:v8+s3+$0x0], $0xffff;
	_ =	sdelay $0x4  }
0x407: {  	v41 =	vadd.f32 v63, v41;
	_ =	sdelay $0x1  }
0x408: {  	v42 =	vmul.f32 $2.000000030e-01, v41  }
0x409: {  	vm0 =	vge.f32 v41, $0.0e+00  }
0x40a: {  	v41 =	vsel vm0, v41, v42  }
0x40b: {  	v41 =	vmul.f32 $1.442695020e+00, v41;
	_ =	sdelay $0x1  }
0x40c: {  	(erf) = vpow2.f32 v41;
	_ =	sdelay $0x8  }
0x40d: {  	v41 =	vpop (erf)  }
0x40e: {  	[tilespmem:v0+s4+$0x0] =	vst.idx.msk $0xffff, v41  }
0x40f: {  	v41 =	vld.idx.msk [tilespmem:v9+s3+$0x0], $0xffff  }
0x410: {  	v45 =	vld.idx.msk [tilespmem:v10+s3+$0x0], $0xffff;
	_ =	sdelay $0x4  }
0x411: {  	v41 =	vadd.f32 v45, v41;
	_ =	sdelay $0x1  }
0x412: {  	v42 =	vmul.f32 $2.000000030e-01, v41  }
0x413: {  	vm9 =	vge.f32 v41, $0.0e+00  }
0x414: {  	v41 =	vsel vm9, v41, v42  }
0x415: {  	v41 =	vmul.f32 $1.442695020e+00, v41;
	_ =	sdelay $0x1  }
0x416: {  	(erf) = vpow2.f32 v41;
	_ =	sdelay $0x8  }
0x417: {  	v41 =	vpop (erf)  }
0x418: {  	[tilespmem:v6+s4+$0x0] =	vst.idx.msk $0xffff, v41  }
0x419: {  	v41 =	vld.idx.msk [tilespmem:v17+s3+$0x0], $0xffff  }
0x41a: {  	v46 =	vld.idx.msk [tilespmem:v18+s3+$0x0], $0xffff;
	_ =	sdelay $0x4  }
0x41b: {  	v41 =	vadd.f32 v46, v41;
	_ =	sdelay $0x1  }
0x41c: {  	v42 =	vmul.f32 $2.000000030e-01, v41  }
0x41d: {  	vm10 =	vge.f32 v41, $0.0e+00  }
0x41e: {  	v41 =	vsel vm10, v41, v42  }
0x41f: {  	v41 =	vmul.f32 $1.442695020e+00, v41;
	_ =	sdelay $0x1  }
0x420: {  	(erf) = vpow2.f32 v41;
	_ =	sdelay $0x8  }
0x421: {  	v41 =	vpop (erf)  }
0x422: {  	[tilespmem:v13+s4+$0x0] =	vst.idx.msk $0xffff, v41  }
0x423: {  	v41 =	vld.idx.msk [tilespmem:v19+s3+$0x0], $0xffff  }
0x424: {  	v47 =	vld.idx.msk [tilespmem:v20+s3+$0x0], $0xffff;
	_ =	sdelay $0x4  }
0x425: {  	v41 =	vadd.f32 v47, v41;
	_ =	sdelay $0x1  }
0x426: {  	v42 =	vmul.f32 $2.000000030e-01, v41  }
0x427: {  	vm11 =	vge.f32 v41, $0.0e+00  }
0x428: {  	v41 =	vsel vm11, v41, v42  }
0x429: {  	v41 =	vmul.f32 $1.442695020e+00, v41;
	_ =	sdelay $0x1  }
0x42a: {  	(erf) = vpow2.f32 v41;
	_ =	sdelay $0x8  }
0x42b: {  	v41 =	vpop (erf)  }
0x42c: {  	[tilespmem:v16+s4+$0x0] =	vst.idx.msk $0xffff, v41  }
0x42d: {  	v41 =	vld.idx.msk [tilespmem:v27+s3+$0x0], $0xffff  }
0x42e: {  	v48 =	vld.idx.msk [tilespmem:v28+s3+$0x0], $0xffff;
	_ =	sdelay $0x4  }
0x42f: {  	v41 =	vadd.f32 v48, v41;
	_ =	sdelay $0x1  }
0x430: {  	v42 =	vmul.f32 $2.000000030e-01, v41  }
0x431: {  	vm12 =	vge.f32 v41, $0.0e+00  }
0x432: {  	v41 =	vsel vm12, v41, v42  }
0x433: {  	v41 =	vmul.f32 $1.442695020e+00, v41;
	_ =	sdelay $0x1  }
0x434: {  	(erf) = vpow2.f32 v41;
	_ =	sdelay $0x8  }
0x435: {  	v41 =	vpop (erf)  }
0x436: {  	[tilespmem:v23+s4+$0x0] =	vst.idx.msk $0xffff, v41  }
0x437: {  	v41 =	vld.idx.msk [tilespmem:v29+s3+$0x0], $0xffff  }
0x438: {  	v49 =	vld.idx.msk [tilespmem:v30+s3+$0x0], $0xffff;
	_ =	sdelay $0x4  }
0x439: {  	v41 =	vadd.f32 v49, v41;
	_ =	sdelay $0x1  }
0x43a: {  	v42 =	vmul.f32 $2.000000030e-01, v41  }
0x43b: {  	vm13 =	vge.f32 v41, $0.0e+00  }
0x43c: {  	v41 =	vsel vm13, v41, v42  }
0x43d: {  	v41 =	vmul.f32 $1.442695020e+00, v41;
	_ =	sdelay $0x1  }
0x43e: {  	(erf) = vpow2.f32 v41;
	_ =	sdelay $0x8  }
0x43f: {  	v41 =	vpop (erf)  }
0x440: {  	[tilespmem:v26+s4+$0x0] =	vst.idx.msk $0xffff, v41  }
0x441: {  	v41 =	vld.idx.msk [tilespmem:v37+s3+$0x0], $0xffff  }
0x442: {  	v50 =	vld.idx.msk [tilespmem:v38+s3+$0x0], $0xffff;
	_ =	sdelay $0x4  }
0x443: {  	v41 =	vadd.f32 v50, v41;
	_ =	sdelay $0x1  }
0x444: {  	v42 =	vmul.f32 $2.000000030e-01, v41  }
0x445: {  	vm14 =	vge.f32 v41, $0.0e+00  }
0x446: {  	v41 =	vsel vm14, v41, v42  }
0x447: {  	v41 =	vmul.f32 $1.442695020e+00, v41;
	_ =	sdelay $0x1  }
0x448: {  	(erf) = vpow2.f32 v41;
	_ =	sdelay $0x8  }
0x449: {  	v41 =	vpop (erf)  }
0x44a: {  	[tilespmem:v33+s4+$0x0] =	vst.idx.msk $0xffff, v41  }
0x44b: {  	v41 =	vld.idx.msk [tilespmem:v39+s3+$0x0], $0xffff  }
0x44c: {  	v51 =	vld.idx.msk [tilespmem:v40+s3+$0x0], $0xffff;
	_ =	sdelay $0x4  }
0x44d: {  	v41 =	vadd.f32 v51, v41;
	_ =	sdelay $0x1  }
0x44e: {  	v42 =	vmul.f32 $2.000000030e-01, v41  }
0x44f: {  	vm15 =	vge.f32 v41, $0.0e+00  }
0x450: {  	v41 =	vsel vm15, v41, v42  }
0x451: {  	v41 =	vmul.f32 $1.442695020e+00, v41;
	_ =	sdelay $0x1  }
0x452: {  	(erf) = vpow2.f32 v41;
	_ =	sdelay $0x4  }
0x453: {  	s13 =	simm.s32 $0x0  }
0x454: {  	v52 =	vmov s13  }
0x455: {  	v53 =	vor.u32 $0x40, v52;
	_ =	sdelay $0x1  }
0x456: {  	v41 =	vpop (erf)  }
0x457: {  	s13 =	simm.s32 $0x4A80;
	[tilespmem:v36+s4+$0x0] =	vst.idx.msk $0xffff, v41  }
0x458: {  	v54 =	vld [tilespmem:s13+$0xFFFFFFF0]  }
0x459: {  	v44 =	vld.idx.msk [tilespmem:v53+s4+$0x0], $0xffff  }
0x45a: {  	v55 =	vld [tilespmem:s13+$0xFFFFFFC0]  }
0x45b: {  	v56 =	vld [tilespmem:s13+$0xFFFFFFD0]  }
0x45c: {  	v43 =	vld.idx.msk [tilespmem:v52+s4+$0x0], $0xffff  }
0x45d: {  	v57 =	vld [tilespmem:s13+$0xFFFFFF80]  }
0x45e: {  	v58 =	vld [tilespmem:s13+$0xFFFFFFE0]  }
0x45f: {  	v59 =	vld [tilespmem:s13+$0xFFFFFF90];
	v45 =	vmul.f32 v54, v44  }
0x460: {  	v51 =	vld [tilespmem:s13+$0xFFFFFFA0];
	v46 =	vmul.f32 v55, v44  }
0x461: {  	v52 =	vld [tilespmem:s13+$0xFFFFFFB0];
	v47 =	vmul.f32 v56, v44;
	[tilespmem:s13+$0xFFFFFFF0] =	vst v45  }
0x462: {  	v60 =	vmul.f32 v57, v43;
	[tilespmem:s13+$0xFFFFFFC0] =	vst v46  }
0x463: {  	s14 =	simm.s32 $0x1;
	v44 =	vmul.f32 v58, v44;
	[tilespmem:s13+$0xFFFFFFD0] =	vst v47  }
0x464: {  	v62 =	vmov s14;
	v61 =	vmul.f32 v59, v43;
	[tilespmem:s13+$0xFFFFFF80] =	vst v60  }
0x465: {  	v41 =	vld [tilespmem:s13+$0x0];
	v63 =	vmul.f32 v51, v43;
	[tilespmem:s13+$0xFFFFFFE0] =	vst v44  }
0x466: {  	v42 =	vld [tilespmem:s13+$0x10];
	v43 =	vmul.f32 v52, v43;
	[tilespmem:s13+$0xFFFFFF90] =	vst v61;
	v46 =	vor.u32 $0x40, v62  }
0x467: {  	[tilespmem:s13+$0xFFFFFFA0] =	vst v63;
	v44 =	vld [tilespmem:s13+$0x30]  }
0x468: {  	[tilespmem:s13+$0xFFFFFFB0] =	vst v43;
	v45 =	vld [tilespmem:s13+$0x50]  }
0x469: {  	s1 =	simm.s32 $0x4A80;
	s14 =	simm.s32 $0x2;
	v43 =	vld.idx.msk [tilespmem:v62+s4+$0x0], $0xffff  }
.LBB2_17:
0x46a: {  	p0 =	sne.s32 s14, $0x3E  }
0x46b: {  	v46 =	vld.idx.msk [tilespmem:v46+s4+$0x0], $0xffff;
	s13 =	sadd.s32 $0x100, s13;
	s2 =	smov.u32 s14;
	s14 =	sadd.s32 $0x2, s14  }
0x46c: {  	v47 =	vld [tilespmem:s1+$0x40]  }
0x46d: {  	v48 =	vld [tilespmem:s1+$0x60]  }
0x46e: {  	v49 =	vld [tilespmem:s1+$0x70];
	_ =	sdelay $0x1  }
0x46f: {  	v41 =	vmul.f32 v41, v43;
	v42 =	vmul.f32 v42, v43;
	v50 =	vld [tilespmem:s1+$0x20]  }
0x470: {  	v45 =	vmul.f32 v45, v46;
	v47 =	vmul.f32 v47, v46  }
0x471: {  	v44 =	vmul.f32 v44, v43;
	[tilespmem:s1+$0x0] =	vst v41;
	v48 =	vmul.f32 v48, v46  }
0x472: {  	v41 =	vld [tilespmem:s13+$0x0];
	[tilespmem:s1+$0x10] =	vst v42;
	v46 =	vmul.f32 v49, v46  }
0x473: {  	v49 =	vmov s2;
	v42 =	vld [tilespmem:s13+$0x10];
	[tilespmem:s1+$0x50] =	vst v45  }
0x474: {  	v45 =	vor.u32 $0x40, v49;
	v43 =	vmul.f32 v50, v43;
	[tilespmem:s1+$0x30] =	vst v44  }
0x475: {  	v44 =	vld [tilespmem:s13+$0xFFFFFFB0];
	[tilespmem:s1+$0x40] =	vst v47  }
0x476: {  	v47 =	vld [tilespmem:s13+$0xFFFFFF90];
	[tilespmem:s1+$0x20] =	vst v43  }
0x477: {  	v43 =	vld [tilespmem:s13+$0xFFFFFFE0];
	[tilespmem:s1+$0x60] =	vst v48  }
0x478: {  	v48 =	vld [tilespmem:s13+$0xFFFFFFF0];
	[tilespmem:s1+$0x70] =	vst v46;
	s1 =	smov.u32 s13  }
0x479: {  	v45 =	vld.idx.msk [tilespmem:v45+s4+$0x0], $0xffff  }
0x47a: {  	v46 =	vld [tilespmem:s13+$0xFFFFFFC0]  }
0x47b: {  	v50 =	vld [tilespmem:s13+$0xFFFFFFD0]  }
0x47c: {  	v49 =	vld.idx.msk [tilespmem:v49+s4+$0x0], $0xffff  }
0x47d: {  	v51 =	vld [tilespmem:s13+$0xFFFFFF80]  }
0x47e: {  	v52 =	vld [tilespmem:s13+$0xFFFFFFA0]  }
0x47f: {  	v48 =	vmul.f32 v48, v45;
	v46 =	vmul.f32 v46, v45  }
0x480: {  	v43 =	vmul.f32 v43, v45;
	v50 =	vmul.f32 v50, v45  }
0x481: {  	[tilespmem:s13+$0xFFFFFFF0] =	vst v48  }
0x482: {  	v47 =	vmul.f32 v47, v49;
	v45 =	vmul.f32 v51, v49;
	[tilespmem:s13+$0xFFFFFFC0] =	vst v46  }
0x483: {  	s2 =	sadd.s32 $0x1, s2;
	v48 =	vmul.f32 v52, v49;
	v49 =	vmul.f32 v44, v49;
	[tilespmem:s13+$0xFFFFFFD0] =	vst v50  }
0x484: {  	v50 =	vmov s2;
	[tilespmem:s13+$0xFFFFFF80] =	vst v45  }
.Ltmp7:
0x485: {  	v46 =	vor.u32 $0x40, v50;
	[tilespmem:s13+$0xFFFFFFE0] =	vst v43;
	(pc) =	sbr.rel @p0 .LBB2_17-.Ltmp7, $4  }
0x486: {  	[tilespmem:s13+$0xFFFFFF90] =	vst v47  }
0x487: {  	[tilespmem:s13+$0xFFFFFFA0] =	vst v48;
	v44 =	vld [tilespmem:s13+$0x30]  }
0x488: {  	[tilespmem:s13+$0xFFFFFFB0] =	vst v49;
	v45 =	vld [tilespmem:s13+$0x50]  }
0x489: {  	v43 =	vld.idx.msk [tilespmem:v50+s4+$0x0], $0xffff  }
0x48a: {  	_ =	sdelay $0x3  }
0x48b: {  	v46 =	vld.idx.msk [tilespmem:v46+s4+$0x0], $0xffff  }
0x48c: {  	v47 =	vld [tilespmem:s1+$0x40]  }
0x48d: {  	v48 =	vld [tilespmem:s1+$0x20];
	v41 =	vmul.f32 v41, v43  }
0x48e: {  	v49 =	vld [tilespmem:s1+$0x60];
	v42 =	vmul.f32 v42, v43  }
0x48f: {  	v50 =	vld [tilespmem:s1+$0x70];
	v59 =	vmul.f32 v44, v43;
	[tilespmem:s1+$0x0] =	vst v41  }
0x490: {  	v45 =	vmul.f32 v45, v46;
	[tilespmem:s1+$0x10] =	vst v42  }
0x491: {  	v60 =	vmul.f32 v47, v46;
	[tilespmem:s1+$0x30] =	vst v59  }
0x492: {  	v61 =	vmul.f32 v48, v43;
	[tilespmem:s1+$0x50] =	vst v45  }
0x493: {  	v62 =	vmul.f32 v49, v46;
	[tilespmem:s1+$0x40] =	vst v60  }
0x494: {  	v63 =	vmul.f32 v50, v46;
	[tilespmem:s1+$0x20] =	vst v61  }
0x495: {  	[tilespmem:s1+$0x60] =	vst v62  }
0x496: {  	[tilespmem:s1+$0x70] =	vst v63  }
0x497: {  	[spmem:s21] =	stream.indirect.scatter.add.f32 [tilespmem:s15], [sflag:$0x4], $0x80, s6, s25, $0xb8;
	[tilespmem:$0x1EB00] =	vst v63  }
0x498: {  	p0 =	seq.s32 s0, $0x29;
	_ =	swait.ge [sflag:s20], $0x2000  }
0x499: {  	s2 =	simm.s32 @!p0 $0x40;
	[sflag:s20] =	ssyncset.done $0x0  }
0x49a: {  	s1 =	sadd.s32 @!p0 $0x100, s12;
	s12 =	simm.s32 @!p0 $0x2A00;
	[sflag:s20] =	ssyncadd.s32 $0xFFFFE000  }
0x49b: {  	[tilespmem:s12], [sflag:$0x1] =	stream.indirect.gather @!p0 [hbm4b:s28+s2], $0x80, s1, s2, $0xb8;
	[tilespmem:$0x1EB00] =	vst v63  }
0x49c: {  	s0 =	sadd.s32 $0x1, s0;
	s2 =	simm.s32 @!p0 $0x80;
	s12 =	simm.s32 @!p0 $0x6A00  }
0x49d: {  	[tilespmem:s12], [sflag:$0x1] =	stream.indirect.gather @!p0 [hbm4b:s26+s2], $0x10, s1, s2, $0xb8;
	[tilespmem:$0x1EB00] =	vst v63  }
0x49e: {  	p0 =	sne.s32 s0, $0x2A  }
.Ltmp8:
0x49f: {  	_ = 	snop;
	(pc) =	sbr.rel @p0 .LBB2_14-.Ltmp8, $4  }
0x4a0: {  	_ = 	snop  }
0x4a1: {  	_ =	swait.ge [sflag:s7], $0x2000  }
0x4a2: {  	[sflag:s7] =	ssyncset.done $0x0  }
0x4a3: {  	[sflag:s7] =	ssyncadd.s32 $0xFFFFE000  }
0x4a4: {  	[bflag:$0x0] =	sbarrier.arrive $0xFFFF  }
0x4a5: {  	s0 =	sld [smem:$0x7F0]  }
0x4a6: {  	s1 =	sld [smem:$0x7DB];
	_ =	sdelay $0x2  }
0x4a7: {  	[hbm:s0], [sflag:s31] =	dma.local [spmem:s1], $0x400  }
0x4a8: {  	_ =	swait.ge [sflag:s29], $0x400  }
0x4a9: {  	s1 =	sld [smem:$0x7F1]  }
0x4aa: {  	s2 =	sld [smem:$0x7DC]  }
0x4ab: {  	[sflag:s29] =	ssyncset.done $0x0  }
0x4ac: {  	[sflag:s29] =	ssyncadd.s32 $0xFFFFFC00  }
0x4ad: {  	[hbm:s1], [sflag:s31] =	dma.local [spmem:s2], $0x400  }
0x4ae: {  	_ =	swait.ge [sflag:s29], $0x400  }
0x4af: {  	s12 =	sld [smem:$0x7F2]  }
0x4b0: {  	s13 =	sld [smem:$0x7DD]  }
0x4b1: {  	[sflag:s29] =	ssyncset.done $0x0  }
0x4b2: {  	[sflag:s29] =	ssyncadd.s32 $0xFFFFFC00  }
0x4b3: {  	[hbm:s12], [sflag:s31] =	dma.local [spmem:s13], $0x400  }
0x4b4: {  	_ =	swait.ge [sflag:s29], $0x400  }
0x4b5: {  	s14 =	sld [smem:$0x7F3]  }
0x4b6: {  	s22 =	sld [smem:$0x7DE]  }
0x4b7: {  	[sflag:s29] =	ssyncset.done $0x0  }
0x4b8: {  	[sflag:s29] =	ssyncadd.s32 $0xFFFFFC00  }
0x4b9: {  	[hbm:s14], [sflag:s31] =	dma.local [spmem:s22], $0x400  }
0x4ba: {  	_ =	swait.ge [sflag:s29], $0x400  }
0x4bb: {  	s1 =	sld [smem:$0x7F4]  }
0x4bc: {  	s2 =	sld [smem:$0x7DF]  }
0x4bd: {  	[sflag:s29] =	ssyncset.done $0x0  }
0x4be: {  	[sflag:s29] =	ssyncadd.s32 $0xFFFFFC00  }
0x4bf: {  	[hbm:s1], [sflag:s31] =	dma.local [spmem:s2], $0x400  }
0x4c0: {  	_ =	swait.ge [sflag:s29], $0x400  }
0x4c1: {  	s12 =	sld [smem:$0x7F5]  }
0x4c2: {  	s13 =	sld [smem:$0x7E0]  }
0x4c3: {  	[sflag:s29] =	ssyncset.done $0x0  }
0x4c4: {  	[sflag:s29] =	ssyncadd.s32 $0xFFFFFC00  }
0x4c5: {  	[hbm:s12], [sflag:s31] =	dma.local [spmem:s13], $0x400  }
0x4c6: {  	_ =	swait.ge [sflag:s29], $0x400  }
0x4c7: {  	s14 =	sld [smem:$0x7F6]  }
0x4c8: {  	s22 =	sld [smem:$0x7E1]  }
0x4c9: {  	[sflag:s29] =	ssyncset.done $0x0  }
0x4ca: {  	[sflag:s29] =	ssyncadd.s32 $0xFFFFFC00  }
0x4cb: {  	[hbm:s14], [sflag:s31] =	dma.local [spmem:s22], $0x400  }
0x4cc: {  	_ =	swait.ge [sflag:s29], $0x400  }
0x4cd: {  	s1 =	sld [smem:$0x7F7]  }
0x4ce: {  	s2 =	sld [smem:$0x7E2]  }
0x4cf: {  	[sflag:s29] =	ssyncset.done $0x0  }
0x4d0: {  	[sflag:s29] =	ssyncadd.s32 $0xFFFFFC00  }
0x4d1: {  	[hbm:s1], [sflag:s31] =	dma.local [spmem:s2], $0x400  }
0x4d2: {  	_ =	swait.ge [sflag:s29], $0x400  }
0x4d3: {  	s12 =	sld [smem:$0x7F8]  }
0x4d4: {  	[sflag:s29] =	ssyncset.done $0x0  }
0x4d5: {  	[sflag:s29] =	ssyncadd.s32 $0xFFFFFC00  }
0x4d6: {  	[hbm:s12], [sflag:s31] =	dma.local [spmem:s30], $0x400  }
0x4d7: {  	_ =	swait.ge [sflag:s29], $0x400  }
0x4d8: {  	s13 =	sld [smem:$0x7F9]  }
0x4d9: {  	[sflag:s29] =	ssyncset.done $0x0  }
0x4da: {  	[sflag:s29] =	ssyncadd.s32 $0xFFFFFC00  }
0x4db: {  	[hbm:s13], [sflag:s31] =	dma.local [spmem:s10], $0x400  }
0x4dc: {  	_ =	swait.ge [sflag:s29], $0x400  }
0x4dd: {  	s10 =	sld [smem:$0x7FA];
	_ =	sdelay $0x1  }
0x4de: {  	[sflag:s29] =	ssyncset.done $0x0  }
0x4df: {  	s22 =	rddreg [dreg:$0xf];
	[sflag:s29] =	ssyncadd.s32 $0xFFFFFC00;
	s14 =	sshrl.u32 s10, $0x3  }
0x4e0: {  	[hbm:s22], [sflag:s31] =	dma.local [spmem:s14], $0x80  }
0x4e1: {  	_ =	swait.ge [sflag:s29], $0x80  }
0x4e2: {  	s22 =	sld [smem:$0x7FB];
	_ =	sdelay $0x1  }
0x4e3: {  	[sflag:s29] =	ssyncset.done $0x0  }
0x4e4: {  	s12 =	rddreg [dreg:$0x10];
	[sflag:s29] =	ssyncadd.s32 $0xFFFFFF80;
	s2 =	sshrl.u32 s22, $0x3  }
0x4e5: {  	[hbm:s12], [sflag:s31] =	dma.local [spmem:s2], $0x80  }
0x4e6: {  	_ =	swait.ge [sflag:s29], $0x80  }
0x4e7: {  	s30 =	sld [smem:$0x7FC];
	_ =	sdelay $0x1  }
0x4e8: {  	[sflag:s29] =	ssyncset.done $0x0  }
0x4e9: {  	s14 =	rddreg [dreg:$0x11];
	[sflag:s29] =	ssyncadd.s32 $0xFFFFFF80;
	s13 =	sshrl.u32 s30, $0x3  }
0x4ea: {  	[hbm:s14], [sflag:s31] =	dma.local [spmem:s13], $0x80  }
0x4eb: {  	_ =	swait.ge [sflag:s29], $0x80  }
0x4ec: {  	s2 =	sld [smem:$0x7E8];
	_ =	sdelay $0x1  }
0x4ed: {  	[sflag:s29] =	ssyncset.done $0x0  }
0x4ee: {  	s12 =	rddreg [dreg:$0x12];
	[sflag:s29] =	ssyncadd.s32 $0xFFFFFF80;
	s0 =	sshrl.u32 s2, $0x3  }
0x4ef: {  	[hbm:s12], [sflag:s31] =	dma.local [spmem:s0], $0x80  }
0x4f0: {  	_ =	swait.ge [sflag:s29], $0x80  }
0x4f1: {  	s13 =	sld [smem:$0x7E9];
	_ =	sdelay $0x1  }
0x4f2: {  	[sflag:s29] =	ssyncset.done $0x0  }
0x4f3: {  	s14 =	rddreg [dreg:$0x13];
	[sflag:s29] =	ssyncadd.s32 $0xFFFFFF80;
	s0 =	sshrl.u32 s13, $0x3  }
0x4f4: {  	[hbm:s14], [sflag:s31] =	dma.local [spmem:s0], $0x80  }
0x4f5: {  	_ =	swait.ge [sflag:s29], $0x80  }
0x4f6: {  	s2 =	sld [smem:$0x7EA];
	_ =	sdelay $0x1  }
0x4f7: {  	[sflag:s29] =	ssyncset.done $0x0  }
0x4f8: {  	s12 =	rddreg [dreg:$0x14];
	[sflag:s29] =	ssyncadd.s32 $0xFFFFFF80;
	s0 =	sshrl.u32 s2, $0x3  }
0x4f9: {  	[hbm:s12], [sflag:s31] =	dma.local [spmem:s0], $0x80  }
0x4fa: {  	_ =	swait.ge [sflag:s29], $0x80  }
0x4fb: {  	s13 =	sld [smem:$0x7EB];
	_ =	sdelay $0x1  }
0x4fc: {  	[sflag:s29] =	ssyncset.done $0x0  }
0x4fd: {  	s14 =	rddreg [dreg:$0x15];
	[sflag:s29] =	ssyncadd.s32 $0xFFFFFF80;
	s0 =	sshrl.u32 s13, $0x3  }
0x4fe: {  	[hbm:s14], [sflag:s31] =	dma.local [spmem:s0], $0x80  }
0x4ff: {  	_ =	swait.ge [sflag:s29], $0x80  }
0x500: {  	s2 =	sld [smem:$0x7EC];
	_ =	sdelay $0x1  }
0x501: {  	[sflag:s29] =	ssyncset.done $0x0  }
0x502: {  	s12 =	rddreg [dreg:$0x16];
	[sflag:s29] =	ssyncadd.s32 $0xFFFFFF80;
	s0 =	sshrl.u32 s2, $0x3  }
0x503: {  	[hbm:s12], [sflag:s31] =	dma.local [spmem:s0], $0x80  }
0x504: {  	_ =	swait.ge [sflag:s29], $0x80  }
0x505: {  	s12 =	sld [smem:$0x7FD];
	_ =	sdelay $0x1  }
0x506: {  	[sflag:s29] =	ssyncset.done $0x0  }
0x507: {  	s14 =	rddreg [dreg:$0x17];
	[sflag:s29] =	ssyncadd.s32 $0xFFFFFF80;
	s13 =	sshrl.u32 s12, $0x3  }
0x508: {  	[hbm:s14], [sflag:s31] =	dma.local [spmem:s13], $0x80  }
0x509: {  	_ =	swait.ge [sflag:s29], $0x80  }
0x50a: {  	s2 =	sld [smem:$0x7ED];
	_ =	sdelay $0x1  }
0x50b: {  	[sflag:s29] =	ssyncset.done $0x0  }
0x50c: {  	s13 =	rddreg [dreg:$0x18];
	[sflag:s29] =	ssyncadd.s32 $0xFFFFFF80;
	s0 =	sshrl.u32 s2, $0x3  }
0x50d: {  	[hbm:s13], [sflag:s31] =	dma.local [spmem:s0], $0x80  }
0x50e: {  	_ =	swait.ge [sflag:s29], $0x80  }
0x50f: {  	s14 =	sld [smem:$0x7E3]  }
0x510: {  	s31 =	sld [smem:$0x7EF];
	_ =	sdelay $0x1  }
0x511: {  	s1 =	sadd.s32 $0x1, s14  }
0x512: {  	p0 =	sne.s32 s1, s31  }
.Ltmp9:
0x513: {  	_ = 	snop;
	(pc) =	sbr.rel @p0 .LBB2_1-.Ltmp9, $3  }
0x514: {  	_ =	sdelay $0x1  }
0x515: {  	[sflag:s29] =	ssyncset.done $0x0  }
0x516: {  	[sflag:s29] =	ssyncadd.s32 $0xFFFFFF80  }
0x517: {  	_ =	sfence.sel $0x180000  }
0x518: {  	[bflag:$0x0] =	sbarrier.arrive $0xFFFF  }
0x519: {  	_ =	strace $0x90000047  }
0x51a: {  	s0 =	stileid.u32;
	[bflag:$0x2] =	sbarrier.arrive $0xFFFF  }
0x51b: {  	p0 =	sne.s32 s0, $0x0;
	s0 =	rddreg [dreg:$0x4]  }
0x51c: {  	s0 =	sadd.s32 @!p0 $0x100000, s0  }
0x51d: {  	[sflag:s0] =	ssyncadd.tile.s32 @!p0 $0x1;
	_ =	shalt  }
.Lfunc_end2:
_tile_overlayer_lowered:
.L_overlay_start_2:
0x51e: {  	(tag) =	ssettag $0x2  }
0x51f: {  	s0 =	rddreg [dreg:$0x0];
	s2 =	stileid.u32  }
0x520: {  	s1 =	rddreg [dreg:$0x1];
	p0 =	sne.s32 s2, $0x0  }
0x521: {  	s3 =	rddreg [dreg:$0x2];
	[bflag:$0x3] =	sbarrier.arrive $0xFFFF;
	s2 =	simm.s32 @!p0 $0x1C05  }
0x522: {  	[timem:s3], [sflag:s2] =	dma.local @!p0 [hbm:s0], s1  }
0x523: {  	s0 =	simm.s32 @!p0 $0x5  }
0x524: {  	_ =	swait.ge @!p0 [sflag:s0], s1  }
0x525: {  	s1 =	ssub.s32 @!p0 $0x0, s1;
	[sflag:s0] =	ssyncset.done @!p0 $0x0  }
0x526: {  	[sflag:s0] =	ssyncadd.s32 @!p0 s1  }
0x527: {  	[bflag:$0x3] =	sbarrier.arrive $0xFFFF  }
0x528: {  	_ =	shalt  }

</sc_bundles>
